<compile_context>
chip_gen: v7x
topology: tpu7x:2x2x1
jax: 0.10.2.dev20260603
libtpu: 0.0.44.dev20260713+nightly
codegen_flags: <defaults>
</compile_context>

<pallas_src>
import functools

import jax
import jax.numpy as jnp
from jax import lax
from jax.experimental import pallas as pl
from jax.experimental.pallas import tpu as pltpu
from jax.experimental.pallas import tpu_sc as plsc

N_NODES = 10000
N_EDGES = 320000
EMB = 128
HALF = N_NODES // 2

NC, NS = 2, 16
NW = NC * NS
K = 32
NBUF = 2
E_PAD = 327680
TOT_B = E_PAD // K
NBLK_T = TOT_B // NBUF
NBLK_ME = NBLK_T // NS
AGG_ROWS = 5120
DUMP_ROW = 5100

KX = 128
XBT = 3
X_PAD = NW * XBT * KX

_mesh = plsc.VectorSubcoreMesh(
    core_axis_name="c", subcore_axis_name="s", num_cores=NC, num_subcores=NS)


@functools.partial(
    pl.kernel,
    out_type=jax.ShapeDtypeStruct((X_PAD, EMB), jnp.float32),
    mesh=_mesh,
    scratch_types=[
        pltpu.VMEM((XBT, KX), jnp.int32),
        pltpu.VMEM((KX, EMB), jnp.float32),
    ],
)
def _embed_sc(table_hbm, idx_hbm, out_hbm, idx_v, rows_v):
    cid = lax.axis_index("c")
    sid = lax.axis_index("s")
    wid = cid * NS + sid
    pltpu.sync_copy(idx_hbm.at[wid], idx_v)

    def body(b, carry):
        pltpu.sync_copy(table_hbm.at[idx_v.at[b]], rows_v)
        pltpu.sync_copy(rows_v, out_hbm.at[pl.ds(wid * XBT * KX + b * KX, KX)])
        return carry

    lax.fori_loop(0, XBT, body, 0)


@functools.partial(
    pl.kernel,
    out_type=jax.ShapeDtypeStruct((NC, AGG_ROWS, EMB), jnp.float32),
    mesh=_mesh,
    scratch_types=[
        pltpu.VMEM((2, NBUF, K), jnp.int32),
        pltpu.VMEM((2, NBUF, K), jnp.int32),
        pltpu.VMEM((NBUF, K, EMB), jnp.float32),
        pltpu.VMEM_SHARED((N_NODES, EMB), jnp.float32),
        pltpu.VMEM_SHARED((AGG_ROWS, EMB), jnp.float32),
        pltpu.SemaphoreType.DMA((NBUF,)),
        pltpu.SemaphoreType.DMA((NBUF,)),
        pltpu.SemaphoreType.DMA,
    ],
)
def _segment_sc(h_hbm, src_hbm, dst_hbm, out_hbm,
                sidx_v, didx_v, rows_v, h_sp, agg_sh,
                gsem, ssem, isem):
    cid = lax.axis_index("c")
    sid = lax.axis_index("s")

    @pl.when(sid < NS - 1)
    def _stage_main():
        pltpu.sync_copy(h_hbm.at[pl.ds(sid * 640, 640)],
                        h_sp.at[pl.ds(sid * 640, 640)])

    @pl.when(sid == NS - 1)
    def _stage_tail():
        pltpu.sync_copy(h_hbm.at[pl.ds(9600, 400)],
                        h_sp.at[pl.ds(9600, 400)])

    zv = jnp.zeros((16,), jnp.float32)

    def zrow(r, carry):
        def zcol(ci, carry2):
            rows_v[0, r, pl.ds(ci * 16, 16)] = zv
            return carry2
        return lax.fori_loop(0, EMB // 16, zcol, carry)

    lax.fori_loop(0, K, zrow, 0)
    zshare = AGG_ROWS // NS // K

    def zs(j, carry):
        pltpu.sync_copy(rows_v.at[0],
                        agg_sh.at[pl.ds((sid * zshare + j) * K, K)])
        return carry

    lax.fori_loop(0, zshare, zs, 0)

    start = sid * NBLK_ME

    pltpu.sync_copy(src_hbm.at[start], sidx_v.at[0])
    pltpu.sync_copy(dst_hbm.at[cid, start], didx_v.at[0])

    plsc.subcore_barrier()

    def block(blk, carry):
        p = blk % 2
        row = start + blk

        @pl.when(blk + 1 < NBLK_ME)
        def _prefetch_idx():
            pltpu.async_copy(src_hbm.at[row + 1], sidx_v.at[1 - p], isem)
            pltpu.async_copy(dst_hbm.at[cid, row + 1], didx_v.at[1 - p], isem)

        @pl.when(blk > 0)
        def _wait_idx():
            pltpu.make_async_copy(src_hbm.at[row], sidx_v.at[p], isem).wait()
            pltpu.make_async_copy(dst_hbm.at[cid, row], didx_v.at[p],
                                  isem).wait()

        for j in range(NBUF):
            for ch in range(K // 16):
                dv = didx_v[p, j, pl.ds(ch * 16, 16)]
                didx_v[p, j, pl.ds(ch * 16, 16)] = jnp.where(
                    dv >= DUMP_ROW, DUMP_ROW + sid, dv)

        gds = []
        for j in range(NBUF):
            @pl.when(blk > 0)
            def _wait_prev_scatter():
                pltpu.make_async_copy(
                    rows_v.at[j], agg_sh.at[didx_v.at[1 - p, j]],
                    ssem.at[j]).wait()

            gds.append(pltpu.async_copy(
                h_sp.at[sidx_v.at[p, j]], rows_v.at[j], gsem.at[j]))
        for j in range(NBUF):
            gds[j].wait()
            pltpu.async_copy(
                rows_v.at[j], agg_sh.at[didx_v.at[p, j]], ssem.at[j], add=True)
        return carry

    lax.fori_loop(0, NBLK_ME, block, 0)

    lastp = (NBLK_ME - 1) % 2
    for j in range(NBUF):
        pltpu.make_async_copy(
            rows_v.at[j], agg_sh.at[didx_v.at[lastp, j]],
            ssem.at[j]).wait()

    plsc.subcore_barrier()

    share = AGG_ROWS // NS
    pltpu.sync_copy(agg_sh.at[pl.ds(sid * share, share)],
                    out_hbm.at[cid, pl.ds(sid * share, share)])


def _mlp_body(relu_out, h_ref, a_ref, w1_ref, b1_ref, w2_ref, b2_ref, o_ref):
    z = h_ref[...] + a_ref[0]
    z = jnp.dot(z, w1_ref[...], preferred_element_type=jnp.float32) + b1_ref[...]
    z = jnp.maximum(z, 0.0)
    o = jnp.dot(z, w2_ref[...], preferred_element_type=jnp.float32) + b2_ref[...]
    if relu_out:
        o = jnp.maximum(o, 0.0)
    o_ref[...] = o


_CHUNK = 1000
_CPH = HALF // _CHUNK


def _mlp(h, agg, W1, b1, W2, b2, relu_out):
    bs_h = pl.BlockSpec((_CHUNK, EMB), lambda i: (i, 0))
    bs_a = pl.BlockSpec((1, _CHUNK, EMB), lambda i: (i // _CPH, i % _CPH, 0))
    bs_w = pl.BlockSpec((EMB, EMB), lambda i: (0, 0))
    bs_b = pl.BlockSpec((1, EMB), lambda i: (0, 0))
    return pl.pallas_call(
        functools.partial(_mlp_body, relu_out),
        grid=(N_NODES // _CHUNK,),
        in_specs=[bs_h, bs_a, bs_w, bs_b, bs_w, bs_b],
        out_specs=bs_h,
        out_shape=jax.ShapeDtypeStruct((N_NODES, EMB), jnp.float32),
    )(h, agg, W1, b1.reshape(1, EMB), W2, b2.reshape(1, EMB))


def kernel(x, edge_index, emb_table,
           W1_0, b1_0, W2_0, b2_0,
           W1_1, b1_1, W2_1, b2_1,
           W1_2, b1_2, W2_2, b2_2,
           W1_3, b1_3, W2_3, b2_3,
           W1_4, b1_4, W2_4, b2_4):
    src = edge_index[0]
    dst = edge_index[1]

    pad_e = E_PAD - N_EDGES
    src_s = jnp.concatenate([src, jnp.zeros((pad_e,), jnp.int32)])
    dstf = jnp.concatenate([dst, jnp.full((pad_e,), -1, jnp.int32)])
    dst0 = jnp.where((dstf >= 0) & (dstf < HALF), dstf, DUMP_ROW)
    dst1 = jnp.where(dstf >= HALF, dstf - HALF, DUMP_ROW)
    src_p = src_s.reshape(NBLK_T, NBUF, K)
    dst_p = jnp.stack([dst0, dst1]).reshape(NC, NBLK_T, NBUF, K)

    x_p = jnp.concatenate(
        [x[:, 0], jnp.zeros((X_PAD - N_NODES,), jnp.int32)]).reshape(NW, XBT, KX)
    h = _embed_sc(emb_table, x_p)[:N_NODES]

    params = [
        (W1_0, b1_0, W2_0, b2_0),
        (W1_1, b1_1, W2_1, b2_1),
        (W1_2, b1_2, W2_2, b2_2),
        (W1_3, b1_3, W2_3, b2_3),
        (W1_4, b1_4, W2_4, b2_4),
    ]
    for i, (W1, b1, W2, b2) in enumerate(params):
        agg = _segment_sc(h, src_p, dst_p)
        h = _mlp(h, agg, W1, b1, W2, b2, relu_out=(i < 4))
    return h

# --- scband reference (transcript-rebuilt; emitter-appended) ---
"""Pipeline reference for scband-graph-node-encoder-70686571757767 (READ-ONLY COPY).

The authoritative reference and input builder live on the scoring server;
editing this copy changes nothing except your own understanding.
"""

import jax, jax.numpy as jnp
import numpy as np

N_NODES = 10000
N_EDGES = 320000
VOCAB = 100000
EMB = 128
HID = 128
OUT = 128


def _mk_mlp(key, din, dh):
    k1, k2 = jax.random.split(key)
    W1 = jax.random.normal(k1, (din, dh), jnp.float32) / np.sqrt(din)
    b1 = jnp.zeros((dh,), jnp.float32)
    W2 = jax.random.normal(k2, (dh, dh), jnp.float32) / np.sqrt(dh)
    b2 = jnp.zeros((dh,), jnp.float32)
    return W1, b1, W2, b2


def setup_inputs(seed: int = 0) -> dict:
    key = jax.random.key(seed)
    ks = jax.random.split(key, 8)
    inp = {}
    inp['x'] = jax.random.randint(ks[0], (N_NODES, 1), 0, VOCAB, dtype=jnp.int32)
    inp['edge_index'] = jax.random.randint(ks[1], (2, N_EDGES), 0, N_NODES, dtype=jnp.int32)
    inp['emb_table'] = jax.random.normal(ks[2], (VOCAB, EMB), jnp.float32) * 0.02
    dims = [(EMB, HID), (HID, HID), (HID, HID), (HID, HID), (HID, OUT)]
    for i, (din, dh) in enumerate(dims):
        W1, b1, W2, b2 = _mk_mlp(ks[3 + i], din, dh)
        inp[f'W1_{i}'] = W1
        inp[f'b1_{i}'] = b1
        inp[f'W2_{i}'] = W2
        inp[f'b2_{i}'] = b2
    return inp


def reference(x, edge_index, emb_table,
              W1_0, b1_0, W2_0, b2_0,
              W1_1, b1_1, W2_1, b2_1,
              W1_2, b1_2, W2_2, b2_2,
              W1_3, b1_3, W2_3, b2_3,
              W1_4, b1_4, W2_4, b2_4):
    src = edge_index[0]
    dst = edge_index[1]
    # embedding lookup then squeeze(1)
    h = jnp.take(emb_table, x[:, 0], axis=0)
    params = [
        (W1_0, b1_0, W2_0, b2_0),
        (W1_1, b1_1, W2_1, b2_1),
        (W1_2, b1_2, W2_2, b2_2),
        (W1_3, b1_3, W2_3, b2_3),
        (W1_4, b1_4, W2_4, b2_4),
    ]
    for i, (W1, b1, W2, b2) in enumerate(params):
        # GINConv with eps=0 (PyG default): mlp((1+eps)*x + sum_{j in N(i)} x_j)
        msgs = jnp.take(h, src, axis=0)
        agg = jax.ops.segment_sum(msgs, dst, num_segments=h.shape[0])
        z = h + agg
        z = jnp.maximum(jnp.dot(z, W1) + b1, 0.0)
        h = jnp.dot(z, W2) + b2
        if i < 4:
            h = jnp.maximum(h, 0.0)
    return h

if __name__ == "__main__":
    import jax
    _d = setup_inputs()
    print(jax.jit(kernel)(*tuple(_d.values())))

</pallas_src>

<mosaic_0001>
#map = affine_map<(d0, d1) -> (0, 0)>
#map1 = affine_map<(d0, d1) -> (0, 0, 0)>
#map2 = affine_map<(d0, d1) -> (0, 0, 0, 0)>
module attributes {stable_mosaic.version = 14 : i64} {
  func.func @_segment_sc(%arg0: i32, %arg1: i32, %arg2: memref<10000x128xf32, #tpu.memory_space<hbm>>, %arg3: memref<5120x2x32xi32, #tpu.memory_space<hbm>>, %arg4: memref<2x5120x2x32xi32, #tpu.memory_space<hbm>>, %arg5: memref<2x5120x128xf32, #tpu.memory_space<hbm>>, %arg6: memref<2x2x32xi32, #tpu.memory_space<vmem>>, %arg7: memref<2x2x32xi32, #tpu.memory_space<vmem>>, %arg8: memref<2x32x128xf32, #tpu.memory_space<vmem>>, %arg9: memref<10000x128xf32, #tpu.memory_space<vmem_shared>>, %arg10: memref<5120x128xf32, #tpu.memory_space<vmem_shared>>, %arg11: memref<2x!tpu.dma_semaphore, #tpu.memory_space<semaphore_mem>>, %arg12: memref<2x!tpu.dma_semaphore, #tpu.memory_space<semaphore_mem>>, %arg13: memref<!tpu.dma_semaphore, #tpu.memory_space<semaphore_mem>>) attributes {dimension_semantics = [#tpu.dimension_semantics<core_parallel>, #tpu.dimension_semantics<subcore_parallel>], iteration_bounds = array<i64: 2, 16>, scalar_prefetch = 0 : i64, scratch_operands = 8 : i64, tpu.core_type = #tpu.core_type<sc_vector_subcore>, window_params = [{transform_indices = #map}, {transform_indices = #map1}, {transform_indices = #map2}, {transform_indices = #map1}]} {
    %lt3A = arith.constant 15 : i32
    %lt3A_0 = arith.cmpi slt, %arg1, %lt3A : i32
    %convert_element_type3A = arith.extui %lt3A_0 : i1 to i32
    %cond3A = arith.constant 0 : i32
    %cond3A_1 = arith.cmpi ne, %convert_element_type3A, %cond3A : i32
    scf.if %cond3A_1 {
      %mul3A_62 = arith.constant 640 : i32
      %mul3A_63 = arith.muli %arg1, %mul3A_62 : i32
      %mul3A_64 = arith.constant 640 : i32
      %mul3A_65 = arith.muli %arg1, %mul3A_64 : i32
      "tpu.region"() ({
        %run_scoped3A_66 = tpu.sem_alloc : memref<!tpu.dma_semaphore, #tpu.memory_space<semaphore_mem>>
        %dma_start3A = arith.constant 0 : i32
        %dma_start3A_67 = tpu.memref_slice %arg9[%mul3A_65, %dma_start3A] : memref<10000x128xf32, #tpu.memory_space<vmem_shared>> -> memref<640x128xf32, #tpu.memory_space<vmem_shared>>
        %dma_start3A_68 = arith.constant 0 : i32
        %dma_start3A_69 = tpu.memref_slice %arg2[%mul3A_63, %dma_start3A_68] : memref<10000x128xf32, #tpu.memory_space<hbm>> -> memref<640x128xf32, #tpu.memory_space<hbm>>
        tpu.enqueue_dma source(%dma_start3A_69 : memref<640x128xf32, #tpu.memory_space<hbm>>) target(%dma_start3A_67 : memref<640x128xf32, #tpu.memory_space<vmem_shared>>) target_semaphore(%run_scoped3A_66 : memref<!tpu.dma_semaphore, #tpu.memory_space<semaphore_mem>>)
        %dma_wait3A_70 = arith.constant 0 : i32
        %dma_wait3A_71 = tpu.memref_slice %arg9[%mul3A_65, %dma_wait3A_70] : memref<10000x128xf32, #tpu.memory_space<vmem_shared>> -> memref<640x128xf32, #tpu.memory_space<vmem_shared>>
        %dma_wait3A_72 = arith.constant 0 : i32
        %dma_wait3A_73 = tpu.memref_slice %arg2[%mul3A_63, %dma_wait3A_72] : memref<10000x128xf32, #tpu.memory_space<hbm>> -> memref<640x128xf32, #tpu.memory_space<hbm>>
        tpu.wait_dma2 semaphore(%run_scoped3A_66 : memref<!tpu.dma_semaphore, #tpu.memory_space<semaphore_mem>>) src(%dma_wait3A_73 : memref<640x128xf32, #tpu.memory_space<hbm>>) dst(%dma_wait3A_71 : memref<640x128xf32, #tpu.memory_space<vmem_shared>>)
        tpu.yield
      }) : () -> ()
    } else {
    }
    %eq3A = arith.constant 15 : i32
    %eq3A_2 = arith.cmpi eq, %arg1, %eq3A : i32
    %convert_element_type3A_3 = arith.extui %eq3A_2 : i1 to i32
    %cond3A_4 = arith.constant 0 : i32
    %cond3A_5 = arith.cmpi ne, %convert_element_type3A_3, %cond3A_4 : i32
    scf.if %cond3A_5 {
      "tpu.region"() ({
        %run_scoped3A_62 = tpu.sem_alloc : memref<!tpu.dma_semaphore, #tpu.memory_space<semaphore_mem>>
        %dma_start3A = arith.constant 9600 : i32
        %dma_start3A_63 = arith.constant 0 : i32
        %dma_start3A_64 = tpu.memref_slice %arg9[%dma_start3A, %dma_start3A_63] : memref<10000x128xf32, #tpu.memory_space<vmem_shared>> -> memref<400x128xf32, #tpu.memory_space<vmem_shared>>
        %dma_start3A_65 = arith.constant 9600 : i32
        %dma_start3A_66 = arith.constant 0 : i32
        %dma_start3A_67 = tpu.memref_slice %arg2[%dma_start3A_65, %dma_start3A_66] : memref<10000x128xf32, #tpu.memory_space<hbm>> -> memref<400x128xf32, #tpu.memory_space<hbm>>
        tpu.enqueue_dma source(%dma_start3A_67 : memref<400x128xf32, #tpu.memory_space<hbm>>) target(%dma_start3A_64 : memref<400x128xf32, #tpu.memory_space<vmem_shared>>) target_semaphore(%run_scoped3A_62 : memref<!tpu.dma_semaphore, #tpu.memory_space<semaphore_mem>>)
        %dma_wait3A_68 = arith.constant 9600 : i32
        %dma_wait3A_69 = arith.constant 0 : i32
        %dma_wait3A_70 = tpu.memref_slice %arg9[%dma_wait3A_68, %dma_wait3A_69] : memref<10000x128xf32, #tpu.memory_space<vmem_shared>> -> memref<400x128xf32, #tpu.memory_space<vmem_shared>>
        %dma_wait3A_71 = arith.constant 9600 : i32
        %dma_wait3A_72 = arith.constant 0 : i32
        %dma_wait3A_73 = tpu.memref_slice %arg2[%dma_wait3A_71, %dma_wait3A_72] : memref<10000x128xf32, #tpu.memory_space<hbm>> -> memref<400x128xf32, #tpu.memory_space<hbm>>
        tpu.wait_dma2 semaphore(%run_scoped3A_62 : memref<!tpu.dma_semaphore, #tpu.memory_space<semaphore_mem>>) src(%dma_wait3A_73 : memref<400x128xf32, #tpu.memory_space<hbm>>) dst(%dma_wait3A_70 : memref<400x128xf32, #tpu.memory_space<vmem_shared>>)
        tpu.yield
      }) : () -> ()
    } else {
    }
    %broadcast_in_dim3A = arith.constant 0.000000e+00 : f32
    %broadcast_in_dim3A_6 = vector.broadcast %broadcast_in_dim3A : f32 to vector<16xf32>
    %scan3A = arith.constant 0 : i32
    %scan3A_7 = arith.constant 0 : i32
    %scan3A_8 = arith.constant 32 : i32
    %scan3A_9 = arith.addi %scan3A_7, %scan3A_8 : i32
    %scan3A_10 = arith.constant 1 : i32
    scf.for %scan3A_62 = %scan3A_7 to %scan3A_9 step %scan3A_10  : i32 {
      %scan3A_63 = arith.constant 0 : i32
      %scan3A_64 = arith.constant 8 : i32
      %scan3A_65 = arith.addi %scan3A_63, %scan3A_64 : i32
      %scan3A_66 = arith.constant 1 : i32
      scf.for %scan3A_68 = %scan3A_63 to %scan3A_65 step %scan3A_66  : i32 {
        %mul3A_69 = arith.constant 16 : i32
        %mul3A_70 = arith.muli %scan3A_68, %mul3A_69 : i32
        %swap3A = arith.constant 0 : i32
        %swap3A_71 = arith.index_cast %swap3A : i32 to index
        %swap3A_72 = arith.index_cast %scan3A_62 : i32 to index
        %swap3A_73 = arith.index_cast %mul3A_70 : i32 to index
        %swap3A_74 = tpu.vector_load %arg8[%swap3A_71, %swap3A_72, %swap3A_73] {strides = array<i32>} : memref<2x32x128xf32, #tpu.memory_space<vmem>>, vector<1x1x16xf32>,
        %swap3A_75 = vector.shape_cast %swap3A_74 : vector<1x1x16xf32> to vector<16xf32>
        %swap3A_76 = vector.shape_cast %broadcast_in_dim3A_6 : vector<16xf32> to vector<1x1x16xf32>
        tpu.vector_store %arg8[%swap3A_71, %swap3A_72, %swap3A_73], %swap3A_76 {strides = array<i32>} : memref<2x32x128xf32, #tpu.memory_space<vmem>>, vector<1x1x16xf32>,
      }
      %scan3A_67 = arith.constant 8 : i32
    }
    %scan3A_11 = arith.constant 32 : i32
    %scan3A_12 = arith.constant 0 : i32
    %scan3A_13 = arith.constant 0 : i32
    %scan3A_14 = arith.constant 10 : i32
    %scan3A_15 = arith.addi %scan3A_13, %scan3A_14 : i32
    %scan3A_16 = arith.constant 1 : i32
    scf.for %scan3A_62 = %scan3A_13 to %scan3A_15 step %scan3A_16  : i32 {
      %mul3A_63 = arith.constant 10 : i32
      %mul3A_64 = arith.muli %arg1, %mul3A_63 : i32
      %add3A = arith.addi %mul3A_64, %scan3A_62 : i32
      %mul3A_65 = arith.constant 32 : i32
      %mul3A_66 = arith.muli %add3A, %mul3A_65 : i32
      %run_scoped3A_67 = arith.constant 0 : i32
      "tpu.region"() ({
        %run_scoped3A_68 = tpu.sem_alloc : memref<!tpu.dma_semaphore, #tpu.memory_space<semaphore_mem>>
        %dma_start3A = arith.constant 0 : i32
        %dma_start3A_69 = arith.constant 0 : i32
        %dma_start3A_70 = tpu.memref_slice %arg8[%run_scoped3A_67, %dma_start3A, %dma_start3A_69] : memref<2x32x128xf32, #tpu.memory_space<vmem>> -> memref<1x32x128xf32, #tpu.memory_space<vmem>>
        %dma_start3A_71 = tpu.memref_squeeze %dma_start3A_70 : memref<1x32x128xf32, #tpu.memory_space<vmem>> -> memref<32x128xf32, #tpu.memory_space<vmem>>
        %dma_start3A_72 = arith.constant 0 : i32
        %dma_start3A_73 = tpu.memref_slice %arg10[%mul3A_66, %dma_start3A_72] : memref<5120x128xf32, #tpu.memory_space<vmem_shared>> -> memref<32x128xf32, #tpu.memory_space<vmem_shared>>
        %dma_start3A_74 = arith.constant 0 : i32
        %dma_start3A_75 = tpu.memref_slice %arg10[%mul3A_66, %dma_start3A_74] : memref<5120x128xf32, #tpu.memory_space<vmem_shared>> -> memref<32x128xf32, #tpu.memory_space<vmem_shared>>
        %dma_start3A_76 = arith.constant 0 : i32
        %dma_start3A_77 = arith.constant 0 : i32
        %dma_start3A_78 = tpu.memref_slice %arg8[%run_scoped3A_67, %dma_start3A_76, %dma_start3A_77] : memref<2x32x128xf32, #tpu.memory_space<vmem>> -> memref<1x32x128xf32, #tpu.memory_space<vmem>>
        %dma_start3A_79 = tpu.memref_squeeze %dma_start3A_78 : memref<1x32x128xf32, #tpu.memory_space<vmem>> -> memref<32x128xf32, #tpu.memory_space<vmem>>
        tpu.enqueue_dma source(%dma_start3A_79 : memref<32x128xf32, #tpu.memory_space<vmem>>) target(%dma_start3A_75 : memref<32x128xf32, #tpu.memory_space<vmem_shared>>) target_semaphore(%run_scoped3A_68 : memref<!tpu.dma_semaphore, #tpu.memory_space<semaphore_mem>>)
        %dma_wait3A_80 = arith.constant 0 : i32
        %dma_wait3A_81 = arith.constant 0 : i32
        %dma_wait3A_82 = tpu.memref_slice %arg8[%run_scoped3A_67, %dma_wait3A_80, %dma_wait3A_81] : memref<2x32x128xf32, #tpu.memory_space<vmem>> -> memref<1x32x128xf32, #tpu.memory_space<vmem>>
        %dma_wait3A_83 = tpu.memref_squeeze %dma_wait3A_82 : memref<1x32x128xf32, #tpu.memory_space<vmem>> -> memref<32x128xf32, #tpu.memory_space<vmem>>
        %dma_wait3A_84 = arith.constant 0 : i32
        %dma_wait3A_85 = tpu.memref_slice %arg10[%mul3A_66, %dma_wait3A_84] : memref<5120x128xf32, #tpu.memory_space<vmem_shared>> -> memref<32x128xf32, #tpu.memory_space<vmem_shared>>
        %dma_wait3A_86 = arith.constant 0 : i32
        %dma_wait3A_87 = tpu.memref_slice %arg10[%mul3A_66, %dma_wait3A_86] : memref<5120x128xf32, #tpu.memory_space<vmem_shared>> -> memref<32x128xf32, #tpu.memory_space<vmem_shared>>
        %dma_wait3A_88 = arith.constant 0 : i32
        %dma_wait3A_89 = arith.constant 0 : i32
        %dma_wait3A_90 = tpu.memref_slice %arg8[%run_scoped3A_67, %dma_wait3A_88, %dma_wait3A_89] : memref<2x32x128xf32, #tpu.memory_space<vmem>> -> memref<1x32x128xf32, #tpu.memory_space<vmem>>
        %dma_wait3A_91 = tpu.memref_squeeze %dma_wait3A_90 : memref<1x32x128xf32, #tpu.memory_space<vmem>> -> memref<32x128xf32, #tpu.memory_space<vmem>>
        tpu.wait_dma2 semaphore(%run_scoped3A_68 : memref<!tpu.dma_semaphore, #tpu.memory_space<semaphore_mem>>) src(%dma_wait3A_91 : memref<32x128xf32, #tpu.memory_space<vmem>>) dst(%dma_wait3A_87 : memref<32x128xf32, #tpu.memory_space<vmem_shared>>)
        tpu.yield
      }) : () -> ()
    }
    %scan3A_17 = arith.constant 10 : i32
    %mul3A = arith.constant 320 : i32
    %mul3A_18 = arith.muli %arg1, %mul3A : i32
    %run_scoped3A = arith.constant 0 : i32
    "tpu.region"() ({
      %run_scoped3A_62 = tpu.sem_alloc : memref<!tpu.dma_semaphore, #tpu.memory_space<semaphore_mem>>
      %dma_start3A = arith.constant 0 : i32
      %dma_start3A_63 = arith.constant 0 : i32
      %dma_start3A_64 = tpu.memref_slice %arg6[%run_scoped3A, %dma_start3A, %dma_start3A_63] : memref<2x2x32xi32, #tpu.memory_space<vmem>> -> memref<1x2x32xi32, #tpu.memory_space<vmem>>
      %dma_start3A_65 = tpu.memref_squeeze %dma_start3A_64 : memref<1x2x32xi32, #tpu.memory_space<vmem>> -> memref<2x32xi32, #tpu.memory_space<vmem>>
      %dma_start3A_66 = arith.constant 0 : i32
      %dma_start3A_67 = arith.constant 0 : i32
      %dma_start3A_68 = tpu.memref_slice %arg3[%mul3A_18, %dma_start3A_66, %dma_start3A_67] : memref<5120x2x32xi32, #tpu.memory_space<hbm>> -> memref<1x2x32xi32, #tpu.memory_space<hbm>>
      %dma_start3A_69 = tpu.memref_squeeze %dma_start3A_68 : memref<1x2x32xi32, #tpu.memory_space<hbm>> -> memref<2x32xi32, #tpu.memory_space<hbm>>
      %dma_start3A_70 = arith.constant 0 : i32
      %dma_start3A_71 = arith.constant 0 : i32
      %dma_start3A_72 = tpu.memref_slice %arg6[%run_scoped3A, %dma_start3A_70, %dma_start3A_71] : memref<2x2x32xi32, #tpu.memory_space<vmem>> -> memref<1x2x32xi32, #tpu.memory_space<vmem>>
      %dma_start3A_73 = tpu.memref_squeeze %dma_start3A_72 : memref<1x2x32xi32, #tpu.memory_space<vmem>> -> memref<2x32xi32, #tpu.memory_space<vmem>>
      %dma_start3A_74 = arith.constant 0 : i32
      %dma_start3A_75 = arith.constant 0 : i32
      %dma_start3A_76 = tpu.memref_slice %arg3[%mul3A_18, %dma_start3A_74, %dma_start3A_75] : memref<5120x2x32xi32, #tpu.memory_space<hbm>> -> memref<1x2x32xi32, #tpu.memory_space<hbm>>
      %dma_start3A_77 = tpu.memref_squeeze %dma_start3A_76 : memref<1x2x32xi32, #tpu.memory_space<hbm>> -> memref<2x32xi32, #tpu.memory_space<hbm>>
      tpu.enqueue_dma source(%dma_start3A_77 : memref<2x32xi32, #tpu.memory_space<hbm>>) target(%dma_start3A_73 : memref<2x32xi32, #tpu.memory_space<vmem>>) target_semaphore(%run_scoped3A_62 : memref<!tpu.dma_semaphore, #tpu.memory_space<semaphore_mem>>)
      %dma_wait3A_78 = arith.constant 0 : i32
      %dma_wait3A_79 = arith.constant 0 : i32
      %dma_wait3A_80 = tpu.memref_slice %arg6[%run_scoped3A, %dma_wait3A_78, %dma_wait3A_79] : memref<2x2x32xi32, #tpu.memory_space<vmem>> -> memref<1x2x32xi32, #tpu.memory_space<vmem>>
      %dma_wait3A_81 = tpu.memref_squeeze %dma_wait3A_80 : memref<1x2x32xi32, #tpu.memory_space<vmem>> -> memref<2x32xi32, #tpu.memory_space<vmem>>
      %dma_wait3A_82 = arith.constant 0 : i32
      %dma_wait3A_83 = arith.constant 0 : i32
      %dma_wait3A_84 = tpu.memref_slice %arg3[%mul3A_18, %dma_wait3A_82, %dma_wait3A_83] : memref<5120x2x32xi32, #tpu.memory_space<hbm>> -> memref<1x2x32xi32, #tpu.memory_space<hbm>>
      %dma_wait3A_85 = tpu.memref_squeeze %dma_wait3A_84 : memref<1x2x32xi32, #tpu.memory_space<hbm>> -> memref<2x32xi32, #tpu.memory_space<hbm>>
      %dma_wait3A_86 = arith.constant 0 : i32
      %dma_wait3A_87 = arith.constant 0 : i32
      %dma_wait3A_88 = tpu.memref_slice %arg6[%run_scoped3A, %dma_wait3A_86, %dma_wait3A_87] : memref<2x2x32xi32, #tpu.memory_space<vmem>> -> memref<1x2x32xi32, #tpu.memory_space<vmem>>
      %dma_wait3A_89 = tpu.memref_squeeze %dma_wait3A_88 : memref<1x2x32xi32, #tpu.memory_space<vmem>> -> memref<2x32xi32, #tpu.memory_space<vmem>>
      %dma_wait3A_90 = arith.constant 0 : i32
      %dma_wait3A_91 = arith.constant 0 : i32
      %dma_wait3A_92 = tpu.memref_slice %arg3[%mul3A_18, %dma_wait3A_90, %dma_wait3A_91] : memref<5120x2x32xi32, #tpu.memory_space<hbm>> -> memref<1x2x32xi32, #tpu.memory_space<hbm>>
      %dma_wait3A_93 = tpu.memref_squeeze %dma_wait3A_92 : memref<1x2x32xi32, #tpu.memory_space<hbm>> -> memref<2x32xi32, #tpu.memory_space<hbm>>
      tpu.wait_dma2 semaphore(%run_scoped3A_62 : memref<!tpu.dma_semaphore, #tpu.memory_space<semaphore_mem>>) src(%dma_wait3A_93 : memref<2x32xi32, #tpu.memory_space<hbm>>) dst(%dma_wait3A_89 : memref<2x32xi32, #tpu.memory_space<vmem>>)
      tpu.yield
    }) : () -> ()
    %run_scoped3A_19 = arith.constant 0 : i32
    "tpu.region"() ({
      %run_scoped3A_62 = tpu.sem_alloc : memref<!tpu.dma_semaphore, #tpu.memory_space<semaphore_mem>>
      %dma_start3A = arith.constant 0 : i32
      %dma_start3A_63 = arith.constant 0 : i32
      %dma_start3A_64 = tpu.memref_slice %arg7[%run_scoped3A_19, %dma_start3A, %dma_start3A_63] : memref<2x2x32xi32, #tpu.memory_space<vmem>> -> memref<1x2x32xi32, #tpu.memory_space<vmem>>
      %dma_start3A_65 = tpu.memref_squeeze %dma_start3A_64 : memref<1x2x32xi32, #tpu.memory_space<vmem>> -> memref<2x32xi32, #tpu.memory_space<vmem>>
      %dma_start3A_66 = arith.constant 0 : i32
      %dma_start3A_67 = arith.constant 0 : i32
      %dma_start3A_68 = tpu.memref_slice %arg4[%arg0, %mul3A_18, %dma_start3A_66, %dma_start3A_67] : memref<2x5120x2x32xi32, #tpu.memory_space<hbm>> -> memref<1x1x2x32xi32, #tpu.memory_space<hbm>>
      %dma_start3A_69 = tpu.memref_squeeze %dma_start3A_68 : memref<1x1x2x32xi32, #tpu.memory_space<hbm>> -> memref<2x32xi32, #tpu.memory_space<hbm>>
      %dma_start3A_70 = arith.constant 0 : i32
      %dma_start3A_71 = arith.constant 0 : i32
      %dma_start3A_72 = tpu.memref_slice %arg7[%run_scoped3A_19, %dma_start3A_70, %dma_start3A_71] : memref<2x2x32xi32, #tpu.memory_space<vmem>> -> memref<1x2x32xi32, #tpu.memory_space<vmem>>
      %dma_start3A_73 = tpu.memref_squeeze %dma_start3A_72 : memref<1x2x32xi32, #tpu.memory_space<vmem>> -> memref<2x32xi32, #tpu.memory_space<vmem>>
      %dma_start3A_74 = arith.constant 0 : i32
      %dma_start3A_75 = arith.constant 0 : i32
      %dma_start3A_76 = tpu.memref_slice %arg4[%arg0, %mul3A_18, %dma_start3A_74, %dma_start3A_75] : memref<2x5120x2x32xi32, #tpu.memory_space<hbm>> -> memref<1x1x2x32xi32, #tpu.memory_space<hbm>>
      %dma_start3A_77 = tpu.memref_squeeze %dma_start3A_76 : memref<1x1x2x32xi32, #tpu.memory_space<hbm>> -> memref<2x32xi32, #tpu.memory_space<hbm>>
      tpu.enqueue_dma source(%dma_start3A_77 : memref<2x32xi32, #tpu.memory_space<hbm>>) target(%dma_start3A_73 : memref<2x32xi32, #tpu.memory_space<vmem>>) target_semaphore(%run_scoped3A_62 : memref<!tpu.dma_semaphore, #tpu.memory_space<semaphore_mem>>)
      %dma_wait3A_78 = arith.constant 0 : i32
      %dma_wait3A_79 = arith.constant 0 : i32
      %dma_wait3A_80 = tpu.memref_slice %arg7[%run_scoped3A_19, %dma_wait3A_78, %dma_wait3A_79] : memref<2x2x32xi32, #tpu.memory_space<vmem>> -> memref<1x2x32xi32, #tpu.memory_space<vmem>>
      %dma_wait3A_81 = tpu.memref_squeeze %dma_wait3A_80 : memref<1x2x32xi32, #tpu.memory_space<vmem>> -> memref<2x32xi32, #tpu.memory_space<vmem>>
      %dma_wait3A_82 = arith.constant 0 : i32
      %dma_wait3A_83 = arith.constant 0 : i32
      %dma_wait3A_84 = tpu.memref_slice %arg4[%arg0, %mul3A_18, %dma_wait3A_82, %dma_wait3A_83] : memref<2x5120x2x32xi32, #tpu.memory_space<hbm>> -> memref<1x1x2x32xi32, #tpu.memory_space<hbm>>
      %dma_wait3A_85 = tpu.memref_squeeze %dma_wait3A_84 : memref<1x1x2x32xi32, #tpu.memory_space<hbm>> -> memref<2x32xi32, #tpu.memory_space<hbm>>
      %dma_wait3A_86 = arith.constant 0 : i32
      %dma_wait3A_87 = arith.constant 0 : i32
      %dma_wait3A_88 = tpu.memref_slice %arg7[%run_scoped3A_19, %dma_wait3A_86, %dma_wait3A_87] : memref<2x2x32xi32, #tpu.memory_space<vmem>> -> memref<1x2x32xi32, #tpu.memory_space<vmem>>
      %dma_wait3A_89 = tpu.memref_squeeze %dma_wait3A_88 : memref<1x2x32xi32, #tpu.memory_space<vmem>> -> memref<2x32xi32, #tpu.memory_space<vmem>>
      %dma_wait3A_90 = arith.constant 0 : i32
      %dma_wait3A_91 = arith.constant 0 : i32
      %dma_wait3A_92 = tpu.memref_slice %arg4[%arg0, %mul3A_18, %dma_wait3A_90, %dma_wait3A_91] : memref<2x5120x2x32xi32, #tpu.memory_space<hbm>> -> memref<1x1x2x32xi32, #tpu.memory_space<hbm>>
      %dma_wait3A_93 = tpu.memref_squeeze %dma_wait3A_92 : memref<1x1x2x32xi32, #tpu.memory_space<hbm>> -> memref<2x32xi32, #tpu.memory_space<hbm>>
      tpu.wait_dma2 semaphore(%run_scoped3A_62 : memref<!tpu.dma_semaphore, #tpu.memory_space<semaphore_mem>>) src(%dma_wait3A_93 : memref<2x32xi32, #tpu.memory_space<hbm>>) dst(%dma_wait3A_89 : memref<2x32xi32, #tpu.memory_space<vmem>>)
      tpu.yield
    }) : () -> ()
    %barrier3A = arith.constant 0 : index
    tpu.barrier barrier_id(%barrier3A)
    %scan3A_20 = arith.constant 0 : i32
    %scan3A_21 = arith.constant 0 : i32
    %scan3A_22 = arith.constant 320 : i32
    %scan3A_23 = arith.addi %scan3A_21, %scan3A_22 : i32
    %scan3A_24 = arith.constant 1 : i32
    scf.for %scan3A_62 = %scan3A_21 to %scan3A_23 step %scan3A_24  : i32 {
      %jit3A = arith.constant 2 : i32
      %eq3A_63 = arith.constant 0 : i32
      %eq3A_64 = arith.cmpi eq, %jit3A, %eq3A_63 : i32
      %jit3A_65 = arith.constant 1 : i32
      %select_n3A = arith.select %eq3A_64, %jit3A_65, %jit3A : i32
      %rem3A = arith.remsi %scan3A_62, %select_n3A : i32
      %ne3A = arith.constant 0 : i32
      %ne3A_66 = arith.cmpi ne, %rem3A, %ne3A : i32
      %lt3A_67 = arith.constant 0 : i32
      %lt3A_68 = arith.cmpi slt, %rem3A, %lt3A_67 : i32
      %lt3A_69 = arith.constant 0 : i32
      %lt3A_70 = arith.cmpi slt, %select_n3A, %lt3A_69 : i32
      %ne3A_71 = arith.xori %lt3A_68, %lt3A_70 : i1
      %and3A = arith.andi %ne3A_71, %ne3A_66 : i1
      %add3A = arith.addi %rem3A, %select_n3A : i32
      %select_n3A_72 = arith.select %and3A, %add3A, %rem3A : i32
      %add3A_73 = arith.addi %mul3A_18, %scan3A_62 : i32
      %add3A_74 = arith.constant 1 : i32
      %add3A_75 = arith.addi %scan3A_62, %add3A_74 : i32
      %lt3A_76 = arith.constant 320 : i32
      %lt3A_77 = arith.cmpi slt, %add3A_75, %lt3A_76 : i32
      %convert_element_type3A_78 = arith.extui %lt3A_77 : i1 to i32
      %cond3A_79 = arith.constant 0 : i32
      %cond3A_80 = arith.cmpi ne, %convert_element_type3A_78, %cond3A_79 : i32
      scf.if %cond3A_80 {
        %add3A_261 = arith.constant 1 : i32
        %add3A_262 = arith.addi %add3A_73, %add3A_261 : i32
        %sub3A = arith.constant 1 : i32
        %sub3A_263 = arith.subi %sub3A, %select_n3A_72 : i32
        %dma_start3A_264 = arith.constant 0 : i32
        %dma_start3A_265 = arith.constant 0 : i32
        %dma_start3A_266 = tpu.memref_slice %arg6[%sub3A_263, %dma_start3A_264, %dma_start3A_265] : memref<2x2x32xi32, #tpu.memory_space<vmem>> -> memref<1x2x32xi32, #tpu.memory_space<vmem>>
        %dma_start3A_267 = tpu.memref_squeeze %dma_start3A_266 : memref<1x2x32xi32, #tpu.memory_space<vmem>> -> memref<2x32xi32, #tpu.memory_space<vmem>>
        %dma_start3A_268 = arith.constant 0 : i32
        %dma_start3A_269 = arith.constant 0 : i32
        %dma_start3A_270 = tpu.memref_slice %arg3[%add3A_262, %dma_start3A_268, %dma_start3A_269] : memref<5120x2x32xi32, #tpu.memory_space<hbm>> -> memref<1x2x32xi32, #tpu.memory_space<hbm>>
        %dma_start3A_271 = tpu.memref_squeeze %dma_start3A_270 : memref<1x2x32xi32, #tpu.memory_space<hbm>> -> memref<2x32xi32, #tpu.memory_space<hbm>>
        %dma_start3A_272 = arith.constant 0 : i32
        %dma_start3A_273 = arith.constant 0 : i32
        %dma_start3A_274 = tpu.memref_slice %arg6[%sub3A_263, %dma_start3A_272, %dma_start3A_273] : memref<2x2x32xi32, #tpu.memory_space<vmem>> -> memref<1x2x32xi32, #tpu.memory_space<vmem>>
        %dma_start3A_275 = tpu.memref_squeeze %dma_start3A_274 : memref<1x2x32xi32, #tpu.memory_space<vmem>> -> memref<2x32xi32, #tpu.memory_space<vmem>>
        %dma_start3A_276 = arith.constant 0 : i32
        %dma_start3A_277 = arith.constant 0 : i32
        %dma_start3A_278 = tpu.memref_slice %arg3[%add3A_262, %dma_start3A_276, %dma_start3A_277] : memref<5120x2x32xi32, #tpu.memory_space<hbm>> -> memref<1x2x32xi32, #tpu.memory_space<hbm>>
        %dma_start3A_279 = tpu.memref_squeeze %dma_start3A_278 : memref<1x2x32xi32, #tpu.memory_space<hbm>> -> memref<2x32xi32, #tpu.memory_space<hbm>>
        tpu.enqueue_dma source(%dma_start3A_279 : memref<2x32xi32, #tpu.memory_space<hbm>>) target(%dma_start3A_275 : memref<2x32xi32, #tpu.memory_space<vmem>>) target_semaphore(%arg13 : memref<!tpu.dma_semaphore, #tpu.memory_space<semaphore_mem>>)
        %add3A_280 = arith.constant 1 : i32
        %add3A_281 = arith.addi %add3A_73, %add3A_280 : i32
        %sub3A_282 = arith.constant 1 : i32
        %sub3A_283 = arith.subi %sub3A_282, %select_n3A_72 : i32
        %dma_start3A_284 = arith.constant 0 : i32
        %dma_start3A_285 = arith.constant 0 : i32
        %dma_start3A_286 = tpu.memref_slice %arg7[%sub3A_283, %dma_start3A_284, %dma_start3A_285] : memref<2x2x32xi32, #tpu.memory_space<vmem>> -> memref<1x2x32xi32, #tpu.memory_space<vmem>>
        %dma_start3A_287 = tpu.memref_squeeze %dma_start3A_286 : memref<1x2x32xi32, #tpu.memory_space<vmem>> -> memref<2x32xi32, #tpu.memory_space<vmem>>
        %dma_start3A_288 = arith.constant 0 : i32
        %dma_start3A_289 = arith.constant 0 : i32
        %dma_start3A_290 = tpu.memref_slice %arg4[%arg0, %add3A_281, %dma_start3A_288, %dma_start3A_289] : memref<2x5120x2x32xi32, #tpu.memory_space<hbm>> -> memref<1x1x2x32xi32, #tpu.memory_space<hbm>>
        %dma_start3A_291 = tpu.memref_squeeze %dma_start3A_290 : memref<1x1x2x32xi32, #tpu.memory_space<hbm>> -> memref<2x32xi32, #tpu.memory_space<hbm>>
        %dma_start3A_292 = arith.constant 0 : i32
        %dma_start3A_293 = arith.constant 0 : i32
        %dma_start3A_294 = tpu.memref_slice %arg7[%sub3A_283, %dma_start3A_292, %dma_start3A_293] : memref<2x2x32xi32, #tpu.memory_space<vmem>> -> memref<1x2x32xi32, #tpu.memory_space<vmem>>
        %dma_start3A_295 = tpu.memref_squeeze %dma_start3A_294 : memref<1x2x32xi32, #tpu.memory_space<vmem>> -> memref<2x32xi32, #tpu.memory_space<vmem>>
        %dma_start3A_296 = arith.constant 0 : i32
        %dma_start3A_297 = arith.constant 0 : i32
        %dma_start3A_298 = tpu.memref_slice %arg4[%arg0, %add3A_281, %dma_start3A_296, %dma_start3A_297] : memref<2x5120x2x32xi32, #tpu.memory_space<hbm>> -> memref<1x1x2x32xi32, #tpu.memory_space<hbm>>
        %dma_start3A_299 = tpu.memref_squeeze %dma_start3A_298 : memref<1x1x2x32xi32, #tpu.memory_space<hbm>> -> memref<2x32xi32, #tpu.memory_space<hbm>>
        tpu.enqueue_dma source(%dma_start3A_299 : memref<2x32xi32, #tpu.memory_space<hbm>>) target(%dma_start3A_295 : memref<2x32xi32, #tpu.memory_space<vmem>>) target_semaphore(%arg13 : memref<!tpu.dma_semaphore, #tpu.memory_space<semaphore_mem>>)
      } else {
      }
      %gt3A = arith.constant 0 : i32
      %gt3A_81 = arith.cmpi sgt, %scan3A_62, %gt3A : i32
      %convert_element_type3A_82 = arith.extui %gt3A_81 : i1 to i32
      %cond3A_83 = arith.constant 0 : i32
      %cond3A_84 = arith.cmpi ne, %convert_element_type3A_82, %cond3A_83 : i32
      scf.if %cond3A_84 {
        %dma_wait3A_261 = arith.constant 0 : i32
        %dma_wait3A_262 = arith.constant 0 : i32
        %dma_wait3A_263 = tpu.memref_slice %arg6[%select_n3A_72, %dma_wait3A_261, %dma_wait3A_262] : memref<2x2x32xi32, #tpu.memory_space<vmem>> -> memref<1x2x32xi32, #tpu.memory_space<vmem>>
        %dma_wait3A_264 = tpu.memref_squeeze %dma_wait3A_263 : memref<1x2x32xi32, #tpu.memory_space<vmem>> -> memref<2x32xi32, #tpu.memory_space<vmem>>
        %dma_wait3A_265 = arith.constant 0 : i32
        %dma_wait3A_266 = arith.constant 0 : i32
        %dma_wait3A_267 = tpu.memref_slice %arg3[%add3A_73, %dma_wait3A_265, %dma_wait3A_266] : memref<5120x2x32xi32, #tpu.memory_space<hbm>> -> memref<1x2x32xi32, #tpu.memory_space<hbm>>
        %dma_wait3A_268 = tpu.memref_squeeze %dma_wait3A_267 : memref<1x2x32xi32, #tpu.memory_space<hbm>> -> memref<2x32xi32, #tpu.memory_space<hbm>>
        %dma_wait3A_269 = arith.constant 0 : i32
        %dma_wait3A_270 = arith.constant 0 : i32
        %dma_wait3A_271 = tpu.memref_slice %arg6[%select_n3A_72, %dma_wait3A_269, %dma_wait3A_270] : memref<2x2x32xi32, #tpu.memory_space<vmem>> -> memref<1x2x32xi32, #tpu.memory_space<vmem>>
        %dma_wait3A_272 = tpu.memref_squeeze %dma_wait3A_271 : memref<1x2x32xi32, #tpu.memory_space<vmem>> -> memref<2x32xi32, #tpu.memory_space<vmem>>
        %dma_wait3A_273 = arith.constant 0 : i32
        %dma_wait3A_274 = arith.constant 0 : i32
        %dma_wait3A_275 = tpu.memref_slice %arg3[%add3A_73, %dma_wait3A_273, %dma_wait3A_274] : memref<5120x2x32xi32, #tpu.memory_space<hbm>> -> memref<1x2x32xi32, #tpu.memory_space<hbm>>
        %dma_wait3A_276 = tpu.memref_squeeze %dma_wait3A_275 : memref<1x2x32xi32, #tpu.memory_space<hbm>> -> memref<2x32xi32, #tpu.memory_space<hbm>>
        tpu.wait_dma2 semaphore(%arg13 : memref<!tpu.dma_semaphore, #tpu.memory_space<semaphore_mem>>) src(%dma_wait3A_276 : memref<2x32xi32, #tpu.memory_space<hbm>>) dst(%dma_wait3A_272 : memref<2x32xi32, #tpu.memory_space<vmem>>)
        %dma_wait3A_277 = arith.constant 0 : i32
        %dma_wait3A_278 = arith.constant 0 : i32
        %dma_wait3A_279 = tpu.memref_slice %arg7[%select_n3A_72, %dma_wait3A_277, %dma_wait3A_278] : memref<2x2x32xi32, #tpu.memory_space<vmem>> -> memref<1x2x32xi32, #tpu.memory_space<vmem>>
        %dma_wait3A_280 = tpu.memref_squeeze %dma_wait3A_279 : memref<1x2x32xi32, #tpu.memory_space<vmem>> -> memref<2x32xi32, #tpu.memory_space<vmem>>
        %dma_wait3A_281 = arith.constant 0 : i32
        %dma_wait3A_282 = arith.constant 0 : i32
        %dma_wait3A_283 = tpu.memref_slice %arg4[%arg0, %add3A_73, %dma_wait3A_281, %dma_wait3A_282] : memref<2x5120x2x32xi32, #tpu.memory_space<hbm>> -> memref<1x1x2x32xi32, #tpu.memory_space<hbm>>
        %dma_wait3A_284 = tpu.memref_squeeze %dma_wait3A_283 : memref<1x1x2x32xi32, #tpu.memory_space<hbm>> -> memref<2x32xi32, #tpu.memory_space<hbm>>
        %dma_wait3A_285 = arith.constant 0 : i32
        %dma_wait3A_286 = arith.constant 0 : i32
        %dma_wait3A_287 = tpu.memref_slice %arg7[%select_n3A_72, %dma_wait3A_285, %dma_wait3A_286] : memref<2x2x32xi32, #tpu.memory_space<vmem>> -> memref<1x2x32xi32, #tpu.memory_space<vmem>>
        %dma_wait3A_288 = tpu.memref_squeeze %dma_wait3A_287 : memref<1x2x32xi32, #tpu.memory_space<vmem>> -> memref<2x32xi32, #tpu.memory_space<vmem>>
        %dma_wait3A_289 = arith.constant 0 : i32
        %dma_wait3A_290 = arith.constant 0 : i32
        %dma_wait3A_291 = tpu.memref_slice %arg4[%arg0, %add3A_73, %dma_wait3A_289, %dma_wait3A_290] : memref<2x5120x2x32xi32, #tpu.memory_space<hbm>> -> memref<1x1x2x32xi32, #tpu.memory_space<hbm>>
        %dma_wait3A_292 = tpu.memref_squeeze %dma_wait3A_291 : memref<1x1x2x32xi32, #tpu.memory_space<hbm>> -> memref<2x32xi32, #tpu.memory_space<hbm>>
        tpu.wait_dma2 semaphore(%arg13 : memref<!tpu.dma_semaphore, #tpu.memory_space<semaphore_mem>>) src(%dma_wait3A_292 : memref<2x32xi32, #tpu.memory_space<hbm>>) dst(%dma_wait3A_288 : memref<2x32xi32, #tpu.memory_space<vmem>>)
      } else {
      }
      %get3A = arith.constant 0 : i32
      %get3A_85 = arith.index_cast %select_n3A_72 : i32 to index
      %get3A_86 = arith.index_cast %get3A : i32 to index
      %get3A_87 = arith.constant 0 : index
      %get3A_88 = tpu.vector_load %arg7[%get3A_85, %get3A_86, %get3A_87] {strides = array<i32>} : memref<2x2x32xi32, #tpu.memory_space<vmem>>, vector<1x1x16xi32>,
      %get3A_89 = vector.shape_cast %get3A_88 : vector<1x1x16xi32> to vector<16xi32>
      %ge3A = arith.constant 5100 : i32
      %ge3A_90 = vector.broadcast %ge3A : i32 to vector<16xi32>
      %ge3A_91 = arith.cmpi sge, %get3A_89, %ge3A_90 : vector<16xi32>
      %add3A_92 = arith.constant 5100 : i32
      %add3A_93 = arith.addi %add3A_92, %arg1 : i32
      %broadcast_in_dim3A_94 = vector.broadcast %add3A_93 : i32 to vector<16xi32>
      %select_n3A_95 = arith.select %ge3A_91, %broadcast_in_dim3A_94, %get3A_89 : vector<16xi1>, vector<16xi32>
      %swap3A = arith.constant 0 : i32
      %swap3A_96 = arith.index_cast %select_n3A_72 : i32 to index
      %swap3A_97 = arith.index_cast %swap3A : i32 to index
      %swap3A_98 = arith.constant 0 : index
      %swap3A_99 = tpu.vector_load %arg7[%swap3A_96, %swap3A_97, %swap3A_98] {strides = array<i32>} : memref<2x2x32xi32, #tpu.memory_space<vmem>>, vector<1x1x16xi32>,
      %swap3A_100 = vector.shape_cast %swap3A_99 : vector<1x1x16xi32> to vector<16xi32>
      %swap3A_101 = vector.shape_cast %select_n3A_95 : vector<16xi32> to vector<1x1x16xi32>
      tpu.vector_store %arg7[%swap3A_96, %swap3A_97, %swap3A_98], %swap3A_101 {strides = array<i32>} : memref<2x2x32xi32, #tpu.memory_space<vmem>>, vector<1x1x16xi32>,
      %get3A_102 = arith.constant 0 : i32
      %get3A_103 = arith.index_cast %select_n3A_72 : i32 to index
      %get3A_104 = arith.index_cast %get3A_102 : i32 to index
      %get3A_105 = arith.constant 16 : index
      %get3A_106 = tpu.vector_load %arg7[%get3A_103, %get3A_104, %get3A_105] {strides = array<i32>} : memref<2x2x32xi32, #tpu.memory_space<vmem>>, vector<1x1x16xi32>,
      %get3A_107 = vector.shape_cast %get3A_106 : vector<1x1x16xi32> to vector<16xi32>
      %ge3A_108 = arith.constant 5100 : i32
      %ge3A_109 = vector.broadcast %ge3A_108 : i32 to vector<16xi32>
      %ge3A_110 = arith.cmpi sge, %get3A_107, %ge3A_109 : vector<16xi32>
      %add3A_111 = arith.constant 5100 : i32
      %add3A_112 = arith.addi %add3A_111, %arg1 : i32
      %broadcast_in_dim3A_113 = vector.broadcast %add3A_112 : i32 to vector<16xi32>
      %select_n3A_114 = arith.select %ge3A_110, %broadcast_in_dim3A_113, %get3A_107 : vector<16xi1>, vector<16xi32>
      %swap3A_115 = arith.constant 0 : i32
      %swap3A_116 = arith.index_cast %select_n3A_72 : i32 to index
      %swap3A_117 = arith.index_cast %swap3A_115 : i32 to index
      %swap3A_118 = arith.constant 16 : index
      %swap3A_119 = tpu.vector_load %arg7[%swap3A_116, %swap3A_117, %swap3A_118] {strides = array<i32>} : memref<2x2x32xi32, #tpu.memory_space<vmem>>, vector<1x1x16xi32>,
      %swap3A_120 = vector.shape_cast %swap3A_119 : vector<1x1x16xi32> to vector<16xi32>
      %swap3A_121 = vector.shape_cast %select_n3A_114 : vector<16xi32> to vector<1x1x16xi32>
      tpu.vector_store %arg7[%swap3A_116, %swap3A_117, %swap3A_118], %swap3A_121 {strides = array<i32>} : memref<2x2x32xi32, #tpu.memory_space<vmem>>, vector<1x1x16xi32>,
      %get3A_122 = arith.constant 1 : i32
      %get3A_123 = arith.index_cast %select_n3A_72 : i32 to index
      %get3A_124 = arith.index_cast %get3A_122 : i32 to index
      %get3A_125 = arith.constant 0 : index
      %get3A_126 = tpu.vector_load %arg7[%get3A_123, %get3A_124, %get3A_125] {strides = array<i32>} : memref<2x2x32xi32, #tpu.memory_space<vmem>>, vector<1x1x16xi32>,
      %get3A_127 = vector.shape_cast %get3A_126 : vector<1x1x16xi32> to vector<16xi32>
      %ge3A_128 = arith.constant 5100 : i32
      %ge3A_129 = vector.broadcast %ge3A_128 : i32 to vector<16xi32>
      %ge3A_130 = arith.cmpi sge, %get3A_127, %ge3A_129 : vector<16xi32>
      %add3A_131 = arith.constant 5100 : i32
      %add3A_132 = arith.addi %add3A_131, %arg1 : i32
      %broadcast_in_dim3A_133 = vector.broadcast %add3A_132 : i32 to vector<16xi32>
      %select_n3A_134 = arith.select %ge3A_130, %broadcast_in_dim3A_133, %get3A_127 : vector<16xi1>, vector<16xi32>
      %swap3A_135 = arith.constant 1 : i32
      %swap3A_136 = arith.index_cast %select_n3A_72 : i32 to index
      %swap3A_137 = arith.index_cast %swap3A_135 : i32 to index
      %swap3A_138 = arith.constant 0 : index
      %swap3A_139 = tpu.vector_load %arg7[%swap3A_136, %swap3A_137, %swap3A_138] {strides = array<i32>} : memref<2x2x32xi32, #tpu.memory_space<vmem>>, vector<1x1x16xi32>,
      %swap3A_140 = vector.shape_cast %swap3A_139 : vector<1x1x16xi32> to vector<16xi32>
      %swap3A_141 = vector.shape_cast %select_n3A_134 : vector<16xi32> to vector<1x1x16xi32>
      tpu.vector_store %arg7[%swap3A_136, %swap3A_137, %swap3A_138], %swap3A_141 {strides = array<i32>} : memref<2x2x32xi32, #tpu.memory_space<vmem>>, vector<1x1x16xi32>,
      %get3A_142 = arith.constant 1 : i32
      %get3A_143 = arith.index_cast %select_n3A_72 : i32 to index
      %get3A_144 = arith.index_cast %get3A_142 : i32 to index
      %get3A_145 = arith.constant 16 : index
      %get3A_146 = tpu.vector_load %arg7[%get3A_143, %get3A_144, %get3A_145] {strides = array<i32>} : memref<2x2x32xi32, #tpu.memory_space<vmem>>, vector<1x1x16xi32>,
      %get3A_147 = vector.shape_cast %get3A_146 : vector<1x1x16xi32> to vector<16xi32>
      %ge3A_148 = arith.constant 5100 : i32
      %ge3A_149 = vector.broadcast %ge3A_148 : i32 to vector<16xi32>
      %ge3A_150 = arith.cmpi sge, %get3A_147, %ge3A_149 : vector<16xi32>
      %add3A_151 = arith.constant 5100 : i32
      %add3A_152 = arith.addi %add3A_151, %arg1 : i32
      %broadcast_in_dim3A_153 = vector.broadcast %add3A_152 : i32 to vector<16xi32>
      %select_n3A_154 = arith.select %ge3A_150, %broadcast_in_dim3A_153, %get3A_147 : vector<16xi1>, vector<16xi32>
      %swap3A_155 = arith.constant 1 : i32
      %swap3A_156 = arith.index_cast %select_n3A_72 : i32 to index
      %swap3A_157 = arith.index_cast %swap3A_155 : i32 to index
      %swap3A_158 = arith.constant 16 : index
      %swap3A_159 = tpu.vector_load %arg7[%swap3A_156, %swap3A_157, %swap3A_158] {strides = array<i32>} : memref<2x2x32xi32, #tpu.memory_space<vmem>>, vector<1x1x16xi32>,
      %swap3A_160 = vector.shape_cast %swap3A_159 : vector<1x1x16xi32> to vector<16xi32>
      %swap3A_161 = vector.shape_cast %select_n3A_154 : vector<16xi32> to vector<1x1x16xi32>
      tpu.vector_store %arg7[%swap3A_156, %swap3A_157, %swap3A_158], %swap3A_161 {strides = array<i32>} : memref<2x2x32xi32, #tpu.memory_space<vmem>>, vector<1x1x16xi32>,
      %gt3A_162 = arith.constant 0 : i32
      %gt3A_163 = arith.cmpi sgt, %scan3A_62, %gt3A_162 : i32
      %convert_element_type3A_164 = arith.extui %gt3A_163 : i1 to i32
      %cond3A_165 = arith.constant 0 : i32
      %cond3A_166 = arith.cmpi ne, %convert_element_type3A_164, %cond3A_165 : i32
      scf.if %cond3A_166 {
        %sub3A = arith.constant 1 : i32
        %sub3A_261 = arith.subi %sub3A, %select_n3A_72 : i32
        %dma_wait3A_262 = arith.constant 0 : i32
        %dma_wait3A_263 = arith.constant 0 : i32
        %dma_wait3A_264 = arith.constant 0 : i32
        %dma_wait3A_265 = arith.constant 0 : i32
        %dma_wait3A_266 = arith.constant 0 : i32
        %dma_wait3A_267 = tpu.memref_slice %arg8[%dma_wait3A_262, %dma_wait3A_265, %dma_wait3A_266] : memref<2x32x128xf32, #tpu.memory_space<vmem>> -> memref<1x32x128xf32, #tpu.memory_space<vmem>>
        %dma_wait3A_268 = tpu.memref_squeeze %dma_wait3A_267 : memref<1x32x128xf32, #tpu.memory_space<vmem>> -> memref<32x128xf32, #tpu.memory_space<vmem>>
        %dma_wait3A_269 = arith.constant 0 : i32
        %dma_wait3A_270 = tpu.memref_slice %arg7[%sub3A_261, %dma_wait3A_263, %dma_wait3A_269] : memref<2x2x32xi32, #tpu.memory_space<vmem>> -> memref<1x1x32xi32, #tpu.memory_space<vmem>>
        %dma_wait3A_271 = tpu.memref_squeeze %dma_wait3A_270 : memref<1x1x32xi32, #tpu.memory_space<vmem>> -> memref<32xi32, #tpu.memory_space<vmem>>
        %dma_wait3A_272 = arith.constant 0 : i32
        %dma_wait3A_273 = arith.constant 0 : i32
        %dma_wait3A_274 = tpu.memref_slice %arg10[%dma_wait3A_272, %dma_wait3A_273] : memref<5120x128xf32, #tpu.memory_space<vmem_shared>> -> memref<5120x128xf32, #tpu.memory_space<vmem_shared>>
        %dma_wait3A_275 = tpu.memref_slice %arg12[%dma_wait3A_264] : memref<2x!tpu.dma_semaphore, #tpu.memory_space<semaphore_mem>> -> memref<1x!tpu.dma_semaphore, #tpu.memory_space<semaphore_mem>>
        %dma_wait3A_276 = tpu.memref_squeeze %dma_wait3A_275 : memref<1x!tpu.dma_semaphore, #tpu.memory_space<semaphore_mem>> -> memref<!tpu.dma_semaphore, #tpu.memory_space<semaphore_mem>>
        tpu.wait_indirect_dma semaphore(%dma_wait3A_276 : memref<!tpu.dma_semaphore, #tpu.memory_space<semaphore_mem>>) src(%dma_wait3A_268 : memref<32x128xf32, #tpu.memory_space<vmem>>) dst(%dma_wait3A_274 : memref<5120x128xf32, #tpu.memory_space<vmem_shared>>)
      } else {
      }
      %dma_start3A = arith.constant 0 : i32
      %dma_start3A_167 = arith.constant 0 : i32
      %dma_start3A_168 = arith.constant 0 : i32
      %dma_start3A_169 = arith.constant 0 : i32
      %dma_start3A_170 = arith.constant 0 : i32
      %dma_start3A_171 = tpu.memref_slice %arg8[%dma_start3A_167, %dma_start3A_169, %dma_start3A_170] : memref<2x32x128xf32, #tpu.memory_space<vmem>> -> memref<1x32x128xf32, #tpu.memory_space<vmem>>
      %dma_start3A_172 = tpu.memref_squeeze %dma_start3A_171 : memref<1x32x128xf32, #tpu.memory_space<vmem>> -> memref<32x128xf32, #tpu.memory_space<vmem>>
      %dma_start3A_173 = arith.constant 0 : i32
      %dma_start3A_174 = tpu.memref_slice %arg6[%select_n3A_72, %dma_start3A, %dma_start3A_173] : memref<2x2x32xi32, #tpu.memory_space<vmem>> -> memref<1x1x32xi32, #tpu.memory_space<vmem>>
      %dma_start3A_175 = tpu.memref_squeeze %dma_start3A_174 : memref<1x1x32xi32, #tpu.memory_space<vmem>> -> memref<32xi32, #tpu.memory_space<vmem>>
      %dma_start3A_176 = arith.constant 0 : i32
      %dma_start3A_177 = arith.constant 0 : i32
      %dma_start3A_178 = tpu.memref_slice %arg9[%dma_start3A_176, %dma_start3A_177] : memref<10000x128xf32, #tpu.memory_space<vmem_shared>> -> memref<10000x128xf32, #tpu.memory_space<vmem_shared>>
      %dma_start3A_179 = tpu.memref_slice %arg11[%dma_start3A_168] : memref<2x!tpu.dma_semaphore, #tpu.memory_space<semaphore_mem>> -> memref<1x!tpu.dma_semaphore, #tpu.memory_space<semaphore_mem>>
      %dma_start3A_180 = tpu.memref_squeeze %dma_start3A_179 : memref<1x!tpu.dma_semaphore, #tpu.memory_space<semaphore_mem>> -> memref<!tpu.dma_semaphore, #tpu.memory_space<semaphore_mem>>
      tpu.enqueue_indirect_dma source(%dma_start3A_178 : memref<10000x128xf32, #tpu.memory_space<vmem_shared>>) target(%dma_start3A_172 : memref<32x128xf32, #tpu.memory_space<vmem>>) offsets(%dma_start3A_175 : memref<32xi32, #tpu.memory_space<vmem>>) semaphore(%dma_start3A_180 : memref<!tpu.dma_semaphore, #tpu.memory_space<semaphore_mem>>)
      %gt3A_181 = arith.constant 0 : i32
      %gt3A_182 = arith.cmpi sgt, %scan3A_62, %gt3A_181 : i32
      %convert_element_type3A_183 = arith.extui %gt3A_182 : i1 to i32
      %cond3A_184 = arith.constant 0 : i32
      %cond3A_185 = arith.cmpi ne, %convert_element_type3A_183, %cond3A_184 : i32
      scf.if %cond3A_185 {
        %sub3A = arith.constant 1 : i32
        %sub3A_261 = arith.subi %sub3A, %select_n3A_72 : i32
        %dma_wait3A_262 = arith.constant 1 : i32
        %dma_wait3A_263 = arith.constant 1 : i32
        %dma_wait3A_264 = arith.constant 1 : i32
        %dma_wait3A_265 = arith.constant 0 : i32
        %dma_wait3A_266 = arith.constant 0 : i32
        %dma_wait3A_267 = tpu.memref_slice %arg8[%dma_wait3A_262, %dma_wait3A_265, %dma_wait3A_266] : memref<2x32x128xf32, #tpu.memory_space<vmem>> -> memref<1x32x128xf32, #tpu.memory_space<vmem>>
        %dma_wait3A_268 = tpu.memref_squeeze %dma_wait3A_267 : memref<1x32x128xf32, #tpu.memory_space<vmem>> -> memref<32x128xf32, #tpu.memory_space<vmem>>
        %dma_wait3A_269 = arith.constant 0 : i32
        %dma_wait3A_270 = tpu.memref_slice %arg7[%sub3A_261, %dma_wait3A_263, %dma_wait3A_269] : memref<2x2x32xi32, #tpu.memory_space<vmem>> -> memref<1x1x32xi32, #tpu.memory_space<vmem>>
        %dma_wait3A_271 = tpu.memref_squeeze %dma_wait3A_270 : memref<1x1x32xi32, #tpu.memory_space<vmem>> -> memref<32xi32, #tpu.memory_space<vmem>>
        %dma_wait3A_272 = arith.constant 0 : i32
        %dma_wait3A_273 = arith.constant 0 : i32
        %dma_wait3A_274 = tpu.memref_slice %arg10[%dma_wait3A_272, %dma_wait3A_273] : memref<5120x128xf32, #tpu.memory_space<vmem_shared>> -> memref<5120x128xf32, #tpu.memory_space<vmem_shared>>
        %dma_wait3A_275 = tpu.memref_slice %arg12[%dma_wait3A_264] : memref<2x!tpu.dma_semaphore, #tpu.memory_space<semaphore_mem>> -> memref<1x!tpu.dma_semaphore, #tpu.memory_space<semaphore_mem>>
        %dma_wait3A_276 = tpu.memref_squeeze %dma_wait3A_275 : memref<1x!tpu.dma_semaphore, #tpu.memory_space<semaphore_mem>> -> memref<!tpu.dma_semaphore, #tpu.memory_space<semaphore_mem>>
        tpu.wait_indirect_dma semaphore(%dma_wait3A_276 : memref<!tpu.dma_semaphore, #tpu.memory_space<semaphore_mem>>) src(%dma_wait3A_268 : memref<32x128xf32, #tpu.memory_space<vmem>>) dst(%dma_wait3A_274 : memref<5120x128xf32, #tpu.memory_space<vmem_shared>>)
      } else {
      }
      %dma_start3A_186 = arith.constant 1 : i32
      %dma_start3A_187 = arith.constant 1 : i32
      %dma_start3A_188 = arith.constant 1 : i32
      %dma_start3A_189 = arith.constant 0 : i32
      %dma_start3A_190 = arith.constant 0 : i32
      %dma_start3A_191 = tpu.memref_slice %arg8[%dma_start3A_187, %dma_start3A_189, %dma_start3A_190] : memref<2x32x128xf32, #tpu.memory_space<vmem>> -> memref<1x32x128xf32, #tpu.memory_space<vmem>>
      %dma_start3A_192 = tpu.memref_squeeze %dma_start3A_191 : memref<1x32x128xf32, #tpu.memory_space<vmem>> -> memref<32x128xf32, #tpu.memory_space<vmem>>
      %dma_start3A_193 = arith.constant 0 : i32
      %dma_start3A_194 = tpu.memref_slice %arg6[%select_n3A_72, %dma_start3A_186, %dma_start3A_193] : memref<2x2x32xi32, #tpu.memory_space<vmem>> -> memref<1x1x32xi32, #tpu.memory_space<vmem>>
      %dma_start3A_195 = tpu.memref_squeeze %dma_start3A_194 : memref<1x1x32xi32, #tpu.memory_space<vmem>> -> memref<32xi32, #tpu.memory_space<vmem>>
      %dma_start3A_196 = arith.constant 0 : i32
      %dma_start3A_197 = arith.constant 0 : i32
      %dma_start3A_198 = tpu.memref_slice %arg9[%dma_start3A_196, %dma_start3A_197] : memref<10000x128xf32, #tpu.memory_space<vmem_shared>> -> memref<10000x128xf32, #tpu.memory_space<vmem_shared>>
      %dma_start3A_199 = tpu.memref_slice %arg11[%dma_start3A_188] : memref<2x!tpu.dma_semaphore, #tpu.memory_space<semaphore_mem>> -> memref<1x!tpu.dma_semaphore, #tpu.memory_space<semaphore_mem>>
      %dma_start3A_200 = tpu.memref_squeeze %dma_start3A_199 : memref<1x!tpu.dma_semaphore, #tpu.memory_space<semaphore_mem>> -> memref<!tpu.dma_semaphore, #tpu.memory_space<semaphore_mem>>
      tpu.enqueue_indirect_dma source(%dma_start3A_198 : memref<10000x128xf32, #tpu.memory_space<vmem_shared>>) target(%dma_start3A_192 : memref<32x128xf32, #tpu.memory_space<vmem>>) offsets(%dma_start3A_195 : memref<32xi32, #tpu.memory_space<vmem>>) semaphore(%dma_start3A_200 : memref<!tpu.dma_semaphore, #tpu.memory_space<semaphore_mem>>)
      %dma_wait3A_201 = arith.constant 0 : i32
      %dma_wait3A_202 = arith.constant 0 : i32
      %dma_wait3A_203 = arith.constant 0 : i32
      %dma_wait3A_204 = arith.constant 0 : i32
      %dma_wait3A_205 = arith.constant 0 : i32
      %dma_wait3A_206 = tpu.memref_slice %arg8[%dma_wait3A_202, %dma_wait3A_204, %dma_wait3A_205] : memref<2x32x128xf32, #tpu.memory_space<vmem>> -> memref<1x32x128xf32, #tpu.memory_space<vmem>>
      %dma_wait3A_207 = tpu.memref_squeeze %dma_wait3A_206 : memref<1x32x128xf32, #tpu.memory_space<vmem>> -> memref<32x128xf32, #tpu.memory_space<vmem>>
      %dma_wait3A_208 = arith.constant 0 : i32
      %dma_wait3A_209 = tpu.memref_slice %arg6[%select_n3A_72, %dma_wait3A_201, %dma_wait3A_208] : memref<2x2x32xi32, #tpu.memory_space<vmem>> -> memref<1x1x32xi32, #tpu.memory_space<vmem>>
      %dma_wait3A_210 = tpu.memref_squeeze %dma_wait3A_209 : memref<1x1x32xi32, #tpu.memory_space<vmem>> -> memref<32xi32, #tpu.memory_space<vmem>>
      %dma_wait3A_211 = arith.constant 0 : i32
      %dma_wait3A_212 = arith.constant 0 : i32
      %dma_wait3A_213 = tpu.memref_slice %arg9[%dma_wait3A_211, %dma_wait3A_212] : memref<10000x128xf32, #tpu.memory_space<vmem_shared>> -> memref<10000x128xf32, #tpu.memory_space<vmem_shared>>
      %dma_wait3A_214 = tpu.memref_slice %arg11[%dma_wait3A_203] : memref<2x!tpu.dma_semaphore, #tpu.memory_space<semaphore_mem>> -> memref<1x!tpu.dma_semaphore, #tpu.memory_space<semaphore_mem>>
      %dma_wait3A_215 = tpu.memref_squeeze %dma_wait3A_214 : memref<1x!tpu.dma_semaphore, #tpu.memory_space<semaphore_mem>> -> memref<!tpu.dma_semaphore, #tpu.memory_space<semaphore_mem>>
      tpu.wait_indirect_dma semaphore(%dma_wait3A_215 : memref<!tpu.dma_semaphore, #tpu.memory_space<semaphore_mem>>) src(%dma_wait3A_213 : memref<10000x128xf32, #tpu.memory_space<vmem_shared>>) dst(%dma_wait3A_207 : memref<32x128xf32, #tpu.memory_space<vmem>>)
      %dma_start3A_216 = arith.constant 0 : i32
      %dma_start3A_217 = arith.constant 0 : i32
      %dma_start3A_218 = arith.constant 0 : i32
      %dma_start3A_219 = arith.constant 0 : i32
      %dma_start3A_220 = arith.constant 0 : i32
      %dma_start3A_221 = tpu.memref_slice %arg8[%dma_start3A_216, %dma_start3A_219, %dma_start3A_220] : memref<2x32x128xf32, #tpu.memory_space<vmem>> -> memref<1x32x128xf32, #tpu.memory_space<vmem>>
      %dma_start3A_222 = tpu.memref_squeeze %dma_start3A_221 : memref<1x32x128xf32, #tpu.memory_space<vmem>> -> memref<32x128xf32, #tpu.memory_space<vmem>>
      %dma_start3A_223 = arith.constant 0 : i32
      %dma_start3A_224 = tpu.memref_slice %arg7[%select_n3A_72, %dma_start3A_217, %dma_start3A_223] : memref<2x2x32xi32, #tpu.memory_space<vmem>> -> memref<1x1x32xi32, #tpu.memory_space<vmem>>
      %dma_start3A_225 = tpu.memref_squeeze %dma_start3A_224 : memref<1x1x32xi32, #tpu.memory_space<vmem>> -> memref<32xi32, #tpu.memory_space<vmem>>
      %dma_start3A_226 = arith.constant 0 : i32
      %dma_start3A_227 = arith.constant 0 : i32
      %dma_start3A_228 = tpu.memref_slice %arg10[%dma_start3A_226, %dma_start3A_227] : memref<5120x128xf32, #tpu.memory_space<vmem_shared>> -> memref<5120x128xf32, #tpu.memory_space<vmem_shared>>
      %dma_start3A_229 = tpu.memref_slice %arg12[%dma_start3A_218] : memref<2x!tpu.dma_semaphore, #tpu.memory_space<semaphore_mem>> -> memref<1x!tpu.dma_semaphore, #tpu.memory_space<semaphore_mem>>
      %dma_start3A_230 = tpu.memref_squeeze %dma_start3A_229 : memref<1x!tpu.dma_semaphore, #tpu.memory_space<semaphore_mem>> -> memref<!tpu.dma_semaphore, #tpu.memory_space<semaphore_mem>>
      tpu.enqueue_indirect_dma source(%dma_start3A_222 : memref<32x128xf32, #tpu.memory_space<vmem>>) target(%dma_start3A_228 : memref<5120x128xf32, #tpu.memory_space<vmem_shared>>) offsets(%dma_start3A_225 : memref<32xi32, #tpu.memory_space<vmem>>) semaphore(%dma_start3A_230 : memref<!tpu.dma_semaphore, #tpu.memory_space<semaphore_mem>>) {add = true}
      %dma_wait3A_231 = arith.constant 1 : i32
      %dma_wait3A_232 = arith.constant 1 : i32
      %dma_wait3A_233 = arith.constant 1 : i32
      %dma_wait3A_234 = arith.constant 0 : i32
      %dma_wait3A_235 = arith.constant 0 : i32
      %dma_wait3A_236 = tpu.memref_slice %arg8[%dma_wait3A_232, %dma_wait3A_234, %dma_wait3A_235] : memref<2x32x128xf32, #tpu.memory_space<vmem>> -> memref<1x32x128xf32, #tpu.memory_space<vmem>>
      %dma_wait3A_237 = tpu.memref_squeeze %dma_wait3A_236 : memref<1x32x128xf32, #tpu.memory_space<vmem>> -> memref<32x128xf32, #tpu.memory_space<vmem>>
      %dma_wait3A_238 = arith.constant 0 : i32
      %dma_wait3A_239 = tpu.memref_slice %arg6[%select_n3A_72, %dma_wait3A_231, %dma_wait3A_238] : memref<2x2x32xi32, #tpu.memory_space<vmem>> -> memref<1x1x32xi32, #tpu.memory_space<vmem>>
      %dma_wait3A_240 = tpu.memref_squeeze %dma_wait3A_239 : memref<1x1x32xi32, #tpu.memory_space<vmem>> -> memref<32xi32, #tpu.memory_space<vmem>>
      %dma_wait3A_241 = arith.constant 0 : i32
      %dma_wait3A_242 = arith.constant 0 : i32
      %dma_wait3A_243 = tpu.memref_slice %arg9[%dma_wait3A_241, %dma_wait3A_242] : memref<10000x128xf32, #tpu.memory_space<vmem_shared>> -> memref<10000x128xf32, #tpu.memory_space<vmem_shared>>
      %dma_wait3A_244 = tpu.memref_slice %arg11[%dma_wait3A_233] : memref<2x!tpu.dma_semaphore, #tpu.memory_space<semaphore_mem>> -> memref<1x!tpu.dma_semaphore, #tpu.memory_space<semaphore_mem>>
      %dma_wait3A_245 = tpu.memref_squeeze %dma_wait3A_244 : memref<1x!tpu.dma_semaphore, #tpu.memory_space<semaphore_mem>> -> memref<!tpu.dma_semaphore, #tpu.memory_space<semaphore_mem>>
      tpu.wait_indirect_dma semaphore(%dma_wait3A_245 : memref<!tpu.dma_semaphore, #tpu.memory_space<semaphore_mem>>) src(%dma_wait3A_243 : memref<10000x128xf32, #tpu.memory_space<vmem_shared>>) dst(%dma_wait3A_237 : memref<32x128xf32, #tpu.memory_space<vmem>>)
      %dma_start3A_246 = arith.constant 1 : i32
      %dma_start3A_247 = arith.constant 1 : i32
      %dma_start3A_248 = arith.constant 1 : i32
      %dma_start3A_249 = arith.constant 0 : i32
      %dma_start3A_250 = arith.constant 0 : i32
      %dma_start3A_251 = tpu.memref_slice %arg8[%dma_start3A_246, %dma_start3A_249, %dma_start3A_250] : memref<2x32x128xf32, #tpu.memory_space<vmem>> -> memref<1x32x128xf32, #tpu.memory_space<vmem>>
      %dma_start3A_252 = tpu.memref_squeeze %dma_start3A_251 : memref<1x32x128xf32, #tpu.memory_space<vmem>> -> memref<32x128xf32, #tpu.memory_space<vmem>>
      %dma_start3A_253 = arith.constant 0 : i32
      %dma_start3A_254 = tpu.memref_slice %arg7[%select_n3A_72, %dma_start3A_247, %dma_start3A_253] : memref<2x2x32xi32, #tpu.memory_space<vmem>> -> memref<1x1x32xi32, #tpu.memory_space<vmem>>
      %dma_start3A_255 = tpu.memref_squeeze %dma_start3A_254 : memref<1x1x32xi32, #tpu.memory_space<vmem>> -> memref<32xi32, #tpu.memory_space<vmem>>
      %dma_start3A_256 = arith.constant 0 : i32
      %dma_start3A_257 = arith.constant 0 : i32
      %dma_start3A_258 = tpu.memref_slice %arg10[%dma_start3A_256, %dma_start3A_257] : memref<5120x128xf32, #tpu.memory_space<vmem_shared>> -> memref<5120x128xf32, #tpu.memory_space<vmem_shared>>
      %dma_start3A_259 = tpu.memref_slice %arg12[%dma_start3A_248] : memref<2x!tpu.dma_semaphore, #tpu.memory_space<semaphore_mem>> -> memref<1x!tpu.dma_semaphore, #tpu.memory_space<semaphore_mem>>
      %dma_start3A_260 = tpu.memref_squeeze %dma_start3A_259 : memref<1x!tpu.dma_semaphore, #tpu.memory_space<semaphore_mem>> -> memref<!tpu.dma_semaphore, #tpu.memory_space<semaphore_mem>>
      tpu.enqueue_indirect_dma source(%dma_start3A_252 : memref<32x128xf32, #tpu.memory_space<vmem>>) target(%dma_start3A_258 : memref<5120x128xf32, #tpu.memory_space<vmem_shared>>) offsets(%dma_start3A_255 : memref<32xi32, #tpu.memory_space<vmem>>) semaphore(%dma_start3A_260 : memref<!tpu.dma_semaphore, #tpu.memory_space<semaphore_mem>>) {add = true}
    }
    %scan3A_25 = arith.constant 320 : i32
    %dma_wait3A = arith.constant 0 : i32
    %dma_wait3A_26 = arith.constant 1 : i32
    %dma_wait3A_27 = arith.constant 0 : i32
    %dma_wait3A_28 = arith.constant 0 : i32
    %dma_wait3A_29 = arith.constant 0 : i32
    %dma_wait3A_30 = arith.constant 0 : i32
    %dma_wait3A_31 = tpu.memref_slice %arg8[%dma_wait3A, %dma_wait3A_29, %dma_wait3A_30] : memref<2x32x128xf32, #tpu.memory_space<vmem>> -> memref<1x32x128xf32, #tpu.memory_space<vmem>>
    %dma_wait3A_32 = tpu.memref_squeeze %dma_wait3A_31 : memref<1x32x128xf32, #tpu.memory_space<vmem>> -> memref<32x128xf32, #tpu.memory_space<vmem>>
    %dma_wait3A_33 = arith.constant 0 : i32
    %dma_wait3A_34 = tpu.memref_slice %arg7[%dma_wait3A_26, %dma_wait3A_27, %dma_wait3A_33] : memref<2x2x32xi32, #tpu.memory_space<vmem>> -> memref<1x1x32xi32, #tpu.memory_space<vmem>>
    %dma_wait3A_35 = tpu.memref_squeeze %dma_wait3A_34 : memref<1x1x32xi32, #tpu.memory_space<vmem>> -> memref<32xi32, #tpu.memory_space<vmem>>
    %dma_wait3A_36 = arith.constant 0 : i32
    %dma_wait3A_37 = arith.constant 0 : i32
    %dma_wait3A_38 = tpu.memref_slice %arg10[%dma_wait3A_36, %dma_wait3A_37] : memref<5120x128xf32, #tpu.memory_space<vmem_shared>> -> memref<5120x128xf32, #tpu.memory_space<vmem_shared>>
    %dma_wait3A_39 = tpu.memref_slice %arg12[%dma_wait3A_28] : memref<2x!tpu.dma_semaphore, #tpu.memory_space<semaphore_mem>> -> memref<1x!tpu.dma_semaphore, #tpu.memory_space<semaphore_mem>>
    %dma_wait3A_40 = tpu.memref_squeeze %dma_wait3A_39 : memref<1x!tpu.dma_semaphore, #tpu.memory_space<semaphore_mem>> -> memref<!tpu.dma_semaphore, #tpu.memory_space<semaphore_mem>>
    tpu.wait_indirect_dma semaphore(%dma_wait3A_40 : memref<!tpu.dma_semaphore, #tpu.memory_space<semaphore_mem>>) src(%dma_wait3A_32 : memref<32x128xf32, #tpu.memory_space<vmem>>) dst(%dma_wait3A_38 : memref<5120x128xf32, #tpu.memory_space<vmem_shared>>)
    %dma_wait3A_41 = arith.constant 1 : i32
    %dma_wait3A_42 = arith.constant 1 : i32
    %dma_wait3A_43 = arith.constant 1 : i32
    %dma_wait3A_44 = arith.constant 1 : i32
    %dma_wait3A_45 = arith.constant 0 : i32
    %dma_wait3A_46 = arith.constant 0 : i32
    %dma_wait3A_47 = tpu.memref_slice %arg8[%dma_wait3A_41, %dma_wait3A_45, %dma_wait3A_46] : memref<2x32x128xf32, #tpu.memory_space<vmem>> -> memref<1x32x128xf32, #tpu.memory_space<vmem>>
    %dma_wait3A_48 = tpu.memref_squeeze %dma_wait3A_47 : memref<1x32x128xf32, #tpu.memory_space<vmem>> -> memref<32x128xf32, #tpu.memory_space<vmem>>
    %dma_wait3A_49 = arith.constant 0 : i32
    %dma_wait3A_50 = tpu.memref_slice %arg7[%dma_wait3A_42, %dma_wait3A_43, %dma_wait3A_49] : memref<2x2x32xi32, #tpu.memory_space<vmem>> -> memref<1x1x32xi32, #tpu.memory_space<vmem>>
    %dma_wait3A_51 = tpu.memref_squeeze %dma_wait3A_50 : memref<1x1x32xi32, #tpu.memory_space<vmem>> -> memref<32xi32, #tpu.memory_space<vmem>>
    %dma_wait3A_52 = arith.constant 0 : i32
    %dma_wait3A_53 = arith.constant 0 : i32
    %dma_wait3A_54 = tpu.memref_slice %arg10[%dma_wait3A_52, %dma_wait3A_53] : memref<5120x128xf32, #tpu.memory_space<vmem_shared>> -> memref<5120x128xf32, #tpu.memory_space<vmem_shared>>
    %dma_wait3A_55 = tpu.memref_slice %arg12[%dma_wait3A_44] : memref<2x!tpu.dma_semaphore, #tpu.memory_space<semaphore_mem>> -> memref<1x!tpu.dma_semaphore, #tpu.memory_space<semaphore_mem>>
    %dma_wait3A_56 = tpu.memref_squeeze %dma_wait3A_55 : memref<1x!tpu.dma_semaphore, #tpu.memory_space<semaphore_mem>> -> memref<!tpu.dma_semaphore, #tpu.memory_space<semaphore_mem>>
    tpu.wait_indirect_dma semaphore(%dma_wait3A_56 : memref<!tpu.dma_semaphore, #tpu.memory_space<semaphore_mem>>) src(%dma_wait3A_48 : memref<32x128xf32, #tpu.memory_space<vmem>>) dst(%dma_wait3A_54 : memref<5120x128xf32, #tpu.memory_space<vmem_shared>>)
    %barrier3A_57 = arith.constant 0 : index
    tpu.barrier barrier_id(%barrier3A_57)
    %mul3A_58 = arith.constant 320 : i32
    %mul3A_59 = arith.muli %arg1, %mul3A_58 : i32
    %mul3A_60 = arith.constant 320 : i32
    %mul3A_61 = arith.muli %arg1, %mul3A_60 : i32
    "tpu.region"() ({
      %run_scoped3A_62 = tpu.sem_alloc : memref<!tpu.dma_semaphore, #tpu.memory_space<semaphore_mem>>
      %dma_start3A = arith.constant 0 : i32
      %dma_start3A_63 = tpu.memref_slice %arg5[%arg0, %mul3A_61, %dma_start3A] : memref<2x5120x128xf32, #tpu.memory_space<hbm>> -> memref<1x320x128xf32, #tpu.memory_space<hbm>>
      %dma_start3A_64 = tpu.memref_squeeze %dma_start3A_63 : memref<1x320x128xf32, #tpu.memory_space<hbm>> -> memref<320x128xf32, #tpu.memory_space<hbm>>
      %dma_start3A_65 = arith.constant 0 : i32
      %dma_start3A_66 = tpu.memref_slice %arg10[%mul3A_59, %dma_start3A_65] : memref<5120x128xf32, #tpu.memory_space<vmem_shared>> -> memref<320x128xf32, #tpu.memory_space<vmem_shared>>
      tpu.enqueue_dma source(%dma_start3A_66 : memref<320x128xf32, #tpu.memory_space<vmem_shared>>) target(%dma_start3A_64 : memref<320x128xf32, #tpu.memory_space<hbm>>) target_semaphore(%run_scoped3A_62 : memref<!tpu.dma_semaphore, #tpu.memory_space<semaphore_mem>>)
      %dma_wait3A_67 = arith.constant 0 : i32
      %dma_wait3A_68 = tpu.memref_slice %arg5[%arg0, %mul3A_61, %dma_wait3A_67] : memref<2x5120x128xf32, #tpu.memory_space<hbm>> -> memref<1x320x128xf32, #tpu.memory_space<hbm>>
      %dma_wait3A_69 = tpu.memref_squeeze %dma_wait3A_68 : memref<1x320x128xf32, #tpu.memory_space<hbm>> -> memref<320x128xf32, #tpu.memory_space<hbm>>
      %dma_wait3A_70 = arith.constant 0 : i32
      %dma_wait3A_71 = tpu.memref_slice %arg10[%mul3A_59, %dma_wait3A_70] : memref<5120x128xf32, #tpu.memory_space<vmem_shared>> -> memref<320x128xf32, #tpu.memory_space<vmem_shared>>
      tpu.wait_dma2 semaphore(%run_scoped3A_62 : memref<!tpu.dma_semaphore, #tpu.memory_space<semaphore_mem>>) src(%dma_wait3A_71 : memref<320x128xf32, #tpu.memory_space<vmem_shared>>) dst(%dma_wait3A_69 : memref<320x128xf32, #tpu.memory_space<hbm>>)
      tpu.yield
    }) : () -> ()
    return
  }
}

#map = affine_map<(d0, d1) -> (0, 0)>
#map1 = affine_map<(d0, d1) -> (0, 0, 0)>
#map2 = affine_map<(d0, d1) -> (0, 0, 0, 0)>
module attributes {stable_mosaic.version = 14 : i64} {
  func.func @_segment_sc(%arg0: i32, %arg1: i32, %arg2: memref<10000x128xf32, #tpu.memory_space<hbm>>, %arg3: memref<5120x2x32xi32, #tpu.memory_space<hbm>>, %arg4: memref<2x5120x2x32xi32, #tpu.memory_space<hbm>>, %arg5: memref<2x5120x128xf32, #tpu.memory_space<hbm>>, %arg6: memref<2x2x32xi32, #tpu.memory_space<vmem>>, %arg7: memref<2x2x32xi32, #tpu.memory_space<vmem>>, %arg8: memref<2x32x128xf32, #tpu.memory_space<vmem>>, %arg9: memref<10000x128xf32, #tpu.memory_space<vmem_shared>>, %arg10: memref<5120x128xf32, #tpu.memory_space<vmem_shared>>, %arg11: memref<2x!tpu.dma_semaphore, #tpu.memory_space<semaphore_mem>>, %arg12: memref<2x!tpu.dma_semaphore, #tpu.memory_space<semaphore_mem>>, %arg13: memref<!tpu.dma_semaphore, #tpu.memory_space<semaphore_mem>>) attributes {dimension_semantics = [#tpu.dimension_semantics<core_parallel>, #tpu.dimension_semantics<subcore_parallel>], iteration_bounds = array<i64: 2, 16>, scalar_prefetch = 0 : i64, scratch_operands = 8 : i64, tpu.core_type = #tpu.core_type<sc_vector_subcore>, window_params = [{transform_indices = #map}, {transform_indices = #map1}, {transform_indices = #map2}, {transform_indices = #map1}]} {
    %lt3A = arith.constant 15 : i32
    %lt3A_0 = arith.cmpi slt, %arg1, %lt3A : i32
    %convert_element_type3A = arith.extui %lt3A_0 : i1 to i32
    %cond3A = arith.constant 0 : i32
    %cond3A_1 = arith.cmpi ne, %convert_element_type3A, %cond3A : i32
    scf.if %cond3A_1 {
      %mul3A_62 = arith.constant 640 : i32
      %mul3A_63 = arith.muli %arg1, %mul3A_62 : i32
      %mul3A_64 = arith.constant 640 : i32
      %mul3A_65 = arith.muli %arg1, %mul3A_64 : i32
      "tpu.region"() ({
        %run_scoped3A_66 = tpu.sem_alloc : memref<!tpu.dma_semaphore, #tpu.memory_space<semaphore_mem>>
        %dma_start3A = arith.constant 0 : i32
        %dma_start3A_67 = tpu.memref_slice %arg9[%mul3A_65, %dma_start3A] : memref<10000x128xf32, #tpu.memory_space<vmem_shared>> -> memref<640x128xf32, #tpu.memory_space<vmem_shared>>
        %dma_start3A_68 = arith.constant 0 : i32
        %dma_start3A_69 = tpu.memref_slice %arg2[%mul3A_63, %dma_start3A_68] : memref<10000x128xf32, #tpu.memory_space<hbm>> -> memref<640x128xf32, #tpu.memory_space<hbm>>
        tpu.enqueue_dma source(%dma_start3A_69 : memref<640x128xf32, #tpu.memory_space<hbm>>) target(%dma_start3A_67 : memref<640x128xf32, #tpu.memory_space<vmem_shared>>) target_semaphore(%run_scoped3A_66 : memref<!tpu.dma_semaphore, #tpu.memory_space<semaphore_mem>>)
        %dma_wait3A_70 = arith.constant 0 : i32
        %dma_wait3A_71 = tpu.memref_slice %arg9[%mul3A_65, %dma_wait3A_70] : memref<10000x128xf32, #tpu.memory_space<vmem_shared>> -> memref<640x128xf32, #tpu.memory_space<vmem_shared>>
        %dma_wait3A_72 = arith.constant 0 : i32
        %dma_wait3A_73 = tpu.memref_slice %arg2[%mul3A_63, %dma_wait3A_72] : memref<10000x128xf32, #tpu.memory_space<hbm>> -> memref<640x128xf32, #tpu.memory_space<hbm>>
        tpu.wait_dma2 semaphore(%run_scoped3A_66 : memref<!tpu.dma_semaphore, #tpu.memory_space<semaphore_mem>>) src(%dma_wait3A_73 : memref<640x128xf32, #tpu.memory_space<hbm>>) dst(%dma_wait3A_71 : memref<640x128xf32, #tpu.memory_space<vmem_shared>>)
        tpu.yield
      }) : () -> ()
    } else {
    }
    %eq3A = arith.constant 15 : i32
    %eq3A_2 = arith.cmpi eq, %arg1, %eq3A : i32
    %convert_element_type3A_3 = arith.extui %eq3A_2 : i1 to i32
    %cond3A_4 = arith.constant 0 : i32
    %cond3A_5 = arith.cmpi ne, %convert_element_type3A_3, %cond3A_4 : i32
    scf.if %cond3A_5 {
      "tpu.region"() ({
        %run_scoped3A_62 = tpu.sem_alloc : memref<!tpu.dma_semaphore, #tpu.memory_space<semaphore_mem>>
        %dma_start3A = arith.constant 9600 : i32
        %dma_start3A_63 = arith.constant 0 : i32
        %dma_start3A_64 = tpu.memref_slice %arg9[%dma_start3A, %dma_start3A_63] : memref<10000x128xf32, #tpu.memory_space<vmem_shared>> -> memref<400x128xf32, #tpu.memory_space<vmem_shared>>
        %dma_start3A_65 = arith.constant 9600 : i32
        %dma_start3A_66 = arith.constant 0 : i32
        %dma_start3A_67 = tpu.memref_slice %arg2[%dma_start3A_65, %dma_start3A_66] : memref<10000x128xf32, #tpu.memory_space<hbm>> -> memref<400x128xf32, #tpu.memory_space<hbm>>
        tpu.enqueue_dma source(%dma_start3A_67 : memref<400x128xf32, #tpu.memory_space<hbm>>) target(%dma_start3A_64 : memref<400x128xf32, #tpu.memory_space<vmem_shared>>) target_semaphore(%run_scoped3A_62 : memref<!tpu.dma_semaphore, #tpu.memory_space<semaphore_mem>>)
        %dma_wait3A_68 = arith.constant 9600 : i32
        %dma_wait3A_69 = arith.constant 0 : i32
        %dma_wait3A_70 = tpu.memref_slice %arg9[%dma_wait3A_68, %dma_wait3A_69] : memref<10000x128xf32, #tpu.memory_space<vmem_shared>> -> memref<400x128xf32, #tpu.memory_space<vmem_shared>>
        %dma_wait3A_71 = arith.constant 9600 : i32
        %dma_wait3A_72 = arith.constant 0 : i32
        %dma_wait3A_73 = tpu.memref_slice %arg2[%dma_wait3A_71, %dma_wait3A_72] : memref<10000x128xf32, #tpu.memory_space<hbm>> -> memref<400x128xf32, #tpu.memory_space<hbm>>
        tpu.wait_dma2 semaphore(%run_scoped3A_62 : memref<!tpu.dma_semaphore, #tpu.memory_space<semaphore_mem>>) src(%dma_wait3A_73 : memref<400x128xf32, #tpu.memory_space<hbm>>) dst(%dma_wait3A_70 : memref<400x128xf32, #tpu.memory_space<vmem_shared>>)
        tpu.yield
      }) : () -> ()
    } else {
    }
    %broadcast_in_dim3A = arith.constant 0.000000e+00 : f32
    %broadcast_in_dim3A_6 = vector.broadcast %broadcast_in_dim3A : f32 to vector<16xf32>
    %scan3A = arith.constant 0 : i32
    %scan3A_7 = arith.constant 0 : i32
    %scan3A_8 = arith.constant 32 : i32
    %scan3A_9 = arith.addi %scan3A_7, %scan3A_8 : i32
    %scan3A_10 = arith.constant 1 : i32
    scf.for %scan3A_62 = %scan3A_7 to %scan3A_9 step %scan3A_10  : i32 {
      %scan3A_63 = arith.constant 0 : i32
      %scan3A_64 = arith.constant 8 : i32
      %scan3A_65 = arith.addi %scan3A_63, %scan3A_64 : i32
      %scan3A_66 = arith.constant 1 : i32
      scf.for %scan3A_68 = %scan3A_63 to %scan3A_65 step %scan3A_66  : i32 {
        %mul3A_69 = arith.constant 16 : i32
        %mul3A_70 = arith.muli %scan3A_68, %mul3A_69 : i32
        %swap3A = arith.constant 0 : i32
        %swap3A_71 = arith.index_cast %swap3A : i32 to index
        %swap3A_72 = arith.index_cast %scan3A_62 : i32 to index
        %swap3A_73 = arith.index_cast %mul3A_70 : i32 to index
        %swap3A_74 = tpu.vector_load %arg8[%swap3A_71, %swap3A_72, %swap3A_73] {strides = array<i32>} : memref<2x32x128xf32, #tpu.memory_space<vmem>>, vector<1x1x16xf32>,
        %swap3A_75 = vector.shape_cast %swap3A_74 : vector<1x1x16xf32> to vector<16xf32>
        %swap3A_76 = vector.shape_cast %broadcast_in_dim3A_6 : vector<16xf32> to vector<1x1x16xf32>
        tpu.vector_store %arg8[%swap3A_71, %swap3A_72, %swap3A_73], %swap3A_76 {strides = array<i32>} : memref<2x32x128xf32, #tpu.memory_space<vmem>>, vector<1x1x16xf32>,
      }
      %scan3A_67 = arith.constant 8 : i32
    }
    %scan3A_11 = arith.constant 32 : i32
    %scan3A_12 = arith.constant 0 : i32
    %scan3A_13 = arith.constant 0 : i32
    %scan3A_14 = arith.constant 10 : i32
    %scan3A_15 = arith.addi %scan3A_13, %scan3A_14 : i32
    %scan3A_16 = arith.constant 1 : i32
    scf.for %scan3A_62 = %scan3A_13 to %scan3A_15 step %scan3A_16  : i32 {
      %mul3A_63 = arith.constant 10 : i32
      %mul3A_64 = arith.muli %arg1, %mul3A_63 : i32
      %add3A = arith.addi %mul3A_64, %scan3A_62 : i32
      %mul3A_65 = arith.constant 32 : i32
      %mul3A_66 = arith.muli %add3A, %mul3A_65 : i32
      %run_scoped3A_67 = arith.constant 0 : i32
      "tpu.region"() ({
        %run_scoped3A_68 = tpu.sem_alloc : memref<!tpu.dma_semaphore, #tpu.memory_space<semaphore_mem>>
        %dma_start3A = arith.constant 0 : i32
        %dma_start3A_69 = arith.constant 0 : i32
        %dma_start3A_70 = tpu.memref_slice %arg8[%run_scoped3A_67, %dma_start3A, %dma_start3A_69] : memref<2x32x128xf32, #tpu.memory_space<vmem>> -> memref<1x32x128xf32, #tpu.memory_space<vmem>>
        %dma_start3A_71 = tpu.memref_squeeze %dma_start3A_70 : memref<1x32x128xf32, #tpu.memory_space<vmem>> -> memref<32x128xf32, #tpu.memory_space<vmem>>
        %dma_start3A_72 = arith.constant 0 : i32
        %dma_start3A_73 = tpu.memref_slice %arg10[%mul3A_66, %dma_start3A_72] : memref<5120x128xf32, #tpu.memory_space<vmem_shared>> -> memref<32x128xf32, #tpu.memory_space<vmem_shared>>
        %dma_start3A_74 = arith.constant 0 : i32
        %dma_start3A_75 = tpu.memref_slice %arg10[%mul3A_66, %dma_start3A_74] : memref<5120x128xf32, #tpu.memory_space<vmem_shared>> -> memref<32x128xf32, #tpu.memory_space<vmem_shared>>
        %dma_start3A_76 = arith.constant 0 : i32
        %dma_start3A_77 = arith.constant 0 : i32
        %dma_start3A_78 = tpu.memref_slice %arg8[%run_scoped3A_67, %dma_start3A_76, %dma_start3A_77] : memref<2x32x128xf32, #tpu.memory_space<vmem>> -> memref<1x32x128xf32, #tpu.memory_space<vmem>>
        %dma_start3A_79 = tpu.memref_squeeze %dma_start3A_78 : memref<1x32x128xf32, #tpu.memory_space<vmem>> -> memref<32x128xf32, #tpu.memory_space<vmem>>
        tpu.enqueue_dma source(%dma_start3A_79 : memref<32x128xf32, #tpu.memory_space<vmem>>) target(%dma_start3A_75 : memref<32x128xf32, #tpu.memory_space<vmem_shared>>) target_semaphore(%run_scoped3A_68 : memref<!tpu.dma_semaphore, #tpu.memory_space<semaphore_mem>>)
        %dma_wait3A_80 = arith.constant 0 : i32
        %dma_wait3A_81 = arith.constant 0 : i32
        %dma_wait3A_82 = tpu.memref_slice %arg8[%run_scoped3A_67, %dma_wait3A_80, %dma_wait3A_81] : memref<2x32x128xf32, #tpu.memory_space<vmem>> -> memref<1x32x128xf32, #tpu.memory_space<vmem>>
        %dma_wait3A_83 = tpu.memref_squeeze %dma_wait3A_82 : memref<1x32x128xf32, #tpu.memory_space<vmem>> -> memref<32x128xf32, #tpu.memory_space<vmem>>
        %dma_wait3A_84 = arith.constant 0 : i32
        %dma_wait3A_85 = tpu.memref_slice %arg10[%mul3A_66, %dma_wait3A_84] : memref<5120x128xf32, #tpu.memory_space<vmem_shared>> -> memref<32x128xf32, #tpu.memory_space<vmem_shared>>
        %dma_wait3A_86 = arith.constant 0 : i32
        %dma_wait3A_87 = tpu.memref_slice %arg10[%mul3A_66, %dma_wait3A_86] : memref<5120x128xf32, #tpu.memory_space<vmem_shared>> -> memref<32x128xf32, #tpu.memory_space<vmem_shared>>
        %dma_wait3A_88 = arith.constant 0 : i32
        %dma_wait3A_89 = arith.constant 0 : i32
        %dma_wait3A_90 = tpu.memref_slice %arg8[%run_scoped3A_67, %dma_wait3A_88, %dma_wait3A_89] : memref<2x32x128xf32, #tpu.memory_space<vmem>> -> memref<1x32x128xf32, #tpu.memory_space<vmem>>
        %dma_wait3A_91 = tpu.memref_squeeze %dma_wait3A_90 : memref<1x32x128xf32, #tpu.memory_space<vmem>> -> memref<32x128xf32, #tpu.memory_space<vmem>>
        tpu.wait_dma2 semaphore(%run_scoped3A_68 : memref<!tpu.dma_semaphore, #tpu.memory_space<semaphore_mem>>) src(%dma_wait3A_91 : memref<32x128xf32, #tpu.memory_space<vmem>>) dst(%dma_wait3A_87 : memref<32x128xf32, #tpu.memory_space<vmem_shared>>)
        tpu.yield
      }) : () -> ()
    }
    %scan3A_17 = arith.constant 10 : i32
    %mul3A = arith.constant 320 : i32
    %mul3A_18 = arith.muli %arg1, %mul3A : i32
    %run_scoped3A = arith.constant 0 : i32
    "tpu.region"() ({
      %run_scoped3A_62 = tpu.sem_alloc : memref<!tpu.dma_semaphore, #tpu.memory_space<semaphore_mem>>
      %dma_start3A = arith.constant 0 : i32
      %dma_start3A_63 = arith.constant 0 : i32
      %dma_start3A_64 = tpu.memref_slice %arg6[%run_scoped3A, %dma_start3A, %dma_start3A_63] : memref<2x2x32xi32, #tpu.memory_space<vmem>> -> memref<1x2x32xi32, #tpu.memory_space<vmem>>
      %dma_start3A_65 = tpu.memref_squeeze %dma_start3A_64 : memref<1x2x32xi32, #tpu.memory_space<vmem>> -> memref<2x32xi32, #tpu.memory_space<vmem>>
      %dma_start3A_66 = arith.constant 0 : i32
      %dma_start3A_67 = arith.constant 0 : i32
      %dma_start3A_68 = tpu.memref_slice %arg3[%mul3A_18, %dma_start3A_66, %dma_start3A_67] : memref<5120x2x32xi32, #tpu.memory_space<hbm>> -> memref<1x2x32xi32, #tpu.memory_space<hbm>>
      %dma_start3A_69 = tpu.memref_squeeze %dma_start3A_68 : memref<1x2x32xi32, #tpu.memory_space<hbm>> -> memref<2x32xi32, #tpu.memory_space<hbm>>
      %dma_start3A_70 = arith.constant 0 : i32
      %dma_start3A_71 = arith.constant 0 : i32
      %dma_start3A_72 = tpu.memref_slice %arg6[%run_scoped3A, %dma_start3A_70, %dma_start3A_71] : memref<2x2x32xi32, #tpu.memory_space<vmem>> -> memref<1x2x32xi32, #tpu.memory_space<vmem>>
      %dma_start3A_73 = tpu.memref_squeeze %dma_start3A_72 : memref<1x2x32xi32, #tpu.memory_space<vmem>> -> memref<2x32xi32, #tpu.memory_space<vmem>>
      %dma_start3A_74 = arith.constant 0 : i32
      %dma_start3A_75 = arith.constant 0 : i32
      %dma_start3A_76 = tpu.memref_slice %arg3[%mul3A_18, %dma_start3A_74, %dma_start3A_75] : memref<5120x2x32xi32, #tpu.memory_space<hbm>> -> memref<1x2x32xi32, #tpu.memory_space<hbm>>
      %dma_start3A_77 = tpu.memref_squeeze %dma_start3A_76 : memref<1x2x32xi32, #tpu.memory_space<hbm>> -> memref<2x32xi32, #tpu.memory_space<hbm>>
      tpu.enqueue_dma source(%dma_start3A_77 : memref<2x32xi32, #tpu.memory_space<hbm>>) target(%dma_start3A_73 : memref<2x32xi32, #tpu.memory_space<vmem>>) target_semaphore(%run_scoped3A_62 : memref<!tpu.dma_semaphore, #tpu.memory_space<semaphore_mem>>)
      %dma_wait3A_78 = arith.constant 0 : i32
      %dma_wait3A_79 = arith.constant 0 : i32
      %dma_wait3A_80 = tpu.memref_slice %arg6[%run_scoped3A, %dma_wait3A_78, %dma_wait3A_79] : memref<2x2x32xi32, #tpu.memory_space<vmem>> -> memref<1x2x32xi32, #tpu.memory_space<vmem>>
      %dma_wait3A_81 = tpu.memref_squeeze %dma_wait3A_80 : memref<1x2x32xi32, #tpu.memory_space<vmem>> -> memref<2x32xi32, #tpu.memory_space<vmem>>
      %dma_wait3A_82 = arith.constant 0 : i32
      %dma_wait3A_83 = arith.constant 0 : i32
      %dma_wait3A_84 = tpu.memref_slice %arg3[%mul3A_18, %dma_wait3A_82, %dma_wait3A_83] : memref<5120x2x32xi32, #tpu.memory_space<hbm>> -> memref<1x2x32xi32, #tpu.memory_space<hbm>>
      %dma_wait3A_85 = tpu.memref_squeeze %dma_wait3A_84 : memref<1x2x32xi32, #tpu.memory_space<hbm>> -> memref<2x32xi32, #tpu.memory_space<hbm>>
      %dma_wait3A_86 = arith.constant 0 : i32
      %dma_wait3A_87 = arith.constant 0 : i32
      %dma_wait3A_88 = tpu.memref_slice %arg6[%run_scoped3A, %dma_wait3A_86, %dma_wait3A_87] : memref<2x2x32xi32, #tpu.memory_space<vmem>> -> memref<1x2x32xi32, #tpu.memory_space<vmem>>
      %dma_wait3A_89 = tpu.memref_squeeze %dma_wait3A_88 : memref<1x2x32xi32, #tpu.memory_space<vmem>> -> memref<2x32xi32, #tpu.memory_space<vmem>>
      %dma_wait3A_90 = arith.constant 0 : i32
      %dma_wait3A_91 = arith.constant 0 : i32
      %dma_wait3A_92 = tpu.memref_slice %arg3[%mul3A_18, %dma_wait3A_90, %dma_wait3A_91] : memref<5120x2x32xi32, #tpu.memory_space<hbm>> -> memref<1x2x32xi32, #tpu.memory_space<hbm>>
      %dma_wait3A_93 = tpu.memref_squeeze %dma_wait3A_92 : memref<1x2x32xi32, #tpu.memory_space<hbm>> -> memref<2x32xi32, #tpu.memory_space<hbm>>
      tpu.wait_dma2 semaphore(%run_scoped3A_62 : memref<!tpu.dma_semaphore, #tpu.memory_space<semaphore_mem>>) src(%dma_wait3A_93 : memref<2x32xi32, #tpu.memory_space<hbm>>) dst(%dma_wait3A_89 : memref<2x32xi32, #tpu.memory_space<vmem>>)
      tpu.yield
    }) : () -> ()
    %run_scoped3A_19 = arith.constant 0 : i32
    "tpu.region"() ({
      %run_scoped3A_62 = tpu.sem_alloc : memref<!tpu.dma_semaphore, #tpu.memory_space<semaphore_mem>>
      %dma_start3A = arith.constant 0 : i32
      %dma_start3A_63 = arith.constant 0 : i32
      %dma_start3A_64 = tpu.memref_slice %arg7[%run_scoped3A_19, %dma_start3A, %dma_start3A_63] : memref<2x2x32xi32, #tpu.memory_space<vmem>> -> memref<1x2x32xi32, #tpu.memory_space<vmem>>
      %dma_start3A_65 = tpu.memref_squeeze %dma_start3A_64 : memref<1x2x32xi32, #tpu.memory_space<vmem>> -> memref<2x32xi32, #tpu.memory_space<vmem>>
      %dma_start3A_66 = arith.constant 0 : i32
      %dma_start3A_67 = arith.constant 0 : i32
      %dma_start3A_68 = tpu.memref_slice %arg4[%arg0, %mul3A_18, %dma_start3A_66, %dma_start3A_67] : memref<2x5120x2x32xi32, #tpu.memory_space<hbm>> -> memref<1x1x2x32xi32, #tpu.memory_space<hbm>>
      %dma_start3A_69 = tpu.memref_squeeze %dma_start3A_68 : memref<1x1x2x32xi32, #tpu.memory_space<hbm>> -> memref<2x32xi32, #tpu.memory_space<hbm>>
      %dma_start3A_70 = arith.constant 0 : i32
      %dma_start3A_71 = arith.constant 0 : i32
      %dma_start3A_72 = tpu.memref_slice %arg7[%run_scoped3A_19, %dma_start3A_70, %dma_start3A_71] : memref<2x2x32xi32, #tpu.memory_space<vmem>> -> memref<1x2x32xi32, #tpu.memory_space<vmem>>
      %dma_start3A_73 = tpu.memref_squeeze %dma_start3A_72 : memref<1x2x32xi32, #tpu.memory_space<vmem>> -> memref<2x32xi32, #tpu.memory_space<vmem>>
      %dma_start3A_74 = arith.constant 0 : i32
      %dma_start3A_75 = arith.constant 0 : i32
      %dma_start3A_76 = tpu.memref_slice %arg4[%arg0, %mul3A_18, %dma_start3A_74, %dma_start3A_75] : memref<2x5120x2x32xi32, #tpu.memory_space<hbm>> -> memref<1x1x2x32xi32, #tpu.memory_space<hbm>>
      %dma_start3A_77 = tpu.memref_squeeze %dma_start3A_76 : memref<1x1x2x32xi32, #tpu.memory_space<hbm>> -> memref<2x32xi32, #tpu.memory_space<hbm>>
      tpu.enqueue_dma source(%dma_start3A_77 : memref<2x32xi32, #tpu.memory_space<hbm>>) target(%dma_start3A_73 : memref<2x32xi32, #tpu.memory_space<vmem>>) target_semaphore(%run_scoped3A_62 : memref<!tpu.dma_semaphore, #tpu.memory_space<semaphore_mem>>)
      %dma_wait3A_78 = arith.constant 0 : i32
      %dma_wait3A_79 = arith.constant 0 : i32
      %dma_wait3A_80 = tpu.memref_slice %arg7[%run_scoped3A_19, %dma_wait3A_78, %dma_wait3A_79] : memref<2x2x32xi32, #tpu.memory_space<vmem>> -> memref<1x2x32xi32, #tpu.memory_space<vmem>>
      %dma_wait3A_81 = tpu.memref_squeeze %dma_wait3A_80 : memref<1x2x32xi32, #tpu.memory_space<vmem>> -> memref<2x32xi32, #tpu.memory_space<vmem>>
      %dma_wait3A_82 = arith.constant 0 : i32
      %dma_wait3A_83 = arith.constant 0 : i32
      %dma_wait3A_84 = tpu.memref_slice %arg4[%arg0, %mul3A_18, %dma_wait3A_82, %dma_wait3A_83] : memref<2x5120x2x32xi32, #tpu.memory_space<hbm>> -> memref<1x1x2x32xi32, #tpu.memory_space<hbm>>
      %dma_wait3A_85 = tpu.memref_squeeze %dma_wait3A_84 : memref<1x1x2x32xi32, #tpu.memory_space<hbm>> -> memref<2x32xi32, #tpu.memory_space<hbm>>
      %dma_wait3A_86 = arith.constant 0 : i32
      %dma_wait3A_87 = arith.constant 0 : i32
      %dma_wait3A_88 = tpu.memref_slice %arg7[%run_scoped3A_19, %dma_wait3A_86, %dma_wait3A_87] : memref<2x2x32xi32, #tpu.memory_space<vmem>> -> memref<1x2x32xi32, #tpu.memory_space<vmem>>
      %dma_wait3A_89 = tpu.memref_squeeze %dma_wait3A_88 : memref<1x2x32xi32, #tpu.memory_space<vmem>> -> memref<2x32xi32, #tpu.memory_space<vmem>>
      %dma_wait3A_90 = arith.constant 0 : i32
      %dma_wait3A_91 = arith.constant 0 : i32
      %dma_wait3A_92 = tpu.memref_slice %arg4[%arg0, %mul3A_18, %dma_wait3A_90, %dma_wait3A_91] : memref<2x5120x2x32xi32, #tpu.memory_space<hbm>> -> memref<1x1x2x32xi32, #tpu.memory_space<hbm>>
      %dma_wait3A_93 = tpu.memref_squeeze %dma_wait3A_92 : memref<1x1x2x32xi32, #tpu.memory_space<hbm>> -> memref<2x32xi32, #tpu.memory_space<hbm>>
      tpu.wait_dma2 semaphore(%run_scoped3A_62 : memref<!tpu.dma_semaphore, #tpu.memory_space<semaphore_mem>>) src(%dma_wait3A_93 : memref<2x32xi32, #tpu.memory_space<hbm>>) dst(%dma_wait3A_89 : memref<2x32xi32, #tpu.memory_space<vmem>>)
      tpu.yield
    }) : () -> ()
    %barrier3A = arith.constant 0 : index
    tpu.barrier barrier_id(%barrier3A)
    %scan3A_20 = arith.constant 0 : i32
    %scan3A_21 = arith.constant 0 : i32
    %scan3A_22 = arith.constant 320 : i32
    %scan3A_23 = arith.addi %scan3A_21, %scan3A_22 : i32
    %scan3A_24 = arith.constant 1 : i32
    scf.for %scan3A_62 = %scan3A_21 to %scan3A_23 step %scan3A_24  : i32 {
      %jit3A = arith.constant 2 : i32
      %eq3A_63 = arith.constant 0 : i32
      %eq3A_64 = arith.cmpi eq, %jit3A, %eq3A_63 : i32
      %jit3A_65 = arith.constant 1 : i32
      %select_n3A = arith.select %eq3A_64, %jit3A_65, %jit3A : i32
      %rem3A = arith.remsi %scan3A_62, %select_n3A : i32
      %ne3A = arith.constant 0 : i32
      %ne3A_66 = arith.cmpi ne, %rem3A, %ne3A : i32
      %lt3A_67 = arith.constant 0 : i32
      %lt3A_68 = arith.cmpi slt, %rem3A, %lt3A_67 : i32
      %lt3A_69 = arith.constant 0 : i32
      %lt3A_70 = arith.cmpi slt, %select_n3A, %lt3A_69 : i32
      %ne3A_71 = arith.xori %lt3A_68, %lt3A_70 : i1
      %and3A = arith.andi %ne3A_71, %ne3A_66 : i1
      %add3A = arith.addi %rem3A, %select_n3A : i32
      %select_n3A_72 = arith.select %and3A, %add3A, %rem3A : i32
      %add3A_73 = arith.addi %mul3A_18, %scan3A_62 : i32
      %add3A_74 = arith.constant 1 : i32
      %add3A_75 = arith.addi %scan3A_62, %add3A_74 : i32
      %lt3A_76 = arith.constant 320 : i32
      %lt3A_77 = arith.cmpi slt, %add3A_75, %lt3A_76 : i32
      %convert_element_type3A_78 = arith.extui %lt3A_77 : i1 to i32
      %cond3A_79 = arith.constant 0 : i32
      %cond3A_80 = arith.cmpi ne, %convert_element_type3A_78, %cond3A_79 : i32
      scf.if %cond3A_80 {
        %add3A_261 = arith.constant 1 : i32
        %add3A_262 = arith.addi %add3A_73, %add3A_261 : i32
        %sub3A = arith.constant 1 : i32
        %sub3A_263 = arith.subi %sub3A, %select_n3A_72 : i32
        %dma_start3A_264 = arith.constant 0 : i32
        %dma_start3A_265 = arith.constant 0 : i32
        %dma_start3A_266 = tpu.memref_slice %arg6[%sub3A_263, %dma_start3A_264, %dma_start3A_265] : memref<2x2x32xi32, #tpu.memory_space<vmem>> -> memref<1x2x32xi32, #tpu.memory_space<vmem>>
        %dma_start3A_267 = tpu.memref_squeeze %dma_start3A_266 : memref<1x2x32xi32, #tpu.memory_space<vmem>> -> memref<2x32xi32, #tpu.memory_space<vmem>>
        %dma_start3A_268 = arith.constant 0 : i32
        %dma_start3A_269 = arith.constant 0 : i32
        %dma_start3A_270 = tpu.memref_slice %arg3[%add3A_262, %dma_start3A_268, %dma_start3A_269] : memref<5120x2x32xi32, #tpu.memory_space<hbm>> -> memref<1x2x32xi32, #tpu.memory_space<hbm>>
        %dma_start3A_271 = tpu.memref_squeeze %dma_start3A_270 : memref<1x2x32xi32, #tpu.memory_space<hbm>> -> memref<2x32xi32, #tpu.memory_space<hbm>>
        %dma_start3A_272 = arith.constant 0 : i32
        %dma_start3A_273 = arith.constant 0 : i32
        %dma_start3A_274 = tpu.memref_slice %arg6[%sub3A_263, %dma_start3A_272, %dma_start3A_273] : memref<2x2x32xi32, #tpu.memory_space<vmem>> -> memref<1x2x32xi32, #tpu.memory_space<vmem>>
        %dma_start3A_275 = tpu.memref_squeeze %dma_start3A_274 : memref<1x2x32xi32, #tpu.memory_space<vmem>> -> memref<2x32xi32, #tpu.memory_space<vmem>>
        %dma_start3A_276 = arith.constant 0 : i32
        %dma_start3A_277 = arith.constant 0 : i32
        %dma_start3A_278 = tpu.memref_slice %arg3[%add3A_262, %dma_start3A_276, %dma_start3A_277] : memref<5120x2x32xi32, #tpu.memory_space<hbm>> -> memref<1x2x32xi32, #tpu.memory_space<hbm>>
        %dma_start3A_279 = tpu.memref_squeeze %dma_start3A_278 : memref<1x2x32xi32, #tpu.memory_space<hbm>> -> memref<2x32xi32, #tpu.memory_space<hbm>>
        tpu.enqueue_dma source(%dma_start3A_279 : memref<2x32xi32, #tpu.memory_space<hbm>>) target(%dma_start3A_275 : memref<2x32xi32, #tpu.memory_space<vmem>>) target_semaphore(%arg13 : memref<!tpu.dma_semaphore, #tpu.memory_space<semaphore_mem>>)
        %add3A_280 = arith.constant 1 : i32
        %add3A_281 = arith.addi %add3A_73, %add3A_280 : i32
        %sub3A_282 = arith.constant 1 : i32
        %sub3A_283 = arith.subi %sub3A_282, %select_n3A_72 : i32
        %dma_start3A_284 = arith.constant 0 : i32
        %dma_start3A_285 = arith.constant 0 : i32
        %dma_start3A_286 = tpu.memref_slice %arg7[%sub3A_283, %dma_start3A_284, %dma_start3A_285] : memref<2x2x32xi32, #tpu.memory_space<vmem>> -> memref<1x2x32xi32, #tpu.memory_space<vmem>>
        %dma_start3A_287 = tpu.memref_squeeze %dma_start3A_286 : memref<1x2x32xi32, #tpu.memory_space<vmem>> -> memref<2x32xi32, #tpu.memory_space<vmem>>
        %dma_start3A_288 = arith.constant 0 : i32
        %dma_start3A_289 = arith.constant 0 : i32
        %dma_start3A_290 = tpu.memref_slice %arg4[%arg0, %add3A_281, %dma_start3A_288, %dma_start3A_289] : memref<2x5120x2x32xi32, #tpu.memory_space<hbm>> -> memref<1x1x2x32xi32, #tpu.memory_space<hbm>>
        %dma_start3A_291 = tpu.memref_squeeze %dma_start3A_290 : memref<1x1x2x32xi32, #tpu.memory_space<hbm>> -> memref<2x32xi32, #tpu.memory_space<hbm>>
        %dma_start3A_292 = arith.constant 0 : i32
        %dma_start3A_293 = arith.constant 0 : i32
        %dma_start3A_294 = tpu.memref_slice %arg7[%sub3A_283, %dma_start3A_292, %dma_start3A_293] : memref<2x2x32xi32, #tpu.memory_space<vmem>> -> memref<1x2x32xi32, #tpu.memory_space<vmem>>
        %dma_start3A_295 = tpu.memref_squeeze %dma_start3A_294 : memref<1x2x32xi32, #tpu.memory_space<vmem>> -> memref<2x32xi32, #tpu.memory_space<vmem>>
        %dma_start3A_296 = arith.constant 0 : i32
        %dma_start3A_297 = arith.constant 0 : i32
        %dma_start3A_298 = tpu.memref_slice %arg4[%arg0, %add3A_281, %dma_start3A_296, %dma_start3A_297] : memref<2x5120x2x32xi32, #tpu.memory_space<hbm>> -> memref<1x1x2x32xi32, #tpu.memory_space<hbm>>
        %dma_start3A_299 = tpu.memref_squeeze %dma_start3A_298 : memref<1x1x2x32xi32, #tpu.memory_space<hbm>> -> memref<2x32xi32, #tpu.memory_space<hbm>>
        tpu.enqueue_dma source(%dma_start3A_299 : memref<2x32xi32, #tpu.memory_space<hbm>>) target(%dma_start3A_295 : memref<2x32xi32, #tpu.memory_space<vmem>>) target_semaphore(%arg13 : memref<!tpu.dma_semaphore, #tpu.memory_space<semaphore_mem>>)
      } else {
      }
      %gt3A = arith.constant 0 : i32
      %gt3A_81 = arith.cmpi sgt, %scan3A_62, %gt3A : i32
      %convert_element_type3A_82 = arith.extui %gt3A_81 : i1 to i32
      %cond3A_83 = arith.constant 0 : i32
      %cond3A_84 = arith.cmpi ne, %convert_element_type3A_82, %cond3A_83 : i32
      scf.if %cond3A_84 {
        %dma_wait3A_261 = arith.constant 0 : i32
        %dma_wait3A_262 = arith.constant 0 : i32
        %dma_wait3A_263 = tpu.memref_slice %arg6[%select_n3A_72, %dma_wait3A_261, %dma_wait3A_262] : memref<2x2x32xi32, #tpu.memory_space<vmem>> -> memref<1x2x32xi32, #tpu.memory_space<vmem>>
        %dma_wait3A_264 = tpu.memref_squeeze %dma_wait3A_263 : memref<1x2x32xi32, #tpu.memory_space<vmem>> -> memref<2x32xi32, #tpu.memory_space<vmem>>
        %dma_wait3A_265 = arith.constant 0 : i32
        %dma_wait3A_266 = arith.constant 0 : i32
        %dma_wait3A_267 = tpu.memref_slice %arg3[%add3A_73, %dma_wait3A_265, %dma_wait3A_266] : memref<5120x2x32xi32, #tpu.memory_space<hbm>> -> memref<1x2x32xi32, #tpu.memory_space<hbm>>
        %dma_wait3A_268 = tpu.memref_squeeze %dma_wait3A_267 : memref<1x2x32xi32, #tpu.memory_space<hbm>> -> memref<2x32xi32, #tpu.memory_space<hbm>>
        %dma_wait3A_269 = arith.constant 0 : i32
        %dma_wait3A_270 = arith.constant 0 : i32
        %dma_wait3A_271 = tpu.memref_slice %arg6[%select_n3A_72, %dma_wait3A_269, %dma_wait3A_270] : memref<2x2x32xi32, #tpu.memory_space<vmem>> -> memref<1x2x32xi32, #tpu.memory_space<vmem>>
        %dma_wait3A_272 = tpu.memref_squeeze %dma_wait3A_271 : memref<1x2x32xi32, #tpu.memory_space<vmem>> -> memref<2x32xi32, #tpu.memory_space<vmem>>
        %dma_wait3A_273 = arith.constant 0 : i32
        %dma_wait3A_274 = arith.constant 0 : i32
        %dma_wait3A_275 = tpu.memref_slice %arg3[%add3A_73, %dma_wait3A_273, %dma_wait3A_274] : memref<5120x2x32xi32, #tpu.memory_space<hbm>> -> memref<1x2x32xi32, #tpu.memory_space<hbm>>
        %dma_wait3A_276 = tpu.memref_squeeze %dma_wait3A_275 : memref<1x2x32xi32, #tpu.memory_space<hbm>> -> memref<2x32xi32, #tpu.memory_space<hbm>>
        tpu.wait_dma2 semaphore(%arg13 : memref<!tpu.dma_semaphore, #tpu.memory_space<semaphore_mem>>) src(%dma_wait3A_276 : memref<2x32xi32, #tpu.memory_space<hbm>>) dst(%dma_wait3A_272 : memref<2x32xi32, #tpu.memory_space<vmem>>)
        %dma_wait3A_277 = arith.constant 0 : i32
        %dma_wait3A_278 = arith.constant 0 : i32
        %dma_wait3A_279 = tpu.memref_slice %arg7[%select_n3A_72, %dma_wait3A_277, %dma_wait3A_278] : memref<2x2x32xi32, #tpu.memory_space<vmem>> -> memref<1x2x32xi32, #tpu.memory_space<vmem>>
        %dma_wait3A_280 = tpu.memref_squeeze %dma_wait3A_279 : memref<1x2x32xi32, #tpu.memory_space<vmem>> -> memref<2x32xi32, #tpu.memory_space<vmem>>
        %dma_wait3A_281 = arith.constant 0 : i32
        %dma_wait3A_282 = arith.constant 0 : i32
        %dma_wait3A_283 = tpu.memref_slice %arg4[%arg0, %add3A_73, %dma_wait3A_281, %dma_wait3A_282] : memref<2x5120x2x32xi32, #tpu.memory_space<hbm>> -> memref<1x1x2x32xi32, #tpu.memory_space<hbm>>
        %dma_wait3A_284 = tpu.memref_squeeze %dma_wait3A_283 : memref<1x1x2x32xi32, #tpu.memory_space<hbm>> -> memref<2x32xi32, #tpu.memory_space<hbm>>
        %dma_wait3A_285 = arith.constant 0 : i32
        %dma_wait3A_286 = arith.constant 0 : i32
        %dma_wait3A_287 = tpu.memref_slice %arg7[%select_n3A_72, %dma_wait3A_285, %dma_wait3A_286] : memref<2x2x32xi32, #tpu.memory_space<vmem>> -> memref<1x2x32xi32, #tpu.memory_space<vmem>>
        %dma_wait3A_288 = tpu.memref_squeeze %dma_wait3A_287 : memref<1x2x32xi32, #tpu.memory_space<vmem>> -> memref<2x32xi32, #tpu.memory_space<vmem>>
        %dma_wait3A_289 = arith.constant 0 : i32
        %dma_wait3A_290 = arith.constant 0 : i32
        %dma_wait3A_291 = tpu.memref_slice %arg4[%arg0, %add3A_73, %dma_wait3A_289, %dma_wait3A_290] : memref<2x5120x2x32xi32, #tpu.memory_space<hbm>> -> memref<1x1x2x32xi32, #tpu.memory_space<hbm>>
        %dma_wait3A_292 = tpu.memref_squeeze %dma_wait3A_291 : memref<1x1x2x32xi32, #tpu.memory_space<hbm>> -> memref<2x32xi32, #tpu.memory_space<hbm>>
        tpu.wait_dma2 semaphore(%arg13 : memref<!tpu.dma_semaphore, #tpu.memory_space<semaphore_mem>>) src(%dma_wait3A_292 : memref<2x32xi32, #tpu.memory_space<hbm>>) dst(%dma_wait3A_288 : memref<2x32xi32, #tpu.memory_space<vmem>>)
      } else {
      }
      %get3A = arith.constant 0 : i32
      %get3A_85 = arith.index_cast %select_n3A_72 : i32 to index
      %get3A_86 = arith.index_cast %get3A : i32 to index
      %get3A_87 = arith.constant 0 : index
      %get3A_88 = tpu.vector_load %arg7[%get3A_85, %get3A_86, %get3A_87] {strides = array<i32>} : memref<2x2x32xi32, #tpu.memory_space<vmem>>, vector<1x1x16xi32>,
      %get3A_89 = vector.shape_cast %get3A_88 : vector<1x1x16xi32> to vector<16xi32>
      %ge3A = arith.constant 5100 : i32
      %ge3A_90 = vector.broadcast %ge3A : i32 to vector<16xi32>
      %ge3A_91 = arith.cmpi sge, %get3A_89, %ge3A_90 : vector<16xi32>
      %add3A_92 = arith.constant 5100 : i32
      %add3A_93 = arith.addi %add3A_92, %arg1 : i32
      %broadcast_in_dim3A_94 = vector.broadcast %add3A_93 : i32 to vector<16xi32>
      %select_n3A_95 = arith.select %ge3A_91, %broadcast_in_dim3A_94, %get3A_89 : vector<16xi1>, vector<16xi32>
      %swap3A = arith.constant 0 : i32
      %swap3A_96 = arith.index_cast %select_n3A_72 : i32 to index
      %swap3A_97 = arith.index_cast %swap3A : i32 to index
      %swap3A_98 = arith.constant 0 : index
      %swap3A_99 = tpu.vector_load %arg7[%swap3A_96, %swap3A_97, %swap3A_98] {strides = array<i32>} : memref<2x2x32xi32, #tpu.memory_space<vmem>>, vector<1x1x16xi32>,
      %swap3A_100 = vector.shape_cast %swap3A_99 : vector<1x1x16xi32> to vector<16xi32>
      %swap3A_101 = vector.shape_cast %select_n3A_95 : vector<16xi32> to vector<1x1x16xi32>
      tpu.vector_store %arg7[%swap3A_96, %swap3A_97, %swap3A_98], %swap3A_101 {strides = array<i32>} : memref<2x2x32xi32, #tpu.memory_space<vmem>>, vector<1x1x16xi32>,
      %get3A_102 = arith.constant 0 : i32
      %get3A_103 = arith.index_cast %select_n3A_72 : i32 to index
      %get3A_104 = arith.index_cast %get3A_102 : i32 to index
      %get3A_105 = arith.constant 16 : index
      %get3A_106 = tpu.vector_load %arg7[%get3A_103, %get3A_104, %get3A_105] {strides = array<i32>} : memref<2x2x32xi32, #tpu.memory_space<vmem>>, vector<1x1x16xi32>,
      %get3A_107 = vector.shape_cast %get3A_106 : vector<1x1x16xi32> to vector<16xi32>
      %ge3A_108 = arith.constant 5100 : i32
      %ge3A_109 = vector.broadcast %ge3A_108 : i32 to vector<16xi32>
      %ge3A_110 = arith.cmpi sge, %get3A_107, %ge3A_109 : vector<16xi32>
      %add3A_111 = arith.constant 5100 : i32
      %add3A_112 = arith.addi %add3A_111, %arg1 : i32
      %broadcast_in_dim3A_113 = vector.broadcast %add3A_112 : i32 to vector<16xi32>
      %select_n3A_114 = arith.select %ge3A_110, %broadcast_in_dim3A_113, %get3A_107 : vector<16xi1>, vector<16xi32>
      %swap3A_115 = arith.constant 0 : i32
      %swap3A_116 = arith.index_cast %select_n3A_72 : i32 to index
      %swap3A_117 = arith.index_cast %swap3A_115 : i32 to index
      %swap3A_118 = arith.constant 16 : index
      %swap3A_119 = tpu.vector_load %arg7[%swap3A_116, %swap3A_117, %swap3A_118] {strides = array<i32>} : memref<2x2x32xi32, #tpu.memory_space<vmem>>, vector<1x1x16xi32>,
      %swap3A_120 = vector.shape_cast %swap3A_119 : vector<1x1x16xi32> to vector<16xi32>
      %swap3A_121 = vector.shape_cast %select_n3A_114 : vector<16xi32> to vector<1x1x16xi32>
      tpu.vector_store %arg7[%swap3A_116, %swap3A_117, %swap3A_118], %swap3A_121 {strides = array<i32>} : memref<2x2x32xi32, #tpu.memory_space<vmem>>, vector<1x1x16xi32>,
      %get3A_122 = arith.constant 1 : i32
      %get3A_123 = arith.index_cast %select_n3A_72 : i32 to index
      %get3A_124 = arith.index_cast %get3A_122 : i32 to index
      %get3A_125 = arith.constant 0 : index
      %get3A_126 = tpu.vector_load %arg7[%get3A_123, %get3A_124, %get3A_125] {strides = array<i32>} : memref<2x2x32xi32, #tpu.memory_space<vmem>>, vector<1x1x16xi32>,
      %get3A_127 = vector.shape_cast %get3A_126 : vector<1x1x16xi32> to vector<16xi32>
      %ge3A_128 = arith.constant 5100 : i32
      %ge3A_129 = vector.broadcast %ge3A_128 : i32 to vector<16xi32>
      %ge3A_130 = arith.cmpi sge, %get3A_127, %ge3A_129 : vector<16xi32>
      %add3A_131 = arith.constant 5100 : i32
      %add3A_132 = arith.addi %add3A_131, %arg1 : i32
      %broadcast_in_dim3A_133 = vector.broadcast %add3A_132 : i32 to vector<16xi32>
      %select_n3A_134 = arith.select %ge3A_130, %broadcast_in_dim3A_133, %get3A_127 : vector<16xi1>, vector<16xi32>
      %swap3A_135 = arith.constant 1 : i32
      %swap3A_136 = arith.index_cast %select_n3A_72 : i32 to index
      %swap3A_137 = arith.index_cast %swap3A_135 : i32 to index
      %swap3A_138 = arith.constant 0 : index
      %swap3A_139 = tpu.vector_load %arg7[%swap3A_136, %swap3A_137, %swap3A_138] {strides = array<i32>} : memref<2x2x32xi32, #tpu.memory_space<vmem>>, vector<1x1x16xi32>,
      %swap3A_140 = vector.shape_cast %swap3A_139 : vector<1x1x16xi32> to vector<16xi32>
      %swap3A_141 = vector.shape_cast %select_n3A_134 : vector<16xi32> to vector<1x1x16xi32>
      tpu.vector_store %arg7[%swap3A_136, %swap3A_137, %swap3A_138], %swap3A_141 {strides = array<i32>} : memref<2x2x32xi32, #tpu.memory_space<vmem>>, vector<1x1x16xi32>,
      %get3A_142 = arith.constant 1 : i32
      %get3A_143 = arith.index_cast %select_n3A_72 : i32 to index
      %get3A_144 = arith.index_cast %get3A_142 : i32 to index
      %get3A_145 = arith.constant 16 : index
      %get3A_146 = tpu.vector_load %arg7[%get3A_143, %get3A_144, %get3A_145] {strides = array<i32>} : memref<2x2x32xi32, #tpu.memory_space<vmem>>, vector<1x1x16xi32>,
      %get3A_147 = vector.shape_cast %get3A_146 : vector<1x1x16xi32> to vector<16xi32>
      %ge3A_148 = arith.constant 5100 : i32
      %ge3A_149 = vector.broadcast %ge3A_148 : i32 to vector<16xi32>
      %ge3A_150 = arith.cmpi sge, %get3A_147, %ge3A_149 : vector<16xi32>
      %add3A_151 = arith.constant 5100 : i32
      %add3A_152 = arith.addi %add3A_151, %arg1 : i32
      %broadcast_in_dim3A_153 = vector.broadcast %add3A_152 : i32 to vector<16xi32>
      %select_n3A_154 = arith.select %ge3A_150, %broadcast_in_dim3A_153, %get3A_147 : vector<16xi1>, vector<16xi32>
      %swap3A_155 = arith.constant 1 : i32
      %swap3A_156 = arith.index_cast %select_n3A_72 : i32 to index
      %swap3A_157 = arith.index_cast %swap3A_155 : i32 to index
      %swap3A_158 = arith.constant 16 : index
      %swap3A_159 = tpu.vector_load %arg7[%swap3A_156, %swap3A_157, %swap3A_158] {strides = array<i32>} : memref<2x2x32xi32, #tpu.memory_space<vmem>>, vector<1x1x16xi32>,
      %swap3A_160 = vector.shape_cast %swap3A_159 : vector<1x1x16xi32> to vector<16xi32>
      %swap3A_161 = vector.shape_cast %select_n3A_154 : vector<16xi32> to vector<1x1x16xi32>
      tpu.vector_store %arg7[%swap3A_156, %swap3A_157, %swap3A_158], %swap3A_161 {strides = array<i32>} : memref<2x2x32xi32, #tpu.memory_space<vmem>>, vector<1x1x16xi32>,
      %gt3A_162 = arith.constant 0 : i32
      %gt3A_163 = arith.cmpi sgt, %scan3A_62, %gt3A_162 : i32
      %convert_element_type3A_164 = arith.extui %gt3A_163 : i1 to i32
      %cond3A_165 = arith.constant 0 : i32
      %cond3A_166 = arith.cmpi ne, %convert_element_type3A_164, %cond3A_165 : i32
      scf.if %cond3A_166 {
        %sub3A = arith.constant 1 : i32
        %sub3A_261 = arith.subi %sub3A, %select_n3A_72 : i32
        %dma_wait3A_262 = arith.constant 0 : i32
        %dma_wait3A_263 = arith.constant 0 : i32
        %dma_wait3A_264 = arith.constant 0 : i32
        %dma_wait3A_265 = arith.constant 0 : i32
        %dma_wait3A_266 = arith.constant 0 : i32
        %dma_wait3A_267 = tpu.memref_slice %arg8[%dma_wait3A_262, %dma_wait3A_265, %dma_wait3A_266] : memref<2x32x128xf32, #tpu.memory_space<vmem>> -> memref<1x32x128xf32, #tpu.memory_space<vmem>>
        %dma_wait3A_268 = tpu.memref_squeeze %dma_wait3A_267 : memref<1x32x128xf32, #tpu.memory_space<vmem>> -> memref<32x128xf32, #tpu.memory_space<vmem>>
        %dma_wait3A_269 = arith.constant 0 : i32
        %dma_wait3A_270 = tpu.memref_slice %arg7[%sub3A_261, %dma_wait3A_263, %dma_wait3A_269] : memref<2x2x32xi32, #tpu.memory_space<vmem>> -> memref<1x1x32xi32, #tpu.memory_space<vmem>>
        %dma_wait3A_271 = tpu.memref_squeeze %dma_wait3A_270 : memref<1x1x32xi32, #tpu.memory_space<vmem>> -> memref<32xi32, #tpu.memory_space<vmem>>
        %dma_wait3A_272 = arith.constant 0 : i32
        %dma_wait3A_273 = arith.constant 0 : i32
        %dma_wait3A_274 = tpu.memref_slice %arg10[%dma_wait3A_272, %dma_wait3A_273] : memref<5120x128xf32, #tpu.memory_space<vmem_shared>> -> memref<5120x128xf32, #tpu.memory_space<vmem_shared>>
        %dma_wait3A_275 = tpu.memref_slice %arg12[%dma_wait3A_264] : memref<2x!tpu.dma_semaphore, #tpu.memory_space<semaphore_mem>> -> memref<1x!tpu.dma_semaphore, #tpu.memory_space<semaphore_mem>>
        %dma_wait3A_276 = tpu.memref_squeeze %dma_wait3A_275 : memref<1x!tpu.dma_semaphore, #tpu.memory_space<semaphore_mem>> -> memref<!tpu.dma_semaphore, #tpu.memory_space<semaphore_mem>>
        tpu.wait_indirect_dma semaphore(%dma_wait3A_276 : memref<!tpu.dma_semaphore, #tpu.memory_space<semaphore_mem>>) src(%dma_wait3A_268 : memref<32x128xf32, #tpu.memory_space<vmem>>) dst(%dma_wait3A_274 : memref<5120x128xf32, #tpu.memory_space<vmem_shared>>)
      } else {
      }
      %dma_start3A = arith.constant 0 : i32
      %dma_start3A_167 = arith.constant 0 : i32
      %dma_start3A_168 = arith.constant 0 : i32
      %dma_start3A_169 = arith.constant 0 : i32
      %dma_start3A_170 = arith.constant 0 : i32
      %dma_start3A_171 = tpu.memref_slice %arg8[%dma_start3A_167, %dma_start3A_169, %dma_start3A_170] : memref<2x32x128xf32, #tpu.memory_space<vmem>> -> memref<1x32x128xf32, #tpu.memory_space<vmem>>
      %dma_start3A_172 = tpu.memref_squeeze %dma_start3A_171 : memref<1x32x128xf32, #tpu.memory_space<vmem>> -> memref<32x128xf32, #tpu.memory_space<vmem>>
      %dma_start3A_173 = arith.constant 0 : i32
      %dma_start3A_174 = tpu.memref_slice %arg6[%select_n3A_72, %dma_start3A, %dma_start3A_173] : memref<2x2x32xi32, #tpu.memory_space<vmem>> -> memref<1x1x32xi32, #tpu.memory_space<vmem>>
      %dma_start3A_175 = tpu.memref_squeeze %dma_start3A_174 : memref<1x1x32xi32, #tpu.memory_space<vmem>> -> memref<32xi32, #tpu.memory_space<vmem>>
      %dma_start3A_176 = arith.constant 0 : i32
      %dma_start3A_177 = arith.constant 0 : i32
      %dma_start3A_178 = tpu.memref_slice %arg9[%dma_start3A_176, %dma_start3A_177] : memref<10000x128xf32, #tpu.memory_space<vmem_shared>> -> memref<10000x128xf32, #tpu.memory_space<vmem_shared>>
      %dma_start3A_179 = tpu.memref_slice %arg11[%dma_start3A_168] : memref<2x!tpu.dma_semaphore, #tpu.memory_space<semaphore_mem>> -> memref<1x!tpu.dma_semaphore, #tpu.memory_space<semaphore_mem>>
      %dma_start3A_180 = tpu.memref_squeeze %dma_start3A_179 : memref<1x!tpu.dma_semaphore, #tpu.memory_space<semaphore_mem>> -> memref<!tpu.dma_semaphore, #tpu.memory_space<semaphore_mem>>
      tpu.enqueue_indirect_dma source(%dma_start3A_178 : memref<10000x128xf32, #tpu.memory_space<vmem_shared>>) target(%dma_start3A_172 : memref<32x128xf32, #tpu.memory_space<vmem>>) offsets(%dma_start3A_175 : memref<32xi32, #tpu.memory_space<vmem>>) semaphore(%dma_start3A_180 : memref<!tpu.dma_semaphore, #tpu.memory_space<semaphore_mem>>)
      %gt3A_181 = arith.constant 0 : i32
      %gt3A_182 = arith.cmpi sgt, %scan3A_62, %gt3A_181 : i32
      %convert_element_type3A_183 = arith.extui %gt3A_182 : i1 to i32
      %cond3A_184 = arith.constant 0 : i32
      %cond3A_185 = arith.cmpi ne, %convert_element_type3A_183, %cond3A_184 : i32
      scf.if %cond3A_185 {
        %sub3A = arith.constant 1 : i32
        %sub3A_261 = arith.subi %sub3A, %select_n3A_72 : i32
        %dma_wait3A_262 = arith.constant 1 : i32
        %dma_wait3A_263 = arith.constant 1 : i32
        %dma_wait3A_264 = arith.constant 1 : i32
        %dma_wait3A_265 = arith.constant 0 : i32
        %dma_wait3A_266 = arith.constant 0 : i32
        %dma_wait3A_267 = tpu.memref_slice %arg8[%dma_wait3A_262, %dma_wait3A_265, %dma_wait3A_266] : memref<2x32x128xf32, #tpu.memory_space<vmem>> -> memref<1x32x128xf32, #tpu.memory_space<vmem>>
        %dma_wait3A_268 = tpu.memref_squeeze %dma_wait3A_267 : memref<1x32x128xf32, #tpu.memory_space<vmem>> -> memref<32x128xf32, #tpu.memory_space<vmem>>
        %dma_wait3A_269 = arith.constant 0 : i32
        %dma_wait3A_270 = tpu.memref_slice %arg7[%sub3A_261, %dma_wait3A_263, %dma_wait3A_269] : memref<2x2x32xi32, #tpu.memory_space<vmem>> -> memref<1x1x32xi32, #tpu.memory_space<vmem>>
        %dma_wait3A_271 = tpu.memref_squeeze %dma_wait3A_270 : memref<1x1x32xi32, #tpu.memory_space<vmem>> -> memref<32xi32, #tpu.memory_space<vmem>>
        %dma_wait3A_272 = arith.constant 0 : i32
        %dma_wait3A_273 = arith.constant 0 : i32
        %dma_wait3A_274 = tpu.memref_slice %arg10[%dma_wait3A_272, %dma_wait3A_273] : memref<5120x128xf32, #tpu.memory_space<vmem_shared>> -> memref<5120x128xf32, #tpu.memory_space<vmem_shared>>
        %dma_wait3A_275 = tpu.memref_slice %arg12[%dma_wait3A_264] : memref<2x!tpu.dma_semaphore, #tpu.memory_space<semaphore_mem>> -> memref<1x!tpu.dma_semaphore, #tpu.memory_space<semaphore_mem>>
        %dma_wait3A_276 = tpu.memref_squeeze %dma_wait3A_275 : memref<1x!tpu.dma_semaphore, #tpu.memory_space<semaphore_mem>> -> memref<!tpu.dma_semaphore, #tpu.memory_space<semaphore_mem>>
        tpu.wait_indirect_dma semaphore(%dma_wait3A_276 : memref<!tpu.dma_semaphore, #tpu.memory_space<semaphore_mem>>) src(%dma_wait3A_268 : memref<32x128xf32, #tpu.memory_space<vmem>>) dst(%dma_wait3A_274 : memref<5120x128xf32, #tpu.memory_space<vmem_shared>>)
      } else {
      }
      %dma_start3A_186 = arith.constant 1 : i32
      %dma_start3A_187 = arith.constant 1 : i32
      %dma_start3A_188 = arith.constant 1 : i32
      %dma_start3A_189 = arith.constant 0 : i32
      %dma_start3A_190 = arith.constant 0 : i32
      %dma_start3A_191 = tpu.memref_slice %arg8[%dma_start3A_187, %dma_start3A_189, %dma_start3A_190] : memref<2x32x128xf32, #tpu.memory_space<vmem>> -> memref<1x32x128xf32, #tpu.memory_space<vmem>>
      %dma_start3A_192 = tpu.memref_squeeze %dma_start3A_191 : memref<1x32x128xf32, #tpu.memory_space<vmem>> -> memref<32x128xf32, #tpu.memory_space<vmem>>
      %dma_start3A_193 = arith.constant 0 : i32
      %dma_start3A_194 = tpu.memref_slice %arg6[%select_n3A_72, %dma_start3A_186, %dma_start3A_193] : memref<2x2x32xi32, #tpu.memory_space<vmem>> -> memref<1x1x32xi32, #tpu.memory_space<vmem>>
      %dma_start3A_195 = tpu.memref_squeeze %dma_start3A_194 : memref<1x1x32xi32, #tpu.memory_space<vmem>> -> memref<32xi32, #tpu.memory_space<vmem>>
      %dma_start3A_196 = arith.constant 0 : i32
      %dma_start3A_197 = arith.constant 0 : i32
      %dma_start3A_198 = tpu.memref_slice %arg9[%dma_start3A_196, %dma_start3A_197] : memref<10000x128xf32, #tpu.memory_space<vmem_shared>> -> memref<10000x128xf32, #tpu.memory_space<vmem_shared>>
      %dma_start3A_199 = tpu.memref_slice %arg11[%dma_start3A_188] : memref<2x!tpu.dma_semaphore, #tpu.memory_space<semaphore_mem>> -> memref<1x!tpu.dma_semaphore, #tpu.memory_space<semaphore_mem>>
      %dma_start3A_200 = tpu.memref_squeeze %dma_start3A_199 : memref<1x!tpu.dma_semaphore, #tpu.memory_space<semaphore_mem>> -> memref<!tpu.dma_semaphore, #tpu.memory_space<semaphore_mem>>
      tpu.enqueue_indirect_dma source(%dma_start3A_198 : memref<10000x128xf32, #tpu.memory_space<vmem_shared>>) target(%dma_start3A_192 : memref<32x128xf32, #tpu.memory_space<vmem>>) offsets(%dma_start3A_195 : memref<32xi32, #tpu.memory_space<vmem>>) semaphore(%dma_start3A_200 : memref<!tpu.dma_semaphore, #tpu.memory_space<semaphore_mem>>)
      %dma_wait3A_201 = arith.constant 0 : i32
      %dma_wait3A_202 = arith.constant 0 : i32
      %dma_wait3A_203 = arith.constant 0 : i32
      %dma_wait3A_204 = arith.constant 0 : i32
      %dma_wait3A_205 = arith.constant 0 : i32
      %dma_wait3A_206 = tpu.memref_slice %arg8[%dma_wait3A_202, %dma_wait3A_204, %dma_wait3A_205] : memref<2x32x128xf32, #tpu.memory_space<vmem>> -> memref<1x32x128xf32, #tpu.memory_space<vmem>>
      %dma_wait3A_207 = tpu.memref_squeeze %dma_wait3A_206 : memref<1x32x128xf32, #tpu.memory_space<vmem>> -> memref<32x128xf32, #tpu.memory_space<vmem>>
      %dma_wait3A_208 = arith.constant 0 : i32
      %dma_wait3A_209 = tpu.memref_slice %arg6[%select_n3A_72, %dma_wait3A_201, %dma_wait3A_208] : memref<2x2x32xi32, #tpu.memory_space<vmem>> -> memref<1x1x32xi32, #tpu.memory_space<vmem>>
      %dma_wait3A_210 = tpu.memref_squeeze %dma_wait3A_209 : memref<1x1x32xi32, #tpu.memory_space<vmem>> -> memref<32xi32, #tpu.memory_space<vmem>>
      %dma_wait3A_211 = arith.constant 0 : i32
      %dma_wait3A_212 = arith.constant 0 : i32
      %dma_wait3A_213 = tpu.memref_slice %arg9[%dma_wait3A_211, %dma_wait3A_212] : memref<10000x128xf32, #tpu.memory_space<vmem_shared>> -> memref<10000x128xf32, #tpu.memory_space<vmem_shared>>
      %dma_wait3A_214 = tpu.memref_slice %arg11[%dma_wait3A_203] : memref<2x!tpu.dma_semaphore, #tpu.memory_space<semaphore_mem>> -> memref<1x!tpu.dma_semaphore, #tpu.memory_space<semaphore_mem>>
      %dma_wait3A_215 = tpu.memref_squeeze %dma_wait3A_214 : memref<1x!tpu.dma_semaphore, #tpu.memory_space<semaphore_mem>> -> memref<!tpu.dma_semaphore, #tpu.memory_space<semaphore_mem>>
      tpu.wait_indirect_dma semaphore(%dma_wait3A_215 : memref<!tpu.dma_semaphore, #tpu.memory_space<semaphore_mem>>) src(%dma_wait3A_213 : memref<10000x128xf32, #tpu.memory_space<vmem_shared>>) dst(%dma_wait3A_207 : memref<32x128xf32, #tpu.memory_space<vmem>>)
      %dma_start3A_216 = arith.constant 0 : i32
      %dma_start3A_217 = arith.constant 0 : i32
      %dma_start3A_218 = arith.constant 0 : i32
      %dma_start3A_219 = arith.constant 0 : i32
      %dma_start3A_220 = arith.constant 0 : i32
      %dma_start3A_221 = tpu.memref_slice %arg8[%dma_start3A_216, %dma_start3A_219, %dma_start3A_220] : memref<2x32x128xf32, #tpu.memory_space<vmem>> -> memref<1x32x128xf32, #tpu.memory_space<vmem>>
      %dma_start3A_222 = tpu.memref_squeeze %dma_start3A_221 : memref<1x32x128xf32, #tpu.memory_space<vmem>> -> memref<32x128xf32, #tpu.memory_space<vmem>>
      %dma_start3A_223 = arith.constant 0 : i32
      %dma_start3A_224 = tpu.memref_slice %arg7[%select_n3A_72, %dma_start3A_217, %dma_start3A_223] : memref<2x2x32xi32, #tpu.memory_space<vmem>> -> memref<1x1x32xi32, #tpu.memory_space<vmem>>
      %dma_start3A_225 = tpu.memref_squeeze %dma_start3A_224 : memref<1x1x32xi32, #tpu.memory_space<vmem>> -> memref<32xi32, #tpu.memory_space<vmem>>
      %dma_start3A_226 = arith.constant 0 : i32
      %dma_start3A_227 = arith.constant 0 : i32
      %dma_start3A_228 = tpu.memref_slice %arg10[%dma_start3A_226, %dma_start3A_227] : memref<5120x128xf32, #tpu.memory_space<vmem_shared>> -> memref<5120x128xf32, #tpu.memory_space<vmem_shared>>
      %dma_start3A_229 = tpu.memref_slice %arg12[%dma_start3A_218] : memref<2x!tpu.dma_semaphore, #tpu.memory_space<semaphore_mem>> -> memref<1x!tpu.dma_semaphore, #tpu.memory_space<semaphore_mem>>
      %dma_start3A_230 = tpu.memref_squeeze %dma_start3A_229 : memref<1x!tpu.dma_semaphore, #tpu.memory_space<semaphore_mem>> -> memref<!tpu.dma_semaphore, #tpu.memory_space<semaphore_mem>>
      tpu.enqueue_indirect_dma source(%dma_start3A_222 : memref<32x128xf32, #tpu.memory_space<vmem>>) target(%dma_start3A_228 : memref<5120x128xf32, #tpu.memory_space<vmem_shared>>) offsets(%dma_start3A_225 : memref<32xi32, #tpu.memory_space<vmem>>) semaphore(%dma_start3A_230 : memref<!tpu.dma_semaphore, #tpu.memory_space<semaphore_mem>>) {add = true}
      %dma_wait3A_231 = arith.constant 1 : i32
      %dma_wait3A_232 = arith.constant 1 : i32
      %dma_wait3A_233 = arith.constant 1 : i32
      %dma_wait3A_234 = arith.constant 0 : i32
      %dma_wait3A_235 = arith.constant 0 : i32
      %dma_wait3A_236 = tpu.memref_slice %arg8[%dma_wait3A_232, %dma_wait3A_234, %dma_wait3A_235] : memref<2x32x128xf32, #tpu.memory_space<vmem>> -> memref<1x32x128xf32, #tpu.memory_space<vmem>>
      %dma_wait3A_237 = tpu.memref_squeeze %dma_wait3A_236 : memref<1x32x128xf32, #tpu.memory_space<vmem>> -> memref<32x128xf32, #tpu.memory_space<vmem>>
      %dma_wait3A_238 = arith.constant 0 : i32
      %dma_wait3A_239 = tpu.memref_slice %arg6[%select_n3A_72, %dma_wait3A_231, %dma_wait3A_238] : memref<2x2x32xi32, #tpu.memory_space<vmem>> -> memref<1x1x32xi32, #tpu.memory_space<vmem>>
      %dma_wait3A_240 = tpu.memref_squeeze %dma_wait3A_239 : memref<1x1x32xi32, #tpu.memory_space<vmem>> -> memref<32xi32, #tpu.memory_space<vmem>>
      %dma_wait3A_241 = arith.constant 0 : i32
      %dma_wait3A_242 = arith.constant 0 : i32
      %dma_wait3A_243 = tpu.memref_slice %arg9[%dma_wait3A_241, %dma_wait3A_242] : memref<10000x128xf32, #tpu.memory_space<vmem_shared>> -> memref<10000x128xf32, #tpu.memory_space<vmem_shared>>
      %dma_wait3A_244 = tpu.memref_slice %arg11[%dma_wait3A_233] : memref<2x!tpu.dma_semaphore, #tpu.memory_space<semaphore_mem>> -> memref<1x!tpu.dma_semaphore, #tpu.memory_space<semaphore_mem>>
      %dma_wait3A_245 = tpu.memref_squeeze %dma_wait3A_244 : memref<1x!tpu.dma_semaphore, #tpu.memory_space<semaphore_mem>> -> memref<!tpu.dma_semaphore, #tpu.memory_space<semaphore_mem>>
      tpu.wait_indirect_dma semaphore(%dma_wait3A_245 : memref<!tpu.dma_semaphore, #tpu.memory_space<semaphore_mem>>) src(%dma_wait3A_243 : memref<10000x128xf32, #tpu.memory_space<vmem_shared>>) dst(%dma_wait3A_237 : memref<32x128xf32, #tpu.memory_space<vmem>>)
      %dma_start3A_246 = arith.constant 1 : i32
      %dma_start3A_247 = arith.constant 1 : i32
      %dma_start3A_248 = arith.constant 1 : i32
      %dma_start3A_249 = arith.constant 0 : i32
      %dma_start3A_250 = arith.constant 0 : i32
      %dma_start3A_251 = tpu.memref_slice %arg8[%dma_start3A_246, %dma_start3A_249, %dma_start3A_250] : memref<2x32x128xf32, #tpu.memory_space<vmem>> -> memref<1x32x128xf32, #tpu.memory_space<vmem>>
      %dma_start3A_252 = tpu.memref_squeeze %dma_start3A_251 : memref<1x32x128xf32, #tpu.memory_space<vmem>> -> memref<32x128xf32, #tpu.memory_space<vmem>>
      %dma_start3A_253 = arith.constant 0 : i32
      %dma_start3A_254 = tpu.memref_slice %arg7[%select_n3A_72, %dma_start3A_247, %dma_start3A_253] : memref<2x2x32xi32, #tpu.memory_space<vmem>> -> memref<1x1x32xi32, #tpu.memory_space<vmem>>
      %dma_start3A_255 = tpu.memref_squeeze %dma_start3A_254 : memref<1x1x32xi32, #tpu.memory_space<vmem>> -> memref<32xi32, #tpu.memory_space<vmem>>
      %dma_start3A_256 = arith.constant 0 : i32
      %dma_start3A_257 = arith.constant 0 : i32
      %dma_start3A_258 = tpu.memref_slice %arg10[%dma_start3A_256, %dma_start3A_257] : memref<5120x128xf32, #tpu.memory_space<vmem_shared>> -> memref<5120x128xf32, #tpu.memory_space<vmem_shared>>
      %dma_start3A_259 = tpu.memref_slice %arg12[%dma_start3A_248] : memref<2x!tpu.dma_semaphore, #tpu.memory_space<semaphore_mem>> -> memref<1x!tpu.dma_semaphore, #tpu.memory_space<semaphore_mem>>
      %dma_start3A_260 = tpu.memref_squeeze %dma_start3A_259 : memref<1x!tpu.dma_semaphore, #tpu.memory_space<semaphore_mem>> -> memref<!tpu.dma_semaphore, #tpu.memory_space<semaphore_mem>>
      tpu.enqueue_indirect_dma source(%dma_start3A_252 : memref<32x128xf32, #tpu.memory_space<vmem>>) target(%dma_start3A_258 : memref<5120x128xf32, #tpu.memory_space<vmem_shared>>) offsets(%dma_start3A_255 : memref<32xi32, #tpu.memory_space<vmem>>) semaphore(%dma_start3A_260 : memref<!tpu.dma_semaphore, #tpu.memory_space<semaphore_mem>>) {add = true}
    }
    %scan3A_25 = arith.constant 320 : i32
    %dma_wait3A = arith.constant 0 : i32
    %dma_wait3A_26 = arith.constant 1 : i32
    %dma_wait3A_27 = arith.constant 0 : i32
    %dma_wait3A_28 = arith.constant 0 : i32
    %dma_wait3A_29 = arith.constant 0 : i32
    %dma_wait3A_30 = arith.constant 0 : i32
    %dma_wait3A_31 = tpu.memref_slice %arg8[%dma_wait3A, %dma_wait3A_29, %dma_wait3A_30] : memref<2x32x128xf32, #tpu.memory_space<vmem>> -> memref<1x32x128xf32, #tpu.memory_space<vmem>>
    %dma_wait3A_32 = tpu.memref_squeeze %dma_wait3A_31 : memref<1x32x128xf32, #tpu.memory_space<vmem>> -> memref<32x128xf32, #tpu.memory_space<vmem>>
    %dma_wait3A_33 = arith.constant 0 : i32
    %dma_wait3A_34 = tpu.memref_slice %arg7[%dma_wait3A_26, %dma_wait3A_27, %dma_wait3A_33] : memref<2x2x32xi32, #tpu.memory_space<vmem>> -> memref<1x1x32xi32, #tpu.memory_space<vmem>>
    %dma_wait3A_35 = tpu.memref_squeeze %dma_wait3A_34 : memref<1x1x32xi32, #tpu.memory_space<vmem>> -> memref<32xi32, #tpu.memory_space<vmem>>
    %dma_wait3A_36 = arith.constant 0 : i32
    %dma_wait3A_37 = arith.constant 0 : i32
    %dma_wait3A_38 = tpu.memref_slice %arg10[%dma_wait3A_36, %dma_wait3A_37] : memref<5120x128xf32, #tpu.memory_space<vmem_shared>> -> memref<5120x128xf32, #tpu.memory_space<vmem_shared>>
    %dma_wait3A_39 = tpu.memref_slice %arg12[%dma_wait3A_28] : memref<2x!tpu.dma_semaphore, #tpu.memory_space<semaphore_mem>> -> memref<1x!tpu.dma_semaphore, #tpu.memory_space<semaphore_mem>>
    %dma_wait3A_40 = tpu.memref_squeeze %dma_wait3A_39 : memref<1x!tpu.dma_semaphore, #tpu.memory_space<semaphore_mem>> -> memref<!tpu.dma_semaphore, #tpu.memory_space<semaphore_mem>>
    tpu.wait_indirect_dma semaphore(%dma_wait3A_40 : memref<!tpu.dma_semaphore, #tpu.memory_space<semaphore_mem>>) src(%dma_wait3A_32 : memref<32x128xf32, #tpu.memory_space<vmem>>) dst(%dma_wait3A_38 : memref<5120x128xf32, #tpu.memory_space<vmem_shared>>)
    %dma_wait3A_41 = arith.constant 1 : i32
    %dma_wait3A_42 = arith.constant 1 : i32
    %dma_wait3A_43 = arith.constant 1 : i32
    %dma_wait3A_44 = arith.constant 1 : i32
    %dma_wait3A_45 = arith.constant 0 : i32
    %dma_wait3A_46 = arith.constant 0 : i32
    %dma_wait3A_47 = tpu.memref_slice %arg8[%dma_wait3A_41, %dma_wait3A_45, %dma_wait3A_46] : memref<2x32x128xf32, #tpu.memory_space<vmem>> -> memref<1x32x128xf32, #tpu.memory_space<vmem>>
    %dma_wait3A_48 = tpu.memref_squeeze %dma_wait3A_47 : memref<1x32x128xf32, #tpu.memory_space<vmem>> -> memref<32x128xf32, #tpu.memory_space<vmem>>
    %dma_wait3A_49 = arith.constant 0 : i32
    %dma_wait3A_50 = tpu.memref_slice %arg7[%dma_wait3A_42, %dma_wait3A_43, %dma_wait3A_49] : memref<2x2x32xi32, #tpu.memory_space<vmem>> -> memref<1x1x32xi32, #tpu.memory_space<vmem>>
    %dma_wait3A_51 = tpu.memref_squeeze %dma_wait3A_50 : memref<1x1x32xi32, #tpu.memory_space<vmem>> -> memref<32xi32, #tpu.memory_space<vmem>>
    %dma_wait3A_52 = arith.constant 0 : i32
    %dma_wait3A_53 = arith.constant 0 : i32
    %dma_wait3A_54 = tpu.memref_slice %arg10[%dma_wait3A_52, %dma_wait3A_53] : memref<5120x128xf32, #tpu.memory_space<vmem_shared>> -> memref<5120x128xf32, #tpu.memory_space<vmem_shared>>
    %dma_wait3A_55 = tpu.memref_slice %arg12[%dma_wait3A_44] : memref<2x!tpu.dma_semaphore, #tpu.memory_space<semaphore_mem>> -> memref<1x!tpu.dma_semaphore, #tpu.memory_space<semaphore_mem>>
    %dma_wait3A_56 = tpu.memref_squeeze %dma_wait3A_55 : memref<1x!tpu.dma_semaphore, #tpu.memory_space<semaphore_mem>> -> memref<!tpu.dma_semaphore, #tpu.memory_space<semaphore_mem>>
    tpu.wait_indirect_dma semaphore(%dma_wait3A_56 : memref<!tpu.dma_semaphore, #tpu.memory_space<semaphore_mem>>) src(%dma_wait3A_48 : memref<32x128xf32, #tpu.memory_space<vmem>>) dst(%dma_wait3A_54 : memref<5120x128xf32, #tpu.memory_space<vmem_shared>>)
    %barrier3A_57 = arith.constant 0 : index
    tpu.barrier barrier_id(%barrier3A_57)
    %mul3A_58 = arith.constant 320 : i32
    %mul3A_59 = arith.muli %arg1, %mul3A_58 : i32
    %mul3A_60 = arith.constant 320 : i32
    %mul3A_61 = arith.muli %arg1, %mul3A_60 : i32
    "tpu.region"() ({
      %run_scoped3A_62 = tpu.sem_alloc : memref<!tpu.dma_semaphore, #tpu.memory_space<semaphore_mem>>
      %dma_start3A = arith.constant 0 : i32
      %dma_start3A_63 = tpu.memref_slice %arg5[%arg0, %mul3A_61, %dma_start3A] : memref<2x5120x128xf32, #tpu.memory_space<hbm>> -> memref<1x320x128xf32, #tpu.memory_space<hbm>>
      %dma_start3A_64 = tpu.memref_squeeze %dma_start3A_63 : memref<1x320x128xf32, #tpu.memory_space<hbm>> -> memref<320x128xf32, #tpu.memory_space<hbm>>
      %dma_start3A_65 = arith.constant 0 : i32
      %dma_start3A_66 = tpu.memref_slice %arg10[%mul3A_59, %dma_start3A_65] : memref<5120x128xf32, #tpu.memory_space<vmem_shared>> -> memref<320x128xf32, #tpu.memory_space<vmem_shared>>
      tpu.enqueue_dma source(%dma_start3A_66 : memref<320x128xf32, #tpu.memory_space<vmem_shared>>) target(%dma_start3A_64 : memref<320x128xf32, #tpu.memory_space<hbm>>) target_semaphore(%run_scoped3A_62 : memref<!tpu.dma_semaphore, #tpu.memory_space<semaphore_mem>>)
      %dma_wait3A_67 = arith.constant 0 : i32
      %dma_wait3A_68 = tpu.memref_slice %arg5[%arg0, %mul3A_61, %dma_wait3A_67] : memref<2x5120x128xf32, #tpu.memory_space<hbm>> -> memref<1x320x128xf32, #tpu.memory_space<hbm>>
      %dma_wait3A_69 = tpu.memref_squeeze %dma_wait3A_68 : memref<1x320x128xf32, #tpu.memory_space<hbm>> -> memref<320x128xf32, #tpu.memory_space<hbm>>
      %dma_wait3A_70 = arith.constant 0 : i32
      %dma_wait3A_71 = tpu.memref_slice %arg10[%mul3A_59, %dma_wait3A_70] : memref<5120x128xf32, #tpu.memory_space<vmem_shared>> -> memref<320x128xf32, #tpu.memory_space<vmem_shared>>
      tpu.wait_dma2 semaphore(%run_scoped3A_62 : memref<!tpu.dma_semaphore, #tpu.memory_space<semaphore_mem>>) src(%dma_wait3A_71 : memref<320x128xf32, #tpu.memory_space<vmem_shared>>) dst(%dma_wait3A_69 : memref<320x128xf32, #tpu.memory_space<hbm>>)
      tpu.yield
    }) : () -> ()
    return
  }
}

#map = affine_map<(d0, d1) -> (0, 0)>
#map1 = affine_map<(d0, d1) -> (0, 0, 0)>
#map2 = affine_map<(d0, d1) -> (0, 0, 0, 0)>
module attributes {stable_mosaic.version = 14 : i64} {
  func.func @_segment_sc(%arg0: i32, %arg1: i32, %arg2: memref<10000x128xf32, #tpu.memory_space<hbm>>, %arg3: memref<5120x2x32xi32, #tpu.memory_space<hbm>>, %arg4: memref<2x5120x2x32xi32, #tpu.memory_space<hbm>>, %arg5: memref<2x5120x128xf32, #tpu.memory_space<hbm>>, %arg6: memref<2x2x32xi32, #tpu.memory_space<vmem>>, %arg7: memref<2x2x32xi32, #tpu.memory_space<vmem>>, %arg8: memref<2x32x128xf32, #tpu.memory_space<vmem>>, %arg9: memref<10000x128xf32, #tpu.memory_space<vmem_shared>>, %arg10: memref<5120x128xf32, #tpu.memory_space<vmem_shared>>, %arg11: memref<2x!tpu.dma_semaphore, #tpu.memory_space<semaphore_mem>>, %arg12: memref<2x!tpu.dma_semaphore, #tpu.memory_space<semaphore_mem>>, %arg13: memref<!tpu.dma_semaphore, #tpu.memory_space<semaphore_mem>>) attributes {dimension_semantics = [#tpu.dimension_semantics<core_parallel>, #tpu.dimension_semantics<subcore_parallel>], iteration_bounds = array<i64: 2, 16>, scalar_prefetch = 0 : i64, scratch_operands = 8 : i64, tpu.core_type = #tpu.core_type<sc_vector_subcore>, window_params = [{transform_indices = #map}, {transform_indices = #map1}, {transform_indices = #map2}, {transform_indices = #map1}]} {
    %lt3A = arith.constant 15 : i32
    %lt3A_0 = arith.cmpi slt, %arg1, %lt3A : i32
    %convert_element_type3A = arith.extui %lt3A_0 : i1 to i32
    %cond3A = arith.constant 0 : i32
    %cond3A_1 = arith.cmpi ne, %convert_element_type3A, %cond3A : i32
    scf.if %cond3A_1 {
      %mul3A_62 = arith.constant 640 : i32
      %mul3A_63 = arith.muli %arg1, %mul3A_62 : i32
      %mul3A_64 = arith.constant 640 : i32
      %mul3A_65 = arith.muli %arg1, %mul3A_64 : i32
      "tpu.region"() ({
        %run_scoped3A_66 = tpu.sem_alloc : memref<!tpu.dma_semaphore, #tpu.memory_space<semaphore_mem>>
        %dma_start3A = arith.constant 0 : i32
        %dma_start3A_67 = tpu.memref_slice %arg9[%mul3A_65, %dma_start3A] : memref<10000x128xf32, #tpu.memory_space<vmem_shared>> -> memref<640x128xf32, #tpu.memory_space<vmem_shared>>
        %dma_start3A_68 = arith.constant 0 : i32
        %dma_start3A_69 = tpu.memref_slice %arg2[%mul3A_63, %dma_start3A_68] : memref<10000x128xf32, #tpu.memory_space<hbm>> -> memref<640x128xf32, #tpu.memory_space<hbm>>
        tpu.enqueue_dma source(%dma_start3A_69 : memref<640x128xf32, #tpu.memory_space<hbm>>) target(%dma_start3A_67 : memref<640x128xf32, #tpu.memory_space<vmem_shared>>) target_semaphore(%run_scoped3A_66 : memref<!tpu.dma_semaphore, #tpu.memory_space<semaphore_mem>>)
        %dma_wait3A_70 = arith.constant 0 : i32
        %dma_wait3A_71 = tpu.memref_slice %arg9[%mul3A_65, %dma_wait3A_70] : memref<10000x128xf32, #tpu.memory_space<vmem_shared>> -> memref<640x128xf32, #tpu.memory_space<vmem_shared>>
        %dma_wait3A_72 = arith.constant 0 : i32
        %dma_wait3A_73 = tpu.memref_slice %arg2[%mul3A_63, %dma_wait3A_72] : memref<10000x128xf32, #tpu.memory_space<hbm>> -> memref<640x128xf32, #tpu.memory_space<hbm>>
        tpu.wait_dma2 semaphore(%run_scoped3A_66 : memref<!tpu.dma_semaphore, #tpu.memory_space<semaphore_mem>>) src(%dma_wait3A_73 : memref<640x128xf32, #tpu.memory_space<hbm>>) dst(%dma_wait3A_71 : memref<640x128xf32, #tpu.memory_space<vmem_shared>>)
        tpu.yield
      }) : () -> ()
    } else {
    }
    %eq3A = arith.constant 15 : i32
    %eq3A_2 = arith.cmpi eq, %arg1, %eq3A : i32
    %convert_element_type3A_3 = arith.extui %eq3A_2 : i1 to i32
    %cond3A_4 = arith.constant 0 : i32
    %cond3A_5 = arith.cmpi ne, %convert_element_type3A_3, %cond3A_4 : i32
    scf.if %cond3A_5 {
      "tpu.region"() ({
        %run_scoped3A_62 = tpu.sem_alloc : memref<!tpu.dma_semaphore, #tpu.memory_space<semaphore_mem>>
        %dma_start3A = arith.constant 9600 : i32
        %dma_start3A_63 = arith.constant 0 : i32
        %dma_start3A_64 = tpu.memref_slice %arg9[%dma_start3A, %dma_start3A_63] : memref<10000x128xf32, #tpu.memory_space<vmem_shared>> -> memref<400x128xf32, #tpu.memory_space<vmem_shared>>
        %dma_start3A_65 = arith.constant 9600 : i32
        %dma_start3A_66 = arith.constant 0 : i32
        %dma_start3A_67 = tpu.memref_slice %arg2[%dma_start3A_65, %dma_start3A_66] : memref<10000x128xf32, #tpu.memory_space<hbm>> -> memref<400x128xf32, #tpu.memory_space<hbm>>
        tpu.enqueue_dma source(%dma_start3A_67 : memref<400x128xf32, #tpu.memory_space<hbm>>) target(%dma_start3A_64 : memref<400x128xf32, #tpu.memory_space<vmem_shared>>) target_semaphore(%run_scoped3A_62 : memref<!tpu.dma_semaphore, #tpu.memory_space<semaphore_mem>>)
        %dma_wait3A_68 = arith.constant 9600 : i32
        %dma_wait3A_69 = arith.constant 0 : i32
        %dma_wait3A_70 = tpu.memref_slice %arg9[%dma_wait3A_68, %dma_wait3A_69] : memref<10000x128xf32, #tpu.memory_space<vmem_shared>> -> memref<400x128xf32, #tpu.memory_space<vmem_shared>>
        %dma_wait3A_71 = arith.constant 9600 : i32
        %dma_wait3A_72 = arith.constant 0 : i32
        %dma_wait3A_73 = tpu.memref_slice %arg2[%dma_wait3A_71, %dma_wait3A_72] : memref<10000x128xf32, #tpu.memory_space<hbm>> -> memref<400x128xf32, #tpu.memory_space<hbm>>
        tpu.wait_dma2 semaphore(%run_scoped3A_62 : memref<!tpu.dma_semaphore, #tpu.memory_space<semaphore_mem>>) src(%dma_wait3A_73 : memref<400x128xf32, #tpu.memory_space<hbm>>) dst(%dma_wait3A_70 : memref<400x128xf32, #tpu.memory_space<vmem_shared>>)
        tpu.yield
      }) : () -> ()
    } else {
    }
    %broadcast_in_dim3A = arith.constant 0.000000e+00 : f32
    %broadcast_in_dim3A_6 = vector.broadcast %broadcast_in_dim3A : f32 to vector<16xf32>
    %scan3A = arith.constant 0 : i32
    %scan3A_7 = arith.constant 0 : i32
    %scan3A_8 = arith.constant 32 : i32
    %scan3A_9 = arith.addi %scan3A_7, %scan3A_8 : i32
    %scan3A_10 = arith.constant 1 : i32
    scf.for %scan3A_62 = %scan3A_7 to %scan3A_9 step %scan3A_10  : i32 {
      %scan3A_63 = arith.constant 0 : i32
      %scan3A_64 = arith.constant 8 : i32
      %scan3A_65 = arith.addi %scan3A_63, %scan3A_64 : i32
      %scan3A_66 = arith.constant 1 : i32
      scf.for %scan3A_68 = %scan3A_63 to %scan3A_65 step %scan3A_66  : i32 {
        %mul3A_69 = arith.constant 16 : i32
        %mul3A_70 = arith.muli %scan3A_68, %mul3A_69 : i32
        %swap3A = arith.constant 0 : i32
        %swap3A_71 = arith.index_cast %swap3A : i32 to index
        %swap3A_72 = arith.index_cast %scan3A_62 : i32 to index
        %swap3A_73 = arith.index_cast %mul3A_70 : i32 to index
        %swap3A_74 = tpu.vector_load %arg8[%swap3A_71, %swap3A_72, %swap3A_73] {strides = array<i32>} : memref<2x32x128xf32, #tpu.memory_space<vmem>>, vector<1x1x16xf32>,
        %swap3A_75 = vector.shape_cast %swap3A_74 : vector<1x1x16xf32> to vector<16xf32>
        %swap3A_76 = vector.shape_cast %broadcast_in_dim3A_6 : vector<16xf32> to vector<1x1x16xf32>
        tpu.vector_store %arg8[%swap3A_71, %swap3A_72, %swap3A_73], %swap3A_76 {strides = array<i32>} : memref<2x32x128xf32, #tpu.memory_space<vmem>>, vector<1x1x16xf32>,
      }
      %scan3A_67 = arith.constant 8 : i32
    }
    %scan3A_11 = arith.constant 32 : i32
    %scan3A_12 = arith.constant 0 : i32
    %scan3A_13 = arith.constant 0 : i32
    %scan3A_14 = arith.constant 10 : i32
    %scan3A_15 = arith.addi %scan3A_13, %scan3A_14 : i32
    %scan3A_16 = arith.constant 1 : i32
    scf.for %scan3A_62 = %scan3A_13 to %scan3A_15 step %scan3A_16  : i32 {
      %mul3A_63 = arith.constant 10 : i32
      %mul3A_64 = arith.muli %arg1, %mul3A_63 : i32
      %add3A = arith.addi %mul3A_64, %scan3A_62 : i32
      %mul3A_65 = arith.constant 32 : i32
      %mul3A_66 = arith.muli %add3A, %mul3A_65 : i32
      %run_scoped3A_67 = arith.constant 0 : i32
      "tpu.region"() ({
        %run_scoped3A_68 = tpu.sem_alloc : memref<!tpu.dma_semaphore, #tpu.memory_space<semaphore_mem>>
        %dma_start3A = arith.constant 0 : i32
        %dma_start3A_69 = arith.constant 0 : i32
        %dma_start3A_70 = tpu.memref_slice %arg8[%run_scoped3A_67, %dma_start3A, %dma_start3A_69] : memref<2x32x128xf32, #tpu.memory_space<vmem>> -> memref<1x32x128xf32, #tpu.memory_space<vmem>>
        %dma_start3A_71 = tpu.memref_squeeze %dma_start3A_70 : memref<1x32x128xf32, #tpu.memory_space<vmem>> -> memref<32x128xf32, #tpu.memory_space<vmem>>
        %dma_start3A_72 = arith.constant 0 : i32
        %dma_start3A_73 = tpu.memref_slice %arg10[%mul3A_66, %dma_start3A_72] : memref<5120x128xf32, #tpu.memory_space<vmem_shared>> -> memref<32x128xf32, #tpu.memory_space<vmem_shared>>
        %dma_start3A_74 = arith.constant 0 : i32
        %dma_start3A_75 = tpu.memref_slice %arg10[%mul3A_66, %dma_start3A_74] : memref<5120x128xf32, #tpu.memory_space<vmem_shared>> -> memref<32x128xf32, #tpu.memory_space<vmem_shared>>
        %dma_start3A_76 = arith.constant 0 : i32
        %dma_start3A_77 = arith.constant 0 : i32
        %dma_start3A_78 = tpu.memref_slice %arg8[%run_scoped3A_67, %dma_start3A_76, %dma_start3A_77] : memref<2x32x128xf32, #tpu.memory_space<vmem>> -> memref<1x32x128xf32, #tpu.memory_space<vmem>>
        %dma_start3A_79 = tpu.memref_squeeze %dma_start3A_78 : memref<1x32x128xf32, #tpu.memory_space<vmem>> -> memref<32x128xf32, #tpu.memory_space<vmem>>
        tpu.enqueue_dma source(%dma_start3A_79 : memref<32x128xf32, #tpu.memory_space<vmem>>) target(%dma_start3A_75 : memref<32x128xf32, #tpu.memory_space<vmem_shared>>) target_semaphore(%run_scoped3A_68 : memref<!tpu.dma_semaphore, #tpu.memory_space<semaphore_mem>>)
        %dma_wait3A_80 = arith.constant 0 : i32
        %dma_wait3A_81 = arith.constant 0 : i32
        %dma_wait3A_82 = tpu.memref_slice %arg8[%run_scoped3A_67, %dma_wait3A_80, %dma_wait3A_81] : memref<2x32x128xf32, #tpu.memory_space<vmem>> -> memref<1x32x128xf32, #tpu.memory_space<vmem>>
        %dma_wait3A_83 = tpu.memref_squeeze %dma_wait3A_82 : memref<1x32x128xf32, #tpu.memory_space<vmem>> -> memref<32x128xf32, #tpu.memory_space<vmem>>
        %dma_wait3A_84 = arith.constant 0 : i32
        %dma_wait3A_85 = tpu.memref_slice %arg10[%mul3A_66, %dma_wait3A_84] : memref<5120x128xf32, #tpu.memory_space<vmem_shared>> -> memref<32x128xf32, #tpu.memory_space<vmem_shared>>
        %dma_wait3A_86 = arith.constant 0 : i32
        %dma_wait3A_87 = tpu.memref_slice %arg10[%mul3A_66, %dma_wait3A_86] : memref<5120x128xf32, #tpu.memory_space<vmem_shared>> -> memref<32x128xf32, #tpu.memory_space<vmem_shared>>
        %dma_wait3A_88 = arith.constant 0 : i32
        %dma_wait3A_89 = arith.constant 0 : i32
        %dma_wait3A_90 = tpu.memref_slice %arg8[%run_scoped3A_67, %dma_wait3A_88, %dma_wait3A_89] : memref<2x32x128xf32, #tpu.memory_space<vmem>> -> memref<1x32x128xf32, #tpu.memory_space<vmem>>
        %dma_wait3A_91 = tpu.memref_squeeze %dma_wait3A_90 : memref<1x32x128xf32, #tpu.memory_space<vmem>> -> memref<32x128xf32, #tpu.memory_space<vmem>>
        tpu.wait_dma2 semaphore(%run_scoped3A_68 : memref<!tpu.dma_semaphore, #tpu.memory_space<semaphore_mem>>) src(%dma_wait3A_91 : memref<32x128xf32, #tpu.memory_space<vmem>>) dst(%dma_wait3A_87 : memref<32x128xf32, #tpu.memory_space<vmem_shared>>)
        tpu.yield
      }) : () -> ()
    }
    %scan3A_17 = arith.constant 10 : i32
    %mul3A = arith.constant 320 : i32
    %mul3A_18 = arith.muli %arg1, %mul3A : i32
    %run_scoped3A = arith.constant 0 : i32
    "tpu.region"() ({
      %run_scoped3A_62 = tpu.sem_alloc : memref<!tpu.dma_semaphore, #tpu.memory_space<semaphore_mem>>
      %dma_start3A = arith.constant 0 : i32
      %dma_start3A_63 = arith.constant 0 : i32
      %dma_start3A_64 = tpu.memref_slice %arg6[%run_scoped3A, %dma_start3A, %dma_start3A_63] : memref<2x2x32xi32, #tpu.memory_space<vmem>> -> memref<1x2x32xi32, #tpu.memory_space<vmem>>
      %dma_start3A_65 = tpu.memref_squeeze %dma_start3A_64 : memref<1x2x32xi32, #tpu.memory_space<vmem>> -> memref<2x32xi32, #tpu.memory_space<vmem>>
      %dma_start3A_66 = arith.constant 0 : i32
      %dma_start3A_67 = arith.constant 0 : i32
      %dma_start3A_68 = tpu.memref_slice %arg3[%mul3A_18, %dma_start3A_66, %dma_start3A_67] : memref<5120x2x32xi32, #tpu.memory_space<hbm>> -> memref<1x2x32xi32, #tpu.memory_space<hbm>>
      %dma_start3A_69 = tpu.memref_squeeze %dma_start3A_68 : memref<1x2x32xi32, #tpu.memory_space<hbm>> -> memref<2x32xi32, #tpu.memory_space<hbm>>
      %dma_start3A_70 = arith.constant 0 : i32
      %dma_start3A_71 = arith.constant 0 : i32
      %dma_start3A_72 = tpu.memref_slice %arg6[%run_scoped3A, %dma_start3A_70, %dma_start3A_71] : memref<2x2x32xi32, #tpu.memory_space<vmem>> -> memref<1x2x32xi32, #tpu.memory_space<vmem>>
      %dma_start3A_73 = tpu.memref_squeeze %dma_start3A_72 : memref<1x2x32xi32, #tpu.memory_space<vmem>> -> memref<2x32xi32, #tpu.memory_space<vmem>>
      %dma_start3A_74 = arith.constant 0 : i32
      %dma_start3A_75 = arith.constant 0 : i32
      %dma_start3A_76 = tpu.memref_slice %arg3[%mul3A_18, %dma_start3A_74, %dma_start3A_75] : memref<5120x2x32xi32, #tpu.memory_space<hbm>> -> memref<1x2x32xi32, #tpu.memory_space<hbm>>
      %dma_start3A_77 = tpu.memref_squeeze %dma_start3A_76 : memref<1x2x32xi32, #tpu.memory_space<hbm>> -> memref<2x32xi32, #tpu.memory_space<hbm>>
      tpu.enqueue_dma source(%dma_start3A_77 : memref<2x32xi32, #tpu.memory_space<hbm>>) target(%dma_start3A_73 : memref<2x32xi32, #tpu.memory_space<vmem>>) target_semaphore(%run_scoped3A_62 : memref<!tpu.dma_semaphore, #tpu.memory_space<semaphore_mem>>)
      %dma_wait3A_78 = arith.constant 0 : i32
      %dma_wait3A_79 = arith.constant 0 : i32
      %dma_wait3A_80 = tpu.memref_slice %arg6[%run_scoped3A, %dma_wait3A_78, %dma_wait3A_79] : memref<2x2x32xi32, #tpu.memory_space<vmem>> -> memref<1x2x32xi32, #tpu.memory_space<vmem>>
      %dma_wait3A_81 = tpu.memref_squeeze %dma_wait3A_80 : memref<1x2x32xi32, #tpu.memory_space<vmem>> -> memref<2x32xi32, #tpu.memory_space<vmem>>
      %dma_wait3A_82 = arith.constant 0 : i32
      %dma_wait3A_83 = arith.constant 0 : i32
      %dma_wait3A_84 = tpu.memref_slice %arg3[%mul3A_18, %dma_wait3A_82, %dma_wait3A_83] : memref<5120x2x32xi32, #tpu.memory_space<hbm>> -> memref<1x2x32xi32, #tpu.memory_space<hbm>>
      %dma_wait3A_85 = tpu.memref_squeeze %dma_wait3A_84 : memref<1x2x32xi32, #tpu.memory_space<hbm>> -> memref<2x32xi32, #tpu.memory_space<hbm>>
      %dma_wait3A_86 = arith.constant 0 : i32
      %dma_wait3A_87 = arith.constant 0 : i32
      %dma_wait3A_88 = tpu.memref_slice %arg6[%run_scoped3A, %dma_wait3A_86, %dma_wait3A_87] : memref<2x2x32xi32, #tpu.memory_space<vmem>> -> memref<1x2x32xi32, #tpu.memory_space<vmem>>
      %dma_wait3A_89 = tpu.memref_squeeze %dma_wait3A_88 : memref<1x2x32xi32, #tpu.memory_space<vmem>> -> memref<2x32xi32, #tpu.memory_space<vmem>>
      %dma_wait3A_90 = arith.constant 0 : i32
      %dma_wait3A_91 = arith.constant 0 : i32
      %dma_wait3A_92 = tpu.memref_slice %arg3[%mul3A_18, %dma_wait3A_90, %dma_wait3A_91] : memref<5120x2x32xi32, #tpu.memory_space<hbm>> -> memref<1x2x32xi32, #tpu.memory_space<hbm>>
      %dma_wait3A_93 = tpu.memref_squeeze %dma_wait3A_92 : memref<1x2x32xi32, #tpu.memory_space<hbm>> -> memref<2x32xi32, #tpu.memory_space<hbm>>
      tpu.wait_dma2 semaphore(%run_scoped3A_62 : memref<!tpu.dma_semaphore, #tpu.memory_space<semaphore_mem>>) src(%dma_wait3A_93 : memref<2x32xi32, #tpu.memory_space<hbm>>) dst(%dma_wait3A_89 : memref<2x32xi32, #tpu.memory_space<vmem>>)
      tpu.yield
    }) : () -> ()
    %run_scoped3A_19 = arith.constant 0 : i32
    "tpu.region"() ({
      %run_scoped3A_62 = tpu.sem_alloc : memref<!tpu.dma_semaphore, #tpu.memory_space<semaphore_mem>>
      %dma_start3A = arith.constant 0 : i32
      %dma_start3A_63 = arith.constant 0 : i32
      %dma_start3A_64 = tpu.memref_slice %arg7[%run_scoped3A_19, %dma_start3A, %dma_start3A_63] : memref<2x2x32xi32, #tpu.memory_space<vmem>> -> memref<1x2x32xi32, #tpu.memory_space<vmem>>
      %dma_start3A_65 = tpu.memref_squeeze %dma_start3A_64 : memref<1x2x32xi32, #tpu.memory_space<vmem>> -> memref<2x32xi32, #tpu.memory_space<vmem>>
      %dma_start3A_66 = arith.constant 0 : i32
      %dma_start3A_67 = arith.constant 0 : i32
      %dma_start3A_68 = tpu.memref_slice %arg4[%arg0, %mul3A_18, %dma_start3A_66, %dma_start3A_67] : memref<2x5120x2x32xi32, #tpu.memory_space<hbm>> -> memref<1x1x2x32xi32, #tpu.memory_space<hbm>>
      %dma_start3A_69 = tpu.memref_squeeze %dma_start3A_68 : memref<1x1x2x32xi32, #tpu.memory_space<hbm>> -> memref<2x32xi32, #tpu.memory_space<hbm>>
      %dma_start3A_70 = arith.constant 0 : i32
      %dma_start3A_71 = arith.constant 0 : i32
      %dma_start3A_72 = tpu.memref_slice %arg7[%run_scoped3A_19, %dma_start3A_70, %dma_start3A_71] : memref<2x2x32xi32, #tpu.memory_space<vmem>> -> memref<1x2x32xi32, #tpu.memory_space<vmem>>
      %dma_start3A_73 = tpu.memref_squeeze %dma_start3A_72 : memref<1x2x32xi32, #tpu.memory_space<vmem>> -> memref<2x32xi32, #tpu.memory_space<vmem>>
      %dma_start3A_74 = arith.constant 0 : i32
      %dma_start3A_75 = arith.constant 0 : i32
      %dma_start3A_76 = tpu.memref_slice %arg4[%arg0, %mul3A_18, %dma_start3A_74, %dma_start3A_75] : memref<2x5120x2x32xi32, #tpu.memory_space<hbm>> -> memref<1x1x2x32xi32, #tpu.memory_space<hbm>>
      %dma_start3A_77 = tpu.memref_squeeze %dma_start3A_76 : memref<1x1x2x32xi32, #tpu.memory_space<hbm>> -> memref<2x32xi32, #tpu.memory_space<hbm>>
      tpu.enqueue_dma source(%dma_start3A_77 : memref<2x32xi32, #tpu.memory_space<hbm>>) target(%dma_start3A_73 : memref<2x32xi32, #tpu.memory_space<vmem>>) target_semaphore(%run_scoped3A_62 : memref<!tpu.dma_semaphore, #tpu.memory_space<semaphore_mem>>)
      %dma_wait3A_78 = arith.constant 0 : i32
      %dma_wait3A_79 = arith.constant 0 : i32
      %dma_wait3A_80 = tpu.memref_slice %arg7[%run_scoped3A_19, %dma_wait3A_78, %dma_wait3A_79] : memref<2x2x32xi32, #tpu.memory_space<vmem>> -> memref<1x2x32xi32, #tpu.memory_space<vmem>>
      %dma_wait3A_81 = tpu.memref_squeeze %dma_wait3A_80 : memref<1x2x32xi32, #tpu.memory_space<vmem>> -> memref<2x32xi32, #tpu.memory_space<vmem>>
      %dma_wait3A_82 = arith.constant 0 : i32
      %dma_wait3A_83 = arith.constant 0 : i32
      %dma_wait3A_84 = tpu.memref_slice %arg4[%arg0, %mul3A_18, %dma_wait3A_82, %dma_wait3A_83] : memref<2x5120x2x32xi32, #tpu.memory_space<hbm>> -> memref<1x1x2x32xi32, #tpu.memory_space<hbm>>
      %dma_wait3A_85 = tpu.memref_squeeze %dma_wait3A_84 : memref<1x1x2x32xi32, #tpu.memory_space<hbm>> -> memref<2x32xi32, #tpu.memory_space<hbm>>
      %dma_wait3A_86 = arith.constant 0 : i32
      %dma_wait3A_87 = arith.constant 0 : i32
      %dma_wait3A_88 = tpu.memref_slice %arg7[%run_scoped3A_19, %dma_wait3A_86, %dma_wait3A_87] : memref<2x2x32xi32, #tpu.memory_space<vmem>> -> memref<1x2x32xi32, #tpu.memory_space<vmem>>
      %dma_wait3A_89 = tpu.memref_squeeze %dma_wait3A_88 : memref<1x2x32xi32, #tpu.memory_space<vmem>> -> memref<2x32xi32, #tpu.memory_space<vmem>>
      %dma_wait3A_90 = arith.constant 0 : i32
      %dma_wait3A_91 = arith.constant 0 : i32
      %dma_wait3A_92 = tpu.memref_slice %arg4[%arg0, %mul3A_18, %dma_wait3A_90, %dma_wait3A_91] : memref<2x5120x2x32xi32, #tpu.memory_space<hbm>> -> memref<1x1x2x32xi32, #tpu.memory_space<hbm>>
      %dma_wait3A_93 = tpu.memref_squeeze %dma_wait3A_92 : memref<1x1x2x32xi32, #tpu.memory_space<hbm>> -> memref<2x32xi32, #tpu.memory_space<hbm>>
      tpu.wait_dma2 semaphore(%run_scoped3A_62 : memref<!tpu.dma_semaphore, #tpu.memory_space<semaphore_mem>>) src(%dma_wait3A_93 : memref<2x32xi32, #tpu.memory_space<hbm>>) dst(%dma_wait3A_89 : memref<2x32xi32, #tpu.memory_space<vmem>>)
      tpu.yield
    }) : () -> ()
    %barrier3A = arith.constant 0 : index
    tpu.barrier barrier_id(%barrier3A)
    %scan3A_20 = arith.constant 0 : i32
    %scan3A_21 = arith.constant 0 : i32
    %scan3A_22 = arith.constant 320 : i32
    %scan3A_23 = arith.addi %scan3A_21, %scan3A_22 : i32
    %scan3A_24 = arith.constant 1 : i32
    scf.for %scan3A_62 = %scan3A_21 to %scan3A_23 step %scan3A_24  : i32 {
      %jit3A = arith.constant 2 : i32
      %eq3A_63 = arith.constant 0 : i32
      %eq3A_64 = arith.cmpi eq, %jit3A, %eq3A_63 : i32
      %jit3A_65 = arith.constant 1 : i32
      %select_n3A = arith.select %eq3A_64, %jit3A_65, %jit3A : i32
      %rem3A = arith.remsi %scan3A_62, %select_n3A : i32
      %ne3A = arith.constant 0 : i32
      %ne3A_66 = arith.cmpi ne, %rem3A, %ne3A : i32
      %lt3A_67 = arith.constant 0 : i32
      %lt3A_68 = arith.cmpi slt, %rem3A, %lt3A_67 : i32
      %lt3A_69 = arith.constant 0 : i32
      %lt3A_70 = arith.cmpi slt, %select_n3A, %lt3A_69 : i32
      %ne3A_71 = arith.xori %lt3A_68, %lt3A_70 : i1
      %and3A = arith.andi %ne3A_71, %ne3A_66 : i1
      %add3A = arith.addi %rem3A, %select_n3A : i32
      %select_n3A_72 = arith.select %and3A, %add3A, %rem3A : i32
      %add3A_73 = arith.addi %mul3A_18, %scan3A_62 : i32
      %add3A_74 = arith.constant 1 : i32
      %add3A_75 = arith.addi %scan3A_62, %add3A_74 : i32
      %lt3A_76 = arith.constant 320 : i32
      %lt3A_77 = arith.cmpi slt, %add3A_75, %lt3A_76 : i32
      %convert_element_type3A_78 = arith.extui %lt3A_77 : i1 to i32
      %cond3A_79 = arith.constant 0 : i32
      %cond3A_80 = arith.cmpi ne, %convert_element_type3A_78, %cond3A_79 : i32
      scf.if %cond3A_80 {
        %add3A_261 = arith.constant 1 : i32
        %add3A_262 = arith.addi %add3A_73, %add3A_261 : i32
        %sub3A = arith.constant 1 : i32
        %sub3A_263 = arith.subi %sub3A, %select_n3A_72 : i32
        %dma_start3A_264 = arith.constant 0 : i32
        %dma_start3A_265 = arith.constant 0 : i32
        %dma_start3A_266 = tpu.memref_slice %arg6[%sub3A_263, %dma_start3A_264, %dma_start3A_265] : memref<2x2x32xi32, #tpu.memory_space<vmem>> -> memref<1x2x32xi32, #tpu.memory_space<vmem>>
        %dma_start3A_267 = tpu.memref_squeeze %dma_start3A_266 : memref<1x2x32xi32, #tpu.memory_space<vmem>> -> memref<2x32xi32, #tpu.memory_space<vmem>>
        %dma_start3A_268 = arith.constant 0 : i32
        %dma_start3A_269 = arith.constant 0 : i32
        %dma_start3A_270 = tpu.memref_slice %arg3[%add3A_262, %dma_start3A_268, %dma_start3A_269] : memref<5120x2x32xi32, #tpu.memory_space<hbm>> -> memref<1x2x32xi32, #tpu.memory_space<hbm>>
        %dma_start3A_271 = tpu.memref_squeeze %dma_start3A_270 : memref<1x2x32xi32, #tpu.memory_space<hbm>> -> memref<2x32xi32, #tpu.memory_space<hbm>>
        %dma_start3A_272 = arith.constant 0 : i32
        %dma_start3A_273 = arith.constant 0 : i32
        %dma_start3A_274 = tpu.memref_slice %arg6[%sub3A_263, %dma_start3A_272, %dma_start3A_273] : memref<2x2x32xi32, #tpu.memory_space<vmem>> -> memref<1x2x32xi32, #tpu.memory_space<vmem>>
        %dma_start3A_275 = tpu.memref_squeeze %dma_start3A_274 : memref<1x2x32xi32, #tpu.memory_space<vmem>> -> memref<2x32xi32, #tpu.memory_space<vmem>>
        %dma_start3A_276 = arith.constant 0 : i32
        %dma_start3A_277 = arith.constant 0 : i32
        %dma_start3A_278 = tpu.memref_slice %arg3[%add3A_262, %dma_start3A_276, %dma_start3A_277] : memref<5120x2x32xi32, #tpu.memory_space<hbm>> -> memref<1x2x32xi32, #tpu.memory_space<hbm>>
        %dma_start3A_279 = tpu.memref_squeeze %dma_start3A_278 : memref<1x2x32xi32, #tpu.memory_space<hbm>> -> memref<2x32xi32, #tpu.memory_space<hbm>>
        tpu.enqueue_dma source(%dma_start3A_279 : memref<2x32xi32, #tpu.memory_space<hbm>>) target(%dma_start3A_275 : memref<2x32xi32, #tpu.memory_space<vmem>>) target_semaphore(%arg13 : memref<!tpu.dma_semaphore, #tpu.memory_space<semaphore_mem>>)
        %add3A_280 = arith.constant 1 : i32
        %add3A_281 = arith.addi %add3A_73, %add3A_280 : i32
        %sub3A_282 = arith.constant 1 : i32
        %sub3A_283 = arith.subi %sub3A_282, %select_n3A_72 : i32
        %dma_start3A_284 = arith.constant 0 : i32
        %dma_start3A_285 = arith.constant 0 : i32
        %dma_start3A_286 = tpu.memref_slice %arg7[%sub3A_283, %dma_start3A_284, %dma_start3A_285] : memref<2x2x32xi32, #tpu.memory_space<vmem>> -> memref<1x2x32xi32, #tpu.memory_space<vmem>>
        %dma_start3A_287 = tpu.memref_squeeze %dma_start3A_286 : memref<1x2x32xi32, #tpu.memory_space<vmem>> -> memref<2x32xi32, #tpu.memory_space<vmem>>
        %dma_start3A_288 = arith.constant 0 : i32
        %dma_start3A_289 = arith.constant 0 : i32
        %dma_start3A_290 = tpu.memref_slice %arg4[%arg0, %add3A_281, %dma_start3A_288, %dma_start3A_289] : memref<2x5120x2x32xi32, #tpu.memory_space<hbm>> -> memref<1x1x2x32xi32, #tpu.memory_space<hbm>>
        %dma_start3A_291 = tpu.memref_squeeze %dma_start3A_290 : memref<1x1x2x32xi32, #tpu.memory_space<hbm>> -> memref<2x32xi32, #tpu.memory_space<hbm>>
        %dma_start3A_292 = arith.constant 0 : i32
        %dma_start3A_293 = arith.constant 0 : i32
        %dma_start3A_294 = tpu.memref_slice %arg7[%sub3A_283, %dma_start3A_292, %dma_start3A_293] : memref<2x2x32xi32, #tpu.memory_space<vmem>> -> memref<1x2x32xi32, #tpu.memory_space<vmem>>
        %dma_start3A_295 = tpu.memref_squeeze %dma_start3A_294 : memref<1x2x32xi32, #tpu.memory_space<vmem>> -> memref<2x32xi32, #tpu.memory_space<vmem>>
        %dma_start3A_296 = arith.constant 0 : i32
        %dma_start3A_297 = arith.constant 0 : i32
        %dma_start3A_298 = tpu.memref_slice %arg4[%arg0, %add3A_281, %dma_start3A_296, %dma_start3A_297] : memref<2x5120x2x32xi32, #tpu.memory_space<hbm>> -> memref<1x1x2x32xi32, #tpu.memory_space<hbm>>
        %dma_start3A_299 = tpu.memref_squeeze %dma_start3A_298 : memref<1x1x2x32xi32, #tpu.memory_space<hbm>> -> memref<2x32xi32, #tpu.memory_space<hbm>>
        tpu.enqueue_dma source(%dma_start3A_299 : memref<2x32xi32, #tpu.memory_space<hbm>>) target(%dma_start3A_295 : memref<2x32xi32, #tpu.memory_space<vmem>>) target_semaphore(%arg13 : memref<!tpu.dma_semaphore, #tpu.memory_space<semaphore_mem>>)
      } else {
      }
      %gt3A = arith.constant 0 : i32
      %gt3A_81 = arith.cmpi sgt, %scan3A_62, %gt3A : i32
      %convert_element_type3A_82 = arith.extui %gt3A_81 : i1 to i32
      %cond3A_83 = arith.constant 0 : i32
      %cond3A_84 = arith.cmpi ne, %convert_element_type3A_82, %cond3A_83 : i32
      scf.if %cond3A_84 {
        %dma_wait3A_261 = arith.constant 0 : i32
        %dma_wait3A_262 = arith.constant 0 : i32
        %dma_wait3A_263 = tpu.memref_slice %arg6[%select_n3A_72, %dma_wait3A_261, %dma_wait3A_262] : memref<2x2x32xi32, #tpu.memory_space<vmem>> -> memref<1x2x32xi32, #tpu.memory_space<vmem>>
        %dma_wait3A_264 = tpu.memref_squeeze %dma_wait3A_263 : memref<1x2x32xi32, #tpu.memory_space<vmem>> -> memref<2x32xi32, #tpu.memory_space<vmem>>
        %dma_wait3A_265 = arith.constant 0 : i32
        %dma_wait3A_266 = arith.constant 0 : i32
        %dma_wait3A_267 = tpu.memref_slice %arg3[%add3A_73, %dma_wait3A_265, %dma_wait3A_266] : memref<5120x2x32xi32, #tpu.memory_space<hbm>> -> memref<1x2x32xi32, #tpu.memory_space<hbm>>
        %dma_wait3A_268 = tpu.memref_squeeze %dma_wait3A_267 : memref<1x2x32xi32, #tpu.memory_space<hbm>> -> memref<2x32xi32, #tpu.memory_space<hbm>>
        %dma_wait3A_269 = arith.constant 0 : i32
        %dma_wait3A_270 = arith.constant 0 : i32
        %dma_wait3A_271 = tpu.memref_slice %arg6[%select_n3A_72, %dma_wait3A_269, %dma_wait3A_270] : memref<2x2x32xi32, #tpu.memory_space<vmem>> -> memref<1x2x32xi32, #tpu.memory_space<vmem>>
        %dma_wait3A_272 = tpu.memref_squeeze %dma_wait3A_271 : memref<1x2x32xi32, #tpu.memory_space<vmem>> -> memref<2x32xi32, #tpu.memory_space<vmem>>
        %dma_wait3A_273 = arith.constant 0 : i32
        %dma_wait3A_274 = arith.constant 0 : i32
        %dma_wait3A_275 = tpu.memref_slice %arg3[%add3A_73, %dma_wait3A_273, %dma_wait3A_274] : memref<5120x2x32xi32, #tpu.memory_space<hbm>> -> memref<1x2x32xi32, #tpu.memory_space<hbm>>
        %dma_wait3A_276 = tpu.memref_squeeze %dma_wait3A_275 : memref<1x2x32xi32, #tpu.memory_space<hbm>> -> memref<2x32xi32, #tpu.memory_space<hbm>>
        tpu.wait_dma2 semaphore(%arg13 : memref<!tpu.dma_semaphore, #tpu.memory_space<semaphore_mem>>) src(%dma_wait3A_276 : memref<2x32xi32, #tpu.memory_space<hbm>>) dst(%dma_wait3A_272 : memref<2x32xi32, #tpu.memory_space<vmem>>)
        %dma_wait3A_277 = arith.constant 0 : i32
        %dma_wait3A_278 = arith.constant 0 : i32
        %dma_wait3A_279 = tpu.memref_slice %arg7[%select_n3A_72, %dma_wait3A_277, %dma_wait3A_278] : memref<2x2x32xi32, #tpu.memory_space<vmem>> -> memref<1x2x32xi32, #tpu.memory_space<vmem>>
        %dma_wait3A_280 = tpu.memref_squeeze %dma_wait3A_279 : memref<1x2x32xi32, #tpu.memory_space<vmem>> -> memref<2x32xi32, #tpu.memory_space<vmem>>
        %dma_wait3A_281 = arith.constant 0 : i32
        %dma_wait3A_282 = arith.constant 0 : i32
        %dma_wait3A_283 = tpu.memref_slice %arg4[%arg0, %add3A_73, %dma_wait3A_281, %dma_wait3A_282] : memref<2x5120x2x32xi32, #tpu.memory_space<hbm>> -> memref<1x1x2x32xi32, #tpu.memory_space<hbm>>
        %dma_wait3A_284 = tpu.memref_squeeze %dma_wait3A_283 : memref<1x1x2x32xi32, #tpu.memory_space<hbm>> -> memref<2x32xi32, #tpu.memory_space<hbm>>
        %dma_wait3A_285 = arith.constant 0 : i32
        %dma_wait3A_286 = arith.constant 0 : i32
        %dma_wait3A_287 = tpu.memref_slice %arg7[%select_n3A_72, %dma_wait3A_285, %dma_wait3A_286] : memref<2x2x32xi32, #tpu.memory_space<vmem>> -> memref<1x2x32xi32, #tpu.memory_space<vmem>>
        %dma_wait3A_288 = tpu.memref_squeeze %dma_wait3A_287 : memref<1x2x32xi32, #tpu.memory_space<vmem>> -> memref<2x32xi32, #tpu.memory_space<vmem>>
        %dma_wait3A_289 = arith.constant 0 : i32
        %dma_wait3A_290 = arith.constant 0 : i32
        %dma_wait3A_291 = tpu.memref_slice %arg4[%arg0, %add3A_73, %dma_wait3A_289, %dma_wait3A_290] : memref<2x5120x2x32xi32, #tpu.memory_space<hbm>> -> memref<1x1x2x32xi32, #tpu.memory_space<hbm>>
        %dma_wait3A_292 = tpu.memref_squeeze %dma_wait3A_291 : memref<1x1x2x32xi32, #tpu.memory_space<hbm>> -> memref<2x32xi32, #tpu.memory_space<hbm>>
        tpu.wait_dma2 semaphore(%arg13 : memref<!tpu.dma_semaphore, #tpu.memory_space<semaphore_mem>>) src(%dma_wait3A_292 : memref<2x32xi32, #tpu.memory_space<hbm>>) dst(%dma_wait3A_288 : memref<2x32xi32, #tpu.memory_space<vmem>>)
      } else {
      }
      %get3A = arith.constant 0 : i32
      %get3A_85 = arith.index_cast %select_n3A_72 : i32 to index
      %get3A_86 = arith.index_cast %get3A : i32 to index
      %get3A_87 = arith.constant 0 : index
      %get3A_88 = tpu.vector_load %arg7[%get3A_85, %get3A_86, %get3A_87] {strides = array<i32>} : memref<2x2x32xi32, #tpu.memory_space<vmem>>, vector<1x1x16xi32>,
      %get3A_89 = vector.shape_cast %get3A_88 : vector<1x1x16xi32> to vector<16xi32>
      %ge3A = arith.constant 5100 : i32
      %ge3A_90 = vector.broadcast %ge3A : i32 to vector<16xi32>
      %ge3A_91 = arith.cmpi sge, %get3A_89, %ge3A_90 : vector<16xi32>
      %add3A_92 = arith.constant 5100 : i32
      %add3A_93 = arith.addi %add3A_92, %arg1 : i32
      %broadcast_in_dim3A_94 = vector.broadcast %add3A_93 : i32 to vector<16xi32>
      %select_n3A_95 = arith.select %ge3A_91, %broadcast_in_dim3A_94, %get3A_89 : vector<16xi1>, vector<16xi32>
      %swap3A = arith.constant 0 : i32
      %swap3A_96 = arith.index_cast %select_n3A_72 : i32 to index
      %swap3A_97 = arith.index_cast %swap3A : i32 to index
      %swap3A_98 = arith.constant 0 : index
      %swap3A_99 = tpu.vector_load %arg7[%swap3A_96, %swap3A_97, %swap3A_98] {strides = array<i32>} : memref<2x2x32xi32, #tpu.memory_space<vmem>>, vector<1x1x16xi32>,
      %swap3A_100 = vector.shape_cast %swap3A_99 : vector<1x1x16xi32> to vector<16xi32>
      %swap3A_101 = vector.shape_cast %select_n3A_95 : vector<16xi32> to vector<1x1x16xi32>
      tpu.vector_store %arg7[%swap3A_96, %swap3A_97, %swap3A_98], %swap3A_101 {strides = array<i32>} : memref<2x2x32xi32, #tpu.memory_space<vmem>>, vector<1x1x16xi32>,
      %get3A_102 = arith.constant 0 : i32
      %get3A_103 = arith.index_cast %select_n3A_72 : i32 to index
      %get3A_104 = arith.index_cast %get3A_102 : i32 to index
      %get3A_105 = arith.constant 16 : index
      %get3A_106 = tpu.vector_load %arg7[%get3A_103, %get3A_104, %get3A_105] {strides = array<i32>} : memref<2x2x32xi32, #tpu.memory_space<vmem>>, vector<1x1x16xi32>,
      %get3A_107 = vector.shape_cast %get3A_106 : vector<1x1x16xi32> to vector<16xi32>
      %ge3A_108 = arith.constant 5100 : i32
      %ge3A_109 = vector.broadcast %ge3A_108 : i32 to vector<16xi32>
      %ge3A_110 = arith.cmpi sge, %get3A_107, %ge3A_109 : vector<16xi32>
      %add3A_111 = arith.constant 5100 : i32
      %add3A_112 = arith.addi %add3A_111, %arg1 : i32
      %broadcast_in_dim3A_113 = vector.broadcast %add3A_112 : i32 to vector<16xi32>
      %select_n3A_114 = arith.select %ge3A_110, %broadcast_in_dim3A_113, %get3A_107 : vector<16xi1>, vector<16xi32>
      %swap3A_115 = arith.constant 0 : i32
      %swap3A_116 = arith.index_cast %select_n3A_72 : i32 to index
      %swap3A_117 = arith.index_cast %swap3A_115 : i32 to index
      %swap3A_118 = arith.constant 16 : index
      %swap3A_119 = tpu.vector_load %arg7[%swap3A_116, %swap3A_117, %swap3A_118] {strides = array<i32>} : memref<2x2x32xi32, #tpu.memory_space<vmem>>, vector<1x1x16xi32>,
      %swap3A_120 = vector.shape_cast %swap3A_119 : vector<1x1x16xi32> to vector<16xi32>
      %swap3A_121 = vector.shape_cast %select_n3A_114 : vector<16xi32> to vector<1x1x16xi32>
      tpu.vector_store %arg7[%swap3A_116, %swap3A_117, %swap3A_118], %swap3A_121 {strides = array<i32>} : memref<2x2x32xi32, #tpu.memory_space<vmem>>, vector<1x1x16xi32>,
      %get3A_122 = arith.constant 1 : i32
      %get3A_123 = arith.index_cast %select_n3A_72 : i32 to index
      %get3A_124 = arith.index_cast %get3A_122 : i32 to index
      %get3A_125 = arith.constant 0 : index
      %get3A_126 = tpu.vector_load %arg7[%get3A_123, %get3A_124, %get3A_125] {strides = array<i32>} : memref<2x2x32xi32, #tpu.memory_space<vmem>>, vector<1x1x16xi32>,
      %get3A_127 = vector.shape_cast %get3A_126 : vector<1x1x16xi32> to vector<16xi32>
      %ge3A_128 = arith.constant 5100 : i32
      %ge3A_129 = vector.broadcast %ge3A_128 : i32 to vector<16xi32>
      %ge3A_130 = arith.cmpi sge, %get3A_127, %ge3A_129 : vector<16xi32>
      %add3A_131 = arith.constant 5100 : i32
      %add3A_132 = arith.addi %add3A_131, %arg1 : i32
      %broadcast_in_dim3A_133 = vector.broadcast %add3A_132 : i32 to vector<16xi32>
      %select_n3A_134 = arith.select %ge3A_130, %broadcast_in_dim3A_133, %get3A_127 : vector<16xi1>, vector<16xi32>
      %swap3A_135 = arith.constant 1 : i32
      %swap3A_136 = arith.index_cast %select_n3A_72 : i32 to index
      %swap3A_137 = arith.index_cast %swap3A_135 : i32 to index
      %swap3A_138 = arith.constant 0 : index
      %swap3A_139 = tpu.vector_load %arg7[%swap3A_136, %swap3A_137, %swap3A_138] {strides = array<i32>} : memref<2x2x32xi32, #tpu.memory_space<vmem>>, vector<1x1x16xi32>,
      %swap3A_140 = vector.shape_cast %swap3A_139 : vector<1x1x16xi32> to vector<16xi32>
      %swap3A_141 = vector.shape_cast %select_n3A_134 : vector<16xi32> to vector<1x1x16xi32>
      tpu.vector_store %arg7[%swap3A_136, %swap3A_137, %swap3A_138], %swap3A_141 {strides = array<i32>} : memref<2x2x32xi32, #tpu.memory_space<vmem>>, vector<1x1x16xi32>,
      %get3A_142 = arith.constant 1 : i32
      %get3A_143 = arith.index_cast %select_n3A_72 : i32 to index
      %get3A_144 = arith.index_cast %get3A_142 : i32 to index
      %get3A_145 = arith.constant 16 : index
      %get3A_146 = tpu.vector_load %arg7[%get3A_143, %get3A_144, %get3A_145] {strides = array<i32>} : memref<2x2x32xi32, #tpu.memory_space<vmem>>, vector<1x1x16xi32>,
      %get3A_147 = vector.shape_cast %get3A_146 : vector<1x1x16xi32> to vector<16xi32>
      %ge3A_148 = arith.constant 5100 : i32
      %ge3A_149 = vector.broadcast %ge3A_148 : i32 to vector<16xi32>
      %ge3A_150 = arith.cmpi sge, %get3A_147, %ge3A_149 : vector<16xi32>
      %add3A_151 = arith.constant 5100 : i32
      %add3A_152 = arith.addi %add3A_151, %arg1 : i32
      %broadcast_in_dim3A_153 = vector.broadcast %add3A_152 : i32 to vector<16xi32>
      %select_n3A_154 = arith.select %ge3A_150, %broadcast_in_dim3A_153, %get3A_147 : vector<16xi1>, vector<16xi32>
      %swap3A_155 = arith.constant 1 : i32
      %swap3A_156 = arith.index_cast %select_n3A_72 : i32 to index
      %swap3A_157 = arith.index_cast %swap3A_155 : i32 to index
      %swap3A_158 = arith.constant 16 : index
      %swap3A_159 = tpu.vector_load %arg7[%swap3A_156, %swap3A_157, %swap3A_158] {strides = array<i32>} : memref<2x2x32xi32, #tpu.memory_space<vmem>>, vector<1x1x16xi32>,
      %swap3A_160 = vector.shape_cast %swap3A_159 : vector<1x1x16xi32> to vector<16xi32>
      %swap3A_161 = vector.shape_cast %select_n3A_154 : vector<16xi32> to vector<1x1x16xi32>
      tpu.vector_store %arg7[%swap3A_156, %swap3A_157, %swap3A_158], %swap3A_161 {strides = array<i32>} : memref<2x2x32xi32, #tpu.memory_space<vmem>>, vector<1x1x16xi32>,
      %gt3A_162 = arith.constant 0 : i32
      %gt3A_163 = arith.cmpi sgt, %scan3A_62, %gt3A_162 : i32
      %convert_element_type3A_164 = arith.extui %gt3A_163 : i1 to i32
      %cond3A_165 = arith.constant 0 : i32
      %cond3A_166 = arith.cmpi ne, %convert_element_type3A_164, %cond3A_165 : i32
      scf.if %cond3A_166 {
        %sub3A = arith.constant 1 : i32
        %sub3A_261 = arith.subi %sub3A, %select_n3A_72 : i32
        %dma_wait3A_262 = arith.constant 0 : i32
        %dma_wait3A_263 = arith.constant 0 : i32
        %dma_wait3A_264 = arith.constant 0 : i32
        %dma_wait3A_265 = arith.constant 0 : i32
        %dma_wait3A_266 = arith.constant 0 : i32
        %dma_wait3A_267 = tpu.memref_slice %arg8[%dma_wait3A_262, %dma_wait3A_265, %dma_wait3A_266] : memref<2x32x128xf32, #tpu.memory_space<vmem>> -> memref<1x32x128xf32, #tpu.memory_space<vmem>>
        %dma_wait3A_268 = tpu.memref_squeeze %dma_wait3A_267 : memref<1x32x128xf32, #tpu.memory_space<vmem>> -> memref<32x128xf32, #tpu.memory_space<vmem>>
        %dma_wait3A_269 = arith.constant 0 : i32
        %dma_wait3A_270 = tpu.memref_slice %arg7[%sub3A_261, %dma_wait3A_263, %dma_wait3A_269] : memref<2x2x32xi32, #tpu.memory_space<vmem>> -> memref<1x1x32xi32, #tpu.memory_space<vmem>>
        %dma_wait3A_271 = tpu.memref_squeeze %dma_wait3A_270 : memref<1x1x32xi32, #tpu.memory_space<vmem>> -> memref<32xi32, #tpu.memory_space<vmem>>
        %dma_wait3A_272 = arith.constant 0 : i32
        %dma_wait3A_273 = arith.constant 0 : i32
        %dma_wait3A_274 = tpu.memref_slice %arg10[%dma_wait3A_272, %dma_wait3A_273] : memref<5120x128xf32, #tpu.memory_space<vmem_shared>> -> memref<5120x128xf32, #tpu.memory_space<vmem_shared>>
        %dma_wait3A_275 = tpu.memref_slice %arg12[%dma_wait3A_264] : memref<2x!tpu.dma_semaphore, #tpu.memory_space<semaphore_mem>> -> memref<1x!tpu.dma_semaphore, #tpu.memory_space<semaphore_mem>>
        %dma_wait3A_276 = tpu.memref_squeeze %dma_wait3A_275 : memref<1x!tpu.dma_semaphore, #tpu.memory_space<semaphore_mem>> -> memref<!tpu.dma_semaphore, #tpu.memory_space<semaphore_mem>>
        tpu.wait_indirect_dma semaphore(%dma_wait3A_276 : memref<!tpu.dma_semaphore, #tpu.memory_space<semaphore_mem>>) src(%dma_wait3A_268 : memref<32x128xf32, #tpu.memory_space<vmem>>) dst(%dma_wait3A_274 : memref<5120x128xf32, #tpu.memory_space<vmem_shared>>)
      } else {
      }
      %dma_start3A = arith.constant 0 : i32
      %dma_start3A_167 = arith.constant 0 : i32
      %dma_start3A_168 = arith.constant 0 : i32
      %dma_start3A_169 = arith.constant 0 : i32
      %dma_start3A_170 = arith.constant 0 : i32
      %dma_start3A_171 = tpu.memref_slice %arg8[%dma_start3A_167, %dma_start3A_169, %dma_start3A_170] : memref<2x32x128xf32, #tpu.memory_space<vmem>> -> memref<1x32x128xf32, #tpu.memory_space<vmem>>
      %dma_start3A_172 = tpu.memref_squeeze %dma_start3A_171 : memref<1x32x128xf32, #tpu.memory_space<vmem>> -> memref<32x128xf32, #tpu.memory_space<vmem>>
      %dma_start3A_173 = arith.constant 0 : i32
      %dma_start3A_174 = tpu.memref_slice %arg6[%select_n3A_72, %dma_start3A, %dma_start3A_173] : memref<2x2x32xi32, #tpu.memory_space<vmem>> -> memref<1x1x32xi32, #tpu.memory_space<vmem>>
      %dma_start3A_175 = tpu.memref_squeeze %dma_start3A_174 : memref<1x1x32xi32, #tpu.memory_space<vmem>> -> memref<32xi32, #tpu.memory_space<vmem>>
      %dma_start3A_176 = arith.constant 0 : i32
      %dma_start3A_177 = arith.constant 0 : i32
      %dma_start3A_178 = tpu.memref_slice %arg9[%dma_start3A_176, %dma_start3A_177] : memref<10000x128xf32, #tpu.memory_space<vmem_shared>> -> memref<10000x128xf32, #tpu.memory_space<vmem_shared>>
      %dma_start3A_179 = tpu.memref_slice %arg11[%dma_start3A_168] : memref<2x!tpu.dma_semaphore, #tpu.memory_space<semaphore_mem>> -> memref<1x!tpu.dma_semaphore, #tpu.memory_space<semaphore_mem>>
      %dma_start3A_180 = tpu.memref_squeeze %dma_start3A_179 : memref<1x!tpu.dma_semaphore, #tpu.memory_space<semaphore_mem>> -> memref<!tpu.dma_semaphore, #tpu.memory_space<semaphore_mem>>
      tpu.enqueue_indirect_dma source(%dma_start3A_178 : memref<10000x128xf32, #tpu.memory_space<vmem_shared>>) target(%dma_start3A_172 : memref<32x128xf32, #tpu.memory_space<vmem>>) offsets(%dma_start3A_175 : memref<32xi32, #tpu.memory_space<vmem>>) semaphore(%dma_start3A_180 : memref<!tpu.dma_semaphore, #tpu.memory_space<semaphore_mem>>)
      %gt3A_181 = arith.constant 0 : i32
      %gt3A_182 = arith.cmpi sgt, %scan3A_62, %gt3A_181 : i32
      %convert_element_type3A_183 = arith.extui %gt3A_182 : i1 to i32
      %cond3A_184 = arith.constant 0 : i32
      %cond3A_185 = arith.cmpi ne, %convert_element_type3A_183, %cond3A_184 : i32
      scf.if %cond3A_185 {
        %sub3A = arith.constant 1 : i32
        %sub3A_261 = arith.subi %sub3A, %select_n3A_72 : i32
        %dma_wait3A_262 = arith.constant 1 : i32
        %dma_wait3A_263 = arith.constant 1 : i32
        %dma_wait3A_264 = arith.constant 1 : i32
        %dma_wait3A_265 = arith.constant 0 : i32
        %dma_wait3A_266 = arith.constant 0 : i32
        %dma_wait3A_267 = tpu.memref_slice %arg8[%dma_wait3A_262, %dma_wait3A_265, %dma_wait3A_266] : memref<2x32x128xf32, #tpu.memory_space<vmem>> -> memref<1x32x128xf32, #tpu.memory_space<vmem>>
        %dma_wait3A_268 = tpu.memref_squeeze %dma_wait3A_267 : memref<1x32x128xf32, #tpu.memory_space<vmem>> -> memref<32x128xf32, #tpu.memory_space<vmem>>
        %dma_wait3A_269 = arith.constant 0 : i32
        %dma_wait3A_270 = tpu.memref_slice %arg7[%sub3A_261, %dma_wait3A_263, %dma_wait3A_269] : memref<2x2x32xi32, #tpu.memory_space<vmem>> -> memref<1x1x32xi32, #tpu.memory_space<vmem>>
        %dma_wait3A_271 = tpu.memref_squeeze %dma_wait3A_270 : memref<1x1x32xi32, #tpu.memory_space<vmem>> -> memref<32xi32, #tpu.memory_space<vmem>>
        %dma_wait3A_272 = arith.constant 0 : i32
        %dma_wait3A_273 = arith.constant 0 : i32
        %dma_wait3A_274 = tpu.memref_slice %arg10[%dma_wait3A_272, %dma_wait3A_273] : memref<5120x128xf32, #tpu.memory_space<vmem_shared>> -> memref<5120x128xf32, #tpu.memory_space<vmem_shared>>
        %dma_wait3A_275 = tpu.memref_slice %arg12[%dma_wait3A_264] : memref<2x!tpu.dma_semaphore, #tpu.memory_space<semaphore_mem>> -> memref<1x!tpu.dma_semaphore, #tpu.memory_space<semaphore_mem>>
        %dma_wait3A_276 = tpu.memref_squeeze %dma_wait3A_275 : memref<1x!tpu.dma_semaphore, #tpu.memory_space<semaphore_mem>> -> memref<!tpu.dma_semaphore, #tpu.memory_space<semaphore_mem>>
        tpu.wait_indirect_dma semaphore(%dma_wait3A_276 : memref<!tpu.dma_semaphore, #tpu.memory_space<semaphore_mem>>) src(%dma_wait3A_268 : memref<32x128xf32, #tpu.memory_space<vmem>>) dst(%dma_wait3A_274 : memref<5120x128xf32, #tpu.memory_space<vmem_shared>>)
      } else {
      }
      %dma_start3A_186 = arith.constant 1 : i32
      %dma_start3A_187 = arith.constant 1 : i32
      %dma_start3A_188 = arith.constant 1 : i32
      %dma_start3A_189 = arith.constant 0 : i32
      %dma_start3A_190 = arith.constant 0 : i32
      %dma_start3A_191 = tpu.memref_slice %arg8[%dma_start3A_187, %dma_start3A_189, %dma_start3A_190] : memref<2x32x128xf32, #tpu.memory_space<vmem>> -> memref<1x32x128xf32, #tpu.memory_space<vmem>>
      %dma_start3A_192 = tpu.memref_squeeze %dma_start3A_191 : memref<1x32x128xf32, #tpu.memory_space<vmem>> -> memref<32x128xf32, #tpu.memory_space<vmem>>
      %dma_start3A_193 = arith.constant 0 : i32
      %dma_start3A_194 = tpu.memref_slice %arg6[%select_n3A_72, %dma_start3A_186, %dma_start3A_193] : memref<2x2x32xi32, #tpu.memory_space<vmem>> -> memref<1x1x32xi32, #tpu.memory_space<vmem>>
      %dma_start3A_195 = tpu.memref_squeeze %dma_start3A_194 : memref<1x1x32xi32, #tpu.memory_space<vmem>> -> memref<32xi32, #tpu.memory_space<vmem>>
      %dma_start3A_196 = arith.constant 0 : i32
      %dma_start3A_197 = arith.constant 0 : i32
      %dma_start3A_198 = tpu.memref_slice %arg9[%dma_start3A_196, %dma_start3A_197] : memref<10000x128xf32, #tpu.memory_space<vmem_shared>> -> memref<10000x128xf32, #tpu.memory_space<vmem_shared>>
      %dma_start3A_199 = tpu.memref_slice %arg11[%dma_start3A_188] : memref<2x!tpu.dma_semaphore, #tpu.memory_space<semaphore_mem>> -> memref<1x!tpu.dma_semaphore, #tpu.memory_space<semaphore_mem>>
      %dma_start3A_200 = tpu.memref_squeeze %dma_start3A_199 : memref<1x!tpu.dma_semaphore, #tpu.memory_space<semaphore_mem>> -> memref<!tpu.dma_semaphore, #tpu.memory_space<semaphore_mem>>
      tpu.enqueue_indirect_dma source(%dma_start3A_198 : memref<10000x128xf32, #tpu.memory_space<vmem_shared>>) target(%dma_start3A_192 : memref<32x128xf32, #tpu.memory_space<vmem>>) offsets(%dma_start3A_195 : memref<32xi32, #tpu.memory_space<vmem>>) semaphore(%dma_start3A_200 : memref<!tpu.dma_semaphore, #tpu.memory_space<semaphore_mem>>)
      %dma_wait3A_201 = arith.constant 0 : i32
      %dma_wait3A_202 = arith.constant 0 : i32
      %dma_wait3A_203 = arith.constant 0 : i32
      %dma_wait3A_204 = arith.constant 0 : i32
      %dma_wait3A_205 = arith.constant 0 : i32
      %dma_wait3A_206 = tpu.memref_slice %arg8[%dma_wait3A_202, %dma_wait3A_204, %dma_wait3A_205] : memref<2x32x128xf32, #tpu.memory_space<vmem>> -> memref<1x32x128xf32, #tpu.memory_space<vmem>>
      %dma_wait3A_207 = tpu.memref_squeeze %dma_wait3A_206 : memref<1x32x128xf32, #tpu.memory_space<vmem>> -> memref<32x128xf32, #tpu.memory_space<vmem>>
      %dma_wait3A_208 = arith.constant 0 : i32
      %dma_wait3A_209 = tpu.memref_slice %arg6[%select_n3A_72, %dma_wait3A_201, %dma_wait3A_208] : memref<2x2x32xi32, #tpu.memory_space<vmem>> -> memref<1x1x32xi32, #tpu.memory_space<vmem>>
      %dma_wait3A_210 = tpu.memref_squeeze %dma_wait3A_209 : memref<1x1x32xi32, #tpu.memory_space<vmem>> -> memref<32xi32, #tpu.memory_space<vmem>>
      %dma_wait3A_211 = arith.constant 0 : i32
      %dma_wait3A_212 = arith.constant 0 : i32
      %dma_wait3A_213 = tpu.memref_slice %arg9[%dma_wait3A_211, %dma_wait3A_212] : memref<10000x128xf32, #tpu.memory_space<vmem_shared>> -> memref<10000x128xf32, #tpu.memory_space<vmem_shared>>
      %dma_wait3A_214 = tpu.memref_slice %arg11[%dma_wait3A_203] : memref<2x!tpu.dma_semaphore, #tpu.memory_space<semaphore_mem>> -> memref<1x!tpu.dma_semaphore, #tpu.memory_space<semaphore_mem>>
      %dma_wait3A_215 = tpu.memref_squeeze %dma_wait3A_214 : memref<1x!tpu.dma_semaphore, #tpu.memory_space<semaphore_mem>> -> memref<!tpu.dma_semaphore, #tpu.memory_space<semaphore_mem>>
      tpu.wait_indirect_dma semaphore(%dma_wait3A_215 : memref<!tpu.dma_semaphore, #tpu.memory_space<semaphore_mem>>) src(%dma_wait3A_213 : memref<10000x128xf32, #tpu.memory_space<vmem_shared>>) dst(%dma_wait3A_207 : memref<32x128xf32, #tpu.memory_space<vmem>>)
      %dma_start3A_216 = arith.constant 0 : i32
      %dma_start3A_217 = arith.constant 0 : i32
      %dma_start3A_218 = arith.constant 0 : i32
      %dma_start3A_219 = arith.constant 0 : i32
      %dma_start3A_220 = arith.constant 0 : i32
      %dma_start3A_221 = tpu.memref_slice %arg8[%dma_start3A_216, %dma_start3A_219, %dma_start3A_220] : memref<2x32x128xf32, #tpu.memory_space<vmem>> -> memref<1x32x128xf32, #tpu.memory_space<vmem>>
      %dma_start3A_222 = tpu.memref_squeeze %dma_start3A_221 : memref<1x32x128xf32, #tpu.memory_space<vmem>> -> memref<32x128xf32, #tpu.memory_space<vmem>>
      %dma_start3A_223 = arith.constant 0 : i32
      %dma_start3A_224 = tpu.memref_slice %arg7[%select_n3A_72, %dma_start3A_217, %dma_start3A_223] : memref<2x2x32xi32, #tpu.memory_space<vmem>> -> memref<1x1x32xi32, #tpu.memory_space<vmem>>
      %dma_start3A_225 = tpu.memref_squeeze %dma_start3A_224 : memref<1x1x32xi32, #tpu.memory_space<vmem>> -> memref<32xi32, #tpu.memory_space<vmem>>
      %dma_start3A_226 = arith.constant 0 : i32
      %dma_start3A_227 = arith.constant 0 : i32
      %dma_start3A_228 = tpu.memref_slice %arg10[%dma_start3A_226, %dma_start3A_227] : memref<5120x128xf32, #tpu.memory_space<vmem_shared>> -> memref<5120x128xf32, #tpu.memory_space<vmem_shared>>
      %dma_start3A_229 = tpu.memref_slice %arg12[%dma_start3A_218] : memref<2x!tpu.dma_semaphore, #tpu.memory_space<semaphore_mem>> -> memref<1x!tpu.dma_semaphore, #tpu.memory_space<semaphore_mem>>
      %dma_start3A_230 = tpu.memref_squeeze %dma_start3A_229 : memref<1x!tpu.dma_semaphore, #tpu.memory_space<semaphore_mem>> -> memref<!tpu.dma_semaphore, #tpu.memory_space<semaphore_mem>>
      tpu.enqueue_indirect_dma source(%dma_start3A_222 : memref<32x128xf32, #tpu.memory_space<vmem>>) target(%dma_start3A_228 : memref<5120x128xf32, #tpu.memory_space<vmem_shared>>) offsets(%dma_start3A_225 : memref<32xi32, #tpu.memory_space<vmem>>) semaphore(%dma_start3A_230 : memref<!tpu.dma_semaphore, #tpu.memory_space<semaphore_mem>>) {add = true}
      %dma_wait3A_231 = arith.constant 1 : i32
      %dma_wait3A_232 = arith.constant 1 : i32
      %dma_wait3A_233 = arith.constant 1 : i32
      %dma_wait3A_234 = arith.constant 0 : i32
      %dma_wait3A_235 = arith.constant 0 : i32
      %dma_wait3A_236 = tpu.memref_slice %arg8[%dma_wait3A_232, %dma_wait3A_234, %dma_wait3A_235] : memref<2x32x128xf32, #tpu.memory_space<vmem>> -> memref<1x32x128xf32, #tpu.memory_space<vmem>>
      %dma_wait3A_237 = tpu.memref_squeeze %dma_wait3A_236 : memref<1x32x128xf32, #tpu.memory_space<vmem>> -> memref<32x128xf32, #tpu.memory_space<vmem>>
      %dma_wait3A_238 = arith.constant 0 : i32
      %dma_wait3A_239 = tpu.memref_slice %arg6[%select_n3A_72, %dma_wait3A_231, %dma_wait3A_238] : memref<2x2x32xi32, #tpu.memory_space<vmem>> -> memref<1x1x32xi32, #tpu.memory_space<vmem>>
      %dma_wait3A_240 = tpu.memref_squeeze %dma_wait3A_239 : memref<1x1x32xi32, #tpu.memory_space<vmem>> -> memref<32xi32, #tpu.memory_space<vmem>>
      %dma_wait3A_241 = arith.constant 0 : i32
      %dma_wait3A_242 = arith.constant 0 : i32
      %dma_wait3A_243 = tpu.memref_slice %arg9[%dma_wait3A_241, %dma_wait3A_242] : memref<10000x128xf32, #tpu.memory_space<vmem_shared>> -> memref<10000x128xf32, #tpu.memory_space<vmem_shared>>
      %dma_wait3A_244 = tpu.memref_slice %arg11[%dma_wait3A_233] : memref<2x!tpu.dma_semaphore, #tpu.memory_space<semaphore_mem>> -> memref<1x!tpu.dma_semaphore, #tpu.memory_space<semaphore_mem>>
      %dma_wait3A_245 = tpu.memref_squeeze %dma_wait3A_244 : memref<1x!tpu.dma_semaphore, #tpu.memory_space<semaphore_mem>> -> memref<!tpu.dma_semaphore, #tpu.memory_space<semaphore_mem>>
      tpu.wait_indirect_dma semaphore(%dma_wait3A_245 : memref<!tpu.dma_semaphore, #tpu.memory_space<semaphore_mem>>) src(%dma_wait3A_243 : memref<10000x128xf32, #tpu.memory_space<vmem_shared>>) dst(%dma_wait3A_237 : memref<32x128xf32, #tpu.memory_space<vmem>>)
      %dma_start3A_246 = arith.constant 1 : i32
      %dma_start3A_247 = arith.constant 1 : i32
      %dma_start3A_248 = arith.constant 1 : i32
      %dma_start3A_249 = arith.constant 0 : i32
      %dma_start3A_250 = arith.constant 0 : i32
      %dma_start3A_251 = tpu.memref_slice %arg8[%dma_start3A_246, %dma_start3A_249, %dma_start3A_250] : memref<2x32x128xf32, #tpu.memory_space<vmem>> -> memref<1x32x128xf32, #tpu.memory_space<vmem>>
      %dma_start3A_252 = tpu.memref_squeeze %dma_start3A_251 : memref<1x32x128xf32, #tpu.memory_space<vmem>> -> memref<32x128xf32, #tpu.memory_space<vmem>>
      %dma_start3A_253 = arith.constant 0 : i32
      %dma_start3A_254 = tpu.memref_slice %arg7[%select_n3A_72, %dma_start3A_247, %dma_start3A_253] : memref<2x2x32xi32, #tpu.memory_space<vmem>> -> memref<1x1x32xi32, #tpu.memory_space<vmem>>
      %dma_start3A_255 = tpu.memref_squeeze %dma_start3A_254 : memref<1x1x32xi32, #tpu.memory_space<vmem>> -> memref<32xi32, #tpu.memory_space<vmem>>
      %dma_start3A_256 = arith.constant 0 : i32
      %dma_start3A_257 = arith.constant 0 : i32
      %dma_start3A_258 = tpu.memref_slice %arg10[%dma_start3A_256, %dma_start3A_257] : memref<5120x128xf32, #tpu.memory_space<vmem_shared>> -> memref<5120x128xf32, #tpu.memory_space<vmem_shared>>
      %dma_start3A_259 = tpu.memref_slice %arg12[%dma_start3A_248] : memref<2x!tpu.dma_semaphore, #tpu.memory_space<semaphore_mem>> -> memref<1x!tpu.dma_semaphore, #tpu.memory_space<semaphore_mem>>
      %dma_start3A_260 = tpu.memref_squeeze %dma_start3A_259 : memref<1x!tpu.dma_semaphore, #tpu.memory_space<semaphore_mem>> -> memref<!tpu.dma_semaphore, #tpu.memory_space<semaphore_mem>>
      tpu.enqueue_indirect_dma source(%dma_start3A_252 : memref<32x128xf32, #tpu.memory_space<vmem>>) target(%dma_start3A_258 : memref<5120x128xf32, #tpu.memory_space<vmem_shared>>) offsets(%dma_start3A_255 : memref<32xi32, #tpu.memory_space<vmem>>) semaphore(%dma_start3A_260 : memref<!tpu.dma_semaphore, #tpu.memory_space<semaphore_mem>>) {add = true}
    }
    %scan3A_25 = arith.constant 320 : i32
    %dma_wait3A = arith.constant 0 : i32
    %dma_wait3A_26 = arith.constant 1 : i32
    %dma_wait3A_27 = arith.constant 0 : i32
    %dma_wait3A_28 = arith.constant 0 : i32
    %dma_wait3A_29 = arith.constant 0 : i32
    %dma_wait3A_30 = arith.constant 0 : i32
    %dma_wait3A_31 = tpu.memref_slice %arg8[%dma_wait3A, %dma_wait3A_29, %dma_wait3A_30] : memref<2x32x128xf32, #tpu.memory_space<vmem>> -> memref<1x32x128xf32, #tpu.memory_space<vmem>>
    %dma_wait3A_32 = tpu.memref_squeeze %dma_wait3A_31 : memref<1x32x128xf32, #tpu.memory_space<vmem>> -> memref<32x128xf32, #tpu.memory_space<vmem>>
    %dma_wait3A_33 = arith.constant 0 : i32
    %dma_wait3A_34 = tpu.memref_slice %arg7[%dma_wait3A_26, %dma_wait3A_27, %dma_wait3A_33] : memref<2x2x32xi32, #tpu.memory_space<vmem>> -> memref<1x1x32xi32, #tpu.memory_space<vmem>>
    %dma_wait3A_35 = tpu.memref_squeeze %dma_wait3A_34 : memref<1x1x32xi32, #tpu.memory_space<vmem>> -> memref<32xi32, #tpu.memory_space<vmem>>
    %dma_wait3A_36 = arith.constant 0 : i32
    %dma_wait3A_37 = arith.constant 0 : i32
    %dma_wait3A_38 = tpu.memref_slice %arg10[%dma_wait3A_36, %dma_wait3A_37] : memref<5120x128xf32, #tpu.memory_space<vmem_shared>> -> memref<5120x128xf32, #tpu.memory_space<vmem_shared>>
    %dma_wait3A_39 = tpu.memref_slice %arg12[%dma_wait3A_28] : memref<2x!tpu.dma_semaphore, #tpu.memory_space<semaphore_mem>> -> memref<1x!tpu.dma_semaphore, #tpu.memory_space<semaphore_mem>>
    %dma_wait3A_40 = tpu.memref_squeeze %dma_wait3A_39 : memref<1x!tpu.dma_semaphore, #tpu.memory_space<semaphore_mem>> -> memref<!tpu.dma_semaphore, #tpu.memory_space<semaphore_mem>>
    tpu.wait_indirect_dma semaphore(%dma_wait3A_40 : memref<!tpu.dma_semaphore, #tpu.memory_space<semaphore_mem>>) src(%dma_wait3A_32 : memref<32x128xf32, #tpu.memory_space<vmem>>) dst(%dma_wait3A_38 : memref<5120x128xf32, #tpu.memory_space<vmem_shared>>)
    %dma_wait3A_41 = arith.constant 1 : i32
    %dma_wait3A_42 = arith.constant 1 : i32
    %dma_wait3A_43 = arith.constant 1 : i32
    %dma_wait3A_44 = arith.constant 1 : i32
    %dma_wait3A_45 = arith.constant 0 : i32
    %dma_wait3A_46 = arith.constant 0 : i32
    %dma_wait3A_47 = tpu.memref_slice %arg8[%dma_wait3A_41, %dma_wait3A_45, %dma_wait3A_46] : memref<2x32x128xf32, #tpu.memory_space<vmem>> -> memref<1x32x128xf32, #tpu.memory_space<vmem>>
    %dma_wait3A_48 = tpu.memref_squeeze %dma_wait3A_47 : memref<1x32x128xf32, #tpu.memory_space<vmem>> -> memref<32x128xf32, #tpu.memory_space<vmem>>
    %dma_wait3A_49 = arith.constant 0 : i32
    %dma_wait3A_50 = tpu.memref_slice %arg7[%dma_wait3A_42, %dma_wait3A_43, %dma_wait3A_49] : memref<2x2x32xi32, #tpu.memory_space<vmem>> -> memref<1x1x32xi32, #tpu.memory_space<vmem>>
    %dma_wait3A_51 = tpu.memref_squeeze %dma_wait3A_50 : memref<1x1x32xi32, #tpu.memory_space<vmem>> -> memref<32xi32, #tpu.memory_space<vmem>>
    %dma_wait3A_52 = arith.constant 0 : i32
    %dma_wait3A_53 = arith.constant 0 : i32
    %dma_wait3A_54 = tpu.memref_slice %arg10[%dma_wait3A_52, %dma_wait3A_53] : memref<5120x128xf32, #tpu.memory_space<vmem_shared>> -> memref<5120x128xf32, #tpu.memory_space<vmem_shared>>
    %dma_wait3A_55 = tpu.memref_slice %arg12[%dma_wait3A_44] : memref<2x!tpu.dma_semaphore, #tpu.memory_space<semaphore_mem>> -> memref<1x!tpu.dma_semaphore, #tpu.memory_space<semaphore_mem>>
    %dma_wait3A_56 = tpu.memref_squeeze %dma_wait3A_55 : memref<1x!tpu.dma_semaphore, #tpu.memory_space<semaphore_mem>> -> memref<!tpu.dma_semaphore, #tpu.memory_space<semaphore_mem>>
    tpu.wait_indirect_dma semaphore(%dma_wait3A_56 : memref<!tpu.dma_semaphore, #tpu.memory_space<semaphore_mem>>) src(%dma_wait3A_48 : memref<32x128xf32, #tpu.memory_space<vmem>>) dst(%dma_wait3A_54 : memref<5120x128xf32, #tpu.memory_space<vmem_shared>>)
    %barrier3A_57 = arith.constant 0 : index
    tpu.barrier barrier_id(%barrier3A_57)
    %mul3A_58 = arith.constant 320 : i32
    %mul3A_59 = arith.muli %arg1, %mul3A_58 : i32
    %mul3A_60 = arith.constant 320 : i32
    %mul3A_61 = arith.muli %arg1, %mul3A_60 : i32
    "tpu.region"() ({
      %run_scoped3A_62 = tpu.sem_alloc : memref<!tpu.dma_semaphore, #tpu.memory_space<semaphore_mem>>
      %dma_start3A = arith.constant 0 : i32
      %dma_start3A_63 = tpu.memref_slice %arg5[%arg0, %mul3A_61, %dma_start3A] : memref<2x5120x128xf32, #tpu.memory_space<hbm>> -> memref<1x320x128xf32, #tpu.memory_space<hbm>>
      %dma_start3A_64 = tpu.memref_squeeze %dma_start3A_63 : memref<1x320x128xf32, #tpu.memory_space<hbm>> -> memref<320x128xf32, #tpu.memory_space<hbm>>
      %dma_start3A_65 = arith.constant 0 : i32
      %dma_start3A_66 = tpu.memref_slice %arg10[%mul3A_59, %dma_start3A_65] : memref<5120x128xf32, #tpu.memory_space<vmem_shared>> -> memref<320x128xf32, #tpu.memory_space<vmem_shared>>
      tpu.enqueue_dma source(%dma_start3A_66 : memref<320x128xf32, #tpu.memory_space<vmem_shared>>) target(%dma_start3A_64 : memref<320x128xf32, #tpu.memory_space<hbm>>) target_semaphore(%run_scoped3A_62 : memref<!tpu.dma_semaphore, #tpu.memory_space<semaphore_mem>>)
      %dma_wait3A_67 = arith.constant 0 : i32
      %dma_wait3A_68 = tpu.memref_slice %arg5[%arg0, %mul3A_61, %dma_wait3A_67] : memref<2x5120x128xf32, #tpu.memory_space<hbm>> -> memref<1x320x128xf32, #tpu.memory_space<hbm>>
      %dma_wait3A_69 = tpu.memref_squeeze %dma_wait3A_68 : memref<1x320x128xf32, #tpu.memory_space<hbm>> -> memref<320x128xf32, #tpu.memory_space<hbm>>
      %dma_wait3A_70 = arith.constant 0 : i32
      %dma_wait3A_71 = tpu.memref_slice %arg10[%mul3A_59, %dma_wait3A_70] : memref<5120x128xf32, #tpu.memory_space<vmem_shared>> -> memref<320x128xf32, #tpu.memory_space<vmem_shared>>
      tpu.wait_dma2 semaphore(%run_scoped3A_62 : memref<!tpu.dma_semaphore, #tpu.memory_space<semaphore_mem>>) src(%dma_wait3A_71 : memref<320x128xf32, #tpu.memory_space<vmem_shared>>) dst(%dma_wait3A_69 : memref<320x128xf32, #tpu.memory_space<hbm>>)
      tpu.yield
    }) : () -> ()
    return
  }
}

#map = affine_map<(d0, d1) -> (0, 0)>
#map1 = affine_map<(d0, d1) -> (0, 0, 0)>
module attributes {stable_mosaic.version = 14 : i64} {
  func.func @_embed_sc(%arg0: i32, %arg1: i32, %arg2: memref<100000x128xf32, #tpu.memory_space<hbm>>, %arg3: memref<32x3x128xi32, #tpu.memory_space<hbm>>, %arg4: memref<12288x128xf32, #tpu.memory_space<hbm>>, %arg5: memref<3x128xi32, #tpu.memory_space<vmem>>, %arg6: memref<128x128xf32, #tpu.memory_space<vmem>>) attributes {dimension_semantics = [#tpu.dimension_semantics<core_parallel>, #tpu.dimension_semantics<subcore_parallel>], iteration_bounds = array<i64: 2, 16>, scalar_prefetch = 0 : i64, scratch_operands = 2 : i64, tpu.core_type = #tpu.core_type<sc_vector_subcore>, window_params = [{transform_indices = #map}, {transform_indices = #map1}, {transform_indices = #map}]} {
    %mul3A = arith.constant 16 : i32
    %mul3A_0 = arith.muli %arg0, %mul3A : i32
    %add3A = arith.addi %mul3A_0, %arg1 : i32
    "tpu.region"() ({
      %run_scoped3A = tpu.sem_alloc : memref<!tpu.dma_semaphore, #tpu.memory_space<semaphore_mem>>
      %dma_start3A = arith.constant 0 : i32
      %dma_start3A_6 = arith.constant 0 : i32
      %dma_start3A_7 = tpu.memref_slice %arg3[%add3A, %dma_start3A, %dma_start3A_6] : memref<32x3x128xi32, #tpu.memory_space<hbm>> -> memref<1x3x128xi32, #tpu.memory_space<hbm>>
      %dma_start3A_8 = tpu.memref_squeeze %dma_start3A_7 : memref<1x3x128xi32, #tpu.memory_space<hbm>> -> memref<3x128xi32, #tpu.memory_space<hbm>>
      %dma_start3A_9 = arith.constant 0 : i32
      %dma_start3A_10 = arith.constant 0 : i32
      %dma_start3A_11 = tpu.memref_slice %arg3[%add3A, %dma_start3A_9, %dma_start3A_10] : memref<32x3x128xi32, #tpu.memory_space<hbm>> -> memref<1x3x128xi32, #tpu.memory_space<hbm>>
      %dma_start3A_12 = tpu.memref_squeeze %dma_start3A_11 : memref<1x3x128xi32, #tpu.memory_space<hbm>> -> memref<3x128xi32, #tpu.memory_space<hbm>>
      tpu.enqueue_dma source(%dma_start3A_12 : memref<3x128xi32, #tpu.memory_space<hbm>>) target(%arg5 : memref<3x128xi32, #tpu.memory_space<vmem>>) target_semaphore(%run_scoped3A : memref<!tpu.dma_semaphore, #tpu.memory_space<semaphore_mem>>)
      %dma_wait3A = arith.constant 0 : i32
      %dma_wait3A_13 = arith.constant 0 : i32
      %dma_wait3A_14 = tpu.memref_slice %arg3[%add3A, %dma_wait3A, %dma_wait3A_13] : memref<32x3x128xi32, #tpu.memory_space<hbm>> -> memref<1x3x128xi32, #tpu.memory_space<hbm>>
      %dma_wait3A_15 = tpu.memref_squeeze %dma_wait3A_14 : memref<1x3x128xi32, #tpu.memory_space<hbm>> -> memref<3x128xi32, #tpu.memory_space<hbm>>
      %dma_wait3A_16 = arith.constant 0 : i32
      %dma_wait3A_17 = arith.constant 0 : i32
      %dma_wait3A_18 = tpu.memref_slice %arg3[%add3A, %dma_wait3A_16, %dma_wait3A_17] : memref<32x3x128xi32, #tpu.memory_space<hbm>> -> memref<1x3x128xi32, #tpu.memory_space<hbm>>
      %dma_wait3A_19 = tpu.memref_squeeze %dma_wait3A_18 : memref<1x3x128xi32, #tpu.memory_space<hbm>> -> memref<3x128xi32, #tpu.memory_space<hbm>>
      tpu.wait_dma2 semaphore(%run_scoped3A : memref<!tpu.dma_semaphore, #tpu.memory_space<semaphore_mem>>) src(%dma_wait3A_19 : memref<3x128xi32, #tpu.memory_space<hbm>>) dst(%arg5 : memref<3x128xi32, #tpu.memory_space<vmem>>)
      tpu.yield
    }) : () -> ()
    %scan3A = arith.constant 0 : i32
    %scan3A_1 = arith.constant 0 : i32
    %scan3A_2 = arith.constant 3 : i32
    %scan3A_3 = arith.addi %scan3A_1, %scan3A_2 : i32
    %scan3A_4 = arith.constant 1 : i32
    scf.for %scan3A_6 = %scan3A_1 to %scan3A_3 step %scan3A_4  : i32 {
      "tpu.region"() ({
        %run_scoped3A = tpu.sem_alloc : memref<!tpu.dma_semaphore, #tpu.memory_space<semaphore_mem>>
        %dma_start3A = arith.constant 0 : i32
        %dma_start3A_14 = tpu.memref_slice %arg5[%scan3A_6, %dma_start3A] : memref<3x128xi32, #tpu.memory_space<vmem>> -> memref<1x128xi32, #tpu.memory_space<vmem>>
        %dma_start3A_15 = tpu.memref_squeeze %dma_start3A_14 : memref<1x128xi32, #tpu.memory_space<vmem>> -> memref<128xi32, #tpu.memory_space<vmem>>
        %dma_start3A_16 = arith.constant 0 : i32
        %dma_start3A_17 = arith.constant 0 : i32
        %dma_start3A_18 = tpu.memref_slice %arg2[%dma_start3A_16, %dma_start3A_17] : memref<100000x128xf32, #tpu.memory_space<hbm>> -> memref<100000x128xf32, #tpu.memory_space<hbm>>
        tpu.enqueue_indirect_dma source(%dma_start3A_18 : memref<100000x128xf32, #tpu.memory_space<hbm>>) target(%arg6 : memref<128x128xf32, #tpu.memory_space<vmem>>) offsets(%dma_start3A_15 : memref<128xi32, #tpu.memory_space<vmem>>) semaphore(%run_scoped3A : memref<!tpu.dma_semaphore, #tpu.memory_space<semaphore_mem>>)
        %dma_wait3A = arith.constant 0 : i32
        %dma_wait3A_19 = tpu.memref_slice %arg5[%scan3A_6, %dma_wait3A] : memref<3x128xi32, #tpu.memory_space<vmem>> -> memref<1x128xi32, #tpu.memory_space<vmem>>
        %dma_wait3A_20 = tpu.memref_squeeze %dma_wait3A_19 : memref<1x128xi32, #tpu.memory_space<vmem>> -> memref<128xi32, #tpu.memory_space<vmem>>
        %dma_wait3A_21 = arith.constant 0 : i32
        %dma_wait3A_22 = arith.constant 0 : i32
        %dma_wait3A_23 = tpu.memref_slice %arg2[%dma_wait3A_21, %dma_wait3A_22] : memref<100000x128xf32, #tpu.memory_space<hbm>> -> memref<100000x128xf32, #tpu.memory_space<hbm>>
        tpu.wait_indirect_dma semaphore(%run_scoped3A : memref<!tpu.dma_semaphore, #tpu.memory_space<semaphore_mem>>) src(%dma_wait3A_23 : memref<100000x128xf32, #tpu.memory_space<hbm>>) dst(%arg6 : memref<128x128xf32, #tpu.memory_space<vmem>>)
        tpu.yield
      }) : () -> ()
      %mul3A_7 = arith.constant 3 : i32
      %mul3A_8 = arith.muli %add3A, %mul3A_7 : i32
      %mul3A_9 = arith.constant 128 : i32
      %mul3A_10 = arith.muli %mul3A_8, %mul3A_9 : i32
      %mul3A_11 = arith.constant 128 : i32
      %mul3A_12 = arith.muli %scan3A_6, %mul3A_11 : i32
      %add3A_13 = arith.addi %mul3A_10, %mul3A_12 : i32
      "tpu.region"() ({
        %run_scoped3A = tpu.sem_alloc : memref<!tpu.dma_semaphore, #tpu.memory_space<semaphore_mem>>
        %dma_start3A = arith.constant 0 : i32
        %dma_start3A_14 = tpu.memref_slice %arg4[%add3A_13, %dma_start3A] : memref<12288x128xf32, #tpu.memory_space<hbm>> -> memref<128x128xf32, #tpu.memory_space<hbm>>
        %dma_start3A_15 = arith.constant 0 : i32
        %dma_start3A_16 = tpu.memref_slice %arg4[%add3A_13, %dma_start3A_15] : memref<12288x128xf32, #tpu.memory_space<hbm>> -> memref<128x128xf32, #tpu.memory_space<hbm>>
        tpu.enqueue_dma source(%arg6 : memref<128x128xf32, #tpu.memory_space<vmem>>) target(%dma_start3A_16 : memref<128x128xf32, #tpu.memory_space<hbm>>) target_semaphore(%run_scoped3A : memref<!tpu.dma_semaphore, #tpu.memory_space<semaphore_mem>>)
        %dma_wait3A = arith.constant 0 : i32
        %dma_wait3A_17 = tpu.memref_slice %arg4[%add3A_13, %dma_wait3A] : memref<12288x128xf32, #tpu.memory_space<hbm>> -> memref<128x128xf32, #tpu.memory_space<hbm>>
        %dma_wait3A_18 = arith.constant 0 : i32
        %dma_wait3A_19 = tpu.memref_slice %arg4[%add3A_13, %dma_wait3A_18] : memref<12288x128xf32, #tpu.memory_space<hbm>> -> memref<128x128xf32, #tpu.memory_space<hbm>>
        tpu.wait_dma2 semaphore(%run_scoped3A : memref<!tpu.dma_semaphore, #tpu.memory_space<semaphore_mem>>) src(%arg6 : memref<128x128xf32, #tpu.memory_space<vmem>>) dst(%dma_wait3A_19 : memref<128x128xf32, #tpu.memory_space<hbm>>)
        tpu.yield
      }) : () -> ()
    }
    %scan3A_5 = arith.constant 3 : i32
    return
  }
}

#map = affine_map<(d0, d1) -> (0, 0)>
#map1 = affine_map<(d0, d1) -> (0, 0, 0)>
#map2 = affine_map<(d0, d1) -> (0, 0, 0, 0)>
module attributes {stable_mosaic.version = 14 : i64} {
  func.func @_segment_sc(%arg0: i32, %arg1: i32, %arg2: memref<10000x128xf32, #tpu.memory_space<hbm>>, %arg3: memref<5120x2x32xi32, #tpu.memory_space<hbm>>, %arg4: memref<2x5120x2x32xi32, #tpu.memory_space<hbm>>, %arg5: memref<2x5120x128xf32, #tpu.memory_space<hbm>>, %arg6: memref<2x2x32xi32, #tpu.memory_space<vmem>>, %arg7: memref<2x2x32xi32, #tpu.memory_space<vmem>>, %arg8: memref<2x32x128xf32, #tpu.memory_space<vmem>>, %arg9: memref<10000x128xf32, #tpu.memory_space<vmem_shared>>, %arg10: memref<5120x128xf32, #tpu.memory_space<vmem_shared>>, %arg11: memref<2x!tpu.dma_semaphore, #tpu.memory_space<semaphore_mem>>, %arg12: memref<2x!tpu.dma_semaphore, #tpu.memory_space<semaphore_mem>>, %arg13: memref<!tpu.dma_semaphore, #tpu.memory_space<semaphore_mem>>) attributes {dimension_semantics = [#tpu.dimension_semantics<core_parallel>, #tpu.dimension_semantics<subcore_parallel>], iteration_bounds = array<i64: 2, 16>, scalar_prefetch = 0 : i64, scratch_operands = 8 : i64, tpu.core_type = #tpu.core_type<sc_vector_subcore>, window_params = [{transform_indices = #map}, {transform_indices = #map1}, {transform_indices = #map2}, {transform_indices = #map1}]} {
    %lt3A = arith.constant 15 : i32
    %lt3A_0 = arith.cmpi slt, %arg1, %lt3A : i32
    %convert_element_type3A = arith.extui %lt3A_0 : i1 to i32
    %cond3A = arith.constant 0 : i32
    %cond3A_1 = arith.cmpi ne, %convert_element_type3A, %cond3A : i32
    scf.if %cond3A_1 {
      %mul3A_62 = arith.constant 640 : i32
      %mul3A_63 = arith.muli %arg1, %mul3A_62 : i32
      %mul3A_64 = arith.constant 640 : i32
      %mul3A_65 = arith.muli %arg1, %mul3A_64 : i32
      "tpu.region"() ({
        %run_scoped3A_66 = tpu.sem_alloc : memref<!tpu.dma_semaphore, #tpu.memory_space<semaphore_mem>>
        %dma_start3A = arith.constant 0 : i32
        %dma_start3A_67 = tpu.memref_slice %arg9[%mul3A_65, %dma_start3A] : memref<10000x128xf32, #tpu.memory_space<vmem_shared>> -> memref<640x128xf32, #tpu.memory_space<vmem_shared>>
        %dma_start3A_68 = arith.constant 0 : i32
        %dma_start3A_69 = tpu.memref_slice %arg2[%mul3A_63, %dma_start3A_68] : memref<10000x128xf32, #tpu.memory_space<hbm>> -> memref<640x128xf32, #tpu.memory_space<hbm>>
        tpu.enqueue_dma source(%dma_start3A_69 : memref<640x128xf32, #tpu.memory_space<hbm>>) target(%dma_start3A_67 : memref<640x128xf32, #tpu.memory_space<vmem_shared>>) target_semaphore(%run_scoped3A_66 : memref<!tpu.dma_semaphore, #tpu.memory_space<semaphore_mem>>)
        %dma_wait3A_70 = arith.constant 0 : i32
        %dma_wait3A_71 = tpu.memref_slice %arg9[%mul3A_65, %dma_wait3A_70] : memref<10000x128xf32, #tpu.memory_space<vmem_shared>> -> memref<640x128xf32, #tpu.memory_space<vmem_shared>>
        %dma_wait3A_72 = arith.constant 0 : i32
        %dma_wait3A_73 = tpu.memref_slice %arg2[%mul3A_63, %dma_wait3A_72] : memref<10000x128xf32, #tpu.memory_space<hbm>> -> memref<640x128xf32, #tpu.memory_space<hbm>>
        tpu.wait_dma2 semaphore(%run_scoped3A_66 : memref<!tpu.dma_semaphore, #tpu.memory_space<semaphore_mem>>) src(%dma_wait3A_73 : memref<640x128xf32, #tpu.memory_space<hbm>>) dst(%dma_wait3A_71 : memref<640x128xf32, #tpu.memory_space<vmem_shared>>)
        tpu.yield
      }) : () -> ()
    } else {
    }
    %eq3A = arith.constant 15 : i32
    %eq3A_2 = arith.cmpi eq, %arg1, %eq3A : i32
    %convert_element_type3A_3 = arith.extui %eq3A_2 : i1 to i32
    %cond3A_4 = arith.constant 0 : i32
    %cond3A_5 = arith.cmpi ne, %convert_element_type3A_3, %cond3A_4 : i32
    scf.if %cond3A_5 {
      "tpu.region"() ({
        %run_scoped3A_62 = tpu.sem_alloc : memref<!tpu.dma_semaphore, #tpu.memory_space<semaphore_mem>>
        %dma_start3A = arith.constant 9600 : i32
        %dma_start3A_63 = arith.constant 0 : i32
        %dma_start3A_64 = tpu.memref_slice %arg9[%dma_start3A, %dma_start3A_63] : memref<10000x128xf32, #tpu.memory_space<vmem_shared>> -> memref<400x128xf32, #tpu.memory_space<vmem_shared>>
        %dma_start3A_65 = arith.constant 9600 : i32
        %dma_start3A_66 = arith.constant 0 : i32
        %dma_start3A_67 = tpu.memref_slice %arg2[%dma_start3A_65, %dma_start3A_66] : memref<10000x128xf32, #tpu.memory_space<hbm>> -> memref<400x128xf32, #tpu.memory_space<hbm>>
        tpu.enqueue_dma source(%dma_start3A_67 : memref<400x128xf32, #tpu.memory_space<hbm>>) target(%dma_start3A_64 : memref<400x128xf32, #tpu.memory_space<vmem_shared>>) target_semaphore(%run_scoped3A_62 : memref<!tpu.dma_semaphore, #tpu.memory_space<semaphore_mem>>)
        %dma_wait3A_68 = arith.constant 9600 : i32
        %dma_wait3A_69 = arith.constant 0 : i32
        %dma_wait3A_70 = tpu.memref_slice %arg9[%dma_wait3A_68, %dma_wait3A_69] : memref<10000x128xf32, #tpu.memory_space<vmem_shared>> -> memref<400x128xf32, #tpu.memory_space<vmem_shared>>
        %dma_wait3A_71 = arith.constant 9600 : i32
        %dma_wait3A_72 = arith.constant 0 : i32
        %dma_wait3A_73 = tpu.memref_slice %arg2[%dma_wait3A_71, %dma_wait3A_72] : memref<10000x128xf32, #tpu.memory_space<hbm>> -> memref<400x128xf32, #tpu.memory_space<hbm>>
        tpu.wait_dma2 semaphore(%run_scoped3A_62 : memref<!tpu.dma_semaphore, #tpu.memory_space<semaphore_mem>>) src(%dma_wait3A_73 : memref<400x128xf32, #tpu.memory_space<hbm>>) dst(%dma_wait3A_70 : memref<400x128xf32, #tpu.memory_space<vmem_shared>>)
        tpu.yield
      }) : () -> ()
    } else {
    }
    %broadcast_in_dim3A = arith.constant 0.000000e+00 : f32
    %broadcast_in_dim3A_6 = vector.broadcast %broadcast_in_dim3A : f32 to vector<16xf32>
    %scan3A = arith.constant 0 : i32
    %scan3A_7 = arith.constant 0 : i32
    %scan3A_8 = arith.constant 32 : i32
    %scan3A_9 = arith.addi %scan3A_7, %scan3A_8 : i32
    %scan3A_10 = arith.constant 1 : i32
    scf.for %scan3A_62 = %scan3A_7 to %scan3A_9 step %scan3A_10  : i32 {
      %scan3A_63 = arith.constant 0 : i32
      %scan3A_64 = arith.constant 8 : i32
      %scan3A_65 = arith.addi %scan3A_63, %scan3A_64 : i32
      %scan3A_66 = arith.constant 1 : i32
      scf.for %scan3A_68 = %scan3A_63 to %scan3A_65 step %scan3A_66  : i32 {
        %mul3A_69 = arith.constant 16 : i32
        %mul3A_70 = arith.muli %scan3A_68, %mul3A_69 : i32
        %swap3A = arith.constant 0 : i32
        %swap3A_71 = arith.index_cast %swap3A : i32 to index
        %swap3A_72 = arith.index_cast %scan3A_62 : i32 to index
        %swap3A_73 = arith.index_cast %mul3A_70 : i32 to index
        %swap3A_74 = tpu.vector_load %arg8[%swap3A_71, %swap3A_72, %swap3A_73] {strides = array<i32>} : memref<2x32x128xf32, #tpu.memory_space<vmem>>, vector<1x1x16xf32>,
        %swap3A_75 = vector.shape_cast %swap3A_74 : vector<1x1x16xf32> to vector<16xf32>
        %swap3A_76 = vector.shape_cast %broadcast_in_dim3A_6 : vector<16xf32> to vector<1x1x16xf32>
        tpu.vector_store %arg8[%swap3A_71, %swap3A_72, %swap3A_73], %swap3A_76 {strides = array<i32>} : memref<2x32x128xf32, #tpu.memory_space<vmem>>, vector<1x1x16xf32>,
      }
      %scan3A_67 = arith.constant 8 : i32
    }
    %scan3A_11 = arith.constant 32 : i32
    %scan3A_12 = arith.constant 0 : i32
    %scan3A_13 = arith.constant 0 : i32
    %scan3A_14 = arith.constant 10 : i32
    %scan3A_15 = arith.addi %scan3A_13, %scan3A_14 : i32
    %scan3A_16 = arith.constant 1 : i32
    scf.for %scan3A_62 = %scan3A_13 to %scan3A_15 step %scan3A_16  : i32 {
      %mul3A_63 = arith.constant 10 : i32
      %mul3A_64 = arith.muli %arg1, %mul3A_63 : i32
      %add3A = arith.addi %mul3A_64, %scan3A_62 : i32
      %mul3A_65 = arith.constant 32 : i32
      %mul3A_66 = arith.muli %add3A, %mul3A_65 : i32
      %run_scoped3A_67 = arith.constant 0 : i32
      "tpu.region"() ({
        %run_scoped3A_68 = tpu.sem_alloc : memref<!tpu.dma_semaphore, #tpu.memory_space<semaphore_mem>>
        %dma_start3A = arith.constant 0 : i32
        %dma_start3A_69 = arith.constant 0 : i32
        %dma_start3A_70 = tpu.memref_slice %arg8[%run_scoped3A_67, %dma_start3A, %dma_start3A_69] : memref<2x32x128xf32, #tpu.memory_space<vmem>> -> memref<1x32x128xf32, #tpu.memory_space<vmem>>
        %dma_start3A_71 = tpu.memref_squeeze %dma_start3A_70 : memref<1x32x128xf32, #tpu.memory_space<vmem>> -> memref<32x128xf32, #tpu.memory_space<vmem>>
        %dma_start3A_72 = arith.constant 0 : i32
        %dma_start3A_73 = tpu.memref_slice %arg10[%mul3A_66, %dma_start3A_72] : memref<5120x128xf32, #tpu.memory_space<vmem_shared>> -> memref<32x128xf32, #tpu.memory_space<vmem_shared>>
        %dma_start3A_74 = arith.constant 0 : i32
        %dma_start3A_75 = tpu.memref_slice %arg10[%mul3A_66, %dma_start3A_74] : memref<5120x128xf32, #tpu.memory_space<vmem_shared>> -> memref<32x128xf32, #tpu.memory_space<vmem_shared>>
        %dma_start3A_76 = arith.constant 0 : i32
        %dma_start3A_77 = arith.constant 0 : i32
        %dma_start3A_78 = tpu.memref_slice %arg8[%run_scoped3A_67, %dma_start3A_76, %dma_start3A_77] : memref<2x32x128xf32, #tpu.memory_space<vmem>> -> memref<1x32x128xf32, #tpu.memory_space<vmem>>
        %dma_start3A_79 = tpu.memref_squeeze %dma_start3A_78 : memref<1x32x128xf32, #tpu.memory_space<vmem>> -> memref<32x128xf32, #tpu.memory_space<vmem>>
        tpu.enqueue_dma source(%dma_start3A_79 : memref<32x128xf32, #tpu.memory_space<vmem>>) target(%dma_start3A_75 : memref<32x128xf32, #tpu.memory_space<vmem_shared>>) target_semaphore(%run_scoped3A_68 : memref<!tpu.dma_semaphore, #tpu.memory_space<semaphore_mem>>)
        %dma_wait3A_80 = arith.constant 0 : i32
        %dma_wait3A_81 = arith.constant 0 : i32
        %dma_wait3A_82 = tpu.memref_slice %arg8[%run_scoped3A_67, %dma_wait3A_80, %dma_wait3A_81] : memref<2x32x128xf32, #tpu.memory_space<vmem>> -> memref<1x32x128xf32, #tpu.memory_space<vmem>>
        %dma_wait3A_83 = tpu.memref_squeeze %dma_wait3A_82 : memref<1x32x128xf32, #tpu.memory_space<vmem>> -> memref<32x128xf32, #tpu.memory_space<vmem>>
        %dma_wait3A_84 = arith.constant 0 : i32
        %dma_wait3A_85 = tpu.memref_slice %arg10[%mul3A_66, %dma_wait3A_84] : memref<5120x128xf32, #tpu.memory_space<vmem_shared>> -> memref<32x128xf32, #tpu.memory_space<vmem_shared>>
        %dma_wait3A_86 = arith.constant 0 : i32
        %dma_wait3A_87 = tpu.memref_slice %arg10[%mul3A_66, %dma_wait3A_86] : memref<5120x128xf32, #tpu.memory_space<vmem_shared>> -> memref<32x128xf32, #tpu.memory_space<vmem_shared>>
        %dma_wait3A_88 = arith.constant 0 : i32
        %dma_wait3A_89 = arith.constant 0 : i32
        %dma_wait3A_90 = tpu.memref_slice %arg8[%run_scoped3A_67, %dma_wait3A_88, %dma_wait3A_89] : memref<2x32x128xf32, #tpu.memory_space<vmem>> -> memref<1x32x128xf32, #tpu.memory_space<vmem>>
        %dma_wait3A_91 = tpu.memref_squeeze %dma_wait3A_90 : memref<1x32x128xf32, #tpu.memory_space<vmem>> -> memref<32x128xf32, #tpu.memory_space<vmem>>
        tpu.wait_dma2 semaphore(%run_scoped3A_68 : memref<!tpu.dma_semaphore, #tpu.memory_space<semaphore_mem>>) src(%dma_wait3A_91 : memref<32x128xf32, #tpu.memory_space<vmem>>) dst(%dma_wait3A_87 : memref<32x128xf32, #tpu.memory_space<vmem_shared>>)
        tpu.yield
      }) : () -> ()
    }
    %scan3A_17 = arith.constant 10 : i32
    %mul3A = arith.constant 320 : i32
    %mul3A_18 = arith.muli %arg1, %mul3A : i32
    %run_scoped3A = arith.constant 0 : i32
    "tpu.region"() ({
      %run_scoped3A_62 = tpu.sem_alloc : memref<!tpu.dma_semaphore, #tpu.memory_space<semaphore_mem>>
      %dma_start3A = arith.constant 0 : i32
      %dma_start3A_63 = arith.constant 0 : i32
      %dma_start3A_64 = tpu.memref_slice %arg6[%run_scoped3A, %dma_start3A, %dma_start3A_63] : memref<2x2x32xi32, #tpu.memory_space<vmem>> -> memref<1x2x32xi32, #tpu.memory_space<vmem>>
      %dma_start3A_65 = tpu.memref_squeeze %dma_start3A_64 : memref<1x2x32xi32, #tpu.memory_space<vmem>> -> memref<2x32xi32, #tpu.memory_space<vmem>>
      %dma_start3A_66 = arith.constant 0 : i32
      %dma_start3A_67 = arith.constant 0 : i32
      %dma_start3A_68 = tpu.memref_slice %arg3[%mul3A_18, %dma_start3A_66, %dma_start3A_67] : memref<5120x2x32xi32, #tpu.memory_space<hbm>> -> memref<1x2x32xi32, #tpu.memory_space<hbm>>
      %dma_start3A_69 = tpu.memref_squeeze %dma_start3A_68 : memref<1x2x32xi32, #tpu.memory_space<hbm>> -> memref<2x32xi32, #tpu.memory_space<hbm>>
      %dma_start3A_70 = arith.constant 0 : i32
      %dma_start3A_71 = arith.constant 0 : i32
      %dma_start3A_72 = tpu.memref_slice %arg6[%run_scoped3A, %dma_start3A_70, %dma_start3A_71] : memref<2x2x32xi32, #tpu.memory_space<vmem>> -> memref<1x2x32xi32, #tpu.memory_space<vmem>>
      %dma_start3A_73 = tpu.memref_squeeze %dma_start3A_72 : memref<1x2x32xi32, #tpu.memory_space<vmem>> -> memref<2x32xi32, #tpu.memory_space<vmem>>
      %dma_start3A_74 = arith.constant 0 : i32
      %dma_start3A_75 = arith.constant 0 : i32
      %dma_start3A_76 = tpu.memref_slice %arg3[%mul3A_18, %dma_start3A_74, %dma_start3A_75] : memref<5120x2x32xi32, #tpu.memory_space<hbm>> -> memref<1x2x32xi32, #tpu.memory_space<hbm>>
      %dma_start3A_77 = tpu.memref_squeeze %dma_start3A_76 : memref<1x2x32xi32, #tpu.memory_space<hbm>> -> memref<2x32xi32, #tpu.memory_space<hbm>>
      tpu.enqueue_dma source(%dma_start3A_77 : memref<2x32xi32, #tpu.memory_space<hbm>>) target(%dma_start3A_73 : memref<2x32xi32, #tpu.memory_space<vmem>>) target_semaphore(%run_scoped3A_62 : memref<!tpu.dma_semaphore, #tpu.memory_space<semaphore_mem>>)
      %dma_wait3A_78 = arith.constant 0 : i32
      %dma_wait3A_79 = arith.constant 0 : i32
      %dma_wait3A_80 = tpu.memref_slice %arg6[%run_scoped3A, %dma_wait3A_78, %dma_wait3A_79] : memref<2x2x32xi32, #tpu.memory_space<vmem>> -> memref<1x2x32xi32, #tpu.memory_space<vmem>>
      %dma_wait3A_81 = tpu.memref_squeeze %dma_wait3A_80 : memref<1x2x32xi32, #tpu.memory_space<vmem>> -> memref<2x32xi32, #tpu.memory_space<vmem>>
      %dma_wait3A_82 = arith.constant 0 : i32
      %dma_wait3A_83 = arith.constant 0 : i32
      %dma_wait3A_84 = tpu.memref_slice %arg3[%mul3A_18, %dma_wait3A_82, %dma_wait3A_83] : memref<5120x2x32xi32, #tpu.memory_space<hbm>> -> memref<1x2x32xi32, #tpu.memory_space<hbm>>
      %dma_wait3A_85 = tpu.memref_squeeze %dma_wait3A_84 : memref<1x2x32xi32, #tpu.memory_space<hbm>> -> memref<2x32xi32, #tpu.memory_space<hbm>>
      %dma_wait3A_86 = arith.constant 0 : i32
      %dma_wait3A_87 = arith.constant 0 : i32
      %dma_wait3A_88 = tpu.memref_slice %arg6[%run_scoped3A, %dma_wait3A_86, %dma_wait3A_87] : memref<2x2x32xi32, #tpu.memory_space<vmem>> -> memref<1x2x32xi32, #tpu.memory_space<vmem>>
      %dma_wait3A_89 = tpu.memref_squeeze %dma_wait3A_88 : memref<1x2x32xi32, #tpu.memory_space<vmem>> -> memref<2x32xi32, #tpu.memory_space<vmem>>
      %dma_wait3A_90 = arith.constant 0 : i32
      %dma_wait3A_91 = arith.constant 0 : i32
      %dma_wait3A_92 = tpu.memref_slice %arg3[%mul3A_18, %dma_wait3A_90, %dma_wait3A_91] : memref<5120x2x32xi32, #tpu.memory_space<hbm>> -> memref<1x2x32xi32, #tpu.memory_space<hbm>>
      %dma_wait3A_93 = tpu.memref_squeeze %dma_wait3A_92 : memref<1x2x32xi32, #tpu.memory_space<hbm>> -> memref<2x32xi32, #tpu.memory_space<hbm>>
      tpu.wait_dma2 semaphore(%run_scoped3A_62 : memref<!tpu.dma_semaphore, #tpu.memory_space<semaphore_mem>>) src(%dma_wait3A_93 : memref<2x32xi32, #tpu.memory_space<hbm>>) dst(%dma_wait3A_89 : memref<2x32xi32, #tpu.memory_space<vmem>>)
      tpu.yield
    }) : () -> ()
    %run_scoped3A_19 = arith.constant 0 : i32
    "tpu.region"() ({
      %run_scoped3A_62 = tpu.sem_alloc : memref<!tpu.dma_semaphore, #tpu.memory_space<semaphore_mem>>
      %dma_start3A = arith.constant 0 : i32
      %dma_start3A_63 = arith.constant 0 : i32
      %dma_start3A_64 = tpu.memref_slice %arg7[%run_scoped3A_19, %dma_start3A, %dma_start3A_63] : memref<2x2x32xi32, #tpu.memory_space<vmem>> -> memref<1x2x32xi32, #tpu.memory_space<vmem>>
      %dma_start3A_65 = tpu.memref_squeeze %dma_start3A_64 : memref<1x2x32xi32, #tpu.memory_space<vmem>> -> memref<2x32xi32, #tpu.memory_space<vmem>>
      %dma_start3A_66 = arith.constant 0 : i32
      %dma_start3A_67 = arith.constant 0 : i32
      %dma_start3A_68 = tpu.memref_slice %arg4[%arg0, %mul3A_18, %dma_start3A_66, %dma_start3A_67] : memref<2x5120x2x32xi32, #tpu.memory_space<hbm>> -> memref<1x1x2x32xi32, #tpu.memory_space<hbm>>
      %dma_start3A_69 = tpu.memref_squeeze %dma_start3A_68 : memref<1x1x2x32xi32, #tpu.memory_space<hbm>> -> memref<2x32xi32, #tpu.memory_space<hbm>>
      %dma_start3A_70 = arith.constant 0 : i32
      %dma_start3A_71 = arith.constant 0 : i32
      %dma_start3A_72 = tpu.memref_slice %arg7[%run_scoped3A_19, %dma_start3A_70, %dma_start3A_71] : memref<2x2x32xi32, #tpu.memory_space<vmem>> -> memref<1x2x32xi32, #tpu.memory_space<vmem>>
      %dma_start3A_73 = tpu.memref_squeeze %dma_start3A_72 : memref<1x2x32xi32, #tpu.memory_space<vmem>> -> memref<2x32xi32, #tpu.memory_space<vmem>>
      %dma_start3A_74 = arith.constant 0 : i32
      %dma_start3A_75 = arith.constant 0 : i32
      %dma_start3A_76 = tpu.memref_slice %arg4[%arg0, %mul3A_18, %dma_start3A_74, %dma_start3A_75] : memref<2x5120x2x32xi32, #tpu.memory_space<hbm>> -> memref<1x1x2x32xi32, #tpu.memory_space<hbm>>
      %dma_start3A_77 = tpu.memref_squeeze %dma_start3A_76 : memref<1x1x2x32xi32, #tpu.memory_space<hbm>> -> memref<2x32xi32, #tpu.memory_space<hbm>>
      tpu.enqueue_dma source(%dma_start3A_77 : memref<2x32xi32, #tpu.memory_space<hbm>>) target(%dma_start3A_73 : memref<2x32xi32, #tpu.memory_space<vmem>>) target_semaphore(%run_scoped3A_62 : memref<!tpu.dma_semaphore, #tpu.memory_space<semaphore_mem>>)
      %dma_wait3A_78 = arith.constant 0 : i32
      %dma_wait3A_79 = arith.constant 0 : i32
      %dma_wait3A_80 = tpu.memref_slice %arg7[%run_scoped3A_19, %dma_wait3A_78, %dma_wait3A_79] : memref<2x2x32xi32, #tpu.memory_space<vmem>> -> memref<1x2x32xi32, #tpu.memory_space<vmem>>
      %dma_wait3A_81 = tpu.memref_squeeze %dma_wait3A_80 : memref<1x2x32xi32, #tpu.memory_space<vmem>> -> memref<2x32xi32, #tpu.memory_space<vmem>>
      %dma_wait3A_82 = arith.constant 0 : i32
      %dma_wait3A_83 = arith.constant 0 : i32
      %dma_wait3A_84 = tpu.memref_slice %arg4[%arg0, %mul3A_18, %dma_wait3A_82, %dma_wait3A_83] : memref<2x5120x2x32xi32, #tpu.memory_space<hbm>> -> memref<1x1x2x32xi32, #tpu.memory_space<hbm>>
      %dma_wait3A_85 = tpu.memref_squeeze %dma_wait3A_84 : memref<1x1x2x32xi32, #tpu.memory_space<hbm>> -> memref<2x32xi32, #tpu.memory_space<hbm>>
      %dma_wait3A_86 = arith.constant 0 : i32
      %dma_wait3A_87 = arith.constant 0 : i32
      %dma_wait3A_88 = tpu.memref_slice %arg7[%run_scoped3A_19, %dma_wait3A_86, %dma_wait3A_87] : memref<2x2x32xi32, #tpu.memory_space<vmem>> -> memref<1x2x32xi32, #tpu.memory_space<vmem>>
      %dma_wait3A_89 = tpu.memref_squeeze %dma_wait3A_88 : memref<1x2x32xi32, #tpu.memory_space<vmem>> -> memref<2x32xi32, #tpu.memory_space<vmem>>
      %dma_wait3A_90 = arith.constant 0 : i32
      %dma_wait3A_91 = arith.constant 0 : i32
      %dma_wait3A_92 = tpu.memref_slice %arg4[%arg0, %mul3A_18, %dma_wait3A_90, %dma_wait3A_91] : memref<2x5120x2x32xi32, #tpu.memory_space<hbm>> -> memref<1x1x2x32xi32, #tpu.memory_space<hbm>>
      %dma_wait3A_93 = tpu.memref_squeeze %dma_wait3A_92 : memref<1x1x2x32xi32, #tpu.memory_space<hbm>> -> memref<2x32xi32, #tpu.memory_space<hbm>>
      tpu.wait_dma2 semaphore(%run_scoped3A_62 : memref<!tpu.dma_semaphore, #tpu.memory_space<semaphore_mem>>) src(%dma_wait3A_93 : memref<2x32xi32, #tpu.memory_space<hbm>>) dst(%dma_wait3A_89 : memref<2x32xi32, #tpu.memory_space<vmem>>)
      tpu.yield
    }) : () -> ()
    %barrier3A = arith.constant 0 : index
    tpu.barrier barrier_id(%barrier3A)
    %scan3A_20 = arith.constant 0 : i32
    %scan3A_21 = arith.constant 0 : i32
    %scan3A_22 = arith.constant 320 : i32
    %scan3A_23 = arith.addi %scan3A_21, %scan3A_22 : i32
    %scan3A_24 = arith.constant 1 : i32
    scf.for %scan3A_62 = %scan3A_21 to %scan3A_23 step %scan3A_24  : i32 {
      %jit3A = arith.constant 2 : i32
      %eq3A_63 = arith.constant 0 : i32
      %eq3A_64 = arith.cmpi eq, %jit3A, %eq3A_63 : i32
      %jit3A_65 = arith.constant 1 : i32
      %select_n3A = arith.select %eq3A_64, %jit3A_65, %jit3A : i32
      %rem3A = arith.remsi %scan3A_62, %select_n3A : i32
      %ne3A = arith.constant 0 : i32
      %ne3A_66 = arith.cmpi ne, %rem3A, %ne3A : i32
      %lt3A_67 = arith.constant 0 : i32
      %lt3A_68 = arith.cmpi slt, %rem3A, %lt3A_67 : i32
      %lt3A_69 = arith.constant 0 : i32
      %lt3A_70 = arith.cmpi slt, %select_n3A, %lt3A_69 : i32
      %ne3A_71 = arith.xori %lt3A_68, %lt3A_70 : i1
      %and3A = arith.andi %ne3A_71, %ne3A_66 : i1
      %add3A = arith.addi %rem3A, %select_n3A : i32
      %select_n3A_72 = arith.select %and3A, %add3A, %rem3A : i32
      %add3A_73 = arith.addi %mul3A_18, %scan3A_62 : i32
      %add3A_74 = arith.constant 1 : i32
      %add3A_75 = arith.addi %scan3A_62, %add3A_74 : i32
      %lt3A_76 = arith.constant 320 : i32
      %lt3A_77 = arith.cmpi slt, %add3A_75, %lt3A_76 : i32
      %convert_element_type3A_78 = arith.extui %lt3A_77 : i1 to i32
      %cond3A_79 = arith.constant 0 : i32
      %cond3A_80 = arith.cmpi ne, %convert_element_type3A_78, %cond3A_79 : i32
      scf.if %cond3A_80 {
        %add3A_261 = arith.constant 1 : i32
        %add3A_262 = arith.addi %add3A_73, %add3A_261 : i32
        %sub3A = arith.constant 1 : i32
        %sub3A_263 = arith.subi %sub3A, %select_n3A_72 : i32
        %dma_start3A_264 = arith.constant 0 : i32
        %dma_start3A_265 = arith.constant 0 : i32
        %dma_start3A_266 = tpu.memref_slice %arg6[%sub3A_263, %dma_start3A_264, %dma_start3A_265] : memref<2x2x32xi32, #tpu.memory_space<vmem>> -> memref<1x2x32xi32, #tpu.memory_space<vmem>>
        %dma_start3A_267 = tpu.memref_squeeze %dma_start3A_266 : memref<1x2x32xi32, #tpu.memory_space<vmem>> -> memref<2x32xi32, #tpu.memory_space<vmem>>
        %dma_start3A_268 = arith.constant 0 : i32
        %dma_start3A_269 = arith.constant 0 : i32
        %dma_start3A_270 = tpu.memref_slice %arg3[%add3A_262, %dma_start3A_268, %dma_start3A_269] : memref<5120x2x32xi32, #tpu.memory_space<hbm>> -> memref<1x2x32xi32, #tpu.memory_space<hbm>>
        %dma_start3A_271 = tpu.memref_squeeze %dma_start3A_270 : memref<1x2x32xi32, #tpu.memory_space<hbm>> -> memref<2x32xi32, #tpu.memory_space<hbm>>
        %dma_start3A_272 = arith.constant 0 : i32
        %dma_start3A_273 = arith.constant 0 : i32
        %dma_start3A_274 = tpu.memref_slice %arg6[%sub3A_263, %dma_start3A_272, %dma_start3A_273] : memref<2x2x32xi32, #tpu.memory_space<vmem>> -> memref<1x2x32xi32, #tpu.memory_space<vmem>>
        %dma_start3A_275 = tpu.memref_squeeze %dma_start3A_274 : memref<1x2x32xi32, #tpu.memory_space<vmem>> -> memref<2x32xi32, #tpu.memory_space<vmem>>
        %dma_start3A_276 = arith.constant 0 : i32
        %dma_start3A_277 = arith.constant 0 : i32
        %dma_start3A_278 = tpu.memref_slice %arg3[%add3A_262, %dma_start3A_276, %dma_start3A_277] : memref<5120x2x32xi32, #tpu.memory_space<hbm>> -> memref<1x2x32xi32, #tpu.memory_space<hbm>>
        %dma_start3A_279 = tpu.memref_squeeze %dma_start3A_278 : memref<1x2x32xi32, #tpu.memory_space<hbm>> -> memref<2x32xi32, #tpu.memory_space<hbm>>
        tpu.enqueue_dma source(%dma_start3A_279 : memref<2x32xi32, #tpu.memory_space<hbm>>) target(%dma_start3A_275 : memref<2x32xi32, #tpu.memory_space<vmem>>) target_semaphore(%arg13 : memref<!tpu.dma_semaphore, #tpu.memory_space<semaphore_mem>>)
        %add3A_280 = arith.constant 1 : i32
        %add3A_281 = arith.addi %add3A_73, %add3A_280 : i32
        %sub3A_282 = arith.constant 1 : i32
        %sub3A_283 = arith.subi %sub3A_282, %select_n3A_72 : i32
        %dma_start3A_284 = arith.constant 0 : i32
        %dma_start3A_285 = arith.constant 0 : i32
        %dma_start3A_286 = tpu.memref_slice %arg7[%sub3A_283, %dma_start3A_284, %dma_start3A_285] : memref<2x2x32xi32, #tpu.memory_space<vmem>> -> memref<1x2x32xi32, #tpu.memory_space<vmem>>
        %dma_start3A_287 = tpu.memref_squeeze %dma_start3A_286 : memref<1x2x32xi32, #tpu.memory_space<vmem>> -> memref<2x32xi32, #tpu.memory_space<vmem>>
        %dma_start3A_288 = arith.constant 0 : i32
        %dma_start3A_289 = arith.constant 0 : i32
        %dma_start3A_290 = tpu.memref_slice %arg4[%arg0, %add3A_281, %dma_start3A_288, %dma_start3A_289] : memref<2x5120x2x32xi32, #tpu.memory_space<hbm>> -> memref<1x1x2x32xi32, #tpu.memory_space<hbm>>
        %dma_start3A_291 = tpu.memref_squeeze %dma_start3A_290 : memref<1x1x2x32xi32, #tpu.memory_space<hbm>> -> memref<2x32xi32, #tpu.memory_space<hbm>>
        %dma_start3A_292 = arith.constant 0 : i32
        %dma_start3A_293 = arith.constant 0 : i32
        %dma_start3A_294 = tpu.memref_slice %arg7[%sub3A_283, %dma_start3A_292, %dma_start3A_293] : memref<2x2x32xi32, #tpu.memory_space<vmem>> -> memref<1x2x32xi32, #tpu.memory_space<vmem>>
        %dma_start3A_295 = tpu.memref_squeeze %dma_start3A_294 : memref<1x2x32xi32, #tpu.memory_space<vmem>> -> memref<2x32xi32, #tpu.memory_space<vmem>>
        %dma_start3A_296 = arith.constant 0 : i32
        %dma_start3A_297 = arith.constant 0 : i32
        %dma_start3A_298 = tpu.memref_slice %arg4[%arg0, %add3A_281, %dma_start3A_296, %dma_start3A_297] : memref<2x5120x2x32xi32, #tpu.memory_space<hbm>> -> memref<1x1x2x32xi32, #tpu.memory_space<hbm>>
        %dma_start3A_299 = tpu.memref_squeeze %dma_start3A_298 : memref<1x1x2x32xi32, #tpu.memory_space<hbm>> -> memref<2x32xi32, #tpu.memory_space<hbm>>
        tpu.enqueue_dma source(%dma_start3A_299 : memref<2x32xi32, #tpu.memory_space<hbm>>) target(%dma_start3A_295 : memref<2x32xi32, #tpu.memory_space<vmem>>) target_semaphore(%arg13 : memref<!tpu.dma_semaphore, #tpu.memory_space<semaphore_mem>>)
      } else {
      }
      %gt3A = arith.constant 0 : i32
      %gt3A_81 = arith.cmpi sgt, %scan3A_62, %gt3A : i32
      %convert_element_type3A_82 = arith.extui %gt3A_81 : i1 to i32
      %cond3A_83 = arith.constant 0 : i32
      %cond3A_84 = arith.cmpi ne, %convert_element_type3A_82, %cond3A_83 : i32
      scf.if %cond3A_84 {
        %dma_wait3A_261 = arith.constant 0 : i32
        %dma_wait3A_262 = arith.constant 0 : i32
        %dma_wait3A_263 = tpu.memref_slice %arg6[%select_n3A_72, %dma_wait3A_261, %dma_wait3A_262] : memref<2x2x32xi32, #tpu.memory_space<vmem>> -> memref<1x2x32xi32, #tpu.memory_space<vmem>>
        %dma_wait3A_264 = tpu.memref_squeeze %dma_wait3A_263 : memref<1x2x32xi32, #tpu.memory_space<vmem>> -> memref<2x32xi32, #tpu.memory_space<vmem>>
        %dma_wait3A_265 = arith.constant 0 : i32
        %dma_wait3A_266 = arith.constant 0 : i32
        %dma_wait3A_267 = tpu.memref_slice %arg3[%add3A_73, %dma_wait3A_265, %dma_wait3A_266] : memref<5120x2x32xi32, #tpu.memory_space<hbm>> -> memref<1x2x32xi32, #tpu.memory_space<hbm>>
        %dma_wait3A_268 = tpu.memref_squeeze %dma_wait3A_267 : memref<1x2x32xi32, #tpu.memory_space<hbm>> -> memref<2x32xi32, #tpu.memory_space<hbm>>
        %dma_wait3A_269 = arith.constant 0 : i32
        %dma_wait3A_270 = arith.constant 0 : i32
        %dma_wait3A_271 = tpu.memref_slice %arg6[%select_n3A_72, %dma_wait3A_269, %dma_wait3A_270] : memref<2x2x32xi32, #tpu.memory_space<vmem>> -> memref<1x2x32xi32, #tpu.memory_space<vmem>>
        %dma_wait3A_272 = tpu.memref_squeeze %dma_wait3A_271 : memref<1x2x32xi32, #tpu.memory_space<vmem>> -> memref<2x32xi32, #tpu.memory_space<vmem>>
        %dma_wait3A_273 = arith.constant 0 : i32
        %dma_wait3A_274 = arith.constant 0 : i32
        %dma_wait3A_275 = tpu.memref_slice %arg3[%add3A_73, %dma_wait3A_273, %dma_wait3A_274] : memref<5120x2x32xi32, #tpu.memory_space<hbm>> -> memref<1x2x32xi32, #tpu.memory_space<hbm>>
        %dma_wait3A_276 = tpu.memref_squeeze %dma_wait3A_275 : memref<1x2x32xi32, #tpu.memory_space<hbm>> -> memref<2x32xi32, #tpu.memory_space<hbm>>
        tpu.wait_dma2 semaphore(%arg13 : memref<!tpu.dma_semaphore, #tpu.memory_space<semaphore_mem>>) src(%dma_wait3A_276 : memref<2x32xi32, #tpu.memory_space<hbm>>) dst(%dma_wait3A_272 : memref<2x32xi32, #tpu.memory_space<vmem>>)
        %dma_wait3A_277 = arith.constant 0 : i32
        %dma_wait3A_278 = arith.constant 0 : i32
        %dma_wait3A_279 = tpu.memref_slice %arg7[%select_n3A_72, %dma_wait3A_277, %dma_wait3A_278] : memref<2x2x32xi32, #tpu.memory_space<vmem>> -> memref<1x2x32xi32, #tpu.memory_space<vmem>>
        %dma_wait3A_280 = tpu.memref_squeeze %dma_wait3A_279 : memref<1x2x32xi32, #tpu.memory_space<vmem>> -> memref<2x32xi32, #tpu.memory_space<vmem>>
        %dma_wait3A_281 = arith.constant 0 : i32
        %dma_wait3A_282 = arith.constant 0 : i32
        %dma_wait3A_283 = tpu.memref_slice %arg4[%arg0, %add3A_73, %dma_wait3A_281, %dma_wait3A_282] : memref<2x5120x2x32xi32, #tpu.memory_space<hbm>> -> memref<1x1x2x32xi32, #tpu.memory_space<hbm>>
        %dma_wait3A_284 = tpu.memref_squeeze %dma_wait3A_283 : memref<1x1x2x32xi32, #tpu.memory_space<hbm>> -> memref<2x32xi32, #tpu.memory_space<hbm>>
        %dma_wait3A_285 = arith.constant 0 : i32
        %dma_wait3A_286 = arith.constant 0 : i32
        %dma_wait3A_287 = tpu.memref_slice %arg7[%select_n3A_72, %dma_wait3A_285, %dma_wait3A_286] : memref<2x2x32xi32, #tpu.memory_space<vmem>> -> memref<1x2x32xi32, #tpu.memory_space<vmem>>
        %dma_wait3A_288 = tpu.memref_squeeze %dma_wait3A_287 : memref<1x2x32xi32, #tpu.memory_space<vmem>> -> memref<2x32xi32, #tpu.memory_space<vmem>>
        %dma_wait3A_289 = arith.constant 0 : i32
        %dma_wait3A_290 = arith.constant 0 : i32
        %dma_wait3A_291 = tpu.memref_slice %arg4[%arg0, %add3A_73, %dma_wait3A_289, %dma_wait3A_290] : memref<2x5120x2x32xi32, #tpu.memory_space<hbm>> -> memref<1x1x2x32xi32, #tpu.memory_space<hbm>>
        %dma_wait3A_292 = tpu.memref_squeeze %dma_wait3A_291 : memref<1x1x2x32xi32, #tpu.memory_space<hbm>> -> memref<2x32xi32, #tpu.memory_space<hbm>>
        tpu.wait_dma2 semaphore(%arg13 : memref<!tpu.dma_semaphore, #tpu.memory_space<semaphore_mem>>) src(%dma_wait3A_292 : memref<2x32xi32, #tpu.memory_space<hbm>>) dst(%dma_wait3A_288 : memref<2x32xi32, #tpu.memory_space<vmem>>)
      } else {
      }
      %get3A = arith.constant 0 : i32
      %get3A_85 = arith.index_cast %select_n3A_72 : i32 to index
      %get3A_86 = arith.index_cast %get3A : i32 to index
      %get3A_87 = arith.constant 0 : index
      %get3A_88 = tpu.vector_load %arg7[%get3A_85, %get3A_86, %get3A_87] {strides = array<i32>} : memref<2x2x32xi32, #tpu.memory_space<vmem>>, vector<1x1x16xi32>,
      %get3A_89 = vector.shape_cast %get3A_88 : vector<1x1x16xi32> to vector<16xi32>
      %ge3A = arith.constant 5100 : i32
      %ge3A_90 = vector.broadcast %ge3A : i32 to vector<16xi32>
      %ge3A_91 = arith.cmpi sge, %get3A_89, %ge3A_90 : vector<16xi32>
      %add3A_92 = arith.constant 5100 : i32
      %add3A_93 = arith.addi %add3A_92, %arg1 : i32
      %broadcast_in_dim3A_94 = vector.broadcast %add3A_93 : i32 to vector<16xi32>
      %select_n3A_95 = arith.select %ge3A_91, %broadcast_in_dim3A_94, %get3A_89 : vector<16xi1>, vector<16xi32>
      %swap3A = arith.constant 0 : i32
      %swap3A_96 = arith.index_cast %select_n3A_72 : i32 to index
      %swap3A_97 = arith.index_cast %swap3A : i32 to index
      %swap3A_98 = arith.constant 0 : index
      %swap3A_99 = tpu.vector_load %arg7[%swap3A_96, %swap3A_97, %swap3A_98] {strides = array<i32>} : memref<2x2x32xi32, #tpu.memory_space<vmem>>, vector<1x1x16xi32>,
      %swap3A_100 = vector.shape_cast %swap3A_99 : vector<1x1x16xi32> to vector<16xi32>
      %swap3A_101 = vector.shape_cast %select_n3A_95 : vector<16xi32> to vector<1x1x16xi32>
      tpu.vector_store %arg7[%swap3A_96, %swap3A_97, %swap3A_98], %swap3A_101 {strides = array<i32>} : memref<2x2x32xi32, #tpu.memory_space<vmem>>, vector<1x1x16xi32>,
      %get3A_102 = arith.constant 0 : i32
      %get3A_103 = arith.index_cast %select_n3A_72 : i32 to index
      %get3A_104 = arith.index_cast %get3A_102 : i32 to index
      %get3A_105 = arith.constant 16 : index
      %get3A_106 = tpu.vector_load %arg7[%get3A_103, %get3A_104, %get3A_105] {strides = array<i32>} : memref<2x2x32xi32, #tpu.memory_space<vmem>>, vector<1x1x16xi32>,
      %get3A_107 = vector.shape_cast %get3A_106 : vector<1x1x16xi32> to vector<16xi32>
      %ge3A_108 = arith.constant 5100 : i32
      %ge3A_109 = vector.broadcast %ge3A_108 : i32 to vector<16xi32>
      %ge3A_110 = arith.cmpi sge, %get3A_107, %ge3A_109 : vector<16xi32>
      %add3A_111 = arith.constant 5100 : i32
      %add3A_112 = arith.addi %add3A_111, %arg1 : i32
      %broadcast_in_dim3A_113 = vector.broadcast %add3A_112 : i32 to vector<16xi32>
      %select_n3A_114 = arith.select %ge3A_110, %broadcast_in_dim3A_113, %get3A_107 : vector<16xi1>, vector<16xi32>
      %swap3A_115 = arith.constant 0 : i32
      %swap3A_116 = arith.index_cast %select_n3A_72 : i32 to index
      %swap3A_117 = arith.index_cast %swap3A_115 : i32 to index
      %swap3A_118 = arith.constant 16 : index
      %swap3A_119 = tpu.vector_load %arg7[%swap3A_116, %swap3A_117, %swap3A_118] {strides = array<i32>} : memref<2x2x32xi32, #tpu.memory_space<vmem>>, vector<1x1x16xi32>,
      %swap3A_120 = vector.shape_cast %swap3A_119 : vector<1x1x16xi32> to vector<16xi32>
      %swap3A_121 = vector.shape_cast %select_n3A_114 : vector<16xi32> to vector<1x1x16xi32>
      tpu.vector_store %arg7[%swap3A_116, %swap3A_117, %swap3A_118], %swap3A_121 {strides = array<i32>} : memref<2x2x32xi32, #tpu.memory_space<vmem>>, vector<1x1x16xi32>,
      %get3A_122 = arith.constant 1 : i32
      %get3A_123 = arith.index_cast %select_n3A_72 : i32 to index
      %get3A_124 = arith.index_cast %get3A_122 : i32 to index
      %get3A_125 = arith.constant 0 : index
      %get3A_126 = tpu.vector_load %arg7[%get3A_123, %get3A_124, %get3A_125] {strides = array<i32>} : memref<2x2x32xi32, #tpu.memory_space<vmem>>, vector<1x1x16xi32>,
      %get3A_127 = vector.shape_cast %get3A_126 : vector<1x1x16xi32> to vector<16xi32>
      %ge3A_128 = arith.constant 5100 : i32
      %ge3A_129 = vector.broadcast %ge3A_128 : i32 to vector<16xi32>
      %ge3A_130 = arith.cmpi sge, %get3A_127, %ge3A_129 : vector<16xi32>
      %add3A_131 = arith.constant 5100 : i32
      %add3A_132 = arith.addi %add3A_131, %arg1 : i32
      %broadcast_in_dim3A_133 = vector.broadcast %add3A_132 : i32 to vector<16xi32>
      %select_n3A_134 = arith.select %ge3A_130, %broadcast_in_dim3A_133, %get3A_127 : vector<16xi1>, vector<16xi32>
      %swap3A_135 = arith.constant 1 : i32
      %swap3A_136 = arith.index_cast %select_n3A_72 : i32 to index
      %swap3A_137 = arith.index_cast %swap3A_135 : i32 to index
      %swap3A_138 = arith.constant 0 : index
      %swap3A_139 = tpu.vector_load %arg7[%swap3A_136, %swap3A_137, %swap3A_138] {strides = array<i32>} : memref<2x2x32xi32, #tpu.memory_space<vmem>>, vector<1x1x16xi32>,
      %swap3A_140 = vector.shape_cast %swap3A_139 : vector<1x1x16xi32> to vector<16xi32>
      %swap3A_141 = vector.shape_cast %select_n3A_134 : vector<16xi32> to vector<1x1x16xi32>
      tpu.vector_store %arg7[%swap3A_136, %swap3A_137, %swap3A_138], %swap3A_141 {strides = array<i32>} : memref<2x2x32xi32, #tpu.memory_space<vmem>>, vector<1x1x16xi32>,
      %get3A_142 = arith.constant 1 : i32
      %get3A_143 = arith.index_cast %select_n3A_72 : i32 to index
      %get3A_144 = arith.index_cast %get3A_142 : i32 to index
      %get3A_145 = arith.constant 16 : index
      %get3A_146 = tpu.vector_load %arg7[%get3A_143, %get3A_144, %get3A_145] {strides = array<i32>} : memref<2x2x32xi32, #tpu.memory_space<vmem>>, vector<1x1x16xi32>,
      %get3A_147 = vector.shape_cast %get3A_146 : vector<1x1x16xi32> to vector<16xi32>
      %ge3A_148 = arith.constant 5100 : i32
      %ge3A_149 = vector.broadcast %ge3A_148 : i32 to vector<16xi32>
      %ge3A_150 = arith.cmpi sge, %get3A_147, %ge3A_149 : vector<16xi32>
      %add3A_151 = arith.constant 5100 : i32
      %add3A_152 = arith.addi %add3A_151, %arg1 : i32
      %broadcast_in_dim3A_153 = vector.broadcast %add3A_152 : i32 to vector<16xi32>
      %select_n3A_154 = arith.select %ge3A_150, %broadcast_in_dim3A_153, %get3A_147 : vector<16xi1>, vector<16xi32>
      %swap3A_155 = arith.constant 1 : i32
      %swap3A_156 = arith.index_cast %select_n3A_72 : i32 to index
      %swap3A_157 = arith.index_cast %swap3A_155 : i32 to index
      %swap3A_158 = arith.constant 16 : index
      %swap3A_159 = tpu.vector_load %arg7[%swap3A_156, %swap3A_157, %swap3A_158] {strides = array<i32>} : memref<2x2x32xi32, #tpu.memory_space<vmem>>, vector<1x1x16xi32>,
      %swap3A_160 = vector.shape_cast %swap3A_159 : vector<1x1x16xi32> to vector<16xi32>
      %swap3A_161 = vector.shape_cast %select_n3A_154 : vector<16xi32> to vector<1x1x16xi32>
      tpu.vector_store %arg7[%swap3A_156, %swap3A_157, %swap3A_158], %swap3A_161 {strides = array<i32>} : memref<2x2x32xi32, #tpu.memory_space<vmem>>, vector<1x1x16xi32>,
      %gt3A_162 = arith.constant 0 : i32
      %gt3A_163 = arith.cmpi sgt, %scan3A_62, %gt3A_162 : i32
      %convert_element_type3A_164 = arith.extui %gt3A_163 : i1 to i32
      %cond3A_165 = arith.constant 0 : i32
      %cond3A_166 = arith.cmpi ne, %convert_element_type3A_164, %cond3A_165 : i32
      scf.if %cond3A_166 {
        %sub3A = arith.constant 1 : i32
        %sub3A_261 = arith.subi %sub3A, %select_n3A_72 : i32
        %dma_wait3A_262 = arith.constant 0 : i32
        %dma_wait3A_263 = arith.constant 0 : i32
        %dma_wait3A_264 = arith.constant 0 : i32
        %dma_wait3A_265 = arith.constant 0 : i32
        %dma_wait3A_266 = arith.constant 0 : i32
        %dma_wait3A_267 = tpu.memref_slice %arg8[%dma_wait3A_262, %dma_wait3A_265, %dma_wait3A_266] : memref<2x32x128xf32, #tpu.memory_space<vmem>> -> memref<1x32x128xf32, #tpu.memory_space<vmem>>
        %dma_wait3A_268 = tpu.memref_squeeze %dma_wait3A_267 : memref<1x32x128xf32, #tpu.memory_space<vmem>> -> memref<32x128xf32, #tpu.memory_space<vmem>>
        %dma_wait3A_269 = arith.constant 0 : i32
        %dma_wait3A_270 = tpu.memref_slice %arg7[%sub3A_261, %dma_wait3A_263, %dma_wait3A_269] : memref<2x2x32xi32, #tpu.memory_space<vmem>> -> memref<1x1x32xi32, #tpu.memory_space<vmem>>
        %dma_wait3A_271 = tpu.memref_squeeze %dma_wait3A_270 : memref<1x1x32xi32, #tpu.memory_space<vmem>> -> memref<32xi32, #tpu.memory_space<vmem>>
        %dma_wait3A_272 = arith.constant 0 : i32
        %dma_wait3A_273 = arith.constant 0 : i32
        %dma_wait3A_274 = tpu.memref_slice %arg10[%dma_wait3A_272, %dma_wait3A_273] : memref<5120x128xf32, #tpu.memory_space<vmem_shared>> -> memref<5120x128xf32, #tpu.memory_space<vmem_shared>>
        %dma_wait3A_275 = tpu.memref_slice %arg12[%dma_wait3A_264] : memref<2x!tpu.dma_semaphore, #tpu.memory_space<semaphore_mem>> -> memref<1x!tpu.dma_semaphore, #tpu.memory_space<semaphore_mem>>
        %dma_wait3A_276 = tpu.memref_squeeze %dma_wait3A_275 : memref<1x!tpu.dma_semaphore, #tpu.memory_space<semaphore_mem>> -> memref<!tpu.dma_semaphore, #tpu.memory_space<semaphore_mem>>
        tpu.wait_indirect_dma semaphore(%dma_wait3A_276 : memref<!tpu.dma_semaphore, #tpu.memory_space<semaphore_mem>>) src(%dma_wait3A_268 : memref<32x128xf32, #tpu.memory_space<vmem>>) dst(%dma_wait3A_274 : memref<5120x128xf32, #tpu.memory_space<vmem_shared>>)
      } else {
      }
      %dma_start3A = arith.constant 0 : i32
      %dma_start3A_167 = arith.constant 0 : i32
      %dma_start3A_168 = arith.constant 0 : i32
      %dma_start3A_169 = arith.constant 0 : i32
      %dma_start3A_170 = arith.constant 0 : i32
      %dma_start3A_171 = tpu.memref_slice %arg8[%dma_start3A_167, %dma_start3A_169, %dma_start3A_170] : memref<2x32x128xf32, #tpu.memory_space<vmem>> -> memref<1x32x128xf32, #tpu.memory_space<vmem>>
      %dma_start3A_172 = tpu.memref_squeeze %dma_start3A_171 : memref<1x32x128xf32, #tpu.memory_space<vmem>> -> memref<32x128xf32, #tpu.memory_space<vmem>>
      %dma_start3A_173 = arith.constant 0 : i32
      %dma_start3A_174 = tpu.memref_slice %arg6[%select_n3A_72, %dma_start3A, %dma_start3A_173] : memref<2x2x32xi32, #tpu.memory_space<vmem>> -> memref<1x1x32xi32, #tpu.memory_space<vmem>>
      %dma_start3A_175 = tpu.memref_squeeze %dma_start3A_174 : memref<1x1x32xi32, #tpu.memory_space<vmem>> -> memref<32xi32, #tpu.memory_space<vmem>>
      %dma_start3A_176 = arith.constant 0 : i32
      %dma_start3A_177 = arith.constant 0 : i32
      %dma_start3A_178 = tpu.memref_slice %arg9[%dma_start3A_176, %dma_start3A_177] : memref<10000x128xf32, #tpu.memory_space<vmem_shared>> -> memref<10000x128xf32, #tpu.memory_space<vmem_shared>>
      %dma_start3A_179 = tpu.memref_slice %arg11[%dma_start3A_168] : memref<2x!tpu.dma_semaphore, #tpu.memory_space<semaphore_mem>> -> memref<1x!tpu.dma_semaphore, #tpu.memory_space<semaphore_mem>>
      %dma_start3A_180 = tpu.memref_squeeze %dma_start3A_179 : memref<1x!tpu.dma_semaphore, #tpu.memory_space<semaphore_mem>> -> memref<!tpu.dma_semaphore, #tpu.memory_space<semaphore_mem>>
      tpu.enqueue_indirect_dma source(%dma_start3A_178 : memref<10000x128xf32, #tpu.memory_space<vmem_shared>>) target(%dma_start3A_172 : memref<32x128xf32, #tpu.memory_space<vmem>>) offsets(%dma_start3A_175 : memref<32xi32, #tpu.memory_space<vmem>>) semaphore(%dma_start3A_180 : memref<!tpu.dma_semaphore, #tpu.memory_space<semaphore_mem>>)
      %gt3A_181 = arith.constant 0 : i32
      %gt3A_182 = arith.cmpi sgt, %scan3A_62, %gt3A_181 : i32
      %convert_element_type3A_183 = arith.extui %gt3A_182 : i1 to i32
      %cond3A_184 = arith.constant 0 : i32
      %cond3A_185 = arith.cmpi ne, %convert_element_type3A_183, %cond3A_184 : i32
      scf.if %cond3A_185 {
        %sub3A = arith.constant 1 : i32
        %sub3A_261 = arith.subi %sub3A, %select_n3A_72 : i32
        %dma_wait3A_262 = arith.constant 1 : i32
        %dma_wait3A_263 = arith.constant 1 : i32
        %dma_wait3A_264 = arith.constant 1 : i32
        %dma_wait3A_265 = arith.constant 0 : i32
        %dma_wait3A_266 = arith.constant 0 : i32
        %dma_wait3A_267 = tpu.memref_slice %arg8[%dma_wait3A_262, %dma_wait3A_265, %dma_wait3A_266] : memref<2x32x128xf32, #tpu.memory_space<vmem>> -> memref<1x32x128xf32, #tpu.memory_space<vmem>>
        %dma_wait3A_268 = tpu.memref_squeeze %dma_wait3A_267 : memref<1x32x128xf32, #tpu.memory_space<vmem>> -> memref<32x128xf32, #tpu.memory_space<vmem>>
        %dma_wait3A_269 = arith.constant 0 : i32
        %dma_wait3A_270 = tpu.memref_slice %arg7[%sub3A_261, %dma_wait3A_263, %dma_wait3A_269] : memref<2x2x32xi32, #tpu.memory_space<vmem>> -> memref<1x1x32xi32, #tpu.memory_space<vmem>>
        %dma_wait3A_271 = tpu.memref_squeeze %dma_wait3A_270 : memref<1x1x32xi32, #tpu.memory_space<vmem>> -> memref<32xi32, #tpu.memory_space<vmem>>
        %dma_wait3A_272 = arith.constant 0 : i32
        %dma_wait3A_273 = arith.constant 0 : i32
        %dma_wait3A_274 = tpu.memref_slice %arg10[%dma_wait3A_272, %dma_wait3A_273] : memref<5120x128xf32, #tpu.memory_space<vmem_shared>> -> memref<5120x128xf32, #tpu.memory_space<vmem_shared>>
        %dma_wait3A_275 = tpu.memref_slice %arg12[%dma_wait3A_264] : memref<2x!tpu.dma_semaphore, #tpu.memory_space<semaphore_mem>> -> memref<1x!tpu.dma_semaphore, #tpu.memory_space<semaphore_mem>>
        %dma_wait3A_276 = tpu.memref_squeeze %dma_wait3A_275 : memref<1x!tpu.dma_semaphore, #tpu.memory_space<semaphore_mem>> -> memref<!tpu.dma_semaphore, #tpu.memory_space<semaphore_mem>>
        tpu.wait_indirect_dma semaphore(%dma_wait3A_276 : memref<!tpu.dma_semaphore, #tpu.memory_space<semaphore_mem>>) src(%dma_wait3A_268 : memref<32x128xf32, #tpu.memory_space<vmem>>) dst(%dma_wait3A_274 : memref<5120x128xf32, #tpu.memory_space<vmem_shared>>)
      } else {
      }
      %dma_start3A_186 = arith.constant 1 : i32
      %dma_start3A_187 = arith.constant 1 : i32
      %dma_start3A_188 = arith.constant 1 : i32
      %dma_start3A_189 = arith.constant 0 : i32
      %dma_start3A_190 = arith.constant 0 : i32
      %dma_start3A_191 = tpu.memref_slice %arg8[%dma_start3A_187, %dma_start3A_189, %dma_start3A_190] : memref<2x32x128xf32, #tpu.memory_space<vmem>> -> memref<1x32x128xf32, #tpu.memory_space<vmem>>
      %dma_start3A_192 = tpu.memref_squeeze %dma_start3A_191 : memref<1x32x128xf32, #tpu.memory_space<vmem>> -> memref<32x128xf32, #tpu.memory_space<vmem>>
      %dma_start3A_193 = arith.constant 0 : i32
      %dma_start3A_194 = tpu.memref_slice %arg6[%select_n3A_72, %dma_start3A_186, %dma_start3A_193] : memref<2x2x32xi32, #tpu.memory_space<vmem>> -> memref<1x1x32xi32, #tpu.memory_space<vmem>>
      %dma_start3A_195 = tpu.memref_squeeze %dma_start3A_194 : memref<1x1x32xi32, #tpu.memory_space<vmem>> -> memref<32xi32, #tpu.memory_space<vmem>>
      %dma_start3A_196 = arith.constant 0 : i32
      %dma_start3A_197 = arith.constant 0 : i32
      %dma_start3A_198 = tpu.memref_slice %arg9[%dma_start3A_196, %dma_start3A_197] : memref<10000x128xf32, #tpu.memory_space<vmem_shared>> -> memref<10000x128xf32, #tpu.memory_space<vmem_shared>>
      %dma_start3A_199 = tpu.memref_slice %arg11[%dma_start3A_188] : memref<2x!tpu.dma_semaphore, #tpu.memory_space<semaphore_mem>> -> memref<1x!tpu.dma_semaphore, #tpu.memory_space<semaphore_mem>>
      %dma_start3A_200 = tpu.memref_squeeze %dma_start3A_199 : memref<1x!tpu.dma_semaphore, #tpu.memory_space<semaphore_mem>> -> memref<!tpu.dma_semaphore, #tpu.memory_space<semaphore_mem>>
      tpu.enqueue_indirect_dma source(%dma_start3A_198 : memref<10000x128xf32, #tpu.memory_space<vmem_shared>>) target(%dma_start3A_192 : memref<32x128xf32, #tpu.memory_space<vmem>>) offsets(%dma_start3A_195 : memref<32xi32, #tpu.memory_space<vmem>>) semaphore(%dma_start3A_200 : memref<!tpu.dma_semaphore, #tpu.memory_space<semaphore_mem>>)
      %dma_wait3A_201 = arith.constant 0 : i32
      %dma_wait3A_202 = arith.constant 0 : i32
      %dma_wait3A_203 = arith.constant 0 : i32
      %dma_wait3A_204 = arith.constant 0 : i32
      %dma_wait3A_205 = arith.constant 0 : i32
      %dma_wait3A_206 = tpu.memref_slice %arg8[%dma_wait3A_202, %dma_wait3A_204, %dma_wait3A_205] : memref<2x32x128xf32, #tpu.memory_space<vmem>> -> memref<1x32x128xf32, #tpu.memory_space<vmem>>
      %dma_wait3A_207 = tpu.memref_squeeze %dma_wait3A_206 : memref<1x32x128xf32, #tpu.memory_space<vmem>> -> memref<32x128xf32, #tpu.memory_space<vmem>>
      %dma_wait3A_208 = arith.constant 0 : i32
      %dma_wait3A_209 = tpu.memref_slice %arg6[%select_n3A_72, %dma_wait3A_201, %dma_wait3A_208] : memref<2x2x32xi32, #tpu.memory_space<vmem>> -> memref<1x1x32xi32, #tpu.memory_space<vmem>>
      %dma_wait3A_210 = tpu.memref_squeeze %dma_wait3A_209 : memref<1x1x32xi32, #tpu.memory_space<vmem>> -> memref<32xi32, #tpu.memory_space<vmem>>
      %dma_wait3A_211 = arith.constant 0 : i32
      %dma_wait3A_212 = arith.constant 0 : i32
      %dma_wait3A_213 = tpu.memref_slice %arg9[%dma_wait3A_211, %dma_wait3A_212] : memref<10000x128xf32, #tpu.memory_space<vmem_shared>> -> memref<10000x128xf32, #tpu.memory_space<vmem_shared>>
      %dma_wait3A_214 = tpu.memref_slice %arg11[%dma_wait3A_203] : memref<2x!tpu.dma_semaphore, #tpu.memory_space<semaphore_mem>> -> memref<1x!tpu.dma_semaphore, #tpu.memory_space<semaphore_mem>>
      %dma_wait3A_215 = tpu.memref_squeeze %dma_wait3A_214 : memref<1x!tpu.dma_semaphore, #tpu.memory_space<semaphore_mem>> -> memref<!tpu.dma_semaphore, #tpu.memory_space<semaphore_mem>>
      tpu.wait_indirect_dma semaphore(%dma_wait3A_215 : memref<!tpu.dma_semaphore, #tpu.memory_space<semaphore_mem>>) src(%dma_wait3A_213 : memref<10000x128xf32, #tpu.memory_space<vmem_shared>>) dst(%dma_wait3A_207 : memref<32x128xf32, #tpu.memory_space<vmem>>)
      %dma_start3A_216 = arith.constant 0 : i32
      %dma_start3A_217 = arith.constant 0 : i32
      %dma_start3A_218 = arith.constant 0 : i32
      %dma_start3A_219 = arith.constant 0 : i32
      %dma_start3A_220 = arith.constant 0 : i32
      %dma_start3A_221 = tpu.memref_slice %arg8[%dma_start3A_216, %dma_start3A_219, %dma_start3A_220] : memref<2x32x128xf32, #tpu.memory_space<vmem>> -> memref<1x32x128xf32, #tpu.memory_space<vmem>>
      %dma_start3A_222 = tpu.memref_squeeze %dma_start3A_221 : memref<1x32x128xf32, #tpu.memory_space<vmem>> -> memref<32x128xf32, #tpu.memory_space<vmem>>
      %dma_start3A_223 = arith.constant 0 : i32
      %dma_start3A_224 = tpu.memref_slice %arg7[%select_n3A_72, %dma_start3A_217, %dma_start3A_223] : memref<2x2x32xi32, #tpu.memory_space<vmem>> -> memref<1x1x32xi32, #tpu.memory_space<vmem>>
      %dma_start3A_225 = tpu.memref_squeeze %dma_start3A_224 : memref<1x1x32xi32, #tpu.memory_space<vmem>> -> memref<32xi32, #tpu.memory_space<vmem>>
      %dma_start3A_226 = arith.constant 0 : i32
      %dma_start3A_227 = arith.constant 0 : i32
      %dma_start3A_228 = tpu.memref_slice %arg10[%dma_start3A_226, %dma_start3A_227] : memref<5120x128xf32, #tpu.memory_space<vmem_shared>> -> memref<5120x128xf32, #tpu.memory_space<vmem_shared>>
      %dma_start3A_229 = tpu.memref_slice %arg12[%dma_start3A_218] : memref<2x!tpu.dma_semaphore, #tpu.memory_space<semaphore_mem>> -> memref<1x!tpu.dma_semaphore, #tpu.memory_space<semaphore_mem>>
      %dma_start3A_230 = tpu.memref_squeeze %dma_start3A_229 : memref<1x!tpu.dma_semaphore, #tpu.memory_space<semaphore_mem>> -> memref<!tpu.dma_semaphore, #tpu.memory_space<semaphore_mem>>
      tpu.enqueue_indirect_dma source(%dma_start3A_222 : memref<32x128xf32, #tpu.memory_space<vmem>>) target(%dma_start3A_228 : memref<5120x128xf32, #tpu.memory_space<vmem_shared>>) offsets(%dma_start3A_225 : memref<32xi32, #tpu.memory_space<vmem>>) semaphore(%dma_start3A_230 : memref<!tpu.dma_semaphore, #tpu.memory_space<semaphore_mem>>) {add = true}
      %dma_wait3A_231 = arith.constant 1 : i32
      %dma_wait3A_232 = arith.constant 1 : i32
      %dma_wait3A_233 = arith.constant 1 : i32
      %dma_wait3A_234 = arith.constant 0 : i32
      %dma_wait3A_235 = arith.constant 0 : i32
      %dma_wait3A_236 = tpu.memref_slice %arg8[%dma_wait3A_232, %dma_wait3A_234, %dma_wait3A_235] : memref<2x32x128xf32, #tpu.memory_space<vmem>> -> memref<1x32x128xf32, #tpu.memory_space<vmem>>
      %dma_wait3A_237 = tpu.memref_squeeze %dma_wait3A_236 : memref<1x32x128xf32, #tpu.memory_space<vmem>> -> memref<32x128xf32, #tpu.memory_space<vmem>>
      %dma_wait3A_238 = arith.constant 0 : i32
      %dma_wait3A_239 = tpu.memref_slice %arg6[%select_n3A_72, %dma_wait3A_231, %dma_wait3A_238] : memref<2x2x32xi32, #tpu.memory_space<vmem>> -> memref<1x1x32xi32, #tpu.memory_space<vmem>>
      %dma_wait3A_240 = tpu.memref_squeeze %dma_wait3A_239 : memref<1x1x32xi32, #tpu.memory_space<vmem>> -> memref<32xi32, #tpu.memory_space<vmem>>
      %dma_wait3A_241 = arith.constant 0 : i32
      %dma_wait3A_242 = arith.constant 0 : i32
      %dma_wait3A_243 = tpu.memref_slice %arg9[%dma_wait3A_241, %dma_wait3A_242] : memref<10000x128xf32, #tpu.memory_space<vmem_shared>> -> memref<10000x128xf32, #tpu.memory_space<vmem_shared>>
      %dma_wait3A_244 = tpu.memref_slice %arg11[%dma_wait3A_233] : memref<2x!tpu.dma_semaphore, #tpu.memory_space<semaphore_mem>> -> memref<1x!tpu.dma_semaphore, #tpu.memory_space<semaphore_mem>>
      %dma_wait3A_245 = tpu.memref_squeeze %dma_wait3A_244 : memref<1x!tpu.dma_semaphore, #tpu.memory_space<semaphore_mem>> -> memref<!tpu.dma_semaphore, #tpu.memory_space<semaphore_mem>>
      tpu.wait_indirect_dma semaphore(%dma_wait3A_245 : memref<!tpu.dma_semaphore, #tpu.memory_space<semaphore_mem>>) src(%dma_wait3A_243 : memref<10000x128xf32, #tpu.memory_space<vmem_shared>>) dst(%dma_wait3A_237 : memref<32x128xf32, #tpu.memory_space<vmem>>)
      %dma_start3A_246 = arith.constant 1 : i32
      %dma_start3A_247 = arith.constant 1 : i32
      %dma_start3A_248 = arith.constant 1 : i32
      %dma_start3A_249 = arith.constant 0 : i32
      %dma_start3A_250 = arith.constant 0 : i32
      %dma_start3A_251 = tpu.memref_slice %arg8[%dma_start3A_246, %dma_start3A_249, %dma_start3A_250] : memref<2x32x128xf32, #tpu.memory_space<vmem>> -> memref<1x32x128xf32, #tpu.memory_space<vmem>>
      %dma_start3A_252 = tpu.memref_squeeze %dma_start3A_251 : memref<1x32x128xf32, #tpu.memory_space<vmem>> -> memref<32x128xf32, #tpu.memory_space<vmem>>
      %dma_start3A_253 = arith.constant 0 : i32
      %dma_start3A_254 = tpu.memref_slice %arg7[%select_n3A_72, %dma_start3A_247, %dma_start3A_253] : memref<2x2x32xi32, #tpu.memory_space<vmem>> -> memref<1x1x32xi32, #tpu.memory_space<vmem>>
      %dma_start3A_255 = tpu.memref_squeeze %dma_start3A_254 : memref<1x1x32xi32, #tpu.memory_space<vmem>> -> memref<32xi32, #tpu.memory_space<vmem>>
      %dma_start3A_256 = arith.constant 0 : i32
      %dma_start3A_257 = arith.constant 0 : i32
      %dma_start3A_258 = tpu.memref_slice %arg10[%dma_start3A_256, %dma_start3A_257] : memref<5120x128xf32, #tpu.memory_space<vmem_shared>> -> memref<5120x128xf32, #tpu.memory_space<vmem_shared>>
      %dma_start3A_259 = tpu.memref_slice %arg12[%dma_start3A_248] : memref<2x!tpu.dma_semaphore, #tpu.memory_space<semaphore_mem>> -> memref<1x!tpu.dma_semaphore, #tpu.memory_space<semaphore_mem>>
      %dma_start3A_260 = tpu.memref_squeeze %dma_start3A_259 : memref<1x!tpu.dma_semaphore, #tpu.memory_space<semaphore_mem>> -> memref<!tpu.dma_semaphore, #tpu.memory_space<semaphore_mem>>
      tpu.enqueue_indirect_dma source(%dma_start3A_252 : memref<32x128xf32, #tpu.memory_space<vmem>>) target(%dma_start3A_258 : memref<5120x128xf32, #tpu.memory_space<vmem_shared>>) offsets(%dma_start3A_255 : memref<32xi32, #tpu.memory_space<vmem>>) semaphore(%dma_start3A_260 : memref<!tpu.dma_semaphore, #tpu.memory_space<semaphore_mem>>) {add = true}
    }
    %scan3A_25 = arith.constant 320 : i32
    %dma_wait3A = arith.constant 0 : i32
    %dma_wait3A_26 = arith.constant 1 : i32
    %dma_wait3A_27 = arith.constant 0 : i32
    %dma_wait3A_28 = arith.constant 0 : i32
    %dma_wait3A_29 = arith.constant 0 : i32
    %dma_wait3A_30 = arith.constant 0 : i32
    %dma_wait3A_31 = tpu.memref_slice %arg8[%dma_wait3A, %dma_wait3A_29, %dma_wait3A_30] : memref<2x32x128xf32, #tpu.memory_space<vmem>> -> memref<1x32x128xf32, #tpu.memory_space<vmem>>
    %dma_wait3A_32 = tpu.memref_squeeze %dma_wait3A_31 : memref<1x32x128xf32, #tpu.memory_space<vmem>> -> memref<32x128xf32, #tpu.memory_space<vmem>>
    %dma_wait3A_33 = arith.constant 0 : i32
    %dma_wait3A_34 = tpu.memref_slice %arg7[%dma_wait3A_26, %dma_wait3A_27, %dma_wait3A_33] : memref<2x2x32xi32, #tpu.memory_space<vmem>> -> memref<1x1x32xi32, #tpu.memory_space<vmem>>
    %dma_wait3A_35 = tpu.memref_squeeze %dma_wait3A_34 : memref<1x1x32xi32, #tpu.memory_space<vmem>> -> memref<32xi32, #tpu.memory_space<vmem>>
    %dma_wait3A_36 = arith.constant 0 : i32
    %dma_wait3A_37 = arith.constant 0 : i32
    %dma_wait3A_38 = tpu.memref_slice %arg10[%dma_wait3A_36, %dma_wait3A_37] : memref<5120x128xf32, #tpu.memory_space<vmem_shared>> -> memref<5120x128xf32, #tpu.memory_space<vmem_shared>>
    %dma_wait3A_39 = tpu.memref_slice %arg12[%dma_wait3A_28] : memref<2x!tpu.dma_semaphore, #tpu.memory_space<semaphore_mem>> -> memref<1x!tpu.dma_semaphore, #tpu.memory_space<semaphore_mem>>
    %dma_wait3A_40 = tpu.memref_squeeze %dma_wait3A_39 : memref<1x!tpu.dma_semaphore, #tpu.memory_space<semaphore_mem>> -> memref<!tpu.dma_semaphore, #tpu.memory_space<semaphore_mem>>
    tpu.wait_indirect_dma semaphore(%dma_wait3A_40 : memref<!tpu.dma_semaphore, #tpu.memory_space<semaphore_mem>>) src(%dma_wait3A_32 : memref<32x128xf32, #tpu.memory_space<vmem>>) dst(%dma_wait3A_38 : memref<5120x128xf32, #tpu.memory_space<vmem_shared>>)
    %dma_wait3A_41 = arith.constant 1 : i32
    %dma_wait3A_42 = arith.constant 1 : i32
    %dma_wait3A_43 = arith.constant 1 : i32
    %dma_wait3A_44 = arith.constant 1 : i32
    %dma_wait3A_45 = arith.constant 0 : i32
    %dma_wait3A_46 = arith.constant 0 : i32
    %dma_wait3A_47 = tpu.memref_slice %arg8[%dma_wait3A_41, %dma_wait3A_45, %dma_wait3A_46] : memref<2x32x128xf32, #tpu.memory_space<vmem>> -> memref<1x32x128xf32, #tpu.memory_space<vmem>>
    %dma_wait3A_48 = tpu.memref_squeeze %dma_wait3A_47 : memref<1x32x128xf32, #tpu.memory_space<vmem>> -> memref<32x128xf32, #tpu.memory_space<vmem>>
    %dma_wait3A_49 = arith.constant 0 : i32
    %dma_wait3A_50 = tpu.memref_slice %arg7[%dma_wait3A_42, %dma_wait3A_43, %dma_wait3A_49] : memref<2x2x32xi32, #tpu.memory_space<vmem>> -> memref<1x1x32xi32, #tpu.memory_space<vmem>>
    %dma_wait3A_51 = tpu.memref_squeeze %dma_wait3A_50 : memref<1x1x32xi32, #tpu.memory_space<vmem>> -> memref<32xi32, #tpu.memory_space<vmem>>
    %dma_wait3A_52 = arith.constant 0 : i32
    %dma_wait3A_53 = arith.constant 0 : i32
    %dma_wait3A_54 = tpu.memref_slice %arg10[%dma_wait3A_52, %dma_wait3A_53] : memref<5120x128xf32, #tpu.memory_space<vmem_shared>> -> memref<5120x128xf32, #tpu.memory_space<vmem_shared>>
    %dma_wait3A_55 = tpu.memref_slice %arg12[%dma_wait3A_44] : memref<2x!tpu.dma_semaphore, #tpu.memory_space<semaphore_mem>> -> memref<1x!tpu.dma_semaphore, #tpu.memory_space<semaphore_mem>>
    %dma_wait3A_56 = tpu.memref_squeeze %dma_wait3A_55 : memref<1x!tpu.dma_semaphore, #tpu.memory_space<semaphore_mem>> -> memref<!tpu.dma_semaphore, #tpu.memory_space<semaphore_mem>>
    tpu.wait_indirect_dma semaphore(%dma_wait3A_56 : memref<!tpu.dma_semaphore, #tpu.memory_space<semaphore_mem>>) src(%dma_wait3A_48 : memref<32x128xf32, #tpu.memory_space<vmem>>) dst(%dma_wait3A_54 : memref<5120x128xf32, #tpu.memory_space<vmem_shared>>)
    %barrier3A_57 = arith.constant 0 : index
    tpu.barrier barrier_id(%barrier3A_57)
    %mul3A_58 = arith.constant 320 : i32
    %mul3A_59 = arith.muli %arg1, %mul3A_58 : i32
    %mul3A_60 = arith.constant 320 : i32
    %mul3A_61 = arith.muli %arg1, %mul3A_60 : i32
    "tpu.region"() ({
      %run_scoped3A_62 = tpu.sem_alloc : memref<!tpu.dma_semaphore, #tpu.memory_space<semaphore_mem>>
      %dma_start3A = arith.constant 0 : i32
      %dma_start3A_63 = tpu.memref_slice %arg5[%arg0, %mul3A_61, %dma_start3A] : memref<2x5120x128xf32, #tpu.memory_space<hbm>> -> memref<1x320x128xf32, #tpu.memory_space<hbm>>
      %dma_start3A_64 = tpu.memref_squeeze %dma_start3A_63 : memref<1x320x128xf32, #tpu.memory_space<hbm>> -> memref<320x128xf32, #tpu.memory_space<hbm>>
      %dma_start3A_65 = arith.constant 0 : i32
      %dma_start3A_66 = tpu.memref_slice %arg10[%mul3A_59, %dma_start3A_65] : memref<5120x128xf32, #tpu.memory_space<vmem_shared>> -> memref<320x128xf32, #tpu.memory_space<vmem_shared>>
      tpu.enqueue_dma source(%dma_start3A_66 : memref<320x128xf32, #tpu.memory_space<vmem_shared>>) target(%dma_start3A_64 : memref<320x128xf32, #tpu.memory_space<hbm>>) target_semaphore(%run_scoped3A_62 : memref<!tpu.dma_semaphore, #tpu.memory_space<semaphore_mem>>)
      %dma_wait3A_67 = arith.constant 0 : i32
      %dma_wait3A_68 = tpu.memref_slice %arg5[%arg0, %mul3A_61, %dma_wait3A_67] : memref<2x5120x128xf32, #tpu.memory_space<hbm>> -> memref<1x320x128xf32, #tpu.memory_space<hbm>>
      %dma_wait3A_69 = tpu.memref_squeeze %dma_wait3A_68 : memref<1x320x128xf32, #tpu.memory_space<hbm>> -> memref<320x128xf32, #tpu.memory_space<hbm>>
      %dma_wait3A_70 = arith.constant 0 : i32
      %dma_wait3A_71 = tpu.memref_slice %arg10[%mul3A_59, %dma_wait3A_70] : memref<5120x128xf32, #tpu.memory_space<vmem_shared>> -> memref<320x128xf32, #tpu.memory_space<vmem_shared>>
      tpu.wait_dma2 semaphore(%run_scoped3A_62 : memref<!tpu.dma_semaphore, #tpu.memory_space<semaphore_mem>>) src(%dma_wait3A_71 : memref<320x128xf32, #tpu.memory_space<vmem_shared>>) dst(%dma_wait3A_69 : memref<320x128xf32, #tpu.memory_space<hbm>>)
      tpu.yield
    }) : () -> ()
    return
  }
}

#map = affine_map<(d0, d1) -> (0, 0)>
#map1 = affine_map<(d0, d1) -> (0, 0, 0)>
#map2 = affine_map<(d0, d1) -> (0, 0, 0, 0)>
module attributes {stable_mosaic.version = 14 : i64} {
  func.func @_segment_sc(%arg0: i32, %arg1: i32, %arg2: memref<10000x128xf32, #tpu.memory_space<hbm>>, %arg3: memref<5120x2x32xi32, #tpu.memory_space<hbm>>, %arg4: memref<2x5120x2x32xi32, #tpu.memory_space<hbm>>, %arg5: memref<2x5120x128xf32, #tpu.memory_space<hbm>>, %arg6: memref<2x2x32xi32, #tpu.memory_space<vmem>>, %arg7: memref<2x2x32xi32, #tpu.memory_space<vmem>>, %arg8: memref<2x32x128xf32, #tpu.memory_space<vmem>>, %arg9: memref<10000x128xf32, #tpu.memory_space<vmem_shared>>, %arg10: memref<5120x128xf32, #tpu.memory_space<vmem_shared>>, %arg11: memref<2x!tpu.dma_semaphore, #tpu.memory_space<semaphore_mem>>, %arg12: memref<2x!tpu.dma_semaphore, #tpu.memory_space<semaphore_mem>>, %arg13: memref<!tpu.dma_semaphore, #tpu.memory_space<semaphore_mem>>) attributes {dimension_semantics = [#tpu.dimension_semantics<core_parallel>, #tpu.dimension_semantics<subcore_parallel>], iteration_bounds = array<i64: 2, 16>, scalar_prefetch = 0 : i64, scratch_operands = 8 : i64, tpu.core_type = #tpu.core_type<sc_vector_subcore>, window_params = [{transform_indices = #map}, {transform_indices = #map1}, {transform_indices = #map2}, {transform_indices = #map1}]} {
    %lt3A = arith.constant 15 : i32
    %lt3A_0 = arith.cmpi slt, %arg1, %lt3A : i32
    %convert_element_type3A = arith.extui %lt3A_0 : i1 to i32
    %cond3A = arith.constant 0 : i32
    %cond3A_1 = arith.cmpi ne, %convert_element_type3A, %cond3A : i32
    scf.if %cond3A_1 {
      %mul3A_62 = arith.constant 640 : i32
      %mul3A_63 = arith.muli %arg1, %mul3A_62 : i32
      %mul3A_64 = arith.constant 640 : i32
      %mul3A_65 = arith.muli %arg1, %mul3A_64 : i32
      "tpu.region"() ({
        %run_scoped3A_66 = tpu.sem_alloc : memref<!tpu.dma_semaphore, #tpu.memory_space<semaphore_mem>>
        %dma_start3A = arith.constant 0 : i32
        %dma_start3A_67 = tpu.memref_slice %arg9[%mul3A_65, %dma_start3A] : memref<10000x128xf32, #tpu.memory_space<vmem_shared>> -> memref<640x128xf32, #tpu.memory_space<vmem_shared>>
        %dma_start3A_68 = arith.constant 0 : i32
        %dma_start3A_69 = tpu.memref_slice %arg2[%mul3A_63, %dma_start3A_68] : memref<10000x128xf32, #tpu.memory_space<hbm>> -> memref<640x128xf32, #tpu.memory_space<hbm>>
        tpu.enqueue_dma source(%dma_start3A_69 : memref<640x128xf32, #tpu.memory_space<hbm>>) target(%dma_start3A_67 : memref<640x128xf32, #tpu.memory_space<vmem_shared>>) target_semaphore(%run_scoped3A_66 : memref<!tpu.dma_semaphore, #tpu.memory_space<semaphore_mem>>)
        %dma_wait3A_70 = arith.constant 0 : i32
        %dma_wait3A_71 = tpu.memref_slice %arg9[%mul3A_65, %dma_wait3A_70] : memref<10000x128xf32, #tpu.memory_space<vmem_shared>> -> memref<640x128xf32, #tpu.memory_space<vmem_shared>>
        %dma_wait3A_72 = arith.constant 0 : i32
        %dma_wait3A_73 = tpu.memref_slice %arg2[%mul3A_63, %dma_wait3A_72] : memref<10000x128xf32, #tpu.memory_space<hbm>> -> memref<640x128xf32, #tpu.memory_space<hbm>>
        tpu.wait_dma2 semaphore(%run_scoped3A_66 : memref<!tpu.dma_semaphore, #tpu.memory_space<semaphore_mem>>) src(%dma_wait3A_73 : memref<640x128xf32, #tpu.memory_space<hbm>>) dst(%dma_wait3A_71 : memref<640x128xf32, #tpu.memory_space<vmem_shared>>)
        tpu.yield
      }) : () -> ()
    } else {
    }
    %eq3A = arith.constant 15 : i32
    %eq3A_2 = arith.cmpi eq, %arg1, %eq3A : i32
    %convert_element_type3A_3 = arith.extui %eq3A_2 : i1 to i32
    %cond3A_4 = arith.constant 0 : i32
    %cond3A_5 = arith.cmpi ne, %convert_element_type3A_3, %cond3A_4 : i32
    scf.if %cond3A_5 {
      "tpu.region"() ({
        %run_scoped3A_62 = tpu.sem_alloc : memref<!tpu.dma_semaphore, #tpu.memory_space<semaphore_mem>>
        %dma_start3A = arith.constant 9600 : i32
        %dma_start3A_63 = arith.constant 0 : i32
        %dma_start3A_64 = tpu.memref_slice %arg9[%dma_start3A, %dma_start3A_63] : memref<10000x128xf32, #tpu.memory_space<vmem_shared>> -> memref<400x128xf32, #tpu.memory_space<vmem_shared>>
        %dma_start3A_65 = arith.constant 9600 : i32
        %dma_start3A_66 = arith.constant 0 : i32
        %dma_start3A_67 = tpu.memref_slice %arg2[%dma_start3A_65, %dma_start3A_66] : memref<10000x128xf32, #tpu.memory_space<hbm>> -> memref<400x128xf32, #tpu.memory_space<hbm>>
        tpu.enqueue_dma source(%dma_start3A_67 : memref<400x128xf32, #tpu.memory_space<hbm>>) target(%dma_start3A_64 : memref<400x128xf32, #tpu.memory_space<vmem_shared>>) target_semaphore(%run_scoped3A_62 : memref<!tpu.dma_semaphore, #tpu.memory_space<semaphore_mem>>)
        %dma_wait3A_68 = arith.constant 9600 : i32
        %dma_wait3A_69 = arith.constant 0 : i32
        %dma_wait3A_70 = tpu.memref_slice %arg9[%dma_wait3A_68, %dma_wait3A_69] : memref<10000x128xf32, #tpu.memory_space<vmem_shared>> -> memref<400x128xf32, #tpu.memory_space<vmem_shared>>
        %dma_wait3A_71 = arith.constant 9600 : i32
        %dma_wait3A_72 = arith.constant 0 : i32
        %dma_wait3A_73 = tpu.memref_slice %arg2[%dma_wait3A_71, %dma_wait3A_72] : memref<10000x128xf32, #tpu.memory_space<hbm>> -> memref<400x128xf32, #tpu.memory_space<hbm>>
        tpu.wait_dma2 semaphore(%run_scoped3A_62 : memref<!tpu.dma_semaphore, #tpu.memory_space<semaphore_mem>>) src(%dma_wait3A_73 : memref<400x128xf32, #tpu.memory_space<hbm>>) dst(%dma_wait3A_70 : memref<400x128xf32, #tpu.memory_space<vmem_shared>>)
        tpu.yield
      }) : () -> ()
    } else {
    }
    %broadcast_in_dim3A = arith.constant 0.000000e+00 : f32
    %broadcast_in_dim3A_6 = vector.broadcast %broadcast_in_dim3A : f32 to vector<16xf32>
    %scan3A = arith.constant 0 : i32
    %scan3A_7 = arith.constant 0 : i32
    %scan3A_8 = arith.constant 32 : i32
    %scan3A_9 = arith.addi %scan3A_7, %scan3A_8 : i32
    %scan3A_10 = arith.constant 1 : i32
    scf.for %scan3A_62 = %scan3A_7 to %scan3A_9 step %scan3A_10  : i32 {
      %scan3A_63 = arith.constant 0 : i32
      %scan3A_64 = arith.constant 8 : i32
      %scan3A_65 = arith.addi %scan3A_63, %scan3A_64 : i32
      %scan3A_66 = arith.constant 1 : i32
      scf.for %scan3A_68 = %scan3A_63 to %scan3A_65 step %scan3A_66  : i32 {
        %mul3A_69 = arith.constant 16 : i32
        %mul3A_70 = arith.muli %scan3A_68, %mul3A_69 : i32
        %swap3A = arith.constant 0 : i32
        %swap3A_71 = arith.index_cast %swap3A : i32 to index
        %swap3A_72 = arith.index_cast %scan3A_62 : i32 to index
        %swap3A_73 = arith.index_cast %mul3A_70 : i32 to index
        %swap3A_74 = tpu.vector_load %arg8[%swap3A_71, %swap3A_72, %swap3A_73] {strides = array<i32>} : memref<2x32x128xf32, #tpu.memory_space<vmem>>, vector<1x1x16xf32>,
        %swap3A_75 = vector.shape_cast %swap3A_74 : vector<1x1x16xf32> to vector<16xf32>
        %swap3A_76 = vector.shape_cast %broadcast_in_dim3A_6 : vector<16xf32> to vector<1x1x16xf32>
        tpu.vector_store %arg8[%swap3A_71, %swap3A_72, %swap3A_73], %swap3A_76 {strides = array<i32>} : memref<2x32x128xf32, #tpu.memory_space<vmem>>, vector<1x1x16xf32>,
      }
      %scan3A_67 = arith.constant 8 : i32
    }
    %scan3A_11 = arith.constant 32 : i32
    %scan3A_12 = arith.constant 0 : i32
    %scan3A_13 = arith.constant 0 : i32
    %scan3A_14 = arith.constant 10 : i32
    %scan3A_15 = arith.addi %scan3A_13, %scan3A_14 : i32
    %scan3A_16 = arith.constant 1 : i32
    scf.for %scan3A_62 = %scan3A_13 to %scan3A_15 step %scan3A_16  : i32 {
      %mul3A_63 = arith.constant 10 : i32
      %mul3A_64 = arith.muli %arg1, %mul3A_63 : i32
      %add3A = arith.addi %mul3A_64, %scan3A_62 : i32
      %mul3A_65 = arith.constant 32 : i32
      %mul3A_66 = arith.muli %add3A, %mul3A_65 : i32
      %run_scoped3A_67 = arith.constant 0 : i32
      "tpu.region"() ({
        %run_scoped3A_68 = tpu.sem_alloc : memref<!tpu.dma_semaphore, #tpu.memory_space<semaphore_mem>>
        %dma_start3A = arith.constant 0 : i32
        %dma_start3A_69 = arith.constant 0 : i32
        %dma_start3A_70 = tpu.memref_slice %arg8[%run_scoped3A_67, %dma_start3A, %dma_start3A_69] : memref<2x32x128xf32, #tpu.memory_space<vmem>> -> memref<1x32x128xf32, #tpu.memory_space<vmem>>
        %dma_start3A_71 = tpu.memref_squeeze %dma_start3A_70 : memref<1x32x128xf32, #tpu.memory_space<vmem>> -> memref<32x128xf32, #tpu.memory_space<vmem>>
        %dma_start3A_72 = arith.constant 0 : i32
        %dma_start3A_73 = tpu.memref_slice %arg10[%mul3A_66, %dma_start3A_72] : memref<5120x128xf32, #tpu.memory_space<vmem_shared>> -> memref<32x128xf32, #tpu.memory_space<vmem_shared>>
        %dma_start3A_74 = arith.constant 0 : i32
        %dma_start3A_75 = tpu.memref_slice %arg10[%mul3A_66, %dma_start3A_74] : memref<5120x128xf32, #tpu.memory_space<vmem_shared>> -> memref<32x128xf32, #tpu.memory_space<vmem_shared>>
        %dma_start3A_76 = arith.constant 0 : i32
        %dma_start3A_77 = arith.constant 0 : i32
        %dma_start3A_78 = tpu.memref_slice %arg8[%run_scoped3A_67, %dma_start3A_76, %dma_start3A_77] : memref<2x32x128xf32, #tpu.memory_space<vmem>> -> memref<1x32x128xf32, #tpu.memory_space<vmem>>
        %dma_start3A_79 = tpu.memref_squeeze %dma_start3A_78 : memref<1x32x128xf32, #tpu.memory_space<vmem>> -> memref<32x128xf32, #tpu.memory_space<vmem>>
        tpu.enqueue_dma source(%dma_start3A_79 : memref<32x128xf32, #tpu.memory_space<vmem>>) target(%dma_start3A_75 : memref<32x128xf32, #tpu.memory_space<vmem_shared>>) target_semaphore(%run_scoped3A_68 : memref<!tpu.dma_semaphore, #tpu.memory_space<semaphore_mem>>)
        %dma_wait3A_80 = arith.constant 0 : i32
        %dma_wait3A_81 = arith.constant 0 : i32
        %dma_wait3A_82 = tpu.memref_slice %arg8[%run_scoped3A_67, %dma_wait3A_80, %dma_wait3A_81] : memref<2x32x128xf32, #tpu.memory_space<vmem>> -> memref<1x32x128xf32, #tpu.memory_space<vmem>>
        %dma_wait3A_83 = tpu.memref_squeeze %dma_wait3A_82 : memref<1x32x128xf32, #tpu.memory_space<vmem>> -> memref<32x128xf32, #tpu.memory_space<vmem>>
        %dma_wait3A_84 = arith.constant 0 : i32
        %dma_wait3A_85 = tpu.memref_slice %arg10[%mul3A_66, %dma_wait3A_84] : memref<5120x128xf32, #tpu.memory_space<vmem_shared>> -> memref<32x128xf32, #tpu.memory_space<vmem_shared>>
        %dma_wait3A_86 = arith.constant 0 : i32
        %dma_wait3A_87 = tpu.memref_slice %arg10[%mul3A_66, %dma_wait3A_86] : memref<5120x128xf32, #tpu.memory_space<vmem_shared>> -> memref<32x128xf32, #tpu.memory_space<vmem_shared>>
        %dma_wait3A_88 = arith.constant 0 : i32
        %dma_wait3A_89 = arith.constant 0 : i32
        %dma_wait3A_90 = tpu.memref_slice %arg8[%run_scoped3A_67, %dma_wait3A_88, %dma_wait3A_89] : memref<2x32x128xf32, #tpu.memory_space<vmem>> -> memref<1x32x128xf32, #tpu.memory_space<vmem>>
        %dma_wait3A_91 = tpu.memref_squeeze %dma_wait3A_90 : memref<1x32x128xf32, #tpu.memory_space<vmem>> -> memref<32x128xf32, #tpu.memory_space<vmem>>
        tpu.wait_dma2 semaphore(%run_scoped3A_68 : memref<!tpu.dma_semaphore, #tpu.memory_space<semaphore_mem>>) src(%dma_wait3A_91 : memref<32x128xf32, #tpu.memory_space<vmem>>) dst(%dma_wait3A_87 : memref<32x128xf32, #tpu.memory_space<vmem_shared>>)
        tpu.yield
      }) : () -> ()
    }
    %scan3A_17 = arith.constant 10 : i32
    %mul3A = arith.constant 320 : i32
    %mul3A_18 = arith.muli %arg1, %mul3A : i32
    %run_scoped3A = arith.constant 0 : i32
    "tpu.region"() ({
      %run_scoped3A_62 = tpu.sem_alloc : memref<!tpu.dma_semaphore, #tpu.memory_space<semaphore_mem>>
      %dma_start3A = arith.constant 0 : i32
      %dma_start3A_63 = arith.constant 0 : i32
      %dma_start3A_64 = tpu.memref_slice %arg6[%run_scoped3A, %dma_start3A, %dma_start3A_63] : memref<2x2x32xi32, #tpu.memory_space<vmem>> -> memref<1x2x32xi32, #tpu.memory_space<vmem>>
      %dma_start3A_65 = tpu.memref_squeeze %dma_start3A_64 : memref<1x2x32xi32, #tpu.memory_space<vmem>> -> memref<2x32xi32, #tpu.memory_space<vmem>>
      %dma_start3A_66 = arith.constant 0 : i32
      %dma_start3A_67 = arith.constant 0 : i32
      %dma_start3A_68 = tpu.memref_slice %arg3[%mul3A_18, %dma_start3A_66, %dma_start3A_67] : memref<5120x2x32xi32, #tpu.memory_space<hbm>> -> memref<1x2x32xi32, #tpu.memory_space<hbm>>
      %dma_start3A_69 = tpu.memref_squeeze %dma_start3A_68 : memref<1x2x32xi32, #tpu.memory_space<hbm>> -> memref<2x32xi32, #tpu.memory_space<hbm>>
      %dma_start3A_70 = arith.constant 0 : i32
      %dma_start3A_71 = arith.constant 0 : i32
      %dma_start3A_72 = tpu.memref_slice %arg6[%run_scoped3A, %dma_start3A_70, %dma_start3A_71] : memref<2x2x32xi32, #tpu.memory_space<vmem>> -> memref<1x2x32xi32, #tpu.memory_space<vmem>>
      %dma_start3A_73 = tpu.memref_squeeze %dma_start3A_72 : memref<1x2x32xi32, #tpu.memory_space<vmem>> -> memref<2x32xi32, #tpu.memory_space<vmem>>
      %dma_start3A_74 = arith.constant 0 : i32
      %dma_start3A_75 = arith.constant 0 : i32
      %dma_start3A_76 = tpu.memref_slice %arg3[%mul3A_18, %dma_start3A_74, %dma_start3A_75] : memref<5120x2x32xi32, #tpu.memory_space<hbm>> -> memref<1x2x32xi32, #tpu.memory_space<hbm>>
      %dma_start3A_77 = tpu.memref_squeeze %dma_start3A_76 : memref<1x2x32xi32, #tpu.memory_space<hbm>> -> memref<2x32xi32, #tpu.memory_space<hbm>>
      tpu.enqueue_dma source(%dma_start3A_77 : memref<2x32xi32, #tpu.memory_space<hbm>>) target(%dma_start3A_73 : memref<2x32xi32, #tpu.memory_space<vmem>>) target_semaphore(%run_scoped3A_62 : memref<!tpu.dma_semaphore, #tpu.memory_space<semaphore_mem>>)
      %dma_wait3A_78 = arith.constant 0 : i32
      %dma_wait3A_79 = arith.constant 0 : i32
      %dma_wait3A_80 = tpu.memref_slice %arg6[%run_scoped3A, %dma_wait3A_78, %dma_wait3A_79] : memref<2x2x32xi32, #tpu.memory_space<vmem>> -> memref<1x2x32xi32, #tpu.memory_space<vmem>>
      %dma_wait3A_81 = tpu.memref_squeeze %dma_wait3A_80 : memref<1x2x32xi32, #tpu.memory_space<vmem>> -> memref<2x32xi32, #tpu.memory_space<vmem>>
      %dma_wait3A_82 = arith.constant 0 : i32
      %dma_wait3A_83 = arith.constant 0 : i32
      %dma_wait3A_84 = tpu.memref_slice %arg3[%mul3A_18, %dma_wait3A_82, %dma_wait3A_83] : memref<5120x2x32xi32, #tpu.memory_space<hbm>> -> memref<1x2x32xi32, #tpu.memory_space<hbm>>
      %dma_wait3A_85 = tpu.memref_squeeze %dma_wait3A_84 : memref<1x2x32xi32, #tpu.memory_space<hbm>> -> memref<2x32xi32, #tpu.memory_space<hbm>>
      %dma_wait3A_86 = arith.constant 0 : i32
      %dma_wait3A_87 = arith.constant 0 : i32
      %dma_wait3A_88 = tpu.memref_slice %arg6[%run_scoped3A, %dma_wait3A_86, %dma_wait3A_87] : memref<2x2x32xi32, #tpu.memory_space<vmem>> -> memref<1x2x32xi32, #tpu.memory_space<vmem>>
      %dma_wait3A_89 = tpu.memref_squeeze %dma_wait3A_88 : memref<1x2x32xi32, #tpu.memory_space<vmem>> -> memref<2x32xi32, #tpu.memory_space<vmem>>
      %dma_wait3A_90 = arith.constant 0 : i32
      %dma_wait3A_91 = arith.constant 0 : i32
      %dma_wait3A_92 = tpu.memref_slice %arg3[%mul3A_18, %dma_wait3A_90, %dma_wait3A_91] : memref<5120x2x32xi32, #tpu.memory_space<hbm>> -> memref<1x2x32xi32, #tpu.memory_space<hbm>>
      %dma_wait3A_93 = tpu.memref_squeeze %dma_wait3A_92 : memref<1x2x32xi32, #tpu.memory_space<hbm>> -> memref<2x32xi32, #tpu.memory_space<hbm>>
      tpu.wait_dma2 semaphore(%run_scoped3A_62 : memref<!tpu.dma_semaphore, #tpu.memory_space<semaphore_mem>>) src(%dma_wait3A_93 : memref<2x32xi32, #tpu.memory_space<hbm>>) dst(%dma_wait3A_89 : memref<2x32xi32, #tpu.memory_space<vmem>>)
      tpu.yield
    }) : () -> ()
    %run_scoped3A_19 = arith.constant 0 : i32
    "tpu.region"() ({
      %run_scoped3A_62 = tpu.sem_alloc : memref<!tpu.dma_semaphore, #tpu.memory_space<semaphore_mem>>
      %dma_start3A = arith.constant 0 : i32
      %dma_start3A_63 = arith.constant 0 : i32
      %dma_start3A_64 = tpu.memref_slice %arg7[%run_scoped3A_19, %dma_start3A, %dma_start3A_63] : memref<2x2x32xi32, #tpu.memory_space<vmem>> -> memref<1x2x32xi32, #tpu.memory_space<vmem>>
      %dma_start3A_65 = tpu.memref_squeeze %dma_start3A_64 : memref<1x2x32xi32, #tpu.memory_space<vmem>> -> memref<2x32xi32, #tpu.memory_space<vmem>>
      %dma_start3A_66 = arith.constant 0 : i32
      %dma_start3A_67 = arith.constant 0 : i32
      %dma_start3A_68 = tpu.memref_slice %arg4[%arg0, %mul3A_18, %dma_start3A_66, %dma_start3A_67] : memref<2x5120x2x32xi32, #tpu.memory_space<hbm>> -> memref<1x1x2x32xi32, #tpu.memory_space<hbm>>
      %dma_start3A_69 = tpu.memref_squeeze %dma_start3A_68 : memref<1x1x2x32xi32, #tpu.memory_space<hbm>> -> memref<2x32xi32, #tpu.memory_space<hbm>>
      %dma_start3A_70 = arith.constant 0 : i32
      %dma_start3A_71 = arith.constant 0 : i32
      %dma_start3A_72 = tpu.memref_slice %arg7[%run_scoped3A_19, %dma_start3A_70, %dma_start3A_71] : memref<2x2x32xi32, #tpu.memory_space<vmem>> -> memref<1x2x32xi32, #tpu.memory_space<vmem>>
      %dma_start3A_73 = tpu.memref_squeeze %dma_start3A_72 : memref<1x2x32xi32, #tpu.memory_space<vmem>> -> memref<2x32xi32, #tpu.memory_space<vmem>>
      %dma_start3A_74 = arith.constant 0 : i32
      %dma_start3A_75 = arith.constant 0 : i32
      %dma_start3A_76 = tpu.memref_slice %arg4[%arg0, %mul3A_18, %dma_start3A_74, %dma_start3A_75] : memref<2x5120x2x32xi32, #tpu.memory_space<hbm>> -> memref<1x1x2x32xi32, #tpu.memory_space<hbm>>
      %dma_start3A_77 = tpu.memref_squeeze %dma_start3A_76 : memref<1x1x2x32xi32, #tpu.memory_space<hbm>> -> memref<2x32xi32, #tpu.memory_space<hbm>>
      tpu.enqueue_dma source(%dma_start3A_77 : memref<2x32xi32, #tpu.memory_space<hbm>>) target(%dma_start3A_73 : memref<2x32xi32, #tpu.memory_space<vmem>>) target_semaphore(%run_scoped3A_62 : memref<!tpu.dma_semaphore, #tpu.memory_space<semaphore_mem>>)
      %dma_wait3A_78 = arith.constant 0 : i32
      %dma_wait3A_79 = arith.constant 0 : i32
      %dma_wait3A_80 = tpu.memref_slice %arg7[%run_scoped3A_19, %dma_wait3A_78, %dma_wait3A_79] : memref<2x2x32xi32, #tpu.memory_space<vmem>> -> memref<1x2x32xi32, #tpu.memory_space<vmem>>
      %dma_wait3A_81 = tpu.memref_squeeze %dma_wait3A_80 : memref<1x2x32xi32, #tpu.memory_space<vmem>> -> memref<2x32xi32, #tpu.memory_space<vmem>>
      %dma_wait3A_82 = arith.constant 0 : i32
      %dma_wait3A_83 = arith.constant 0 : i32
      %dma_wait3A_84 = tpu.memref_slice %arg4[%arg0, %mul3A_18, %dma_wait3A_82, %dma_wait3A_83] : memref<2x5120x2x32xi32, #tpu.memory_space<hbm>> -> memref<1x1x2x32xi32, #tpu.memory_space<hbm>>
      %dma_wait3A_85 = tpu.memref_squeeze %dma_wait3A_84 : memref<1x1x2x32xi32, #tpu.memory_space<hbm>> -> memref<2x32xi32, #tpu.memory_space<hbm>>
      %dma_wait3A_86 = arith.constant 0 : i32
      %dma_wait3A_87 = arith.constant 0 : i32
      %dma_wait3A_88 = tpu.memref_slice %arg7[%run_scoped3A_19, %dma_wait3A_86, %dma_wait3A_87] : memref<2x2x32xi32, #tpu.memory_space<vmem>> -> memref<1x2x32xi32, #tpu.memory_space<vmem>>
      %dma_wait3A_89 = tpu.memref_squeeze %dma_wait3A_88 : memref<1x2x32xi32, #tpu.memory_space<vmem>> -> memref<2x32xi32, #tpu.memory_space<vmem>>
      %dma_wait3A_90 = arith.constant 0 : i32
      %dma_wait3A_91 = arith.constant 0 : i32
      %dma_wait3A_92 = tpu.memref_slice %arg4[%arg0, %mul3A_18, %dma_wait3A_90, %dma_wait3A_91] : memref<2x5120x2x32xi32, #tpu.memory_space<hbm>> -> memref<1x1x2x32xi32, #tpu.memory_space<hbm>>
      %dma_wait3A_93 = tpu.memref_squeeze %dma_wait3A_92 : memref<1x1x2x32xi32, #tpu.memory_space<hbm>> -> memref<2x32xi32, #tpu.memory_space<hbm>>
      tpu.wait_dma2 semaphore(%run_scoped3A_62 : memref<!tpu.dma_semaphore, #tpu.memory_space<semaphore_mem>>) src(%dma_wait3A_93 : memref<2x32xi32, #tpu.memory_space<hbm>>) dst(%dma_wait3A_89 : memref<2x32xi32, #tpu.memory_space<vmem>>)
      tpu.yield
    }) : () -> ()
    %barrier3A = arith.constant 0 : index
    tpu.barrier barrier_id(%barrier3A)
    %scan3A_20 = arith.constant 0 : i32
    %scan3A_21 = arith.constant 0 : i32
    %scan3A_22 = arith.constant 320 : i32
    %scan3A_23 = arith.addi %scan3A_21, %scan3A_22 : i32
    %scan3A_24 = arith.constant 1 : i32
    scf.for %scan3A_62 = %scan3A_21 to %scan3A_23 step %scan3A_24  : i32 {
      %jit3A = arith.constant 2 : i32
      %eq3A_63 = arith.constant 0 : i32
      %eq3A_64 = arith.cmpi eq, %jit3A, %eq3A_63 : i32
      %jit3A_65 = arith.constant 1 : i32
      %select_n3A = arith.select %eq3A_64, %jit3A_65, %jit3A : i32
      %rem3A = arith.remsi %scan3A_62, %select_n3A : i32
      %ne3A = arith.constant 0 : i32
      %ne3A_66 = arith.cmpi ne, %rem3A, %ne3A : i32
      %lt3A_67 = arith.constant 0 : i32
      %lt3A_68 = arith.cmpi slt, %rem3A, %lt3A_67 : i32
      %lt3A_69 = arith.constant 0 : i32
      %lt3A_70 = arith.cmpi slt, %select_n3A, %lt3A_69 : i32
      %ne3A_71 = arith.xori %lt3A_68, %lt3A_70 : i1
      %and3A = arith.andi %ne3A_71, %ne3A_66 : i1
      %add3A = arith.addi %rem3A, %select_n3A : i32
      %select_n3A_72 = arith.select %and3A, %add3A, %rem3A : i32
      %add3A_73 = arith.addi %mul3A_18, %scan3A_62 : i32
      %add3A_74 = arith.constant 1 : i32
      %add3A_75 = arith.addi %scan3A_62, %add3A_74 : i32
      %lt3A_76 = arith.constant 320 : i32
      %lt3A_77 = arith.cmpi slt, %add3A_75, %lt3A_76 : i32
      %convert_element_type3A_78 = arith.extui %lt3A_77 : i1 to i32
      %cond3A_79 = arith.constant 0 : i32
      %cond3A_80 = arith.cmpi ne, %convert_element_type3A_78, %cond3A_79 : i32
      scf.if %cond3A_80 {
        %add3A_261 = arith.constant 1 : i32
        %add3A_262 = arith.addi %add3A_73, %add3A_261 : i32
        %sub3A = arith.constant 1 : i32
        %sub3A_263 = arith.subi %sub3A, %select_n3A_72 : i32
        %dma_start3A_264 = arith.constant 0 : i32
        %dma_start3A_265 = arith.constant 0 : i32
        %dma_start3A_266 = tpu.memref_slice %arg6[%sub3A_263, %dma_start3A_264, %dma_start3A_265] : memref<2x2x32xi32, #tpu.memory_space<vmem>> -> memref<1x2x32xi32, #tpu.memory_space<vmem>>
        %dma_start3A_267 = tpu.memref_squeeze %dma_start3A_266 : memref<1x2x32xi32, #tpu.memory_space<vmem>> -> memref<2x32xi32, #tpu.memory_space<vmem>>
        %dma_start3A_268 = arith.constant 0 : i32
        %dma_start3A_269 = arith.constant 0 : i32
        %dma_start3A_270 = tpu.memref_slice %arg3[%add3A_262, %dma_start3A_268, %dma_start3A_269] : memref<5120x2x32xi32, #tpu.memory_space<hbm>> -> memref<1x2x32xi32, #tpu.memory_space<hbm>>
        %dma_start3A_271 = tpu.memref_squeeze %dma_start3A_270 : memref<1x2x32xi32, #tpu.memory_space<hbm>> -> memref<2x32xi32, #tpu.memory_space<hbm>>
        %dma_start3A_272 = arith.constant 0 : i32
        %dma_start3A_273 = arith.constant 0 : i32
        %dma_start3A_274 = tpu.memref_slice %arg6[%sub3A_263, %dma_start3A_272, %dma_start3A_273] : memref<2x2x32xi32, #tpu.memory_space<vmem>> -> memref<1x2x32xi32, #tpu.memory_space<vmem>>
        %dma_start3A_275 = tpu.memref_squeeze %dma_start3A_274 : memref<1x2x32xi32, #tpu.memory_space<vmem>> -> memref<2x32xi32, #tpu.memory_space<vmem>>
        %dma_start3A_276 = arith.constant 0 : i32
        %dma_start3A_277 = arith.constant 0 : i32
        %dma_start3A_278 = tpu.memref_slice %arg3[%add3A_262, %dma_start3A_276, %dma_start3A_277] : memref<5120x2x32xi32, #tpu.memory_space<hbm>> -> memref<1x2x32xi32, #tpu.memory_space<hbm>>
        %dma_start3A_279 = tpu.memref_squeeze %dma_start3A_278 : memref<1x2x32xi32, #tpu.memory_space<hbm>> -> memref<2x32xi32, #tpu.memory_space<hbm>>
        tpu.enqueue_dma source(%dma_start3A_279 : memref<2x32xi32, #tpu.memory_space<hbm>>) target(%dma_start3A_275 : memref<2x32xi32, #tpu.memory_space<vmem>>) target_semaphore(%arg13 : memref<!tpu.dma_semaphore, #tpu.memory_space<semaphore_mem>>)
        %add3A_280 = arith.constant 1 : i32
        %add3A_281 = arith.addi %add3A_73, %add3A_280 : i32
        %sub3A_282 = arith.constant 1 : i32
        %sub3A_283 = arith.subi %sub3A_282, %select_n3A_72 : i32
        %dma_start3A_284 = arith.constant 0 : i32
        %dma_start3A_285 = arith.constant 0 : i32
        %dma_start3A_286 = tpu.memref_slice %arg7[%sub3A_283, %dma_start3A_284, %dma_start3A_285] : memref<2x2x32xi32, #tpu.memory_space<vmem>> -> memref<1x2x32xi32, #tpu.memory_space<vmem>>
        %dma_start3A_287 = tpu.memref_squeeze %dma_start3A_286 : memref<1x2x32xi32, #tpu.memory_space<vmem>> -> memref<2x32xi32, #tpu.memory_space<vmem>>
        %dma_start3A_288 = arith.constant 0 : i32
        %dma_start3A_289 = arith.constant 0 : i32
        %dma_start3A_290 = tpu.memref_slice %arg4[%arg0, %add3A_281, %dma_start3A_288, %dma_start3A_289] : memref<2x5120x2x32xi32, #tpu.memory_space<hbm>> -> memref<1x1x2x32xi32, #tpu.memory_space<hbm>>
        %dma_start3A_291 = tpu.memref_squeeze %dma_start3A_290 : memref<1x1x2x32xi32, #tpu.memory_space<hbm>> -> memref<2x32xi32, #tpu.memory_space<hbm>>
        %dma_start3A_292 = arith.constant 0 : i32
        %dma_start3A_293 = arith.constant 0 : i32
        %dma_start3A_294 = tpu.memref_slice %arg7[%sub3A_283, %dma_start3A_292, %dma_start3A_293] : memref<2x2x32xi32, #tpu.memory_space<vmem>> -> memref<1x2x32xi32, #tpu.memory_space<vmem>>
        %dma_start3A_295 = tpu.memref_squeeze %dma_start3A_294 : memref<1x2x32xi32, #tpu.memory_space<vmem>> -> memref<2x32xi32, #tpu.memory_space<vmem>>
        %dma_start3A_296 = arith.constant 0 : i32
        %dma_start3A_297 = arith.constant 0 : i32
        %dma_start3A_298 = tpu.memref_slice %arg4[%arg0, %add3A_281, %dma_start3A_296, %dma_start3A_297] : memref<2x5120x2x32xi32, #tpu.memory_space<hbm>> -> memref<1x1x2x32xi32, #tpu.memory_space<hbm>>
        %dma_start3A_299 = tpu.memref_squeeze %dma_start3A_298 : memref<1x1x2x32xi32, #tpu.memory_space<hbm>> -> memref<2x32xi32, #tpu.memory_space<hbm>>
        tpu.enqueue_dma source(%dma_start3A_299 : memref<2x32xi32, #tpu.memory_space<hbm>>) target(%dma_start3A_295 : memref<2x32xi32, #tpu.memory_space<vmem>>) target_semaphore(%arg13 : memref<!tpu.dma_semaphore, #tpu.memory_space<semaphore_mem>>)
      } else {
      }
      %gt3A = arith.constant 0 : i32
      %gt3A_81 = arith.cmpi sgt, %scan3A_62, %gt3A : i32
      %convert_element_type3A_82 = arith.extui %gt3A_81 : i1 to i32
      %cond3A_83 = arith.constant 0 : i32
      %cond3A_84 = arith.cmpi ne, %convert_element_type3A_82, %cond3A_83 : i32
      scf.if %cond3A_84 {
        %dma_wait3A_261 = arith.constant 0 : i32
        %dma_wait3A_262 = arith.constant 0 : i32
        %dma_wait3A_263 = tpu.memref_slice %arg6[%select_n3A_72, %dma_wait3A_261, %dma_wait3A_262] : memref<2x2x32xi32, #tpu.memory_space<vmem>> -> memref<1x2x32xi32, #tpu.memory_space<vmem>>
        %dma_wait3A_264 = tpu.memref_squeeze %dma_wait3A_263 : memref<1x2x32xi32, #tpu.memory_space<vmem>> -> memref<2x32xi32, #tpu.memory_space<vmem>>
        %dma_wait3A_265 = arith.constant 0 : i32
        %dma_wait3A_266 = arith.constant 0 : i32
        %dma_wait3A_267 = tpu.memref_slice %arg3[%add3A_73, %dma_wait3A_265, %dma_wait3A_266] : memref<5120x2x32xi32, #tpu.memory_space<hbm>> -> memref<1x2x32xi32, #tpu.memory_space<hbm>>
        %dma_wait3A_268 = tpu.memref_squeeze %dma_wait3A_267 : memref<1x2x32xi32, #tpu.memory_space<hbm>> -> memref<2x32xi32, #tpu.memory_space<hbm>>
        %dma_wait3A_269 = arith.constant 0 : i32
        %dma_wait3A_270 = arith.constant 0 : i32
        %dma_wait3A_271 = tpu.memref_slice %arg6[%select_n3A_72, %dma_wait3A_269, %dma_wait3A_270] : memref<2x2x32xi32, #tpu.memory_space<vmem>> -> memref<1x2x32xi32, #tpu.memory_space<vmem>>
        %dma_wait3A_272 = tpu.memref_squeeze %dma_wait3A_271 : memref<1x2x32xi32, #tpu.memory_space<vmem>> -> memref<2x32xi32, #tpu.memory_space<vmem>>
        %dma_wait3A_273 = arith.constant 0 : i32
        %dma_wait3A_274 = arith.constant 0 : i32
        %dma_wait3A_275 = tpu.memref_slice %arg3[%add3A_73, %dma_wait3A_273, %dma_wait3A_274] : memref<5120x2x32xi32, #tpu.memory_space<hbm>> -> memref<1x2x32xi32, #tpu.memory_space<hbm>>
        %dma_wait3A_276 = tpu.memref_squeeze %dma_wait3A_275 : memref<1x2x32xi32, #tpu.memory_space<hbm>> -> memref<2x32xi32, #tpu.memory_space<hbm>>
        tpu.wait_dma2 semaphore(%arg13 : memref<!tpu.dma_semaphore, #tpu.memory_space<semaphore_mem>>) src(%dma_wait3A_276 : memref<2x32xi32, #tpu.memory_space<hbm>>) dst(%dma_wait3A_272 : memref<2x32xi32, #tpu.memory_space<vmem>>)
        %dma_wait3A_277 = arith.constant 0 : i32
        %dma_wait3A_278 = arith.constant 0 : i32
        %dma_wait3A_279 = tpu.memref_slice %arg7[%select_n3A_72, %dma_wait3A_277, %dma_wait3A_278] : memref<2x2x32xi32, #tpu.memory_space<vmem>> -> memref<1x2x32xi32, #tpu.memory_space<vmem>>
        %dma_wait3A_280 = tpu.memref_squeeze %dma_wait3A_279 : memref<1x2x32xi32, #tpu.memory_space<vmem>> -> memref<2x32xi32, #tpu.memory_space<vmem>>
        %dma_wait3A_281 = arith.constant 0 : i32
        %dma_wait3A_282 = arith.constant 0 : i32
        %dma_wait3A_283 = tpu.memref_slice %arg4[%arg0, %add3A_73, %dma_wait3A_281, %dma_wait3A_282] : memref<2x5120x2x32xi32, #tpu.memory_space<hbm>> -> memref<1x1x2x32xi32, #tpu.memory_space<hbm>>
        %dma_wait3A_284 = tpu.memref_squeeze %dma_wait3A_283 : memref<1x1x2x32xi32, #tpu.memory_space<hbm>> -> memref<2x32xi32, #tpu.memory_space<hbm>>
        %dma_wait3A_285 = arith.constant 0 : i32
        %dma_wait3A_286 = arith.constant 0 : i32
        %dma_wait3A_287 = tpu.memref_slice %arg7[%select_n3A_72, %dma_wait3A_285, %dma_wait3A_286] : memref<2x2x32xi32, #tpu.memory_space<vmem>> -> memref<1x2x32xi32, #tpu.memory_space<vmem>>
        %dma_wait3A_288 = tpu.memref_squeeze %dma_wait3A_287 : memref<1x2x32xi32, #tpu.memory_space<vmem>> -> memref<2x32xi32, #tpu.memory_space<vmem>>
        %dma_wait3A_289 = arith.constant 0 : i32
        %dma_wait3A_290 = arith.constant 0 : i32
        %dma_wait3A_291 = tpu.memref_slice %arg4[%arg0, %add3A_73, %dma_wait3A_289, %dma_wait3A_290] : memref<2x5120x2x32xi32, #tpu.memory_space<hbm>> -> memref<1x1x2x32xi32, #tpu.memory_space<hbm>>
        %dma_wait3A_292 = tpu.memref_squeeze %dma_wait3A_291 : memref<1x1x2x32xi32, #tpu.memory_space<hbm>> -> memref<2x32xi32, #tpu.memory_space<hbm>>
        tpu.wait_dma2 semaphore(%arg13 : memref<!tpu.dma_semaphore, #tpu.memory_space<semaphore_mem>>) src(%dma_wait3A_292 : memref<2x32xi32, #tpu.memory_space<hbm>>) dst(%dma_wait3A_288 : memref<2x32xi32, #tpu.memory_space<vmem>>)
      } else {
      }
      %get3A = arith.constant 0 : i32
      %get3A_85 = arith.index_cast %select_n3A_72 : i32 to index
      %get3A_86 = arith.index_cast %get3A : i32 to index
      %get3A_87 = arith.constant 0 : index
      %get3A_88 = tpu.vector_load %arg7[%get3A_85, %get3A_86, %get3A_87] {strides = array<i32>} : memref<2x2x32xi32, #tpu.memory_space<vmem>>, vector<1x1x16xi32>,
      %get3A_89 = vector.shape_cast %get3A_88 : vector<1x1x16xi32> to vector<16xi32>
      %ge3A = arith.constant 5100 : i32
      %ge3A_90 = vector.broadcast %ge3A : i32 to vector<16xi32>
      %ge3A_91 = arith.cmpi sge, %get3A_89, %ge3A_90 : vector<16xi32>
      %add3A_92 = arith.constant 5100 : i32
      %add3A_93 = arith.addi %add3A_92, %arg1 : i32
      %broadcast_in_dim3A_94 = vector.broadcast %add3A_93 : i32 to vector<16xi32>
      %select_n3A_95 = arith.select %ge3A_91, %broadcast_in_dim3A_94, %get3A_89 : vector<16xi1>, vector<16xi32>
      %swap3A = arith.constant 0 : i32
      %swap3A_96 = arith.index_cast %select_n3A_72 : i32 to index
      %swap3A_97 = arith.index_cast %swap3A : i32 to index
      %swap3A_98 = arith.constant 0 : index
      %swap3A_99 = tpu.vector_load %arg7[%swap3A_96, %swap3A_97, %swap3A_98] {strides = array<i32>} : memref<2x2x32xi32, #tpu.memory_space<vmem>>, vector<1x1x16xi32>,
      %swap3A_100 = vector.shape_cast %swap3A_99 : vector<1x1x16xi32> to vector<16xi32>
      %swap3A_101 = vector.shape_cast %select_n3A_95 : vector<16xi32> to vector<1x1x16xi32>
      tpu.vector_store %arg7[%swap3A_96, %swap3A_97, %swap3A_98], %swap3A_101 {strides = array<i32>} : memref<2x2x32xi32, #tpu.memory_space<vmem>>, vector<1x1x16xi32>,
      %get3A_102 = arith.constant 0 : i32
      %get3A_103 = arith.index_cast %select_n3A_72 : i32 to index
      %get3A_104 = arith.index_cast %get3A_102 : i32 to index
      %get3A_105 = arith.constant 16 : index
      %get3A_106 = tpu.vector_load %arg7[%get3A_103, %get3A_104, %get3A_105] {strides = array<i32>} : memref<2x2x32xi32, #tpu.memory_space<vmem>>, vector<1x1x16xi32>,
      %get3A_107 = vector.shape_cast %get3A_106 : vector<1x1x16xi32> to vector<16xi32>
      %ge3A_108 = arith.constant 5100 : i32
      %ge3A_109 = vector.broadcast %ge3A_108 : i32 to vector<16xi32>
      %ge3A_110 = arith.cmpi sge, %get3A_107, %ge3A_109 : vector<16xi32>
      %add3A_111 = arith.constant 5100 : i32
      %add3A_112 = arith.addi %add3A_111, %arg1 : i32
      %broadcast_in_dim3A_113 = vector.broadcast %add3A_112 : i32 to vector<16xi32>
      %select_n3A_114 = arith.select %ge3A_110, %broadcast_in_dim3A_113, %get3A_107 : vector<16xi1>, vector<16xi32>
      %swap3A_115 = arith.constant 0 : i32
      %swap3A_116 = arith.index_cast %select_n3A_72 : i32 to index
      %swap3A_117 = arith.index_cast %swap3A_115 : i32 to index
      %swap3A_118 = arith.constant 16 : index
      %swap3A_119 = tpu.vector_load %arg7[%swap3A_116, %swap3A_117, %swap3A_118] {strides = array<i32>} : memref<2x2x32xi32, #tpu.memory_space<vmem>>, vector<1x1x16xi32>,
      %swap3A_120 = vector.shape_cast %swap3A_119 : vector<1x1x16xi32> to vector<16xi32>
      %swap3A_121 = vector.shape_cast %select_n3A_114 : vector<16xi32> to vector<1x1x16xi32>
      tpu.vector_store %arg7[%swap3A_116, %swap3A_117, %swap3A_118], %swap3A_121 {strides = array<i32>} : memref<2x2x32xi32, #tpu.memory_space<vmem>>, vector<1x1x16xi32>,
      %get3A_122 = arith.constant 1 : i32
      %get3A_123 = arith.index_cast %select_n3A_72 : i32 to index
      %get3A_124 = arith.index_cast %get3A_122 : i32 to index
      %get3A_125 = arith.constant 0 : index
      %get3A_126 = tpu.vector_load %arg7[%get3A_123, %get3A_124, %get3A_125] {strides = array<i32>} : memref<2x2x32xi32, #tpu.memory_space<vmem>>, vector<1x1x16xi32>,
      %get3A_127 = vector.shape_cast %get3A_126 : vector<1x1x16xi32> to vector<16xi32>
      %ge3A_128 = arith.constant 5100 : i32
      %ge3A_129 = vector.broadcast %ge3A_128 : i32 to vector<16xi32>
      %ge3A_130 = arith.cmpi sge, %get3A_127, %ge3A_129 : vector<16xi32>
      %add3A_131 = arith.constant 5100 : i32
      %add3A_132 = arith.addi %add3A_131, %arg1 : i32
      %broadcast_in_dim3A_133 = vector.broadcast %add3A_132 : i32 to vector<16xi32>
      %select_n3A_134 = arith.select %ge3A_130, %broadcast_in_dim3A_133, %get3A_127 : vector<16xi1>, vector<16xi32>
      %swap3A_135 = arith.constant 1 : i32
      %swap3A_136 = arith.index_cast %select_n3A_72 : i32 to index
      %swap3A_137 = arith.index_cast %swap3A_135 : i32 to index
      %swap3A_138 = arith.constant 0 : index
      %swap3A_139 = tpu.vector_load %arg7[%swap3A_136, %swap3A_137, %swap3A_138] {strides = array<i32>} : memref<2x2x32xi32, #tpu.memory_space<vmem>>, vector<1x1x16xi32>,
      %swap3A_140 = vector.shape_cast %swap3A_139 : vector<1x1x16xi32> to vector<16xi32>
      %swap3A_141 = vector.shape_cast %select_n3A_134 : vector<16xi32> to vector<1x1x16xi32>
      tpu.vector_store %arg7[%swap3A_136, %swap3A_137, %swap3A_138], %swap3A_141 {strides = array<i32>} : memref<2x2x32xi32, #tpu.memory_space<vmem>>, vector<1x1x16xi32>,
      %get3A_142 = arith.constant 1 : i32
      %get3A_143 = arith.index_cast %select_n3A_72 : i32 to index
      %get3A_144 = arith.index_cast %get3A_142 : i32 to index
      %get3A_145 = arith.constant 16 : index
      %get3A_146 = tpu.vector_load %arg7[%get3A_143, %get3A_144, %get3A_145] {strides = array<i32>} : memref<2x2x32xi32, #tpu.memory_space<vmem>>, vector<1x1x16xi32>,
      %get3A_147 = vector.shape_cast %get3A_146 : vector<1x1x16xi32> to vector<16xi32>
      %ge3A_148 = arith.constant 5100 : i32
      %ge3A_149 = vector.broadcast %ge3A_148 : i32 to vector<16xi32>
      %ge3A_150 = arith.cmpi sge, %get3A_147, %ge3A_149 : vector<16xi32>
      %add3A_151 = arith.constant 5100 : i32
      %add3A_152 = arith.addi %add3A_151, %arg1 : i32
      %broadcast_in_dim3A_153 = vector.broadcast %add3A_152 : i32 to vector<16xi32>
      %select_n3A_154 = arith.select %ge3A_150, %broadcast_in_dim3A_153, %get3A_147 : vector<16xi1>, vector<16xi32>
      %swap3A_155 = arith.constant 1 : i32
      %swap3A_156 = arith.index_cast %select_n3A_72 : i32 to index
      %swap3A_157 = arith.index_cast %swap3A_155 : i32 to index
      %swap3A_158 = arith.constant 16 : index
      %swap3A_159 = tpu.vector_load %arg7[%swap3A_156, %swap3A_157, %swap3A_158] {strides = array<i32>} : memref<2x2x32xi32, #tpu.memory_space<vmem>>, vector<1x1x16xi32>,
      %swap3A_160 = vector.shape_cast %swap3A_159 : vector<1x1x16xi32> to vector<16xi32>
      %swap3A_161 = vector.shape_cast %select_n3A_154 : vector<16xi32> to vector<1x1x16xi32>
      tpu.vector_store %arg7[%swap3A_156, %swap3A_157, %swap3A_158], %swap3A_161 {strides = array<i32>} : memref<2x2x32xi32, #tpu.memory_space<vmem>>, vector<1x1x16xi32>,
      %gt3A_162 = arith.constant 0 : i32
      %gt3A_163 = arith.cmpi sgt, %scan3A_62, %gt3A_162 : i32
      %convert_element_type3A_164 = arith.extui %gt3A_163 : i1 to i32
      %cond3A_165 = arith.constant 0 : i32
      %cond3A_166 = arith.cmpi ne, %convert_element_type3A_164, %cond3A_165 : i32
      scf.if %cond3A_166 {
        %sub3A = arith.constant 1 : i32
        %sub3A_261 = arith.subi %sub3A, %select_n3A_72 : i32
        %dma_wait3A_262 = arith.constant 0 : i32
        %dma_wait3A_263 = arith.constant 0 : i32
        %dma_wait3A_264 = arith.constant 0 : i32
        %dma_wait3A_265 = arith.constant 0 : i32
        %dma_wait3A_266 = arith.constant 0 : i32
        %dma_wait3A_267 = tpu.memref_slice %arg8[%dma_wait3A_262, %dma_wait3A_265, %dma_wait3A_266] : memref<2x32x128xf32, #tpu.memory_space<vmem>> -> memref<1x32x128xf32, #tpu.memory_space<vmem>>
        %dma_wait3A_268 = tpu.memref_squeeze %dma_wait3A_267 : memref<1x32x128xf32, #tpu.memory_space<vmem>> -> memref<32x128xf32, #tpu.memory_space<vmem>>
        %dma_wait3A_269 = arith.constant 0 : i32
        %dma_wait3A_270 = tpu.memref_slice %arg7[%sub3A_261, %dma_wait3A_263, %dma_wait3A_269] : memref<2x2x32xi32, #tpu.memory_space<vmem>> -> memref<1x1x32xi32, #tpu.memory_space<vmem>>
        %dma_wait3A_271 = tpu.memref_squeeze %dma_wait3A_270 : memref<1x1x32xi32, #tpu.memory_space<vmem>> -> memref<32xi32, #tpu.memory_space<vmem>>
        %dma_wait3A_272 = arith.constant 0 : i32
        %dma_wait3A_273 = arith.constant 0 : i32
        %dma_wait3A_274 = tpu.memref_slice %arg10[%dma_wait3A_272, %dma_wait3A_273] : memref<5120x128xf32, #tpu.memory_space<vmem_shared>> -> memref<5120x128xf32, #tpu.memory_space<vmem_shared>>
        %dma_wait3A_275 = tpu.memref_slice %arg12[%dma_wait3A_264] : memref<2x!tpu.dma_semaphore, #tpu.memory_space<semaphore_mem>> -> memref<1x!tpu.dma_semaphore, #tpu.memory_space<semaphore_mem>>
        %dma_wait3A_276 = tpu.memref_squeeze %dma_wait3A_275 : memref<1x!tpu.dma_semaphore, #tpu.memory_space<semaphore_mem>> -> memref<!tpu.dma_semaphore, #tpu.memory_space<semaphore_mem>>
        tpu.wait_indirect_dma semaphore(%dma_wait3A_276 : memref<!tpu.dma_semaphore, #tpu.memory_space<semaphore_mem>>) src(%dma_wait3A_268 : memref<32x128xf32, #tpu.memory_space<vmem>>) dst(%dma_wait3A_274 : memref<5120x128xf32, #tpu.memory_space<vmem_shared>>)
      } else {
      }
      %dma_start3A = arith.constant 0 : i32
      %dma_start3A_167 = arith.constant 0 : i32
      %dma_start3A_168 = arith.constant 0 : i32
      %dma_start3A_169 = arith.constant 0 : i32
      %dma_start3A_170 = arith.constant 0 : i32
      %dma_start3A_171 = tpu.memref_slice %arg8[%dma_start3A_167, %dma_start3A_169, %dma_start3A_170] : memref<2x32x128xf32, #tpu.memory_space<vmem>> -> memref<1x32x128xf32, #tpu.memory_space<vmem>>
      %dma_start3A_172 = tpu.memref_squeeze %dma_start3A_171 : memref<1x32x128xf32, #tpu.memory_space<vmem>> -> memref<32x128xf32, #tpu.memory_space<vmem>>
      %dma_start3A_173 = arith.constant 0 : i32
      %dma_start3A_174 = tpu.memref_slice %arg6[%select_n3A_72, %dma_start3A, %dma_start3A_173] : memref<2x2x32xi32, #tpu.memory_space<vmem>> -> memref<1x1x32xi32, #tpu.memory_space<vmem>>
      %dma_start3A_175 = tpu.memref_squeeze %dma_start3A_174 : memref<1x1x32xi32, #tpu.memory_space<vmem>> -> memref<32xi32, #tpu.memory_space<vmem>>
      %dma_start3A_176 = arith.constant 0 : i32
      %dma_start3A_177 = arith.constant 0 : i32
      %dma_start3A_178 = tpu.memref_slice %arg9[%dma_start3A_176, %dma_start3A_177] : memref<10000x128xf32, #tpu.memory_space<vmem_shared>> -> memref<10000x128xf32, #tpu.memory_space<vmem_shared>>
      %dma_start3A_179 = tpu.memref_slice %arg11[%dma_start3A_168] : memref<2x!tpu.dma_semaphore, #tpu.memory_space<semaphore_mem>> -> memref<1x!tpu.dma_semaphore, #tpu.memory_space<semaphore_mem>>
      %dma_start3A_180 = tpu.memref_squeeze %dma_start3A_179 : memref<1x!tpu.dma_semaphore, #tpu.memory_space<semaphore_mem>> -> memref<!tpu.dma_semaphore, #tpu.memory_space<semaphore_mem>>
      tpu.enqueue_indirect_dma source(%dma_start3A_178 : memref<10000x128xf32, #tpu.memory_space<vmem_shared>>) target(%dma_start3A_172 : memref<32x128xf32, #tpu.memory_space<vmem>>) offsets(%dma_start3A_175 : memref<32xi32, #tpu.memory_space<vmem>>) semaphore(%dma_start3A_180 : memref<!tpu.dma_semaphore, #tpu.memory_space<semaphore_mem>>)
      %gt3A_181 = arith.constant 0 : i32
      %gt3A_182 = arith.cmpi sgt, %scan3A_62, %gt3A_181 : i32
      %convert_element_type3A_183 = arith.extui %gt3A_182 : i1 to i32
      %cond3A_184 = arith.constant 0 : i32
      %cond3A_185 = arith.cmpi ne, %convert_element_type3A_183, %cond3A_184 : i32
      scf.if %cond3A_185 {
        %sub3A = arith.constant 1 : i32
        %sub3A_261 = arith.subi %sub3A, %select_n3A_72 : i32
        %dma_wait3A_262 = arith.constant 1 : i32
        %dma_wait3A_263 = arith.constant 1 : i32
        %dma_wait3A_264 = arith.constant 1 : i32
        %dma_wait3A_265 = arith.constant 0 : i32
        %dma_wait3A_266 = arith.constant 0 : i32
        %dma_wait3A_267 = tpu.memref_slice %arg8[%dma_wait3A_262, %dma_wait3A_265, %dma_wait3A_266] : memref<2x32x128xf32, #tpu.memory_space<vmem>> -> memref<1x32x128xf32, #tpu.memory_space<vmem>>
        %dma_wait3A_268 = tpu.memref_squeeze %dma_wait3A_267 : memref<1x32x128xf32, #tpu.memory_space<vmem>> -> memref<32x128xf32, #tpu.memory_space<vmem>>
        %dma_wait3A_269 = arith.constant 0 : i32
        %dma_wait3A_270 = tpu.memref_slice %arg7[%sub3A_261, %dma_wait3A_263, %dma_wait3A_269] : memref<2x2x32xi32, #tpu.memory_space<vmem>> -> memref<1x1x32xi32, #tpu.memory_space<vmem>>
        %dma_wait3A_271 = tpu.memref_squeeze %dma_wait3A_270 : memref<1x1x32xi32, #tpu.memory_space<vmem>> -> memref<32xi32, #tpu.memory_space<vmem>>
        %dma_wait3A_272 = arith.constant 0 : i32
        %dma_wait3A_273 = arith.constant 0 : i32
        %dma_wait3A_274 = tpu.memref_slice %arg10[%dma_wait3A_272, %dma_wait3A_273] : memref<5120x128xf32, #tpu.memory_space<vmem_shared>> -> memref<5120x128xf32, #tpu.memory_space<vmem_shared>>
        %dma_wait3A_275 = tpu.memref_slice %arg12[%dma_wait3A_264] : memref<2x!tpu.dma_semaphore, #tpu.memory_space<semaphore_mem>> -> memref<1x!tpu.dma_semaphore, #tpu.memory_space<semaphore_mem>>
        %dma_wait3A_276 = tpu.memref_squeeze %dma_wait3A_275 : memref<1x!tpu.dma_semaphore, #tpu.memory_space<semaphore_mem>> -> memref<!tpu.dma_semaphore, #tpu.memory_space<semaphore_mem>>
        tpu.wait_indirect_dma semaphore(%dma_wait3A_276 : memref<!tpu.dma_semaphore, #tpu.memory_space<semaphore_mem>>) src(%dma_wait3A_268 : memref<32x128xf32, #tpu.memory_space<vmem>>) dst(%dma_wait3A_274 : memref<5120x128xf32, #tpu.memory_space<vmem_shared>>)
      } else {
      }
      %dma_start3A_186 = arith.constant 1 : i32
      %dma_start3A_187 = arith.constant 1 : i32
      %dma_start3A_188 = arith.constant 1 : i32
      %dma_start3A_189 = arith.constant 0 : i32
      %dma_start3A_190 = arith.constant 0 : i32
      %dma_start3A_191 = tpu.memref_slice %arg8[%dma_start3A_187, %dma_start3A_189, %dma_start3A_190] : memref<2x32x128xf32, #tpu.memory_space<vmem>> -> memref<1x32x128xf32, #tpu.memory_space<vmem>>
      %dma_start3A_192 = tpu.memref_squeeze %dma_start3A_191 : memref<1x32x128xf32, #tpu.memory_space<vmem>> -> memref<32x128xf32, #tpu.memory_space<vmem>>
      %dma_start3A_193 = arith.constant 0 : i32
      %dma_start3A_194 = tpu.memref_slice %arg6[%select_n3A_72, %dma_start3A_186, %dma_start3A_193] : memref<2x2x32xi32, #tpu.memory_space<vmem>> -> memref<1x1x32xi32, #tpu.memory_space<vmem>>
      %dma_start3A_195 = tpu.memref_squeeze %dma_start3A_194 : memref<1x1x32xi32, #tpu.memory_space<vmem>> -> memref<32xi32, #tpu.memory_space<vmem>>
      %dma_start3A_196 = arith.constant 0 : i32
      %dma_start3A_197 = arith.constant 0 : i32
      %dma_start3A_198 = tpu.memref_slice %arg9[%dma_start3A_196, %dma_start3A_197] : memref<10000x128xf32, #tpu.memory_space<vmem_shared>> -> memref<10000x128xf32, #tpu.memory_space<vmem_shared>>
      %dma_start3A_199 = tpu.memref_slice %arg11[%dma_start3A_188] : memref<2x!tpu.dma_semaphore, #tpu.memory_space<semaphore_mem>> -> memref<1x!tpu.dma_semaphore, #tpu.memory_space<semaphore_mem>>
      %dma_start3A_200 = tpu.memref_squeeze %dma_start3A_199 : memref<1x!tpu.dma_semaphore, #tpu.memory_space<semaphore_mem>> -> memref<!tpu.dma_semaphore, #tpu.memory_space<semaphore_mem>>
      tpu.enqueue_indirect_dma source(%dma_start3A_198 : memref<10000x128xf32, #tpu.memory_space<vmem_shared>>) target(%dma_start3A_192 : memref<32x128xf32, #tpu.memory_space<vmem>>) offsets(%dma_start3A_195 : memref<32xi32, #tpu.memory_space<vmem>>) semaphore(%dma_start3A_200 : memref<!tpu.dma_semaphore, #tpu.memory_space<semaphore_mem>>)
      %dma_wait3A_201 = arith.constant 0 : i32
      %dma_wait3A_202 = arith.constant 0 : i32
      %dma_wait3A_203 = arith.constant 0 : i32
      %dma_wait3A_204 = arith.constant 0 : i32
      %dma_wait3A_205 = arith.constant 0 : i32
      %dma_wait3A_206 = tpu.memref_slice %arg8[%dma_wait3A_202, %dma_wait3A_204, %dma_wait3A_205] : memref<2x32x128xf32, #tpu.memory_space<vmem>> -> memref<1x32x128xf32, #tpu.memory_space<vmem>>
      %dma_wait3A_207 = tpu.memref_squeeze %dma_wait3A_206 : memref<1x32x128xf32, #tpu.memory_space<vmem>> -> memref<32x128xf32, #tpu.memory_space<vmem>>
      %dma_wait3A_208 = arith.constant 0 : i32
      %dma_wait3A_209 = tpu.memref_slice %arg6[%select_n3A_72, %dma_wait3A_201, %dma_wait3A_208] : memref<2x2x32xi32, #tpu.memory_space<vmem>> -> memref<1x1x32xi32, #tpu.memory_space<vmem>>
      %dma_wait3A_210 = tpu.memref_squeeze %dma_wait3A_209 : memref<1x1x32xi32, #tpu.memory_space<vmem>> -> memref<32xi32, #tpu.memory_space<vmem>>
      %dma_wait3A_211 = arith.constant 0 : i32
      %dma_wait3A_212 = arith.constant 0 : i32
      %dma_wait3A_213 = tpu.memref_slice %arg9[%dma_wait3A_211, %dma_wait3A_212] : memref<10000x128xf32, #tpu.memory_space<vmem_shared>> -> memref<10000x128xf32, #tpu.memory_space<vmem_shared>>
      %dma_wait3A_214 = tpu.memref_slice %arg11[%dma_wait3A_203] : memref<2x!tpu.dma_semaphore, #tpu.memory_space<semaphore_mem>> -> memref<1x!tpu.dma_semaphore, #tpu.memory_space<semaphore_mem>>
      %dma_wait3A_215 = tpu.memref_squeeze %dma_wait3A_214 : memref<1x!tpu.dma_semaphore, #tpu.memory_space<semaphore_mem>> -> memref<!tpu.dma_semaphore, #tpu.memory_space<semaphore_mem>>
      tpu.wait_indirect_dma semaphore(%dma_wait3A_215 : memref<!tpu.dma_semaphore, #tpu.memory_space<semaphore_mem>>) src(%dma_wait3A_213 : memref<10000x128xf32, #tpu.memory_space<vmem_shared>>) dst(%dma_wait3A_207 : memref<32x128xf32, #tpu.memory_space<vmem>>)
      %dma_start3A_216 = arith.constant 0 : i32
      %dma_start3A_217 = arith.constant 0 : i32
      %dma_start3A_218 = arith.constant 0 : i32
      %dma_start3A_219 = arith.constant 0 : i32
      %dma_start3A_220 = arith.constant 0 : i32
      %dma_start3A_221 = tpu.memref_slice %arg8[%dma_start3A_216, %dma_start3A_219, %dma_start3A_220] : memref<2x32x128xf32, #tpu.memory_space<vmem>> -> memref<1x32x128xf32, #tpu.memory_space<vmem>>
      %dma_start3A_222 = tpu.memref_squeeze %dma_start3A_221 : memref<1x32x128xf32, #tpu.memory_space<vmem>> -> memref<32x128xf32, #tpu.memory_space<vmem>>
      %dma_start3A_223 = arith.constant 0 : i32
      %dma_start3A_224 = tpu.memref_slice %arg7[%select_n3A_72, %dma_start3A_217, %dma_start3A_223] : memref<2x2x32xi32, #tpu.memory_space<vmem>> -> memref<1x1x32xi32, #tpu.memory_space<vmem>>
      %dma_start3A_225 = tpu.memref_squeeze %dma_start3A_224 : memref<1x1x32xi32, #tpu.memory_space<vmem>> -> memref<32xi32, #tpu.memory_space<vmem>>
      %dma_start3A_226 = arith.constant 0 : i32
      %dma_start3A_227 = arith.constant 0 : i32
      %dma_start3A_228 = tpu.memref_slice %arg10[%dma_start3A_226, %dma_start3A_227] : memref<5120x128xf32, #tpu.memory_space<vmem_shared>> -> memref<5120x128xf32, #tpu.memory_space<vmem_shared>>
      %dma_start3A_229 = tpu.memref_slice %arg12[%dma_start3A_218] : memref<2x!tpu.dma_semaphore, #tpu.memory_space<semaphore_mem>> -> memref<1x!tpu.dma_semaphore, #tpu.memory_space<semaphore_mem>>
      %dma_start3A_230 = tpu.memref_squeeze %dma_start3A_229 : memref<1x!tpu.dma_semaphore, #tpu.memory_space<semaphore_mem>> -> memref<!tpu.dma_semaphore, #tpu.memory_space<semaphore_mem>>
      tpu.enqueue_indirect_dma source(%dma_start3A_222 : memref<32x128xf32, #tpu.memory_space<vmem>>) target(%dma_start3A_228 : memref<5120x128xf32, #tpu.memory_space<vmem_shared>>) offsets(%dma_start3A_225 : memref<32xi32, #tpu.memory_space<vmem>>) semaphore(%dma_start3A_230 : memref<!tpu.dma_semaphore, #tpu.memory_space<semaphore_mem>>) {add = true}
      %dma_wait3A_231 = arith.constant 1 : i32
      %dma_wait3A_232 = arith.constant 1 : i32
      %dma_wait3A_233 = arith.constant 1 : i32
      %dma_wait3A_234 = arith.constant 0 : i32
      %dma_wait3A_235 = arith.constant 0 : i32
      %dma_wait3A_236 = tpu.memref_slice %arg8[%dma_wait3A_232, %dma_wait3A_234, %dma_wait3A_235] : memref<2x32x128xf32, #tpu.memory_space<vmem>> -> memref<1x32x128xf32, #tpu.memory_space<vmem>>
      %dma_wait3A_237 = tpu.memref_squeeze %dma_wait3A_236 : memref<1x32x128xf32, #tpu.memory_space<vmem>> -> memref<32x128xf32, #tpu.memory_space<vmem>>
      %dma_wait3A_238 = arith.constant 0 : i32
      %dma_wait3A_239 = tpu.memref_slice %arg6[%select_n3A_72, %dma_wait3A_231, %dma_wait3A_238] : memref<2x2x32xi32, #tpu.memory_space<vmem>> -> memref<1x1x32xi32, #tpu.memory_space<vmem>>
      %dma_wait3A_240 = tpu.memref_squeeze %dma_wait3A_239 : memref<1x1x32xi32, #tpu.memory_space<vmem>> -> memref<32xi32, #tpu.memory_space<vmem>>
      %dma_wait3A_241 = arith.constant 0 : i32
      %dma_wait3A_242 = arith.constant 0 : i32
      %dma_wait3A_243 = tpu.memref_slice %arg9[%dma_wait3A_241, %dma_wait3A_242] : memref<10000x128xf32, #tpu.memory_space<vmem_shared>> -> memref<10000x128xf32, #tpu.memory_space<vmem_shared>>
      %dma_wait3A_244 = tpu.memref_slice %arg11[%dma_wait3A_233] : memref<2x!tpu.dma_semaphore, #tpu.memory_space<semaphore_mem>> -> memref<1x!tpu.dma_semaphore, #tpu.memory_space<semaphore_mem>>
      %dma_wait3A_245 = tpu.memref_squeeze %dma_wait3A_244 : memref<1x!tpu.dma_semaphore, #tpu.memory_space<semaphore_mem>> -> memref<!tpu.dma_semaphore, #tpu.memory_space<semaphore_mem>>
      tpu.wait_indirect_dma semaphore(%dma_wait3A_245 : memref<!tpu.dma_semaphore, #tpu.memory_space<semaphore_mem>>) src(%dma_wait3A_243 : memref<10000x128xf32, #tpu.memory_space<vmem_shared>>) dst(%dma_wait3A_237 : memref<32x128xf32, #tpu.memory_space<vmem>>)
      %dma_start3A_246 = arith.constant 1 : i32
      %dma_start3A_247 = arith.constant 1 : i32
      %dma_start3A_248 = arith.constant 1 : i32
      %dma_start3A_249 = arith.constant 0 : i32
      %dma_start3A_250 = arith.constant 0 : i32
      %dma_start3A_251 = tpu.memref_slice %arg8[%dma_start3A_246, %dma_start3A_249, %dma_start3A_250] : memref<2x32x128xf32, #tpu.memory_space<vmem>> -> memref<1x32x128xf32, #tpu.memory_space<vmem>>
      %dma_start3A_252 = tpu.memref_squeeze %dma_start3A_251 : memref<1x32x128xf32, #tpu.memory_space<vmem>> -> memref<32x128xf32, #tpu.memory_space<vmem>>
      %dma_start3A_253 = arith.constant 0 : i32
      %dma_start3A_254 = tpu.memref_slice %arg7[%select_n3A_72, %dma_start3A_247, %dma_start3A_253] : memref<2x2x32xi32, #tpu.memory_space<vmem>> -> memref<1x1x32xi32, #tpu.memory_space<vmem>>
      %dma_start3A_255 = tpu.memref_squeeze %dma_start3A_254 : memref<1x1x32xi32, #tpu.memory_space<vmem>> -> memref<32xi32, #tpu.memory_space<vmem>>
      %dma_start3A_256 = arith.constant 0 : i32
      %dma_start3A_257 = arith.constant 0 : i32
      %dma_start3A_258 = tpu.memref_slice %arg10[%dma_start3A_256, %dma_start3A_257] : memref<5120x128xf32, #tpu.memory_space<vmem_shared>> -> memref<5120x128xf32, #tpu.memory_space<vmem_shared>>
      %dma_start3A_259 = tpu.memref_slice %arg12[%dma_start3A_248] : memref<2x!tpu.dma_semaphore, #tpu.memory_space<semaphore_mem>> -> memref<1x!tpu.dma_semaphore, #tpu.memory_space<semaphore_mem>>
      %dma_start3A_260 = tpu.memref_squeeze %dma_start3A_259 : memref<1x!tpu.dma_semaphore, #tpu.memory_space<semaphore_mem>> -> memref<!tpu.dma_semaphore, #tpu.memory_space<semaphore_mem>>
      tpu.enqueue_indirect_dma source(%dma_start3A_252 : memref<32x128xf32, #tpu.memory_space<vmem>>) target(%dma_start3A_258 : memref<5120x128xf32, #tpu.memory_space<vmem_shared>>) offsets(%dma_start3A_255 : memref<32xi32, #tpu.memory_space<vmem>>) semaphore(%dma_start3A_260 : memref<!tpu.dma_semaphore, #tpu.memory_space<semaphore_mem>>) {add = true}
    }
    %scan3A_25 = arith.constant 320 : i32
    %dma_wait3A = arith.constant 0 : i32
    %dma_wait3A_26 = arith.constant 1 : i32
    %dma_wait3A_27 = arith.constant 0 : i32
    %dma_wait3A_28 = arith.constant 0 : i32
    %dma_wait3A_29 = arith.constant 0 : i32
    %dma_wait3A_30 = arith.constant 0 : i32
    %dma_wait3A_31 = tpu.memref_slice %arg8[%dma_wait3A, %dma_wait3A_29, %dma_wait3A_30] : memref<2x32x128xf32, #tpu.memory_space<vmem>> -> memref<1x32x128xf32, #tpu.memory_space<vmem>>
    %dma_wait3A_32 = tpu.memref_squeeze %dma_wait3A_31 : memref<1x32x128xf32, #tpu.memory_space<vmem>> -> memref<32x128xf32, #tpu.memory_space<vmem>>
    %dma_wait3A_33 = arith.constant 0 : i32
    %dma_wait3A_34 = tpu.memref_slice %arg7[%dma_wait3A_26, %dma_wait3A_27, %dma_wait3A_33] : memref<2x2x32xi32, #tpu.memory_space<vmem>> -> memref<1x1x32xi32, #tpu.memory_space<vmem>>
    %dma_wait3A_35 = tpu.memref_squeeze %dma_wait3A_34 : memref<1x1x32xi32, #tpu.memory_space<vmem>> -> memref<32xi32, #tpu.memory_space<vmem>>
    %dma_wait3A_36 = arith.constant 0 : i32
    %dma_wait3A_37 = arith.constant 0 : i32
    %dma_wait3A_38 = tpu.memref_slice %arg10[%dma_wait3A_36, %dma_wait3A_37] : memref<5120x128xf32, #tpu.memory_space<vmem_shared>> -> memref<5120x128xf32, #tpu.memory_space<vmem_shared>>
    %dma_wait3A_39 = tpu.memref_slice %arg12[%dma_wait3A_28] : memref<2x!tpu.dma_semaphore, #tpu.memory_space<semaphore_mem>> -> memref<1x!tpu.dma_semaphore, #tpu.memory_space<semaphore_mem>>
    %dma_wait3A_40 = tpu.memref_squeeze %dma_wait3A_39 : memref<1x!tpu.dma_semaphore, #tpu.memory_space<semaphore_mem>> -> memref<!tpu.dma_semaphore, #tpu.memory_space<semaphore_mem>>
    tpu.wait_indirect_dma semaphore(%dma_wait3A_40 : memref<!tpu.dma_semaphore, #tpu.memory_space<semaphore_mem>>) src(%dma_wait3A_32 : memref<32x128xf32, #tpu.memory_space<vmem>>) dst(%dma_wait3A_38 : memref<5120x128xf32, #tpu.memory_space<vmem_shared>>)
    %dma_wait3A_41 = arith.constant 1 : i32
    %dma_wait3A_42 = arith.constant 1 : i32
    %dma_wait3A_43 = arith.constant 1 : i32
    %dma_wait3A_44 = arith.constant 1 : i32
    %dma_wait3A_45 = arith.constant 0 : i32
    %dma_wait3A_46 = arith.constant 0 : i32
    %dma_wait3A_47 = tpu.memref_slice %arg8[%dma_wait3A_41, %dma_wait3A_45, %dma_wait3A_46] : memref<2x32x128xf32, #tpu.memory_space<vmem>> -> memref<1x32x128xf32, #tpu.memory_space<vmem>>
    %dma_wait3A_48 = tpu.memref_squeeze %dma_wait3A_47 : memref<1x32x128xf32, #tpu.memory_space<vmem>> -> memref<32x128xf32, #tpu.memory_space<vmem>>
    %dma_wait3A_49 = arith.constant 0 : i32
    %dma_wait3A_50 = tpu.memref_slice %arg7[%dma_wait3A_42, %dma_wait3A_43, %dma_wait3A_49] : memref<2x2x32xi32, #tpu.memory_space<vmem>> -> memref<1x1x32xi32, #tpu.memory_space<vmem>>
    %dma_wait3A_51 = tpu.memref_squeeze %dma_wait3A_50 : memref<1x1x32xi32, #tpu.memory_space<vmem>> -> memref<32xi32, #tpu.memory_space<vmem>>
    %dma_wait3A_52 = arith.constant 0 : i32
    %dma_wait3A_53 = arith.constant 0 : i32
    %dma_wait3A_54 = tpu.memref_slice %arg10[%dma_wait3A_52, %dma_wait3A_53] : memref<5120x128xf32, #tpu.memory_space<vmem_shared>> -> memref<5120x128xf32, #tpu.memory_space<vmem_shared>>
    %dma_wait3A_55 = tpu.memref_slice %arg12[%dma_wait3A_44] : memref<2x!tpu.dma_semaphore, #tpu.memory_space<semaphore_mem>> -> memref<1x!tpu.dma_semaphore, #tpu.memory_space<semaphore_mem>>
    %dma_wait3A_56 = tpu.memref_squeeze %dma_wait3A_55 : memref<1x!tpu.dma_semaphore, #tpu.memory_space<semaphore_mem>> -> memref<!tpu.dma_semaphore, #tpu.memory_space<semaphore_mem>>
    tpu.wait_indirect_dma semaphore(%dma_wait3A_56 : memref<!tpu.dma_semaphore, #tpu.memory_space<semaphore_mem>>) src(%dma_wait3A_48 : memref<32x128xf32, #tpu.memory_space<vmem>>) dst(%dma_wait3A_54 : memref<5120x128xf32, #tpu.memory_space<vmem_shared>>)
    %barrier3A_57 = arith.constant 0 : index
    tpu.barrier barrier_id(%barrier3A_57)
    %mul3A_58 = arith.constant 320 : i32
    %mul3A_59 = arith.muli %arg1, %mul3A_58 : i32
    %mul3A_60 = arith.constant 320 : i32
    %mul3A_61 = arith.muli %arg1, %mul3A_60 : i32
    "tpu.region"() ({
      %run_scoped3A_62 = tpu.sem_alloc : memref<!tpu.dma_semaphore, #tpu.memory_space<semaphore_mem>>
      %dma_start3A = arith.constant 0 : i32
      %dma_start3A_63 = tpu.memref_slice %arg5[%arg0, %mul3A_61, %dma_start3A] : memref<2x5120x128xf32, #tpu.memory_space<hbm>> -> memref<1x320x128xf32, #tpu.memory_space<hbm>>
      %dma_start3A_64 = tpu.memref_squeeze %dma_start3A_63 : memref<1x320x128xf32, #tpu.memory_space<hbm>> -> memref<320x128xf32, #tpu.memory_space<hbm>>
      %dma_start3A_65 = arith.constant 0 : i32
      %dma_start3A_66 = tpu.memref_slice %arg10[%mul3A_59, %dma_start3A_65] : memref<5120x128xf32, #tpu.memory_space<vmem_shared>> -> memref<320x128xf32, #tpu.memory_space<vmem_shared>>
      tpu.enqueue_dma source(%dma_start3A_66 : memref<320x128xf32, #tpu.memory_space<vmem_shared>>) target(%dma_start3A_64 : memref<320x128xf32, #tpu.memory_space<hbm>>) target_semaphore(%run_scoped3A_62 : memref<!tpu.dma_semaphore, #tpu.memory_space<semaphore_mem>>)
      %dma_wait3A_67 = arith.constant 0 : i32
      %dma_wait3A_68 = tpu.memref_slice %arg5[%arg0, %mul3A_61, %dma_wait3A_67] : memref<2x5120x128xf32, #tpu.memory_space<hbm>> -> memref<1x320x128xf32, #tpu.memory_space<hbm>>
      %dma_wait3A_69 = tpu.memref_squeeze %dma_wait3A_68 : memref<1x320x128xf32, #tpu.memory_space<hbm>> -> memref<320x128xf32, #tpu.memory_space<hbm>>
      %dma_wait3A_70 = arith.constant 0 : i32
      %dma_wait3A_71 = tpu.memref_slice %arg10[%mul3A_59, %dma_wait3A_70] : memref<5120x128xf32, #tpu.memory_space<vmem_shared>> -> memref<320x128xf32, #tpu.memory_space<vmem_shared>>
      tpu.wait_dma2 semaphore(%run_scoped3A_62 : memref<!tpu.dma_semaphore, #tpu.memory_space<semaphore_mem>>) src(%dma_wait3A_71 : memref<320x128xf32, #tpu.memory_space<vmem_shared>>) dst(%dma_wait3A_69 : memref<320x128xf32, #tpu.memory_space<hbm>>)
      tpu.yield
    }) : () -> ()
    return
  }
}

module attributes {stable_mosaic.version = 14 : i64} {
  func.func @_mlp_body(%arg0: i32, %arg1: memref<1000x128xf32, #tpu.memory_space<vmem>>, %arg2: memref<1x1000x128xf32, #tpu.memory_space<vmem>>, %arg3: memref<128x128xf32, #tpu.memory_space<vmem>>, %arg4: memref<1x128xf32, #tpu.memory_space<vmem>>, %arg5: memref<128x128xf32, #tpu.memory_space<vmem>>, %arg6: memref<1x128xf32, #tpu.memory_space<vmem>>, %arg7: memref<1000x128xf32, #tpu.memory_space<vmem>>) attributes {dimension_semantics = [#tpu.dimension_semantics<arbitrary>], iteration_bounds = array<i64: 10>, scalar_prefetch = 0 : i64, scratch_operands = 0 : i64, tpu.core_type = #tpu.core_type<tc>, window_params = [{transform_indices = @transform_0, window_bounds = array<i64: 1000, 128>}, {transform_indices = @transform_1, window_bounds = array<i64: 1, 1000, 128>}, {pipeline_mode = #tpu.pipeline_mode<synchronous>, transform_indices = @transform_2, window_bounds = array<i64: 128, 128>}, {pipeline_mode = #tpu.pipeline_mode<synchronous>, transform_indices = @transform_3, window_bounds = array<i64: 1, 128>}, {pipeline_mode = #tpu.pipeline_mode<synchronous>, transform_indices = @transform_4, window_bounds = array<i64: 128, 128>}, {pipeline_mode = #tpu.pipeline_mode<synchronous>, transform_indices = @transform_5, window_bounds = array<i64: 1, 128>}, {transform_indices = @transform_6, window_bounds = array<i64: 1000, 128>}]} {
    %get3A = arith.constant 0 : index
    %get3A_0 = arith.constant 0 : index
    %get3A_1 = vector.load %arg1[%get3A, %get3A_0] : memref<1000x128xf32, #tpu.memory_space<vmem>>, vector<1000x128xf32>
    %get3A_2 = arith.constant 0 : index
    %get3A_3 = arith.constant 0 : index
    %get3A_4 = arith.constant 0 : index
    %get3A_5 = vector.load %arg2[%get3A_2, %get3A_3, %get3A_4] : memref<1x1000x128xf32, #tpu.memory_space<vmem>>, vector<1x1000x128xf32>
    %get3A_6 = vector.shape_cast %get3A_5 : vector<1x1000x128xf32> to vector<1000x128xf32>
    %add3A = arith.addf %get3A_1, %get3A_6 : vector<1000x128xf32>
    %get3A_7 = arith.constant 0 : index
    %get3A_8 = arith.constant 0 : index
    %get3A_9 = vector.load %arg3[%get3A_7, %get3A_8] : memref<128x128xf32, #tpu.memory_space<vmem>>, vector<128x128xf32>
    %dot_general3A = arith.constant dense<0.000000e+00> : vector<1000x128xf32>
    %dot_general3A_10 = tpu.matmul %add3A, %get3A_9, %dot_general3A {dimension_numbers = #tpu.dot_dimension_numbers<[1], [0], [0], [1], [0, 0, 1, 1], [], []>, transpose_lhs_hint = false} : vector<1000x128xf32>, vector<128x128xf32>, vector<1000x128xf32> -> vector<1000x128xf32>
    %get3A_11 = arith.constant 0 : index
    %get3A_12 = arith.constant 0 : index
    %get3A_13 = vector.load %arg4[%get3A_11, %get3A_12] : memref<1x128xf32, #tpu.memory_space<vmem>>, vector<1x128xf32>
    %add3A_14 = vector.broadcast %get3A_13 : vector<1x128xf32> to vector<1000x128xf32>
    %add3A_15 = arith.addf %dot_general3A_10, %add3A_14 : vector<1000x128xf32>
    %max3A = arith.constant 0.000000e+00 : f32
    %max3A_16 = vector.broadcast %max3A : f32 to vector<1000x128xf32>
    %max3A_17 = arith.maximumf %add3A_15, %max3A_16 : vector<1000x128xf32>
    %get3A_18 = arith.constant 0 : index
    %get3A_19 = arith.constant 0 : index
    %get3A_20 = vector.load %arg5[%get3A_18, %get3A_19] : memref<128x128xf32, #tpu.memory_space<vmem>>, vector<128x128xf32>
    %dot_general3A_21 = arith.constant dense<0.000000e+00> : vector<1000x128xf32>
    %dot_general3A_22 = tpu.matmul %max3A_17, %get3A_20, %dot_general3A_21 {dimension_numbers = #tpu.dot_dimension_numbers<[1], [0], [0], [1], [0, 0, 1, 1], [], []>, transpose_lhs_hint = false} : vector<1000x128xf32>, vector<128x128xf32>, vector<1000x128xf32> -> vector<1000x128xf32>
    %get3A_23 = arith.constant 0 : index
    %get3A_24 = arith.constant 0 : index
    %get3A_25 = vector.load %arg6[%get3A_23, %get3A_24] : memref<1x128xf32, #tpu.memory_space<vmem>>, vector<1x128xf32>
    %add3A_26 = vector.broadcast %get3A_25 : vector<1x128xf32> to vector<1000x128xf32>
    %add3A_27 = arith.addf %dot_general3A_22, %add3A_26 : vector<1000x128xf32>
    %max3A_28 = arith.constant 0.000000e+00 : f32
    %max3A_29 = vector.broadcast %max3A_28 : f32 to vector<1000x128xf32>
    %max3A_30 = arith.maximumf %add3A_27, %max3A_29 : vector<1000x128xf32>
    %swap3A = arith.constant 0 : index
    %swap3A_31 = arith.constant 0 : index
    %swap3A_32 = vector.load %arg7[%swap3A, %swap3A_31] : memref<1000x128xf32, #tpu.memory_space<vmem>>, vector<1000x128xf32>
    tpu.vector_store %arg7[%swap3A, %swap3A_31], %max3A_30 {strides = array<i32>} : memref<1000x128xf32, #tpu.memory_space<vmem>>, vector<1000x128xf32>,
    return
  }
  func.func @transform_0(%arg0: i32) -> (i32, i32) {
    %c0_i32 = arith.constant 0 : i32
    %c0_i32_0 = arith.constant 0 : i32
    return %arg0, %c0_i32 : i32, i32
  }
  func.func @transform_1(%arg0: i32) -> (i32, i32, i32) {
    %jit3A = arith.constant 5 : i32
    %div3A = arith.divsi %arg0, %jit3A : i32
    %sign3A = arith.constant 0 : i32
    %sign3A_0 = arith.cmpi sgt, %arg0, %sign3A : i32
    %sign3A_1 = arith.extui %sign3A_0 : i1 to i32
    %sign3A_2 = arith.constant 0 : i32
    %sign3A_3 = arith.cmpi slt, %arg0, %sign3A_2 : i32
    %sign3A_4 = arith.extui %sign3A_3 : i1 to i32
    %sign3A_5 = arith.subi %sign3A_1, %sign3A_4 : i32
    %sign3A_6 = arith.constant 0 : i32
    %sign3A_7 = arith.cmpi sgt, %jit3A, %sign3A_6 : i32
    %sign3A_8 = arith.extui %sign3A_7 : i1 to i32
    %sign3A_9 = arith.constant 0 : i32
    %sign3A_10 = arith.cmpi slt, %jit3A, %sign3A_9 : i32
    %sign3A_11 = arith.extui %sign3A_10 : i1 to i32
    %sign3A_12 = arith.subi %sign3A_8, %sign3A_11 : i32
    %ne3A = arith.cmpi ne, %sign3A_5, %sign3A_12 : i32
    %rem3A = arith.remsi %arg0, %jit3A : i32
    %ne3A_13 = arith.constant 0 : i32
    %ne3A_14 = arith.cmpi ne, %rem3A, %ne3A_13 : i32
    %and3A = arith.andi %ne3A, %ne3A_14 : i1
    %sub3A = arith.constant 1 : i32
    %sub3A_15 = arith.subi %div3A, %sub3A : i32
    %select_n3A = arith.select %and3A, %sub3A_15, %div3A : i32
    %jit3A_16 = arith.constant 5 : i32
    %eq3A = arith.constant 0 : i32
    %eq3A_17 = arith.cmpi eq, %jit3A_16, %eq3A : i32
    %jit3A_18 = arith.constant 1 : i32
    %select_n3A_19 = arith.select %eq3A_17, %jit3A_18, %jit3A_16 : i32
    %rem3A_20 = arith.remsi %arg0, %select_n3A_19 : i32
    %ne3A_21 = arith.constant 0 : i32
    %ne3A_22 = arith.cmpi ne, %rem3A_20, %ne3A_21 : i32
    %lt3A = arith.constant 0 : i32
    %lt3A_23 = arith.cmpi slt, %rem3A_20, %lt3A : i32
    %lt3A_24 = arith.constant 0 : i32
    %lt3A_25 = arith.cmpi slt, %select_n3A_19, %lt3A_24 : i32
    %ne3A_26 = arith.xori %lt3A_23, %lt3A_25 : i1
    %and3A_27 = arith.andi %ne3A_26, %ne3A_22 : i1
    %add3A = arith.addi %rem3A_20, %select_n3A_19 : i32
    %select_n3A_28 = arith.select %and3A_27, %add3A, %rem3A_20 : i32
    %c0_i32 = arith.constant 0 : i32
    %c0_i32_29 = arith.constant 0 : i32
    return %select_n3A, %select_n3A_28, %c0_i32 : i32, i32, i32
  }
  func.func @transform_2(%arg0: i32) -> (i32, i32) {
    %c0_i32 = arith.constant 0 : i32
    %c0_i32_0 = arith.constant 0 : i32
    %c0_i32_1 = arith.constant 0 : i32
    return %c0_i32, %c0_i32_0 : i32, i32
  }
  func.func @transform_3(%arg0: i32) -> (i32, i32) {
    %c0_i32 = arith.constant 0 : i32
    %c0_i32_0 = arith.constant 0 : i32
    %c0_i32_1 = arith.constant 0 : i32
    return %c0_i32, %c0_i32_0 : i32, i32
  }
  func.func @transform_4(%arg0: i32) -> (i32, i32) {
    %c0_i32 = arith.constant 0 : i32
    %c0_i32_0 = arith.constant 0 : i32
    %c0_i32_1 = arith.constant 0 : i32
    return %c0_i32, %c0_i32_0 : i32, i32
  }
  func.func @transform_5(%arg0: i32) -> (i32, i32) {
    %c0_i32 = arith.constant 0 : i32
    %c0_i32_0 = arith.constant 0 : i32
    %c0_i32_1 = arith.constant 0 : i32
    return %c0_i32, %c0_i32_0 : i32, i32
  }
  func.func @transform_6(%arg0: i32) -> (i32, i32) {
    %c0_i32 = arith.constant 0 : i32
    %c0_i32_0 = arith.constant 0 : i32
    return %arg0, %c0_i32 : i32, i32
  }
}

module attributes {stable_mosaic.version = 14 : i64} {
  func.func @_mlp_body(%arg0: i32, %arg1: memref<1000x128xf32, #tpu.memory_space<vmem>>, %arg2: memref<1x1000x128xf32, #tpu.memory_space<vmem>>, %arg3: memref<128x128xf32, #tpu.memory_space<vmem>>, %arg4: memref<1x128xf32, #tpu.memory_space<vmem>>, %arg5: memref<128x128xf32, #tpu.memory_space<vmem>>, %arg6: memref<1x128xf32, #tpu.memory_space<vmem>>, %arg7: memref<1000x128xf32, #tpu.memory_space<vmem>>) attributes {dimension_semantics = [#tpu.dimension_semantics<arbitrary>], iteration_bounds = array<i64: 10>, scalar_prefetch = 0 : i64, scratch_operands = 0 : i64, tpu.core_type = #tpu.core_type<tc>, window_params = [{transform_indices = @transform_0, window_bounds = array<i64: 1000, 128>}, {transform_indices = @transform_1, window_bounds = array<i64: 1, 1000, 128>}, {pipeline_mode = #tpu.pipeline_mode<synchronous>, transform_indices = @transform_2, window_bounds = array<i64: 128, 128>}, {pipeline_mode = #tpu.pipeline_mode<synchronous>, transform_indices = @transform_3, window_bounds = array<i64: 1, 128>}, {pipeline_mode = #tpu.pipeline_mode<synchronous>, transform_indices = @transform_4, window_bounds = array<i64: 128, 128>}, {pipeline_mode = #tpu.pipeline_mode<synchronous>, transform_indices = @transform_5, window_bounds = array<i64: 1, 128>}, {transform_indices = @transform_6, window_bounds = array<i64: 1000, 128>}]} {
    %get3A = arith.constant 0 : index
    %get3A_0 = arith.constant 0 : index
    %get3A_1 = vector.load %arg1[%get3A, %get3A_0] : memref<1000x128xf32, #tpu.memory_space<vmem>>, vector<1000x128xf32>
    %get3A_2 = arith.constant 0 : index
    %get3A_3 = arith.constant 0 : index
    %get3A_4 = arith.constant 0 : index
    %get3A_5 = vector.load %arg2[%get3A_2, %get3A_3, %get3A_4] : memref<1x1000x128xf32, #tpu.memory_space<vmem>>, vector<1x1000x128xf32>
    %get3A_6 = vector.shape_cast %get3A_5 : vector<1x1000x128xf32> to vector<1000x128xf32>
    %add3A = arith.addf %get3A_1, %get3A_6 : vector<1000x128xf32>
    %get3A_7 = arith.constant 0 : index
    %get3A_8 = arith.constant 0 : index
    %get3A_9 = vector.load %arg3[%get3A_7, %get3A_8] : memref<128x128xf32, #tpu.memory_space<vmem>>, vector<128x128xf32>
    %dot_general3A = arith.constant dense<0.000000e+00> : vector<1000x128xf32>
    %dot_general3A_10 = tpu.matmul %add3A, %get3A_9, %dot_general3A {dimension_numbers = #tpu.dot_dimension_numbers<[1], [0], [0], [1], [0, 0, 1, 1], [], []>, transpose_lhs_hint = false} : vector<1000x128xf32>, vector<128x128xf32>, vector<1000x128xf32> -> vector<1000x128xf32>
    %get3A_11 = arith.constant 0 : index
    %get3A_12 = arith.constant 0 : index
    %get3A_13 = vector.load %arg4[%get3A_11, %get3A_12] : memref<1x128xf32, #tpu.memory_space<vmem>>, vector<1x128xf32>
    %add3A_14 = vector.broadcast %get3A_13 : vector<1x128xf32> to vector<1000x128xf32>
    %add3A_15 = arith.addf %dot_general3A_10, %add3A_14 : vector<1000x128xf32>
    %max3A = arith.constant 0.000000e+00 : f32
    %max3A_16 = vector.broadcast %max3A : f32 to vector<1000x128xf32>
    %max3A_17 = arith.maximumf %add3A_15, %max3A_16 : vector<1000x128xf32>
    %get3A_18 = arith.constant 0 : index
    %get3A_19 = arith.constant 0 : index
    %get3A_20 = vector.load %arg5[%get3A_18, %get3A_19] : memref<128x128xf32, #tpu.memory_space<vmem>>, vector<128x128xf32>
    %dot_general3A_21 = arith.constant dense<0.000000e+00> : vector<1000x128xf32>
    %dot_general3A_22 = tpu.matmul %max3A_17, %get3A_20, %dot_general3A_21 {dimension_numbers = #tpu.dot_dimension_numbers<[1], [0], [0], [1], [0, 0, 1, 1], [], []>, transpose_lhs_hint = false} : vector<1000x128xf32>, vector<128x128xf32>, vector<1000x128xf32> -> vector<1000x128xf32>
    %get3A_23 = arith.constant 0 : index
    %get3A_24 = arith.constant 0 : index
    %get3A_25 = vector.load %arg6[%get3A_23, %get3A_24] : memref<1x128xf32, #tpu.memory_space<vmem>>, vector<1x128xf32>
    %add3A_26 = vector.broadcast %get3A_25 : vector<1x128xf32> to vector<1000x128xf32>
    %add3A_27 = arith.addf %dot_general3A_22, %add3A_26 : vector<1000x128xf32>
    %swap3A = arith.constant 0 : index
    %swap3A_28 = arith.constant 0 : index
    %swap3A_29 = vector.load %arg7[%swap3A, %swap3A_28] : memref<1000x128xf32, #tpu.memory_space<vmem>>, vector<1000x128xf32>
    tpu.vector_store %arg7[%swap3A, %swap3A_28], %add3A_27 {strides = array<i32>} : memref<1000x128xf32, #tpu.memory_space<vmem>>, vector<1000x128xf32>,
    return
  }
  func.func @transform_0(%arg0: i32) -> (i32, i32) {
    %c0_i32 = arith.constant 0 : i32
    %c0_i32_0 = arith.constant 0 : i32
    return %arg0, %c0_i32 : i32, i32
  }
  func.func @transform_1(%arg0: i32) -> (i32, i32, i32) {
    %jit3A = arith.constant 5 : i32
    %div3A = arith.divsi %arg0, %jit3A : i32
    %sign3A = arith.constant 0 : i32
    %sign3A_0 = arith.cmpi sgt, %arg0, %sign3A : i32
    %sign3A_1 = arith.extui %sign3A_0 : i1 to i32
    %sign3A_2 = arith.constant 0 : i32
    %sign3A_3 = arith.cmpi slt, %arg0, %sign3A_2 : i32
    %sign3A_4 = arith.extui %sign3A_3 : i1 to i32
    %sign3A_5 = arith.subi %sign3A_1, %sign3A_4 : i32
    %sign3A_6 = arith.constant 0 : i32
    %sign3A_7 = arith.cmpi sgt, %jit3A, %sign3A_6 : i32
    %sign3A_8 = arith.extui %sign3A_7 : i1 to i32
    %sign3A_9 = arith.constant 0 : i32
    %sign3A_10 = arith.cmpi slt, %jit3A, %sign3A_9 : i32
    %sign3A_11 = arith.extui %sign3A_10 : i1 to i32
    %sign3A_12 = arith.subi %sign3A_8, %sign3A_11 : i32
    %ne3A = arith.cmpi ne, %sign3A_5, %sign3A_12 : i32
    %rem3A = arith.remsi %arg0, %jit3A : i32
    %ne3A_13 = arith.constant 0 : i32
    %ne3A_14 = arith.cmpi ne, %rem3A, %ne3A_13 : i32
    %and3A = arith.andi %ne3A, %ne3A_14 : i1
    %sub3A = arith.constant 1 : i32
    %sub3A_15 = arith.subi %div3A, %sub3A : i32
    %select_n3A = arith.select %and3A, %sub3A_15, %div3A : i32
    %jit3A_16 = arith.constant 5 : i32
    %eq3A = arith.constant 0 : i32
    %eq3A_17 = arith.cmpi eq, %jit3A_16, %eq3A : i32
    %jit3A_18 = arith.constant 1 : i32
    %select_n3A_19 = arith.select %eq3A_17, %jit3A_18, %jit3A_16 : i32
    %rem3A_20 = arith.remsi %arg0, %select_n3A_19 : i32
    %ne3A_21 = arith.constant 0 : i32
    %ne3A_22 = arith.cmpi ne, %rem3A_20, %ne3A_21 : i32
    %lt3A = arith.constant 0 : i32
    %lt3A_23 = arith.cmpi slt, %rem3A_20, %lt3A : i32
    %lt3A_24 = arith.constant 0 : i32
    %lt3A_25 = arith.cmpi slt, %select_n3A_19, %lt3A_24 : i32
    %ne3A_26 = arith.xori %lt3A_23, %lt3A_25 : i1
    %and3A_27 = arith.andi %ne3A_26, %ne3A_22 : i1
    %add3A = arith.addi %rem3A_20, %select_n3A_19 : i32
    %select_n3A_28 = arith.select %and3A_27, %add3A, %rem3A_20 : i32
    %c0_i32 = arith.constant 0 : i32
    %c0_i32_29 = arith.constant 0 : i32
    return %select_n3A, %select_n3A_28, %c0_i32 : i32, i32, i32
  }
  func.func @transform_2(%arg0: i32) -> (i32, i32) {
    %c0_i32 = arith.constant 0 : i32
    %c0_i32_0 = arith.constant 0 : i32
    %c0_i32_1 = arith.constant 0 : i32
    return %c0_i32, %c0_i32_0 : i32, i32
  }
  func.func @transform_3(%arg0: i32) -> (i32, i32) {
    %c0_i32 = arith.constant 0 : i32
    %c0_i32_0 = arith.constant 0 : i32
    %c0_i32_1 = arith.constant 0 : i32
    return %c0_i32, %c0_i32_0 : i32, i32
  }
  func.func @transform_4(%arg0: i32) -> (i32, i32) {
    %c0_i32 = arith.constant 0 : i32
    %c0_i32_0 = arith.constant 0 : i32
    %c0_i32_1 = arith.constant 0 : i32
    return %c0_i32, %c0_i32_0 : i32, i32
  }
  func.func @transform_5(%arg0: i32) -> (i32, i32) {
    %c0_i32 = arith.constant 0 : i32
    %c0_i32_0 = arith.constant 0 : i32
    %c0_i32_1 = arith.constant 0 : i32
    return %c0_i32, %c0_i32_0 : i32, i32
  }
  func.func @transform_6(%arg0: i32) -> (i32, i32) {
    %c0_i32 = arith.constant 0 : i32
    %c0_i32_0 = arith.constant 0 : i32
    return %arg0, %c0_i32 : i32, i32
  }
}

</mosaic_0001>

<sc_bundles>
// kernel: kernel.13.cloned.1.call-start
scs
__scs_entry_jumppad:
0x0: {  	(pc) =	sbr.rel $0x88, $3  }
0x1: {  	(tag) =	ssettag $0x0;
	lr =	simm.s32 $0x1  }
0x2: {  	[smem:$0x3F8A] =	sst lr;
	_ =	strace $0xD0000000  }
0x3: {  	_ = 	snop  }
0x4: {  	_ = 	snop  }
0x5: {  	_ = 	snop  }
0x6: {  	_ = 	snop  }
0x7: {  	_ = 	snop  }
__scs_overlays_trampoline_lowered:
0x8: {  	[smem:$0x3F99] =	sst s0  }
0x9: {  	[smem:$0x3F9A] =	sst s1  }
0xa: {  	[smem:$0x3F9B] =	sst s2  }
0xb: {  	[smem:$0x3F9C] =	sst s3  }
0xc: {  	[smem:$0x3F9D] =	sst s4  }
0xd: {  	[smem:$0x3F9E] =	sst s5  }
0xe: {  	[smem:$0x3F9F] =	sst s6  }
0xf: {  	[smem:$0x3FA0] =	sst s7  }
0x10: {  	[smem:$0x3FA1] =	sst s8  }
0x11: {  	[smem:$0x3FA2] =	sst s9;
	s0 =	simm.s32 @!p0 $0x0  }
0x12: {  	s1 =	sld [smem:$0x3F88];
	s0 =	simm.s32 @p0 $0x1  }
0x13: {  	[smem:$0x3FA3] =	sst s0;
	s0 =	simm.s32 @!p1 $0x0  }
0x14: {  	s2 =	sld [smem:$0x3F87];
	s0 =	simm.s32 @p1 $0x1  }
0x15: {  	[smem:$0x3FA4] =	sst s0;
	s0 =	simm.s32 @!p2 $0x0  }
0x16: {  	s3 =	sld [smem:$0x3FDB];
	s0 =	simm.s32 @p2 $0x1  }
0x17: {  	s4 =	simm.s32 $0x1BF5;
	[smem:$0x3FA6] =	sst s0  }
0x18: {  	s0 =	sld [smem:$0x3F89];
	_ =	swait.ge [sflag:s4], $0x0  }
0x19: {  	s7 =	sld [smem:$0x3F8A]  }
0x1a: {  	s8 =	sadd.s32 $0xFFFFE003, lr  }
0x1b: {  	s9 =	sadd.s32 $0xFFFFFEF7, lr;
	s5 =	simm.s32 $0xFFFFFFFF;
	p2 =	slt.u32 s8, $0xFFFFF086  }
0x1c: {  	p1 =	slt.u32 s9, $0xF7A;
	s5 =	simm.s32 @!p2 $0x0  }
0x1d: {  	s5 =	simm.s32 @p1 $0x1;
	p0 =	seq.s32 s7, s2  }
0x1e: {  	s7 =	smul.u32 @!p0 $0xF7A, s2;
	p2 =	seq.s32 @!p0 s5, $0x0  }
0x1f: {  	s9 =	smul.u32 $0xF7A, s1;
	s8 =	simm.s32 @!p0 $0x1BF5;
	p2 =	por !p2, p0  }
0x20: {  	[sflag:s8] =	ssyncset.s32 @!p0 $0xFFFFF086;
	s6 =	sadd.s32 @!p0 s3, s7;
	s7 =	simm.s32 @!p0 $0x108  }
0x21: {  	s3 =	sadd.s32 s3, s9;
	s6 =	sadd.s32 @!p0 $0x88, s6;
	s7 =	simm.s32 @p2 $0x1082  }
0x22: {  	[simem:s7], [sflag:s8] =	dma.local @!p0 [hbm:s6], $0xF7A  }
0x23: {  	s9 =	sor.u32 $0xD0000000, s2;
	s6 =	simm.s32 $0x108;
	_ =	swait.ge @!p0 [sflag:s8], $0x0  }
0x24: {  	s3 =	sadd.s32 $0x88, s3;
	s6 =	simm.s32 @!p1 $0x1082;
	[sflag:s4] =	ssyncset.s32 $0xFFFFF086  }
0x25: {  	[simem:s6], [sflag:s4] =	dma.local [hbm:s3], $0xF7A  }
0x26: {  	[smem:$0x3F8A] =	sst s1;
	(tag) =	ssettag s2;
	_ =	strace s9  }
0x27: {  	s1 =	sld [smem:$0x3F9A]  }
0x28: {  	s2 =	sld [smem:$0x3F9B]  }
0x29: {  	s4 =	sld [smem:$0x3F9D]  }
0x2a: {  	p0 =	seq.s32 s5, $0x0;
	s5 =	sld [smem:$0x3F9E]  }
0x2b: {  	s6 =	sld [smem:$0x3F9F]  }
0x2c: {  	s7 =	sld [smem:$0x3FA0]  }
0x2d: {  	s3 =	simm.s32 $0x108;
	s8 =	sld [smem:$0x3FA1]  }
0x2e: {  	s3 =	simm.s32 @!p0 $0x1082;
	s9 =	sld [smem:$0x3FA2]  }
0x2f: {  	lr =	sadd.s32 s0, s3;
	s0 =	sld [smem:$0x3F99]  }
0x30: {  	s3 =	sld [smem:$0x3F9C]  }
0x31: {  	[smem:$0x3FA5] =	sst s10  }
0x32: {  	s10 =	sld [smem:$0x3FA3];
	_ =	sdelay $0x3  }
0x33: {  	p0 =	seq.s32 s10, $0x1;
	s10 =	sld [smem:$0x3FA5];
	_ =	sdelay $0x3  }
0x34: {  	[smem:$0x3FA5] =	sst s10  }
0x35: {  	s10 =	sld [smem:$0x3FA4];
	_ =	sdelay $0x3  }
0x36: {  	p1 =	seq.s32 s10, $0x1;
	s10 =	sld [smem:$0x3FA5];
	_ =	sdelay $0x3  }
0x37: {  	[smem:$0x3FA5] =	sst s10  }
0x38: {  	s10 =	sld [smem:$0x3FA6]  }
0x39: {  	_ = 	snop;
	(pc) =	sbr.ind lr, $3  }
0x3a: {  	_ = 	snop  }
0x3b: {  	_ = 	snop  }
0x3c: {  	p2 =	seq.s32 s10, $0x1;
	s10 =	sld [smem:$0x3FA5]  }
0x3d: {  	_ =	shalt  }
0x3e: {  	_ =	shalt  }
0x3f: {  	_ =	shalt  }
0x40: {  	_ =	shalt  }
0x41: {  	_ =	shalt  }
0x42: {  	_ =	shalt  }
0x43: {  	_ =	shalt  }
0x44: {  	_ =	shalt  }
0x45: {  	_ =	shalt  }
0x46: {  	_ =	shalt  }
0x47: {  	_ =	shalt  }
0x48: {  	_ =	shalt  }
0x49: {  	_ =	shalt  }
0x4a: {  	_ =	shalt  }
0x4b: {  	_ =	shalt  }
0x4c: {  	_ =	shalt  }
0x4d: {  	_ =	shalt  }
0x4e: {  	_ =	shalt  }
0x4f: {  	_ =	shalt  }
0x50: {  	_ =	shalt  }
0x51: {  	_ =	shalt  }
0x52: {  	_ =	shalt  }
0x53: {  	_ =	shalt  }
0x54: {  	_ =	shalt  }
0x55: {  	_ =	shalt  }
0x56: {  	_ =	shalt  }
0x57: {  	_ =	shalt  }
0x58: {  	_ =	shalt  }
0x59: {  	_ =	shalt  }
0x5a: {  	_ =	shalt  }
0x5b: {  	_ =	shalt  }
0x5c: {  	_ =	shalt  }
0x5d: {  	_ =	shalt  }
0x5e: {  	_ =	shalt  }
0x5f: {  	_ =	shalt  }
0x60: {  	_ =	shalt  }
0x61: {  	_ =	shalt  }
0x62: {  	_ =	shalt  }
0x63: {  	_ =	shalt  }
0x64: {  	_ =	shalt  }
0x65: {  	_ =	shalt  }
0x66: {  	_ =	shalt  }
0x67: {  	_ =	shalt  }
0x68: {  	_ =	shalt  }
0x69: {  	_ =	shalt  }
0x6a: {  	_ =	shalt  }
0x6b: {  	_ =	shalt  }
0x6c: {  	_ =	shalt  }
0x6d: {  	_ =	shalt  }
0x6e: {  	_ =	shalt  }
0x6f: {  	_ =	shalt  }
0x70: {  	_ =	shalt  }
0x71: {  	_ =	shalt  }
0x72: {  	_ =	shalt  }
0x73: {  	_ =	shalt  }
0x74: {  	_ =	shalt  }
0x75: {  	_ =	shalt  }
0x76: {  	_ =	shalt  }
0x77: {  	_ =	shalt  }
0x78: {  	_ =	shalt  }
0x79: {  	_ =	shalt  }
0x7a: {  	_ =	shalt  }
0x7b: {  	_ =	shalt  }
0x7c: {  	_ =	shalt  }
0x7d: {  	_ =	shalt  }
0x7e: {  	_ =	shalt  }
0x7f: {  	_ =	shalt  }
0x80: {  	_ =	shalt  }
0x81: {  	_ =	shalt  }
0x82: {  	_ =	shalt  }
0x83: {  	_ =	shalt  }
0x84: {  	_ =	shalt  }
0x85: {  	_ =	shalt  }
0x86: {  	_ =	shalt  }
0x87: {  	_ =	shalt  }
.Lfunc_end0:
.L_simem_size_0:
called_computation_lowered:
.L_overlay_start_0:
0x88: {  	s2 =	sld [smem:$0x3FD9]  }
0x89: {  	s3 =	sld [smem:$0x3FFE];
	_ =	sdelay $0x1  }
0x8a: {  	s1 =	srdreg.scid  }
0x8b: {  	s0 =	sand.u32 $0x1, s1  }
0x8c: {  	s17 =	sshll.u32 s0, $0xA;
	s2 =	sadd.s32 s3, s2  }
0x8d: {  	s2 =	sadd.s32 s2, s17  }
0x8e: {  	[smem:$0x3FB1] =	sst s2  }
0x8f: {  	_ = 	snop  }
0x90: {  	s2 =	sld [smem:$0x3FC7]  }
0x91: {  	s18 =	sld [smem:$0x3FD0];
	(tm) =	ssettm $0x1  }
0x92: {  	s4 =	sld [smem:$0x3FFB];
	_ =	sdelay $0x3  }
0x93: {  	_ =	strace s4  }
0x94: {  	s4 =	sld [smem:$0x3FFC];
	_ =	sdelay $0x3  }
0x95: {  	_ =	strace s4  }
0x96: {  	s4 =	sld [smem:$0x3FFD];
	_ =	sdelay $0x3  }
0x97: {  	_ =	strace s4  }
0x98: {  	_ =	strace $0x8FFFFFFF  }
0x99: {  	s19 =	sld [smem:$0x3FDB];
	_ =	sdelay $0x1  }
0x9a: {  	s5 =	simm.s32 $_scs_section_size  }
0x9b: {  	s6 =	simm.s32 $_size__tile_overlayer_lowered;
	s7 =	simm.s32 $_tile_overlayer_lowered  }
0x9c: {  	s22 =	simm.s32 $0x1BFF;
	s21 =	sshll.u32 s7, $0x1;
	s4 =	sadd.s32 s5, s19  }
0x9d: {  	s8 =	simm.s32 $0x0;
	s20 =	sshll.u32 s6, $0x1;
	s6 =	sadd.s32 s21, s4  }
0x9e: {  	[timem:s8], [sflag:s22] =	dma.local [hbm:s6], s20  }
0x9f: {  	_ =	swait.ge [sflag:s22], s20  }
0xa0: {  	s5 =	ssub.s32 $0x0, s20;
	[sflag:s22] =	ssyncset.done $0x0  }
0xa1: {  	[sflag:s22] =	ssyncadd.s32 s5;
	_ =	sdelay $0x1  }
0xa2: {  	s23 =	simm.s32 $0x1B8B  }
0xa3: {  	_ =	swait.ge [sflag:s23], $0x1  }
0xa4: {  	[sflag:s23] =	ssyncset.done $0x0  }
0xa5: {  	s25 =	simm.s32 $0x1B8E;
	s24 =	sld [smem:$0x3FFE];
	[sflag:s23] =	ssyncadd.s32 $0xFFFFFFFF  }
0xa6: {  	s26 =	simm.s32 $execute0_lowered;
	[smem:$0x3FD2] =	sst s25  }
0xa7: {  	s6 =	sshll.u32 s26, $0x1;
	_ =	strace $0x80000046;
	[dreg:$0x1] =	wrdreg $0xFFFFFFFF  }
0xa8: {  	s28 =	simm.s32 $_size_execute0_lowered;
	s4 =	sadd.s32 s4, s6;
	[dreg:$0x0] =	wrdreg $0x0  }
0xa9: {  	s6 =	sshll.u32 s28, $0x1;
	[dreg:$0x2] =	wrdreg s4  }
0xaa: {  	[dreg:$0x3] =	wrdreg s6  }
0xab: {  	[dreg:$0x4] =	wrdreg $0xC0  }
0xac: {  	_ =	task [dreg:s8], $0x5FFFF  }
0xad: {  	[dreg:$0x1] =	wrdreg $0xFFFFFFFF  }
0xae: {  	[dreg:$0x0] =	wrdreg $0x60  }
0xaf: {  	[dreg:$0x2] =	wrdreg s2  }
0xb0: {  	[dreg:$0x3] =	wrdreg s18  }
0xb1: {  	[dreg:$0x4] =	wrdreg s24  }
0xb2: {  	[dreg:$0x5] =	wrdreg $0x9  }
0xb3: {  	_ =	task.clear_ibuf [dreg:s8], $0x6FFFF;
	_ =	strace $0x90000046  }
0xb4: {  	s29 =	simm.s32 $0x9;
	_ =	strace $0x80000048  }
0xb5: {  	_ =	swait.ge [sflag:s29], $0x1  }
0xb6: {  	[sflag:s29] =	ssyncadd.s32 $0xFFFFFFFF  }
0xb7: {  	_ =	strace $0x90000048  }
0xb8: {  	_ =	sfence  }
0xb9: {  	s30 =	sld [smem:$0x0];
	_ =	sdelay $0x2  }
0xba: {  	s31 =	sshll.u32 s1, $0xD;
	s1 =	sshrl.u32 s1, $0x2  }
0xbb: {  	s3 =	sand.u32 $0x4000, s31;
	s1 =	sadd.s32 s1, s30  }
0xbc: {  	s0 =	sor.u32 s3, s0;
	s1 =	sshll.u32 s1, $0x11  }
0xbd: {  	s0 =	sor.u32 s1, s0  }
0xbe: {  	s0 =	sadd.s32 $0x8F2B, s0  }
0xbf: {  	[sflag:s0] =	ssyncadd.remote.s32 $0x1  }
0xc0: {  	_ =	sfence.sel $0xFFFF  }
0xc1: {  	[dreg:$0x0] =	wrdreg $0xFFFFFFFF;
	(pc) =	sbr.abs _section_cstart, $3  }
0xc2: {  	[dreg:$0x1] =	wrdreg $0xFFFFFFFF  }
0xc3: {  	_ =	task.clear_ibuf [dreg:s8], $0x2FFFF;
	_ =	strace $0x9FFFFFFF  }
0xc4: {  	(tm) =	ssettm $0x7FFFFFFF  }
0xc5: {  	_ =	shalt  }
tec
execute0_lowered:
.L_overlay_start_1:
0x0: {  	(tag) =	ssettag $0x1  }
0x1: {  	s2 =	rddreg [dreg:$0x0];
	s0 =	srdreg.scid  }
0x2: {  	s4 =	rddreg [dreg:$0x1];
	s10 =	sand.u32 $0x1, s0  }
0x3: {  	s8 =	rddreg [dreg:$0x2];
	s1 =	stileid.u32;
	s5 =	sshll.u32 s10, $0x4  }
0x4: {  	s3 =	simm.s32 $0x0;
	s0 =	rddreg [dreg:$0x3];
	s6 =	sor.u32 s1, s5  }
0x5: {  	[smem:$0x7FF] =	sst s3;
	s5 =	sshll.u32 s6, $0x6  }
0x6: {  	_ =	strace $0x80000047;
	s5 =	sadd.s32 s4, s5;
	s4 =	simm.s32 $0x1  }
0x7: {  	[tilespmem:s3], [sflag:$0x1] =	stream.linear.gather [hbm4b:s5+s3], $0x180, $0x38;
	[tilespmem:$0x4200] =	vst v63  }
0x8: {  	_ =	swait.ge [sflag:s4], $0x180  }
0x9: {  	s7 =	simm.s32 $0x200;
	[sflag:s4] =	ssyncset.done $0x0  }
0xa: {  	s9 =	smul.u32 $0x1800, s6;
	s6 =	simm.s32 $0x80;
	[sflag:s4] =	ssyncadd.s32 $0xFFFFFE80  }
0xb: {  	[tilespmem:s7], [sflag:$0x1] =	stream.indirect.gather [hbm4b:s2+s6], $0x80, s3, s6, $0xb8;
	[tilespmem:$0x4200] =	vst v63  }
0xc: {  	_ =	swait.ge [sflag:s4], $0x4000  }
0xd: {  	s11 =	sadd.s32 s9, s8;
	[sflag:s4] =	ssyncset.done $0x0  }
0xe: {  	s8 =	sadd.s32 $0x5400, s11;
	[sflag:s4] =	ssyncadd.s32 $0xFFFFC000  }
0xf: {  	[hbm4b:s8+s3] =	stream.linear.scatter [tilespmem:s7], [sflag:$0x1], $0x4000, $0x38;
	[tilespmem:$0x4200] =	vst v63  }
0x10: {  	_ =	swait.ge [sflag:s4], $0x4000  }
0x11: {  	[sflag:s4] =	ssyncset.done $0x0  }
0x12: {  	[sflag:s4] =	ssyncadd.s32 $0xFFFFC000  }
0x13: {  	[tilespmem:s7], [sflag:$0x1] =	stream.indirect.gather [hbm4b:s2+s6], $0x80, s6, s6, $0xb8;
	[tilespmem:$0x4200] =	vst v63  }
0x14: {  	_ =	swait.ge [sflag:s4], $0x4000  }
0x15: {  	[sflag:s4] =	ssyncset.done $0x0  }
0x16: {  	s12 =	ssub.s32 $0x2, s10;
	s9 =	sadd.s32 $0x5C00, s11;
	[sflag:s4] =	ssyncadd.s32 $0xFFFFC000  }
0x17: {  	[hbm4b:s9+s3] =	stream.linear.scatter [tilespmem:s7], [sflag:$0x1], $0x4000, $0x38;
	[tilespmem:$0x4200] =	vst v63  }
0x18: {  	s13 =	sshrl.u32 s12, $0x1;
	_ =	swait.ge [sflag:s4], $0x4000  }
0x19: {  	s12 =	ssub.s32 s12, s13;
	[sflag:s4] =	ssyncset.done $0x0  }
0x1a: {  	s10 =	simm.s32 $0x100;
	s12 =	smax.u32 s12, $0x1;
	[sflag:s4] =	ssyncadd.s32 $0xFFFFC000  }
0x1b: {  	[tilespmem:s7], [sflag:$0x1] =	stream.indirect.gather [hbm4b:s2+s6], $0x80, s10, s6, $0xb8;
	[tilespmem:$0x4200] =	vst v63  }
0x1c: {  	p0 =	sne.s32 s12, $0x1;
	_ =	swait.ge [sflag:s4], $0x4000  }
.Ltmp0:
0x1d: {  	[sflag:s4] =	ssyncset.done $0x0;
	(pc) =	sbr.rel @!p0 .LBB2_2-.Ltmp0, $4  }
0x1e: {  	s11 =	sadd.s32 $0x6400, s11;
	[sflag:s4] =	ssyncadd.s32 $0xFFFFC000  }
0x1f: {  	[hbm4b:s11+s3] =	stream.linear.scatter [tilespmem:s7], [sflag:$0x1], $0x4000, $0x38;
	[tilespmem:$0x4200] =	vst v63  }
0x20: {  	_ =	swait.ge [sflag:s4], $0x4000  }
0x21: {  	s12 =	sadd.s32 $0xFFFFFFFF, s12;
	[sflag:s4] =	ssyncset.done $0x0  }
.LBB2_1:
0x22: {  	p0 =	sne.s32 s12, $0x1;
	s12 =	sadd.s32 $0xFFFFFFFF, s12;
	[sflag:s4] =	ssyncadd.s32 $0xFFFFC000  }
0x23: {  	[tilespmem:s3], [sflag:$0x1] =	stream.linear.gather [hbm4b:s5+s3], $0x180, $0x38;
	[tilespmem:$0x4200] =	vst v63  }
0x24: {  	_ =	swait.ge [sflag:s4], $0x180  }
0x25: {  	[sflag:s4] =	ssyncset.done $0x0  }
0x26: {  	[sflag:s4] =	ssyncadd.s32 $0xFFFFFE80  }
0x27: {  	[tilespmem:s7], [sflag:$0x1] =	stream.indirect.gather [hbm4b:s2+s6], $0x80, s3, s6, $0xb8;
	[tilespmem:$0x4200] =	vst v63  }
0x28: {  	_ =	swait.ge [sflag:s4], $0x4000  }
0x29: {  	[sflag:s4] =	ssyncset.done $0x0  }
0x2a: {  	[sflag:s4] =	ssyncadd.s32 $0xFFFFC000  }
0x2b: {  	[hbm4b:s8+s3] =	stream.linear.scatter [tilespmem:s7], [sflag:$0x1], $0x4000, $0x38;
	[tilespmem:$0x4200] =	vst v63  }
0x2c: {  	_ =	swait.ge [sflag:s4], $0x4000  }
0x2d: {  	[sflag:s4] =	ssyncset.done $0x0  }
0x2e: {  	[sflag:s4] =	ssyncadd.s32 $0xFFFFC000  }
0x2f: {  	[tilespmem:s7], [sflag:$0x1] =	stream.indirect.gather [hbm4b:s2+s6], $0x80, s6, s6, $0xb8;
	[tilespmem:$0x4200] =	vst v63  }
0x30: {  	_ =	swait.ge [sflag:s4], $0x4000  }
0x31: {  	[sflag:s4] =	ssyncset.done $0x0  }
0x32: {  	[sflag:s4] =	ssyncadd.s32 $0xFFFFC000  }
0x33: {  	[hbm4b:s9+s3] =	stream.linear.scatter [tilespmem:s7], [sflag:$0x1], $0x4000, $0x38;
	[tilespmem:$0x4200] =	vst v63  }
0x34: {  	_ =	swait.ge [sflag:s4], $0x4000  }
0x35: {  	[sflag:s4] =	ssyncset.done $0x0  }
0x36: {  	[sflag:s4] =	ssyncadd.s32 $0xFFFFC000  }
0x37: {  	[tilespmem:s7], [sflag:$0x1] =	stream.indirect.gather [hbm4b:s2+s6], $0x80, s10, s6, $0xb8;
	[tilespmem:$0x4200] =	vst v63  }
0x38: {  	_ =	swait.ge [sflag:s4], $0x4000  }
.Ltmp1:
0x39: {  	[sflag:s4] =	ssyncset.done $0x0;
	(pc) =	sbr.rel @p0 .LBB2_1-.Ltmp1, $4  }
0x3a: {  	[sflag:s4] =	ssyncadd.s32 $0xFFFFC000  }
0x3b: {  	[hbm4b:s11+s3] =	stream.linear.scatter [tilespmem:s7], [sflag:$0x1], $0x4000, $0x38;
	[tilespmem:$0x4200] =	vst v63  }
0x3c: {  	_ =	swait.ge [sflag:s4], $0x4000  }
0x3d: {  	[sflag:s4] =	ssyncset.done $0x0  }
.LBB2_2:
0x3e: {  	[sflag:s4] =	ssyncadd.s32 $0xFFFFC000  }
0x3f: {  	_ =	sfence.sel $0x180000  }
0x40: {  	[bflag:$0x0] =	sbarrier.arrive $0xFFFF  }
0x41: {  	p0 =	sne.s32 s1, $0x0;
	_ =	strace $0x90000047  }
0x42: {  	s0 =	sadd.s32 @!p0 $0x100000, s0;
	[bflag:$0x2] =	sbarrier.arrive $0xFFFF  }
0x43: {  	[sflag:s0] =	ssyncadd.tile.s32 @!p0 $0x1;
	_ =	shalt  }
.Lfunc_end2:
_tile_overlayer_lowered:
.L_overlay_start_2:
0x44: {  	(tag) =	ssettag $0x2  }
0x45: {  	s0 =	rddreg [dreg:$0x0];
	s2 =	stileid.u32  }
0x46: {  	s1 =	rddreg [dreg:$0x1];
	p0 =	sne.s32 s2, $0x0  }
0x47: {  	s3 =	rddreg [dreg:$0x2];
	[bflag:$0x3] =	sbarrier.arrive $0xFFFF;
	s2 =	simm.s32 @!p0 $0x1C01  }
0x48: {  	[timem:s3], [sflag:s2] =	dma.local @!p0 [hbm:s0], s1  }
0x49: {  	s0 =	simm.s32 @!p0 $0x1  }
0x4a: {  	_ =	swait.ge @!p0 [sflag:s0], s1  }
0x4b: {  	s1 =	ssub.s32 @!p0 $0x0, s1;
	[sflag:s0] =	ssyncset.done @!p0 $0x0  }
0x4c: {  	[sflag:s0] =	ssyncadd.s32 @!p0 s1  }
0x4d: {  	[bflag:$0x3] =	sbarrier.arrive $0xFFFF  }
0x4e: {  	_ =	shalt  }

// kernel: kernel.16.cloned.1.call-start
scs
__scs_entry_jumppad:
0x0: {  	(pc) =	sbr.rel $0x88, $3  }
0x1: {  	(tag) =	ssettag $0x0;
	lr =	simm.s32 $0x1  }
0x2: {  	[smem:$0x3F8A] =	sst lr;
	_ =	strace $0xD0000000  }
0x3: {  	_ = 	snop  }
0x4: {  	_ = 	snop  }
0x5: {  	_ = 	snop  }
0x6: {  	_ = 	snop  }
0x7: {  	_ = 	snop  }
__scs_overlays_trampoline_lowered:
0x8: {  	[smem:$0x3F99] =	sst s0  }
0x9: {  	[smem:$0x3F9A] =	sst s1  }
0xa: {  	[smem:$0x3F9B] =	sst s2  }
0xb: {  	[smem:$0x3F9C] =	sst s3  }
0xc: {  	[smem:$0x3F9D] =	sst s4  }
0xd: {  	[smem:$0x3F9E] =	sst s5  }
0xe: {  	[smem:$0x3F9F] =	sst s6  }
0xf: {  	[smem:$0x3FA0] =	sst s7  }
0x10: {  	[smem:$0x3FA1] =	sst s8  }
0x11: {  	[smem:$0x3FA2] =	sst s9;
	s0 =	simm.s32 @!p0 $0x0  }
0x12: {  	s1 =	sld [smem:$0x3F88];
	s0 =	simm.s32 @p0 $0x1  }
0x13: {  	[smem:$0x3FA3] =	sst s0;
	s0 =	simm.s32 @!p1 $0x0  }
0x14: {  	s2 =	sld [smem:$0x3F87];
	s0 =	simm.s32 @p1 $0x1  }
0x15: {  	[smem:$0x3FA4] =	sst s0;
	s0 =	simm.s32 @!p2 $0x0  }
0x16: {  	s3 =	sld [smem:$0x3FDB];
	s0 =	simm.s32 @p2 $0x1  }
0x17: {  	s4 =	simm.s32 $0x1BF5;
	[smem:$0x3FA6] =	sst s0  }
0x18: {  	s0 =	sld [smem:$0x3F89];
	_ =	swait.ge [sflag:s4], $0x0  }
0x19: {  	s7 =	sld [smem:$0x3F8A]  }
0x1a: {  	s8 =	sadd.s32 $0xFFFFE003, lr  }
0x1b: {  	s9 =	sadd.s32 $0xFFFFFEF7, lr;
	s5 =	simm.s32 $0xFFFFFFFF;
	p2 =	slt.u32 s8, $0xFFFFF086  }
0x1c: {  	p1 =	slt.u32 s9, $0xF7A;
	s5 =	simm.s32 @!p2 $0x0  }
0x1d: {  	s5 =	simm.s32 @p1 $0x1;
	p0 =	seq.s32 s7, s2  }
0x1e: {  	s7 =	smul.u32 @!p0 $0xF7A, s2;
	p2 =	seq.s32 @!p0 s5, $0x0  }
0x1f: {  	s9 =	smul.u32 $0xF7A, s1;
	s8 =	simm.s32 @!p0 $0x1BF5;
	p2 =	por !p2, p0  }
0x20: {  	[sflag:s8] =	ssyncset.s32 @!p0 $0xFFFFF086;
	s6 =	sadd.s32 @!p0 s3, s7;
	s7 =	simm.s32 @!p0 $0x108  }
0x21: {  	s3 =	sadd.s32 s3, s9;
	s6 =	sadd.s32 @!p0 $0x88, s6;
	s7 =	simm.s32 @p2 $0x1082  }
0x22: {  	[simem:s7], [sflag:s8] =	dma.local @!p0 [hbm:s6], $0xF7A  }
0x23: {  	s9 =	sor.u32 $0xD0000000, s2;
	s6 =	simm.s32 $0x108;
	_ =	swait.ge @!p0 [sflag:s8], $0x0  }
0x24: {  	s3 =	sadd.s32 $0x88, s3;
	s6 =	simm.s32 @!p1 $0x1082;
	[sflag:s4] =	ssyncset.s32 $0xFFFFF086  }
0x25: {  	[simem:s6], [sflag:s4] =	dma.local [hbm:s3], $0xF7A  }
0x26: {  	[smem:$0x3F8A] =	sst s1;
	(tag) =	ssettag s2;
	_ =	strace s9  }
0x27: {  	s1 =	sld [smem:$0x3F9A]  }
0x28: {  	s2 =	sld [smem:$0x3F9B]  }
0x29: {  	s4 =	sld [smem:$0x3F9D]  }
0x2a: {  	p0 =	seq.s32 s5, $0x0;
	s5 =	sld [smem:$0x3F9E]  }
0x2b: {  	s6 =	sld [smem:$0x3F9F]  }
0x2c: {  	s7 =	sld [smem:$0x3FA0]  }
0x2d: {  	s3 =	simm.s32 $0x108;
	s8 =	sld [smem:$0x3FA1]  }
0x2e: {  	s3 =	simm.s32 @!p0 $0x1082;
	s9 =	sld [smem:$0x3FA2]  }
0x2f: {  	lr =	sadd.s32 s0, s3;
	s0 =	sld [smem:$0x3F99]  }
0x30: {  	s3 =	sld [smem:$0x3F9C]  }
0x31: {  	[smem:$0x3FA5] =	sst s10  }
0x32: {  	s10 =	sld [smem:$0x3FA3];
	_ =	sdelay $0x3  }
0x33: {  	p0 =	seq.s32 s10, $0x1;
	s10 =	sld [smem:$0x3FA5];
	_ =	sdelay $0x3  }
0x34: {  	[smem:$0x3FA5] =	sst s10  }
0x35: {  	s10 =	sld [smem:$0x3FA4];
	_ =	sdelay $0x3  }
0x36: {  	p1 =	seq.s32 s10, $0x1;
	s10 =	sld [smem:$0x3FA5];
	_ =	sdelay $0x3  }
0x37: {  	[smem:$0x3FA5] =	sst s10  }
0x38: {  	s10 =	sld [smem:$0x3FA6]  }
0x39: {  	_ = 	snop;
	(pc) =	sbr.ind lr, $3  }
0x3a: {  	_ = 	snop  }
0x3b: {  	_ = 	snop  }
0x3c: {  	p2 =	seq.s32 s10, $0x1;
	s10 =	sld [smem:$0x3FA5]  }
0x3d: {  	_ =	shalt  }
0x3e: {  	_ =	shalt  }
0x3f: {  	_ =	shalt  }
0x40: {  	_ =	shalt  }
0x41: {  	_ =	shalt  }
0x42: {  	_ =	shalt  }
0x43: {  	_ =	shalt  }
0x44: {  	_ =	shalt  }
0x45: {  	_ =	shalt  }
0x46: {  	_ =	shalt  }
0x47: {  	_ =	shalt  }
0x48: {  	_ =	shalt  }
0x49: {  	_ =	shalt  }
0x4a: {  	_ =	shalt  }
0x4b: {  	_ =	shalt  }
0x4c: {  	_ =	shalt  }
0x4d: {  	_ =	shalt  }
0x4e: {  	_ =	shalt  }
0x4f: {  	_ =	shalt  }
0x50: {  	_ =	shalt  }
0x51: {  	_ =	shalt  }
0x52: {  	_ =	shalt  }
0x53: {  	_ =	shalt  }
0x54: {  	_ =	shalt  }
0x55: {  	_ =	shalt  }
0x56: {  	_ =	shalt  }
0x57: {  	_ =	shalt  }
0x58: {  	_ =	shalt  }
0x59: {  	_ =	shalt  }
0x5a: {  	_ =	shalt  }
0x5b: {  	_ =	shalt  }
0x5c: {  	_ =	shalt  }
0x5d: {  	_ =	shalt  }
0x5e: {  	_ =	shalt  }
0x5f: {  	_ =	shalt  }
0x60: {  	_ =	shalt  }
0x61: {  	_ =	shalt  }
0x62: {  	_ =	shalt  }
0x63: {  	_ =	shalt  }
0x64: {  	_ =	shalt  }
0x65: {  	_ =	shalt  }
0x66: {  	_ =	shalt  }
0x67: {  	_ =	shalt  }
0x68: {  	_ =	shalt  }
0x69: {  	_ =	shalt  }
0x6a: {  	_ =	shalt  }
0x6b: {  	_ =	shalt  }
0x6c: {  	_ =	shalt  }
0x6d: {  	_ =	shalt  }
0x6e: {  	_ =	shalt  }
0x6f: {  	_ =	shalt  }
0x70: {  	_ =	shalt  }
0x71: {  	_ =	shalt  }
0x72: {  	_ =	shalt  }
0x73: {  	_ =	shalt  }
0x74: {  	_ =	shalt  }
0x75: {  	_ =	shalt  }
0x76: {  	_ =	shalt  }
0x77: {  	_ =	shalt  }
0x78: {  	_ =	shalt  }
0x79: {  	_ =	shalt  }
0x7a: {  	_ =	shalt  }
0x7b: {  	_ =	shalt  }
0x7c: {  	_ =	shalt  }
0x7d: {  	_ =	shalt  }
0x7e: {  	_ =	shalt  }
0x7f: {  	_ =	shalt  }
0x80: {  	_ =	shalt  }
0x81: {  	_ =	shalt  }
0x82: {  	_ =	shalt  }
0x83: {  	_ =	shalt  }
0x84: {  	_ =	shalt  }
0x85: {  	_ =	shalt  }
0x86: {  	_ =	shalt  }
0x87: {  	_ =	shalt  }
.Lfunc_end0:
.L_simem_size_0:
called_computation.1_lowered:
.L_overlay_start_0:
0x88: {  	s2 =	sld [smem:$0x3FD9]  }
0x89: {  	s3 =	sld [smem:$0x3FFE];
	_ =	sdelay $0x1  }
0x8a: {  	s1 =	srdreg.scid  }
0x8b: {  	s0 =	sand.u32 $0x1, s1  }
0x8c: {  	s17 =	sshll.u32 s0, $0xA;
	s2 =	sadd.s32 s3, s2  }
0x8d: {  	s2 =	sadd.s32 s2, s17  }
0x8e: {  	[smem:$0x3FB1] =	sst s2  }
0x8f: {  	_ = 	snop  }
0x90: {  	s2 =	sld [smem:$0x3FD0];
	(tm) =	ssettm $0x1  }
0x91: {  	s18 =	sld [smem:$0x3FFB];
	_ =	sdelay $0x3  }
0x92: {  	_ =	strace s18  }
0x93: {  	s3 =	sld [smem:$0x3FFC];
	_ =	sdelay $0x3  }
0x94: {  	_ =	strace s3  }
0x95: {  	s3 =	sld [smem:$0x3FFD];
	_ =	sdelay $0x3  }
0x96: {  	_ =	strace s3  }
0x97: {  	_ =	strace $0x8FFFFFFF  }
0x98: {  	s19 =	sld [smem:$0x3FDB];
	_ =	sdelay $0x1  }
0x99: {  	s4 =	simm.s32 $_scs_section_size  }
0x9a: {  	s5 =	simm.s32 $_size__tile_overlayer_lowered;
	s6 =	simm.s32 $_tile_overlayer_lowered  }
0x9b: {  	s22 =	simm.s32 $0x1BFF;
	s21 =	sshll.u32 s6, $0x1;
	s3 =	sadd.s32 s4, s19  }
0x9c: {  	s7 =	simm.s32 $0x0;
	s20 =	sshll.u32 s5, $0x1;
	s5 =	sadd.s32 s21, s3  }
0x9d: {  	[timem:s7], [sflag:s22] =	dma.local [hbm:s5], s20  }
0x9e: {  	_ =	swait.ge [sflag:s22], s20  }
0x9f: {  	s4 =	ssub.s32 $0x0, s20;
	[sflag:s22] =	ssyncset.done $0x0  }
0xa0: {  	[sflag:s22] =	ssyncadd.s32 s4;
	_ =	sdelay $0x1  }
0xa1: {  	s23 =	simm.s32 $0x1B8B  }
0xa2: {  	_ =	swait.ge [sflag:s23], $0x1  }
0xa3: {  	[sflag:s23] =	ssyncset.done $0x0  }
0xa4: {  	s25 =	simm.s32 $0x1B8E;
	s24 =	sld [smem:$0x3FFE];
	[sflag:s23] =	ssyncadd.s32 $0xFFFFFFFF  }
0xa5: {  	s26 =	simm.s32 $execute0_lowered;
	[smem:$0x3FD2] =	sst s25  }
0xa6: {  	s5 =	sshll.u32 s26, $0x1;
	_ =	strace $0x80000049;
	[dreg:$0x1] =	wrdreg $0xFFFFFFFF  }
0xa7: {  	s28 =	simm.s32 $_size_execute0_lowered;
	s3 =	sadd.s32 s3, s5;
	[dreg:$0x0] =	wrdreg $0x0  }
0xa8: {  	s5 =	sshll.u32 s28, $0x1;
	[dreg:$0x2] =	wrdreg s3  }
0xa9: {  	[dreg:$0x3] =	wrdreg s5  }
0xaa: {  	[dreg:$0x4] =	wrdreg $0xC0  }
0xab: {  	_ =	task [dreg:s7], $0x5FFFF  }
0xac: {  	[dreg:$0x1] =	wrdreg $0xFFFFFFFF  }
0xad: {  	[dreg:$0x0] =	wrdreg $0x60  }
0xae: {  	[dreg:$0x2] =	wrdreg s2  }
0xaf: {  	[dreg:$0x3] =	wrdreg s24  }
0xb0: {  	[dreg:$0x4] =	wrdreg $0x24000  }
0xb1: {  	[dreg:$0x5] =	wrdreg $0x15C800  }
0xb2: {  	[dreg:$0x6] =	wrdreg $0x9  }
0xb3: {  	_ =	task.clear_ibuf [dreg:s7], $0x7FFFF;
	_ =	strace $0x90000049  }
0xb4: {  	s29 =	simm.s32 $0x9;
	_ =	strace $0x8000004B  }
0xb5: {  	_ =	swait.ge [sflag:s29], $0x1  }
0xb6: {  	[sflag:s29] =	ssyncadd.s32 $0xFFFFFFFF  }
0xb7: {  	_ =	strace $0x9000004B  }
0xb8: {  	_ =	sfence  }
0xb9: {  	s30 =	sld [smem:$0x0];
	_ =	sdelay $0x2  }
0xba: {  	s31 =	sshll.u32 s1, $0xD;
	s1 =	sshrl.u32 s1, $0x2  }
0xbb: {  	s3 =	sand.u32 $0x4000, s31;
	s1 =	sadd.s32 s1, s30  }
0xbc: {  	s0 =	sor.u32 s3, s0;
	s1 =	sshll.u32 s1, $0x11  }
0xbd: {  	s0 =	sor.u32 s1, s0  }
0xbe: {  	s0 =	sadd.s32 $0x8F2B, s0  }
0xbf: {  	[sflag:s0] =	ssyncadd.remote.s32 $0x1  }
0xc0: {  	_ =	sfence.sel $0xFFFF  }
0xc1: {  	[dreg:$0x0] =	wrdreg $0xFFFFFFFF;
	(pc) =	sbr.abs _section_cstart, $3  }
0xc2: {  	[dreg:$0x1] =	wrdreg $0xFFFFFFFF  }
0xc3: {  	_ =	task.clear_ibuf [dreg:s7], $0x2FFFF;
	_ =	strace $0x9FFFFFFF  }
0xc4: {  	(tm) =	ssettm $0x7FFFFFFF  }
0xc5: {  	_ =	shalt  }
tec
execute0_lowered:
.L_overlay_start_1:
0x0: {  	(tag) =	ssettag $0x1  }
0x1: {  	s0 =	rddreg [dreg:$0x0]  }
0x2: {  	s3 =	rddreg [dreg:$0x1]  }
0x3: {  	s1 =	rddreg [dreg:$0x2]  }
0x4: {  	s2 =	rddreg [dreg:$0x3];
	s11 =	stileid.u32  }
0x5: {  	s4 =	srdreg.scid;
	s29 =	simm.s32 $0x20;
	s7 =	smul.u32 $0xA000, s11  }
0x6: {  	s30 =	simm.s32 $0x1400;
	s31 =	simm.s32 $0x1;
	s12 =	smul.u32 $0x50000, s11  }
0x7: {  	s5 =	sand.u32 $0x1, s4;
	s4 =	simm.s32 $0x0;
	s21 =	smul.u32 $0x2800, s11  }
0x8: {  	s8 =	sadd.s32 $0x35400, s3;
	s19 =	sadd.s32 $0x5D400, s3;
	s10 =	smul.u32 $0x14000, s11  }
0x9: {  	s23 =	sadd.s32 $0x12C000, s1;
	s16 =	smul.u32 $0x28000, s11;
	s28 =	sadd.s32 $0x13EC, s11  }
0xa: {  	p0 =	seq.s32 s11, $0xF;
	s6 =	smul.u32 $0xA0000, s5;
	[smem:$0x7FF] =	sst s4  }
0xb: {  	s9 =	ssub.s32 $0x2, s5;
	s5 =	smul.u32 $0x140000, s5;
	s23 =	sshrl.u32 @p0 s23, $0x3  }
0xc: {  	v0 =	vmov s28;
	s28 =	simm.s32 $0x3;
	_ =	strace $0x8000004A;
	s13 =	sshrl.u32 s9, $0x1  }
0xd: {  	s14 =	sadd.s32 s0, s21;
	s15 =	sshrl.u32 s10, $0x3;
	s0 =	sadd.s32 $0x25800, s0  }
0xe: {  	s20 =	sshrl.u32 s16, $0x2;
	s26 =	sadd.s32 s21, s8;
	s6 =	sadd.s32 s7, s6  }
0xf: {  	s7 =	sshrl.u32 s12, $0x2;
	[dreg:$0x5] =	wrdreg s14;
	s5 =	sadd.s32 s10, s5  }
0x10: {  	[dreg:$0x6] =	wrdreg s0;
	s17 =	sadd.s32 s8, s15;
	s10 =	sadd.s32 s20, s2  }
0x11: {  	s6 =	sshrl.u32 s6, $0x3;
	s7 =	sadd.s32 s7, s1;
	[dreg:$0x7] =	wrdreg s17  }
0x12: {  	s18 =	sshrl.u32 s5, $0x3;
	s24 =	sadd.s32 $0x1000, s10;
	s14 =	sadd.s32 $0x3000, s10  }
0x13: {  	s15 =	sadd.s32 $0x4000, s10;
	s16 =	sadd.s32 $0x5000, s10;
	s25 =	sor.u32 $0x100, s5  }
0x14: {  	s17 =	sadd.s32 $0x6000, s10;
	s20 =	sadd.s32 $0x8000, s10;
	s21 =	sadd.s32 $0x9000, s10  }
0x15: {  	s5 =	simm.s32 $0x4;
	s3 =	sadd.s32 s6, s3;
	s6 =	ssub.s32 s9, s13  }
0x16: {  	s0 =	sadd.s32 s19, s18;
	[dreg:$0xb] =	wrdreg s24;
	s13 =	sadd.s32 $0x2000, s10  }
.Ltmp0:
0x17: {  	s18 =	sadd.s32 $0x7000, s10;
	s24 =	sshrl.u32 @!p0 s7, $0x3;
	(pc) =	sbr.rel .LBB2_1-.Ltmp0, $4  }
0x18: {  	[dreg:$0x8] =	wrdreg s0;
	s3 =	sadd.s32 $0x5400, s3;
	s22 =	smax.u32 s6, $0x1  }
0x19: {  	s0 =	sshrl.u32 s25, $0x3;
	s25 =	simm.s32 $0x400;
	[dreg:$0x9] =	wrdreg s3  }
0x1a: {  	[dreg:$0xa] =	wrdreg s22;
	s19 =	sadd.s32 s0, s19;
	s22 =	sadd.s32 $0x20, s26  }
0x1b: {  	v1 =	vimm.f32 $0.0e+00;
	s26 =	simm.s32 $0x6;
	s0 =	simm.s32 $0x2;
	s3 =	simm.s32 $0x5  }
.LBB2_8:
0x1c: {  	_ =	swait.ge [sflag:s28], $0x1000  }
0x1d: {  	[sflag:s28] =	ssyncset.done $0x0  }
0x1e: {  	[sflag:s28] =	ssyncadd.s32 $0xFFFFF000  }
0x1f: {  	_ =	swait.ge [sflag:s5], $0x1000  }
0x20: {  	[sflag:s5] =	ssyncset.done $0x0  }
0x21: {  	s11 =	stileid.u32;
	[sflag:s5] =	ssyncadd.s32 $0xFFFFF000  }
0x22: {  	s6 =	sshll.u32 s11, $0x6;
	[bflag:$0x0] =	sbarrier.arrive $0xFFFF  }
0x23: {  	s7 =	sshrl.u32 s10, $0x3;
	s6 =	sor.u32 $0x1C06, s6;
	s8 =	rddreg [dreg:$0x9]  }
0x24: {  	[hbm:s8], [sflag:s6] =	dma.local [spmem:s7], $0x1400  }
0x25: {  	_ =	swait.ge [sflag:s26], $0x1400  }
0x26: {  	s4 =	sadd.s32 $0x1, s4;
	s12 =	rddreg [dreg:$0xa]  }
0x27: {  	p1 =	sne.s32 s4, s12  }
.Ltmp1:
0x28: {  	_ = 	snop;
	(pc) =	sbr.rel @!p1 .LBB2_9-.Ltmp1, $3  }
0x29: {  	_ =	sdelay $0x1  }
0x2a: {  	[sflag:s26] =	ssyncset.done $0x0  }
0x2b: {  	[sflag:s26] =	ssyncadd.s32 $0xFFFFEC00  }
.LBB2_1:
0x2c: {  	s6 =	simm.s32 @p0 $0x1FC6;
	s7 =	rddreg [dreg:$0x6]  }
0x2d: {  	[spmem:s23], [sflag:s6] =	dma.local @p0 [hbm:s7], $0x1900  }
0x2e: {  	s6 =	simm.s32 @p0 $0x6  }
0x2f: {  	_ =	swait.ge @p0 [sflag:s6], $0x1900  }
0x30: {  	s7 =	sshll.u32 @!p0 s11, $0x6;
	[sflag:s6] =	ssyncset.done @p0 $0x0  }
0x31: {  	[sflag:s6] =	ssyncadd.s32 @p0 $0xFFFFE700;
	s6 =	sor.u32 @!p0 $0x1C06, s7;
	s7 =	rddreg [dreg:$0x5]  }
0x32: {  	[spmem:s24], [sflag:s6] =	dma.local @!p0 [hbm:s7], $0x2800  }
0x33: {  	s7 =	simm.s32 @!p0 $0x6  }
0x34: {  	_ =	swait.ge @!p0 [sflag:s7], $0x2800  }
0x35: {  	s6 =	simm.s32 @!p0 $0x0;
	[sflag:s7] =	ssyncset.done @!p0 $0x0  }
0x36: {  	s6 =	simm.s32 @p0 $0x0;
	[sflag:s7] =	ssyncadd.s32 @!p0 $0xFFFFD800  }
.LBB2_2:
0x37: {  	s7 =	sshra.s32 s6, $0x2  }
0x38: {  	[tilespmem:s7+$0x400] =	vst v1  }
0x39: {  	[tilespmem:s7+$0x410] =	vst v1  }
0x3a: {  	p1 =	seq.s32 s6, $0x3E00;
	[tilespmem:s7+$0x420] =	vst v1  }
.Ltmp2:
0x3b: {  	[tilespmem:s7+$0x430] =	vst v1;
	(pc) =	sbr.rel @!p1 .LBB2_2-.Ltmp2, $4  }
0x3c: {  	[tilespmem:s7+$0x440] =	vst v1  }
0x3d: {  	[tilespmem:s7+$0x450] =	vst v1  }
0x3e: {  	[tilespmem:s7+$0x460] =	vst v1  }
0x3f: {  	s6 =	sadd.s32 $0x200, s6;
	[tilespmem:s7+$0x470] =	vst v1  }
0x40: {  	[spmem:s10] =	stream.linear.scatter [tilespmem:s25], [sflag:$0x6], $0x1000, $0x38;
	[tilespmem:$0x1FC80] =	vst v63  }
0x41: {  	_ =	swait.ge [sflag:s26], $0x1000  }
0x42: {  	[sflag:s26] =	ssyncset.done $0x0  }
0x43: {  	s6 =	rddreg [dreg:$0xb];
	[sflag:s26] =	ssyncadd.s32 $0xFFFFF000  }
0x44: {  	[spmem:s6] =	stream.linear.scatter [tilespmem:s25], [sflag:$0x6], $0x1000, $0x38;
	[tilespmem:$0x1FC80] =	vst v63  }
0x45: {  	_ =	swait.ge [sflag:s26], $0x1000  }
0x46: {  	[sflag:s26] =	ssyncset.done $0x0  }
0x47: {  	[sflag:s26] =	ssyncadd.s32 $0xFFFFF000  }
0x48: {  	[spmem:s13] =	stream.linear.scatter [tilespmem:s25], [sflag:$0x6], $0x1000, $0x38;
	[tilespmem:$0x1FC80] =	vst v63  }
0x49: {  	_ =	swait.ge [sflag:s26], $0x1000  }
0x4a: {  	[sflag:s26] =	ssyncset.done $0x0  }
0x4b: {  	[sflag:s26] =	ssyncadd.s32 $0xFFFFF000  }
0x4c: {  	[spmem:s14] =	stream.linear.scatter [tilespmem:s25], [sflag:$0x6], $0x1000, $0x38;
	[tilespmem:$0x1FC80] =	vst v63  }
0x4d: {  	_ =	swait.ge [sflag:s26], $0x1000  }
0x4e: {  	[sflag:s26] =	ssyncset.done $0x0  }
0x4f: {  	[sflag:s26] =	ssyncadd.s32 $0xFFFFF000  }
0x50: {  	[spmem:s15] =	stream.linear.scatter [tilespmem:s25], [sflag:$0x6], $0x1000, $0x38;
	[tilespmem:$0x1FC80] =	vst v63  }
0x51: {  	_ =	swait.ge [sflag:s26], $0x1000  }
0x52: {  	[sflag:s26] =	ssyncset.done $0x0  }
0x53: {  	[sflag:s26] =	ssyncadd.s32 $0xFFFFF000  }
0x54: {  	[spmem:s16] =	stream.linear.scatter [tilespmem:s25], [sflag:$0x6], $0x1000, $0x38;
	[tilespmem:$0x1FC80] =	vst v63  }
0x55: {  	_ =	swait.ge [sflag:s26], $0x1000  }
0x56: {  	[sflag:s26] =	ssyncset.done $0x0  }
0x57: {  	[sflag:s26] =	ssyncadd.s32 $0xFFFFF000  }
0x58: {  	[spmem:s17] =	stream.linear.scatter [tilespmem:s25], [sflag:$0x6], $0x1000, $0x38;
	[tilespmem:$0x1FC80] =	vst v63  }
0x59: {  	_ =	swait.ge [sflag:s26], $0x1000  }
0x5a: {  	[sflag:s26] =	ssyncset.done $0x0  }
0x5b: {  	[sflag:s26] =	ssyncadd.s32 $0xFFFFF000  }
0x5c: {  	[spmem:s18] =	stream.linear.scatter [tilespmem:s25], [sflag:$0x6], $0x1000, $0x38;
	[tilespmem:$0x1FC80] =	vst v63  }
0x5d: {  	_ =	swait.ge [sflag:s26], $0x1000  }
0x5e: {  	[sflag:s26] =	ssyncset.done $0x0  }
0x5f: {  	[sflag:s26] =	ssyncadd.s32 $0xFFFFF000  }
0x60: {  	[spmem:s20] =	stream.linear.scatter [tilespmem:s25], [sflag:$0x6], $0x1000, $0x38;
	[tilespmem:$0x1FC80] =	vst v63  }
0x61: {  	_ =	swait.ge [sflag:s26], $0x1000  }
0x62: {  	[sflag:s26] =	ssyncset.done $0x0  }
0x63: {  	[sflag:s26] =	ssyncadd.s32 $0xFFFFF000  }
0x64: {  	[spmem:s21] =	stream.linear.scatter [tilespmem:s25], [sflag:$0x6], $0x1000, $0x38;
	[tilespmem:$0x1FC80] =	vst v63  }
0x65: {  	_ =	swait.ge [sflag:s26], $0x1000  }
0x66: {  	[sflag:s26] =	ssyncset.done $0x0  }
0x67: {  	s6 =	simm.s32 $0x0;
	s7 =	rddreg [dreg:$0x7];
	[sflag:s26] =	ssyncadd.s32 $0xFFFFF000  }
0x68: {  	[tilespmem:s6], [sflag:$0x6] =	stream.linear.gather [hbm4b:s7+s6], $0x100, $0x38;
	[tilespmem:$0x1FC80] =	vst v63  }
0x69: {  	_ =	swait.ge [sflag:s26], $0x100  }
0x6a: {  	[sflag:s26] =	ssyncset.done $0x0  }
0x6b: {  	s8 =	simm.s32 $0x200;
	s12 =	rddreg [dreg:$0x8];
	[sflag:s26] =	ssyncadd.s32 $0xFFFFFF00  }
0x6c: {  	[tilespmem:s8], [sflag:$0x6] =	stream.linear.gather [hbm4b:s12+s6], $0x100, $0x38;
	[tilespmem:$0x1FC80] =	vst v63  }
.Ltmp3:
0x6d: {  	_ =	swait.ge [sflag:s26], $0x100;
	(pc) =	sbr.rel .LBB2_4-.Ltmp3, $4  }
0x6e: {  	[sflag:s26] =	ssyncset.done $0x0  }
0x6f: {  	[sflag:s26] =	ssyncadd.s32 $0xFFFFFF00  }
0x70: {  	[bflag:$0x0] =	sbarrier.arrive $0xFFFF  }
0x71: {  	s7 =	simm.s32 $0x0  }
.LBB2_6:
0x72: {  	_ =	swait.ge [sflag:s3], $0x100  }
0x73: {  	[sflag:s3] =	ssyncset.done $0x0  }
0x74: {  	[sflag:s3] =	ssyncadd.s32 $0xFFFFFF00  }
0x75: {  	_ =	swait.ge [sflag:s3], $0x100  }
0x76: {  	[sflag:s3] =	ssyncset.done $0x0  }
0x77: {  	s8 =	simm.s32 @p1 $0x100;
	p1 =	por $0x0, $0x0;
	[sflag:s3] =	ssyncadd.s32 $0xFFFFFF00  }
.LBB2_7:
0x78: {  	v2 =	vld [tilespmem:s8+$0x200];
	_ =	sdelay $0x4  }
0x79: {  	vm0 =	vgt.s32 v2, $0x13EB  }
0x7a: {  	v2 =	vsel vm0, v0, v2  }
0x7b: {  	[tilespmem:s8+$0x200] =	vst v2;
	v2 =	vld [tilespmem:s8+$0x210];
	_ =	sdelay $0x4  }
0x7c: {  	vm13 =	vgt.s32 v2, $0x13EB  }
0x7d: {  	v2 =	vsel vm13, v0, v2  }
0x7e: {  	s9 =	sor.u32 $0x280, s8;
	[tilespmem:s8+$0x210] =	vst v2  }
0x7f: {  	v2 =	vld [tilespmem:s9+$0x0];
	_ =	sdelay $0x4  }
0x80: {  	vm14 =	vgt.s32 v2, $0x13EB  }
0x81: {  	v2 =	vsel vm14, v0, v2  }
0x82: {  	[tilespmem:s9+$0x0] =	vst v2  }
0x83: {  	v2 =	vld [tilespmem:s8+$0x290];
	_ =	sdelay $0x4  }
0x84: {  	vm15 =	vgt.s32 v2, $0x13EB  }
0x85: {  	v2 =	vsel vm15, v0, v2  }
0x86: {  	s11 =	simm.s32 @p1 $0x20;
	s12 =	simm.s32 @p1 $0x400;
	[tilespmem:s8+$0x290] =	vst v2  }
0x87: {  	[tilespmem:s12], [sflag:$0x1] =	stream.indirect.gather @p1 [spmem:s1], $0x80, s8, s11, $0xb8;
	[tilespmem:$0x1FC80] =	vst v63  }
0x88: {  	s11 =	simm.s32 @!p1 $0x3  }
0x89: {  	_ =	swait.ge @!p1 [sflag:s11], $0x1000  }
0x8a: {  	[sflag:s11] =	ssyncset.done @!p1 $0x0  }
0x8b: {  	s12 =	simm.s32 @!p1 $0x400;
	[sflag:s11] =	ssyncadd.s32 @!p1 $0xFFFFF000;
	s11 =	simm.s32 @!p1 $0x20  }
0x8c: {  	[tilespmem:s12], [sflag:$0x1] =	stream.indirect.gather @!p1 [spmem:s1], $0x80, s8, s11, $0xb8;
	[tilespmem:$0x1FC80] =	vst v63  }
0x8d: {  	s11 =	simm.s32 @!p1 $0x4  }
0x8e: {  	_ =	swait.ge @!p1 [sflag:s11], $0x1000  }
0x8f: {  	[sflag:s11] =	ssyncset.done @!p1 $0x0  }
0x90: {  	s12 =	sor.u32 $0x80, s8;
	[sflag:s11] =	ssyncadd.s32 @!p1 $0xFFFFF000  }
0x91: {  	[tilespmem:s30], [sflag:$0x2] =	stream.indirect.gather [spmem:s1], $0x80, s12, s29, $0xb8;
	[tilespmem:$0x1FC80] =	vst v63  }
0x92: {  	_ =	swait.ge [sflag:s31], $0x1000  }
0x93: {  	s6 =	sadd.s32 $0x20, s6;
	[sflag:s31] =	ssyncset.done $0x0  }
0x94: {  	p1 =	sne.s32 s6, $0x2800;
	s12 =	sor.u32 $0x200, s8;
	[sflag:s31] =	ssyncadd.s32 $0xFFFFF000  }
0x95: {  	[spmem:s2] =	stream.indirect.scatter.add.f32 [tilespmem:s25], [sflag:$0x3], $0x80, s12, s29, $0xb8;
	[tilespmem:$0x1FC80] =	vst v63  }
.Ltmp4:
0x96: {  	_ = 	snop;
	(pc) =	sbr.rel @!p1 .LBB2_8-.Ltmp4, $4  }
0x97: {  	_ =	swait.ge [sflag:s0], $0x1000  }
0x98: {  	[sflag:s0] =	ssyncset.done $0x0  }
0x99: {  	s7 =	sadd.s32 $0x100, s7;
	[sflag:s0] =	ssyncadd.s32 $0xFFFFF000  }
0x9a: {  	[spmem:s2] =	stream.indirect.scatter.add.f32 [tilespmem:s30], [sflag:$0x4], $0x80, s9, s29, $0xb8;
	[tilespmem:$0x1FC80] =	vst v63  }
.LBB2_4:
0x9b: {  	p1 =	seq.s32 s6, $0x27E0  }
0x9c: {  	p2 =	seq.s32 @!p1 s6, $0x0  }
0x9d: {  	p2 =	por p1, !p2  }
.Ltmp5:
0x9e: {  	s8 =	sand.u32 @!p1 $0x100, s7;
	(pc) =	sbr.rel @p2 .LBB2_6-.Ltmp5, $4  }
0x9f: {  	s11 =	sadd.s32 @!p1 s6, s22;
	s12 =	simm.s32 @!p1 $0x0;
	s9 =	sxor.u32 @!p1 $0x100, s8  }
0xa0: {  	[tilespmem:s9], [sflag:$0x5] =	stream.linear.gather @!p1 [hbm4b:s11+s12], $0x100, $0x38;
	[tilespmem:$0x1FC80] =	vst v63  }
0xa1: {  	s9 =	sor.u32 @!p1 $0x200, s9;
	s11 =	sadd.s32 @!p1 s6, s19  }
0xa2: {  	[tilespmem:s9], [sflag:$0x5] =	stream.linear.gather @!p1 [hbm4b:s11+s12], $0x100, $0x38;
	[tilespmem:$0x1FC80] =	vst v63  }
.Ltmp6:
0xa3: {  	(pc) =	sbr.rel .LBB2_7-.Ltmp6, $2  }
0xa4: {  	_ =	sdelay $0x2  }
0xa5: {  	p1 =	por @!p1 $0x1, $0x1  }
.LBB2_9:
0xa6: {  	_ =	sfence.sel $0x180000  }
0xa7: {  	[bflag:$0x0] =	sbarrier.arrive $0xFFFF  }
0xa8: {  	_ =	strace $0x9000004A  }
0xa9: {  	[bflag:$0x2] =	sbarrier.arrive $0xFFFF  }
0xaa: {  	p0 =	sne.s32 s11, $0x0;
	s0 =	rddreg [dreg:$0x4]  }
0xab: {  	s0 =	sadd.s32 @!p0 $0x100000, s0  }
0xac: {  	[sflag:s0] =	ssyncadd.tile.s32 @!p0 $0x1;
	_ =	shalt  }
.Lfunc_end2:
_tile_overlayer_lowered:
.L_overlay_start_2:
0xad: {  	(tag) =	ssettag $0x2  }
0xae: {  	s0 =	rddreg [dreg:$0x0];
	s2 =	stileid.u32  }
0xaf: {  	s1 =	rddreg [dreg:$0x1];
	p0 =	sne.s32 s2, $0x0  }
0xb0: {  	s3 =	rddreg [dreg:$0x2];
	[bflag:$0x3] =	sbarrier.arrive $0xFFFF;
	s2 =	simm.s32 @!p0 $0x1C06  }
0xb1: {  	[timem:s3], [sflag:s2] =	dma.local @!p0 [hbm:s0], s1  }
0xb2: {  	s0 =	simm.s32 @!p0 $0x6  }
0xb3: {  	_ =	swait.ge @!p0 [sflag:s0], s1  }
0xb4: {  	s1 =	ssub.s32 @!p0 $0x0, s1;
	[sflag:s0] =	ssyncset.done @!p0 $0x0  }
0xb5: {  	[sflag:s0] =	ssyncadd.s32 @!p0 s1  }
0xb6: {  	[bflag:$0x3] =	sbarrier.arrive $0xFFFF  }
0xb7: {  	_ =	shalt  }

// kernel: kernel.19.cloned.1.call-start
scs
__scs_entry_jumppad:
0x0: {  	(pc) =	sbr.rel $0x88, $3  }
0x1: {  	(tag) =	ssettag $0x0;
	lr =	simm.s32 $0x1  }
0x2: {  	[smem:$0x3F8A] =	sst lr;
	_ =	strace $0xD0000000  }
0x3: {  	_ = 	snop  }
0x4: {  	_ = 	snop  }
0x5: {  	_ = 	snop  }
0x6: {  	_ = 	snop  }
0x7: {  	_ = 	snop  }
__scs_overlays_trampoline_lowered:
0x8: {  	[smem:$0x3F99] =	sst s0  }
0x9: {  	[smem:$0x3F9A] =	sst s1  }
0xa: {  	[smem:$0x3F9B] =	sst s2  }
0xb: {  	[smem:$0x3F9C] =	sst s3  }
0xc: {  	[smem:$0x3F9D] =	sst s4  }
0xd: {  	[smem:$0x3F9E] =	sst s5  }
0xe: {  	[smem:$0x3F9F] =	sst s6  }
0xf: {  	[smem:$0x3FA0] =	sst s7  }
0x10: {  	[smem:$0x3FA1] =	sst s8  }
0x11: {  	[smem:$0x3FA2] =	sst s9;
	s0 =	simm.s32 @!p0 $0x0  }
0x12: {  	s1 =	sld [smem:$0x3F88];
	s0 =	simm.s32 @p0 $0x1  }
0x13: {  	[smem:$0x3FA3] =	sst s0;
	s0 =	simm.s32 @!p1 $0x0  }
0x14: {  	s2 =	sld [smem:$0x3F87];
	s0 =	simm.s32 @p1 $0x1  }
0x15: {  	[smem:$0x3FA4] =	sst s0;
	s0 =	simm.s32 @!p2 $0x0  }
0x16: {  	s3 =	sld [smem:$0x3FDB];
	s0 =	simm.s32 @p2 $0x1  }
0x17: {  	s4 =	simm.s32 $0x1BF5;
	[smem:$0x3FA6] =	sst s0  }
0x18: {  	s0 =	sld [smem:$0x3F89];
	_ =	swait.ge [sflag:s4], $0x0  }
0x19: {  	s7 =	sld [smem:$0x3F8A]  }
0x1a: {  	s8 =	sadd.s32 $0xFFFFE003, lr  }
0x1b: {  	s9 =	sadd.s32 $0xFFFFFEF7, lr;
	s5 =	simm.s32 $0xFFFFFFFF;
	p2 =	slt.u32 s8, $0xFFFFF086  }
0x1c: {  	p1 =	slt.u32 s9, $0xF7A;
	s5 =	simm.s32 @!p2 $0x0  }
0x1d: {  	s5 =	simm.s32 @p1 $0x1;
	p0 =	seq.s32 s7, s2  }
0x1e: {  	s7 =	smul.u32 @!p0 $0xF7A, s2;
	p2 =	seq.s32 @!p0 s5, $0x0  }
0x1f: {  	s9 =	smul.u32 $0xF7A, s1;
	s8 =	simm.s32 @!p0 $0x1BF5;
	p2 =	por !p2, p0  }
0x20: {  	[sflag:s8] =	ssyncset.s32 @!p0 $0xFFFFF086;
	s6 =	sadd.s32 @!p0 s3, s7;
	s7 =	simm.s32 @!p0 $0x108  }
0x21: {  	s3 =	sadd.s32 s3, s9;
	s6 =	sadd.s32 @!p0 $0x88, s6;
	s7 =	simm.s32 @p2 $0x1082  }
0x22: {  	[simem:s7], [sflag:s8] =	dma.local @!p0 [hbm:s6], $0xF7A  }
0x23: {  	s9 =	sor.u32 $0xD0000000, s2;
	s6 =	simm.s32 $0x108;
	_ =	swait.ge @!p0 [sflag:s8], $0x0  }
0x24: {  	s3 =	sadd.s32 $0x88, s3;
	s6 =	simm.s32 @!p1 $0x1082;
	[sflag:s4] =	ssyncset.s32 $0xFFFFF086  }
0x25: {  	[simem:s6], [sflag:s4] =	dma.local [hbm:s3], $0xF7A  }
0x26: {  	[smem:$0x3F8A] =	sst s1;
	(tag) =	ssettag s2;
	_ =	strace s9  }
0x27: {  	s1 =	sld [smem:$0x3F9A]  }
0x28: {  	s2 =	sld [smem:$0x3F9B]  }
0x29: {  	s4 =	sld [smem:$0x3F9D]  }
0x2a: {  	p0 =	seq.s32 s5, $0x0;
	s5 =	sld [smem:$0x3F9E]  }
0x2b: {  	s6 =	sld [smem:$0x3F9F]  }
0x2c: {  	s7 =	sld [smem:$0x3FA0]  }
0x2d: {  	s3 =	simm.s32 $0x108;
	s8 =	sld [smem:$0x3FA1]  }
0x2e: {  	s3 =	simm.s32 @!p0 $0x1082;
	s9 =	sld [smem:$0x3FA2]  }
0x2f: {  	lr =	sadd.s32 s0, s3;
	s0 =	sld [smem:$0x3F99]  }
0x30: {  	s3 =	sld [smem:$0x3F9C]  }
0x31: {  	[smem:$0x3FA5] =	sst s10  }
0x32: {  	s10 =	sld [smem:$0x3FA3];
	_ =	sdelay $0x3  }
0x33: {  	p0 =	seq.s32 s10, $0x1;
	s10 =	sld [smem:$0x3FA5];
	_ =	sdelay $0x3  }
0x34: {  	[smem:$0x3FA5] =	sst s10  }
0x35: {  	s10 =	sld [smem:$0x3FA4];
	_ =	sdelay $0x3  }
0x36: {  	p1 =	seq.s32 s10, $0x1;
	s10 =	sld [smem:$0x3FA5];
	_ =	sdelay $0x3  }
0x37: {  	[smem:$0x3FA5] =	sst s10  }
0x38: {  	s10 =	sld [smem:$0x3FA6]  }
0x39: {  	_ = 	snop;
	(pc) =	sbr.ind lr, $3  }
0x3a: {  	_ = 	snop  }
0x3b: {  	_ = 	snop  }
0x3c: {  	p2 =	seq.s32 s10, $0x1;
	s10 =	sld [smem:$0x3FA5]  }
0x3d: {  	_ =	shalt  }
0x3e: {  	_ =	shalt  }
0x3f: {  	_ =	shalt  }
0x40: {  	_ =	shalt  }
0x41: {  	_ =	shalt  }
0x42: {  	_ =	shalt  }
0x43: {  	_ =	shalt  }
0x44: {  	_ =	shalt  }
0x45: {  	_ =	shalt  }
0x46: {  	_ =	shalt  }
0x47: {  	_ =	shalt  }
0x48: {  	_ =	shalt  }
0x49: {  	_ =	shalt  }
0x4a: {  	_ =	shalt  }
0x4b: {  	_ =	shalt  }
0x4c: {  	_ =	shalt  }
0x4d: {  	_ =	shalt  }
0x4e: {  	_ =	shalt  }
0x4f: {  	_ =	shalt  }
0x50: {  	_ =	shalt  }
0x51: {  	_ =	shalt  }
0x52: {  	_ =	shalt  }
0x53: {  	_ =	shalt  }
0x54: {  	_ =	shalt  }
0x55: {  	_ =	shalt  }
0x56: {  	_ =	shalt  }
0x57: {  	_ =	shalt  }
0x58: {  	_ =	shalt  }
0x59: {  	_ =	shalt  }
0x5a: {  	_ =	shalt  }
0x5b: {  	_ =	shalt  }
0x5c: {  	_ =	shalt  }
0x5d: {  	_ =	shalt  }
0x5e: {  	_ =	shalt  }
0x5f: {  	_ =	shalt  }
0x60: {  	_ =	shalt  }
0x61: {  	_ =	shalt  }
0x62: {  	_ =	shalt  }
0x63: {  	_ =	shalt  }
0x64: {  	_ =	shalt  }
0x65: {  	_ =	shalt  }
0x66: {  	_ =	shalt  }
0x67: {  	_ =	shalt  }
0x68: {  	_ =	shalt  }
0x69: {  	_ =	shalt  }
0x6a: {  	_ =	shalt  }
0x6b: {  	_ =	shalt  }
0x6c: {  	_ =	shalt  }
0x6d: {  	_ =	shalt  }
0x6e: {  	_ =	shalt  }
0x6f: {  	_ =	shalt  }
0x70: {  	_ =	shalt  }
0x71: {  	_ =	shalt  }
0x72: {  	_ =	shalt  }
0x73: {  	_ =	shalt  }
0x74: {  	_ =	shalt  }
0x75: {  	_ =	shalt  }
0x76: {  	_ =	shalt  }
0x77: {  	_ =	shalt  }
0x78: {  	_ =	shalt  }
0x79: {  	_ =	shalt  }
0x7a: {  	_ =	shalt  }
0x7b: {  	_ =	shalt  }
0x7c: {  	_ =	shalt  }
0x7d: {  	_ =	shalt  }
0x7e: {  	_ =	shalt  }
0x7f: {  	_ =	shalt  }
0x80: {  	_ =	shalt  }
0x81: {  	_ =	shalt  }
0x82: {  	_ =	shalt  }
0x83: {  	_ =	shalt  }
0x84: {  	_ =	shalt  }
0x85: {  	_ =	shalt  }
0x86: {  	_ =	shalt  }
0x87: {  	_ =	shalt  }
.Lfunc_end0:
.L_simem_size_0:
called_computation.2_lowered:
.L_overlay_start_0:
0x88: {  	s2 =	sld [smem:$0x3FD9]  }
0x89: {  	s3 =	sld [smem:$0x3FFE];
	_ =	sdelay $0x1  }
0x8a: {  	s1 =	srdreg.scid  }
0x8b: {  	s0 =	sand.u32 $0x1, s1  }
0x8c: {  	s17 =	sshll.u32 s0, $0xA;
	s2 =	sadd.s32 s3, s2  }
0x8d: {  	s2 =	sadd.s32 s2, s17  }
0x8e: {  	[smem:$0x3FB1] =	sst s2  }
0x8f: {  	_ = 	snop  }
0x90: {  	s2 =	sld [smem:$0x3FD0];
	(tm) =	ssettm $0x1  }
0x91: {  	s18 =	sld [smem:$0x3FFB];
	_ =	sdelay $0x3  }
0x92: {  	_ =	strace s18  }
0x93: {  	s3 =	sld [smem:$0x3FFC];
	_ =	sdelay $0x3  }
0x94: {  	_ =	strace s3  }
0x95: {  	s3 =	sld [smem:$0x3FFD];
	_ =	sdelay $0x3  }
0x96: {  	_ =	strace s3  }
0x97: {  	_ =	strace $0x8FFFFFFF  }
0x98: {  	s19 =	sld [smem:$0x3FDB];
	_ =	sdelay $0x1  }
0x99: {  	s4 =	simm.s32 $_scs_section_size  }
0x9a: {  	s5 =	simm.s32 $_size__tile_overlayer_lowered;
	s6 =	simm.s32 $_tile_overlayer_lowered  }
0x9b: {  	s22 =	simm.s32 $0x1BFF;
	s21 =	sshll.u32 s6, $0x1;
	s3 =	sadd.s32 s4, s19  }
0x9c: {  	s7 =	simm.s32 $0x0;
	s20 =	sshll.u32 s5, $0x1;
	s5 =	sadd.s32 s21, s3  }
0x9d: {  	[timem:s7], [sflag:s22] =	dma.local [hbm:s5], s20  }
0x9e: {  	_ =	swait.ge [sflag:s22], s20  }
0x9f: {  	s4 =	ssub.s32 $0x0, s20;
	[sflag:s22] =	ssyncset.done $0x0  }
0xa0: {  	[sflag:s22] =	ssyncadd.s32 s4;
	_ =	sdelay $0x1  }
0xa1: {  	s23 =	simm.s32 $0x1B8B  }
0xa2: {  	_ =	swait.ge [sflag:s23], $0x1  }
0xa3: {  	[sflag:s23] =	ssyncset.done $0x0  }
0xa4: {  	s25 =	simm.s32 $0x1B8E;
	s24 =	sld [smem:$0x3FFE];
	[sflag:s23] =	ssyncadd.s32 $0xFFFFFFFF  }
0xa5: {  	s26 =	simm.s32 $execute0_lowered;
	[smem:$0x3FD2] =	sst s25  }
0xa6: {  	s5 =	sshll.u32 s26, $0x1;
	_ =	strace $0x8000004C;
	[dreg:$0x1] =	wrdreg $0xFFFFFFFF  }
0xa7: {  	s28 =	simm.s32 $_size_execute0_lowered;
	s3 =	sadd.s32 s3, s5;
	[dreg:$0x0] =	wrdreg $0x0  }
0xa8: {  	s5 =	sshll.u32 s28, $0x1;
	[dreg:$0x2] =	wrdreg s3  }
0xa9: {  	[dreg:$0x3] =	wrdreg s5  }
0xaa: {  	[dreg:$0x4] =	wrdreg $0xC0  }
0xab: {  	_ =	task [dreg:s7], $0x5FFFF  }
0xac: {  	[dreg:$0x1] =	wrdreg $0xFFFFFFFF  }
0xad: {  	[dreg:$0x0] =	wrdreg $0x60  }
0xae: {  	[dreg:$0x2] =	wrdreg s2  }
0xaf: {  	[dreg:$0x3] =	wrdreg s24  }
0xb0: {  	[dreg:$0x4] =	wrdreg $0x24000  }
0xb1: {  	[dreg:$0x5] =	wrdreg $0x15C800  }
0xb2: {  	[dreg:$0x6] =	wrdreg $0x9  }
0xb3: {  	_ =	task.clear_ibuf [dreg:s7], $0x7FFFF;
	_ =	strace $0x9000004C  }
0xb4: {  	s29 =	simm.s32 $0x9;
	_ =	strace $0x8000004E  }
0xb5: {  	_ =	swait.ge [sflag:s29], $0x1  }
0xb6: {  	[sflag:s29] =	ssyncadd.s32 $0xFFFFFFFF  }
0xb7: {  	_ =	strace $0x9000004E  }
0xb8: {  	_ =	sfence  }
0xb9: {  	s30 =	sld [smem:$0x0];
	_ =	sdelay $0x2  }
0xba: {  	s31 =	sshll.u32 s1, $0xD;
	s1 =	sshrl.u32 s1, $0x2  }
0xbb: {  	s3 =	sand.u32 $0x4000, s31;
	s1 =	sadd.s32 s1, s30  }
0xbc: {  	s0 =	sor.u32 s3, s0;
	s1 =	sshll.u32 s1, $0x11  }
0xbd: {  	s0 =	sor.u32 s1, s0  }
0xbe: {  	s0 =	sadd.s32 $0x8F2B, s0  }
0xbf: {  	[sflag:s0] =	ssyncadd.remote.s32 $0x1  }
0xc0: {  	_ =	sfence.sel $0xFFFF  }
0xc1: {  	[dreg:$0x0] =	wrdreg $0xFFFFFFFF;
	(pc) =	sbr.abs _section_cstart, $3  }
0xc2: {  	[dreg:$0x1] =	wrdreg $0xFFFFFFFF  }
0xc3: {  	_ =	task.clear_ibuf [dreg:s7], $0x2FFFF;
	_ =	strace $0x9FFFFFFF  }
0xc4: {  	(tm) =	ssettm $0x7FFFFFFF  }
0xc5: {  	_ =	shalt  }
tec
execute0_lowered:
.L_overlay_start_1:
0x0: {  	(tag) =	ssettag $0x1  }
0x1: {  	s0 =	rddreg [dreg:$0x0]  }
0x2: {  	s3 =	rddreg [dreg:$0x1]  }
0x3: {  	s1 =	rddreg [dreg:$0x2]  }
0x4: {  	s2 =	rddreg [dreg:$0x3];
	s11 =	stileid.u32  }
0x5: {  	s4 =	srdreg.scid;
	s29 =	simm.s32 $0x20;
	s7 =	smul.u32 $0xA000, s11  }
0x6: {  	s30 =	simm.s32 $0x1400;
	s31 =	simm.s32 $0x1;
	s12 =	smul.u32 $0x50000, s11  }
0x7: {  	s5 =	sand.u32 $0x1, s4;
	s4 =	simm.s32 $0x0;
	s21 =	smul.u32 $0x2800, s11  }
0x8: {  	s8 =	sadd.s32 $0x35400, s3;
	s19 =	sadd.s32 $0x5D400, s3;
	s10 =	smul.u32 $0x14000, s11  }
0x9: {  	s23 =	sadd.s32 $0x12C000, s1;
	s16 =	smul.u32 $0x28000, s11;
	s28 =	sadd.s32 $0x13EC, s11  }
0xa: {  	p0 =	seq.s32 s11, $0xF;
	s6 =	smul.u32 $0xA0000, s5;
	[smem:$0x7FF] =	sst s4  }
0xb: {  	s9 =	ssub.s32 $0x2, s5;
	s5 =	smul.u32 $0x140000, s5;
	s23 =	sshrl.u32 @p0 s23, $0x3  }
0xc: {  	v0 =	vmov s28;
	s28 =	simm.s32 $0x3;
	_ =	strace $0x8000004D;
	s13 =	sshrl.u32 s9, $0x1  }
0xd: {  	s14 =	sadd.s32 s0, s21;
	s15 =	sshrl.u32 s10, $0x3;
	s0 =	sadd.s32 $0x25800, s0  }
0xe: {  	s20 =	sshrl.u32 s16, $0x2;
	s26 =	sadd.s32 s21, s8;
	s6 =	sadd.s32 s7, s6  }
0xf: {  	s7 =	sshrl.u32 s12, $0x2;
	[dreg:$0x5] =	wrdreg s14;
	s5 =	sadd.s32 s10, s5  }
0x10: {  	[dreg:$0x6] =	wrdreg s0;
	s17 =	sadd.s32 s8, s15;
	s10 =	sadd.s32 s20, s2  }
0x11: {  	s6 =	sshrl.u32 s6, $0x3;
	s7 =	sadd.s32 s7, s1;
	[dreg:$0x7] =	wrdreg s17  }
0x12: {  	s18 =	sshrl.u32 s5, $0x3;
	s24 =	sadd.s32 $0x1000, s10;
	s14 =	sadd.s32 $0x3000, s10  }
0x13: {  	s15 =	sadd.s32 $0x4000, s10;
	s16 =	sadd.s32 $0x5000, s10;
	s25 =	sor.u32 $0x100, s5  }
0x14: {  	s17 =	sadd.s32 $0x6000, s10;
	s20 =	sadd.s32 $0x8000, s10;
	s21 =	sadd.s32 $0x9000, s10  }
0x15: {  	s5 =	simm.s32 $0x4;
	s3 =	sadd.s32 s6, s3;
	s6 =	ssub.s32 s9, s13  }
0x16: {  	s0 =	sadd.s32 s19, s18;
	[dreg:$0xb] =	wrdreg s24;
	s13 =	sadd.s32 $0x2000, s10  }
.Ltmp0:
0x17: {  	s18 =	sadd.s32 $0x7000, s10;
	s24 =	sshrl.u32 @!p0 s7, $0x3;
	(pc) =	sbr.rel .LBB2_1-.Ltmp0, $4  }
0x18: {  	[dreg:$0x8] =	wrdreg s0;
	s3 =	sadd.s32 $0x5400, s3;
	s22 =	smax.u32 s6, $0x1  }
0x19: {  	s0 =	sshrl.u32 s25, $0x3;
	s25 =	simm.s32 $0x400;
	[dreg:$0x9] =	wrdreg s3  }
0x1a: {  	[dreg:$0xa] =	wrdreg s22;
	s19 =	sadd.s32 s0, s19;
	s22 =	sadd.s32 $0x20, s26  }
0x1b: {  	v1 =	vimm.f32 $0.0e+00;
	s26 =	simm.s32 $0x6;
	s0 =	simm.s32 $0x2;
	s3 =	simm.s32 $0x5  }
.LBB2_8:
0x1c: {  	_ =	swait.ge [sflag:s28], $0x1000  }
0x1d: {  	[sflag:s28] =	ssyncset.done $0x0  }
0x1e: {  	[sflag:s28] =	ssyncadd.s32 $0xFFFFF000  }
0x1f: {  	_ =	swait.ge [sflag:s5], $0x1000  }
0x20: {  	[sflag:s5] =	ssyncset.done $0x0  }
0x21: {  	s11 =	stileid.u32;
	[sflag:s5] =	ssyncadd.s32 $0xFFFFF000  }
0x22: {  	s6 =	sshll.u32 s11, $0x6;
	[bflag:$0x0] =	sbarrier.arrive $0xFFFF  }
0x23: {  	s7 =	sshrl.u32 s10, $0x3;
	s6 =	sor.u32 $0x1C06, s6;
	s8 =	rddreg [dreg:$0x9]  }
0x24: {  	[hbm:s8], [sflag:s6] =	dma.local [spmem:s7], $0x1400  }
0x25: {  	_ =	swait.ge [sflag:s26], $0x1400  }
0x26: {  	s4 =	sadd.s32 $0x1, s4;
	s12 =	rddreg [dreg:$0xa]  }
0x27: {  	p1 =	sne.s32 s4, s12  }
.Ltmp1:
0x28: {  	_ = 	snop;
	(pc) =	sbr.rel @!p1 .LBB2_9-.Ltmp1, $3  }
0x29: {  	_ =	sdelay $0x1  }
0x2a: {  	[sflag:s26] =	ssyncset.done $0x0  }
0x2b: {  	[sflag:s26] =	ssyncadd.s32 $0xFFFFEC00  }
.LBB2_1:
0x2c: {  	s6 =	simm.s32 @p0 $0x1FC6;
	s7 =	rddreg [dreg:$0x6]  }
0x2d: {  	[spmem:s23], [sflag:s6] =	dma.local @p0 [hbm:s7], $0x1900  }
0x2e: {  	s6 =	simm.s32 @p0 $0x6  }
0x2f: {  	_ =	swait.ge @p0 [sflag:s6], $0x1900  }
0x30: {  	s7 =	sshll.u32 @!p0 s11, $0x6;
	[sflag:s6] =	ssyncset.done @p0 $0x0  }
0x31: {  	[sflag:s6] =	ssyncadd.s32 @p0 $0xFFFFE700;
	s6 =	sor.u32 @!p0 $0x1C06, s7;
	s7 =	rddreg [dreg:$0x5]  }
0x32: {  	[spmem:s24], [sflag:s6] =	dma.local @!p0 [hbm:s7], $0x2800  }
0x33: {  	s7 =	simm.s32 @!p0 $0x6  }
0x34: {  	_ =	swait.ge @!p0 [sflag:s7], $0x2800  }
0x35: {  	s6 =	simm.s32 @!p0 $0x0;
	[sflag:s7] =	ssyncset.done @!p0 $0x0  }
0x36: {  	s6 =	simm.s32 @p0 $0x0;
	[sflag:s7] =	ssyncadd.s32 @!p0 $0xFFFFD800  }
.LBB2_2:
0x37: {  	s7 =	sshra.s32 s6, $0x2  }
0x38: {  	[tilespmem:s7+$0x400] =	vst v1  }
0x39: {  	[tilespmem:s7+$0x410] =	vst v1  }
0x3a: {  	p1 =	seq.s32 s6, $0x3E00;
	[tilespmem:s7+$0x420] =	vst v1  }
.Ltmp2:
0x3b: {  	[tilespmem:s7+$0x430] =	vst v1;
	(pc) =	sbr.rel @!p1 .LBB2_2-.Ltmp2, $4  }
0x3c: {  	[tilespmem:s7+$0x440] =	vst v1  }
0x3d: {  	[tilespmem:s7+$0x450] =	vst v1  }
0x3e: {  	[tilespmem:s7+$0x460] =	vst v1  }
0x3f: {  	s6 =	sadd.s32 $0x200, s6;
	[tilespmem:s7+$0x470] =	vst v1  }
0x40: {  	[spmem:s10] =	stream.linear.scatter [tilespmem:s25], [sflag:$0x6], $0x1000, $0x38;
	[tilespmem:$0x1FC80] =	vst v63  }
0x41: {  	_ =	swait.ge [sflag:s26], $0x1000  }
0x42: {  	[sflag:s26] =	ssyncset.done $0x0  }
0x43: {  	s6 =	rddreg [dreg:$0xb];
	[sflag:s26] =	ssyncadd.s32 $0xFFFFF000  }
0x44: {  	[spmem:s6] =	stream.linear.scatter [tilespmem:s25], [sflag:$0x6], $0x1000, $0x38;
	[tilespmem:$0x1FC80] =	vst v63  }
0x45: {  	_ =	swait.ge [sflag:s26], $0x1000  }
0x46: {  	[sflag:s26] =	ssyncset.done $0x0  }
0x47: {  	[sflag:s26] =	ssyncadd.s32 $0xFFFFF000  }
0x48: {  	[spmem:s13] =	stream.linear.scatter [tilespmem:s25], [sflag:$0x6], $0x1000, $0x38;
	[tilespmem:$0x1FC80] =	vst v63  }
0x49: {  	_ =	swait.ge [sflag:s26], $0x1000  }
0x4a: {  	[sflag:s26] =	ssyncset.done $0x0  }
0x4b: {  	[sflag:s26] =	ssyncadd.s32 $0xFFFFF000  }
0x4c: {  	[spmem:s14] =	stream.linear.scatter [tilespmem:s25], [sflag:$0x6], $0x1000, $0x38;
	[tilespmem:$0x1FC80] =	vst v63  }
0x4d: {  	_ =	swait.ge [sflag:s26], $0x1000  }
0x4e: {  	[sflag:s26] =	ssyncset.done $0x0  }
0x4f: {  	[sflag:s26] =	ssyncadd.s32 $0xFFFFF000  }
0x50: {  	[spmem:s15] =	stream.linear.scatter [tilespmem:s25], [sflag:$0x6], $0x1000, $0x38;
	[tilespmem:$0x1FC80] =	vst v63  }
0x51: {  	_ =	swait.ge [sflag:s26], $0x1000  }
0x52: {  	[sflag:s26] =	ssyncset.done $0x0  }
0x53: {  	[sflag:s26] =	ssyncadd.s32 $0xFFFFF000  }
0x54: {  	[spmem:s16] =	stream.linear.scatter [tilespmem:s25], [sflag:$0x6], $0x1000, $0x38;
	[tilespmem:$0x1FC80] =	vst v63  }
0x55: {  	_ =	swait.ge [sflag:s26], $0x1000  }
0x56: {  	[sflag:s26] =	ssyncset.done $0x0  }
0x57: {  	[sflag:s26] =	ssyncadd.s32 $0xFFFFF000  }
0x58: {  	[spmem:s17] =	stream.linear.scatter [tilespmem:s25], [sflag:$0x6], $0x1000, $0x38;
	[tilespmem:$0x1FC80] =	vst v63  }
0x59: {  	_ =	swait.ge [sflag:s26], $0x1000  }
0x5a: {  	[sflag:s26] =	ssyncset.done $0x0  }
0x5b: {  	[sflag:s26] =	ssyncadd.s32 $0xFFFFF000  }
0x5c: {  	[spmem:s18] =	stream.linear.scatter [tilespmem:s25], [sflag:$0x6], $0x1000, $0x38;
	[tilespmem:$0x1FC80] =	vst v63  }
0x5d: {  	_ =	swait.ge [sflag:s26], $0x1000  }
0x5e: {  	[sflag:s26] =	ssyncset.done $0x0  }
0x5f: {  	[sflag:s26] =	ssyncadd.s32 $0xFFFFF000  }
0x60: {  	[spmem:s20] =	stream.linear.scatter [tilespmem:s25], [sflag:$0x6], $0x1000, $0x38;
	[tilespmem:$0x1FC80] =	vst v63  }
0x61: {  	_ =	swait.ge [sflag:s26], $0x1000  }
0x62: {  	[sflag:s26] =	ssyncset.done $0x0  }
0x63: {  	[sflag:s26] =	ssyncadd.s32 $0xFFFFF000  }
0x64: {  	[spmem:s21] =	stream.linear.scatter [tilespmem:s25], [sflag:$0x6], $0x1000, $0x38;
	[tilespmem:$0x1FC80] =	vst v63  }
0x65: {  	_ =	swait.ge [sflag:s26], $0x1000  }
0x66: {  	[sflag:s26] =	ssyncset.done $0x0  }
0x67: {  	s6 =	simm.s32 $0x0;
	s7 =	rddreg [dreg:$0x7];
	[sflag:s26] =	ssyncadd.s32 $0xFFFFF000  }
0x68: {  	[tilespmem:s6], [sflag:$0x6] =	stream.linear.gather [hbm4b:s7+s6], $0x100, $0x38;
	[tilespmem:$0x1FC80] =	vst v63  }
0x69: {  	_ =	swait.ge [sflag:s26], $0x100  }
0x6a: {  	[sflag:s26] =	ssyncset.done $0x0  }
0x6b: {  	s8 =	simm.s32 $0x200;
	s12 =	rddreg [dreg:$0x8];
	[sflag:s26] =	ssyncadd.s32 $0xFFFFFF00  }
0x6c: {  	[tilespmem:s8], [sflag:$0x6] =	stream.linear.gather [hbm4b:s12+s6], $0x100, $0x38;
	[tilespmem:$0x1FC80] =	vst v63  }
.Ltmp3:
0x6d: {  	_ =	swait.ge [sflag:s26], $0x100;
	(pc) =	sbr.rel .LBB2_4-.Ltmp3, $4  }
0x6e: {  	[sflag:s26] =	ssyncset.done $0x0  }
0x6f: {  	[sflag:s26] =	ssyncadd.s32 $0xFFFFFF00  }
0x70: {  	[bflag:$0x0] =	sbarrier.arrive $0xFFFF  }
0x71: {  	s7 =	simm.s32 $0x0  }
.LBB2_6:
0x72: {  	_ =	swait.ge [sflag:s3], $0x100  }
0x73: {  	[sflag:s3] =	ssyncset.done $0x0  }
0x74: {  	[sflag:s3] =	ssyncadd.s32 $0xFFFFFF00  }
0x75: {  	_ =	swait.ge [sflag:s3], $0x100  }
0x76: {  	[sflag:s3] =	ssyncset.done $0x0  }
0x77: {  	s8 =	simm.s32 @p1 $0x100;
	p1 =	por $0x0, $0x0;
	[sflag:s3] =	ssyncadd.s32 $0xFFFFFF00  }
.LBB2_7:
0x78: {  	v2 =	vld [tilespmem:s8+$0x200];
	_ =	sdelay $0x4  }
0x79: {  	vm0 =	vgt.s32 v2, $0x13EB  }
0x7a: {  	v2 =	vsel vm0, v0, v2  }
0x7b: {  	[tilespmem:s8+$0x200] =	vst v2;
	v2 =	vld [tilespmem:s8+$0x210];
	_ =	sdelay $0x4  }
0x7c: {  	vm13 =	vgt.s32 v2, $0x13EB  }
0x7d: {  	v2 =	vsel vm13, v0, v2  }
0x7e: {  	s9 =	sor.u32 $0x280, s8;
	[tilespmem:s8+$0x210] =	vst v2  }
0x7f: {  	v2 =	vld [tilespmem:s9+$0x0];
	_ =	sdelay $0x4  }
0x80: {  	vm14 =	vgt.s32 v2, $0x13EB  }
0x81: {  	v2 =	vsel vm14, v0, v2  }
0x82: {  	[tilespmem:s9+$0x0] =	vst v2  }
0x83: {  	v2 =	vld [tilespmem:s8+$0x290];
	_ =	sdelay $0x4  }
0x84: {  	vm15 =	vgt.s32 v2, $0x13EB  }
0x85: {  	v2 =	vsel vm15, v0, v2  }
0x86: {  	s11 =	simm.s32 @p1 $0x20;
	s12 =	simm.s32 @p1 $0x400;
	[tilespmem:s8+$0x290] =	vst v2  }
0x87: {  	[tilespmem:s12], [sflag:$0x1] =	stream.indirect.gather @p1 [spmem:s1], $0x80, s8, s11, $0xb8;
	[tilespmem:$0x1FC80] =	vst v63  }
0x88: {  	s11 =	simm.s32 @!p1 $0x3  }
0x89: {  	_ =	swait.ge @!p1 [sflag:s11], $0x1000  }
0x8a: {  	[sflag:s11] =	ssyncset.done @!p1 $0x0  }
0x8b: {  	s12 =	simm.s32 @!p1 $0x400;
	[sflag:s11] =	ssyncadd.s32 @!p1 $0xFFFFF000;
	s11 =	simm.s32 @!p1 $0x20  }
0x8c: {  	[tilespmem:s12], [sflag:$0x1] =	stream.indirect.gather @!p1 [spmem:s1], $0x80, s8, s11, $0xb8;
	[tilespmem:$0x1FC80] =	vst v63  }
0x8d: {  	s11 =	simm.s32 @!p1 $0x4  }
0x8e: {  	_ =	swait.ge @!p1 [sflag:s11], $0x1000  }
0x8f: {  	[sflag:s11] =	ssyncset.done @!p1 $0x0  }
0x90: {  	s12 =	sor.u32 $0x80, s8;
	[sflag:s11] =	ssyncadd.s32 @!p1 $0xFFFFF000  }
0x91: {  	[tilespmem:s30], [sflag:$0x2] =	stream.indirect.gather [spmem:s1], $0x80, s12, s29, $0xb8;
	[tilespmem:$0x1FC80] =	vst v63  }
0x92: {  	_ =	swait.ge [sflag:s31], $0x1000  }
0x93: {  	s6 =	sadd.s32 $0x20, s6;
	[sflag:s31] =	ssyncset.done $0x0  }
0x94: {  	p1 =	sne.s32 s6, $0x2800;
	s12 =	sor.u32 $0x200, s8;
	[sflag:s31] =	ssyncadd.s32 $0xFFFFF000  }
0x95: {  	[spmem:s2] =	stream.indirect.scatter.add.f32 [tilespmem:s25], [sflag:$0x3], $0x80, s12, s29, $0xb8;
	[tilespmem:$0x1FC80] =	vst v63  }
.Ltmp4:
0x96: {  	_ = 	snop;
	(pc) =	sbr.rel @!p1 .LBB2_8-.Ltmp4, $4  }
0x97: {  	_ =	swait.ge [sflag:s0], $0x1000  }
0x98: {  	[sflag:s0] =	ssyncset.done $0x0  }
0x99: {  	s7 =	sadd.s32 $0x100, s7;
	[sflag:s0] =	ssyncadd.s32 $0xFFFFF000  }
0x9a: {  	[spmem:s2] =	stream.indirect.scatter.add.f32 [tilespmem:s30], [sflag:$0x4], $0x80, s9, s29, $0xb8;
	[tilespmem:$0x1FC80] =	vst v63  }
.LBB2_4:
0x9b: {  	p1 =	seq.s32 s6, $0x27E0  }
0x9c: {  	p2 =	seq.s32 @!p1 s6, $0x0  }
0x9d: {  	p2 =	por p1, !p2  }
.Ltmp5:
0x9e: {  	s8 =	sand.u32 @!p1 $0x100, s7;
	(pc) =	sbr.rel @p2 .LBB2_6-.Ltmp5, $4  }
0x9f: {  	s11 =	sadd.s32 @!p1 s6, s22;
	s12 =	simm.s32 @!p1 $0x0;
	s9 =	sxor.u32 @!p1 $0x100, s8  }
0xa0: {  	[tilespmem:s9], [sflag:$0x5] =	stream.linear.gather @!p1 [hbm4b:s11+s12], $0x100, $0x38;
	[tilespmem:$0x1FC80] =	vst v63  }
0xa1: {  	s9 =	sor.u32 @!p1 $0x200, s9;
	s11 =	sadd.s32 @!p1 s6, s19  }
0xa2: {  	[tilespmem:s9], [sflag:$0x5] =	stream.linear.gather @!p1 [hbm4b:s11+s12], $0x100, $0x38;
	[tilespmem:$0x1FC80] =	vst v63  }
.Ltmp6:
0xa3: {  	(pc) =	sbr.rel .LBB2_7-.Ltmp6, $2  }
0xa4: {  	_ =	sdelay $0x2  }
0xa5: {  	p1 =	por @!p1 $0x1, $0x1  }
.LBB2_9:
0xa6: {  	_ =	sfence.sel $0x180000  }
0xa7: {  	[bflag:$0x0] =	sbarrier.arrive $0xFFFF  }
0xa8: {  	_ =	strace $0x9000004D  }
0xa9: {  	[bflag:$0x2] =	sbarrier.arrive $0xFFFF  }
0xaa: {  	p0 =	sne.s32 s11, $0x0;
	s0 =	rddreg [dreg:$0x4]  }
0xab: {  	s0 =	sadd.s32 @!p0 $0x100000, s0  }
0xac: {  	[sflag:s0] =	ssyncadd.tile.s32 @!p0 $0x1;
	_ =	shalt  }
.Lfunc_end2:
_tile_overlayer_lowered:
.L_overlay_start_2:
0xad: {  	(tag) =	ssettag $0x2  }
0xae: {  	s0 =	rddreg [dreg:$0x0];
	s2 =	stileid.u32  }
0xaf: {  	s1 =	rddreg [dreg:$0x1];
	p0 =	sne.s32 s2, $0x0  }
0xb0: {  	s3 =	rddreg [dreg:$0x2];
	[bflag:$0x3] =	sbarrier.arrive $0xFFFF;
	s2 =	simm.s32 @!p0 $0x1C06  }
0xb1: {  	[timem:s3], [sflag:s2] =	dma.local @!p0 [hbm:s0], s1  }
0xb2: {  	s0 =	simm.s32 @!p0 $0x6  }
0xb3: {  	_ =	swait.ge @!p0 [sflag:s0], s1  }
0xb4: {  	s1 =	ssub.s32 @!p0 $0x0, s1;
	[sflag:s0] =	ssyncset.done @!p0 $0x0  }
0xb5: {  	[sflag:s0] =	ssyncadd.s32 @!p0 s1  }
0xb6: {  	[bflag:$0x3] =	sbarrier.arrive $0xFFFF  }
0xb7: {  	_ =	shalt  }

// kernel: kernel.22.cloned.1.call-start
scs
__scs_entry_jumppad:
0x0: {  	(pc) =	sbr.rel $0x88, $3  }
0x1: {  	(tag) =	ssettag $0x0;
	lr =	simm.s32 $0x1  }
0x2: {  	[smem:$0x3F8A] =	sst lr;
	_ =	strace $0xD0000000  }
0x3: {  	_ = 	snop  }
0x4: {  	_ = 	snop  }
0x5: {  	_ = 	snop  }
0x6: {  	_ = 	snop  }
0x7: {  	_ = 	snop  }
__scs_overlays_trampoline_lowered:
0x8: {  	[smem:$0x3F99] =	sst s0  }
0x9: {  	[smem:$0x3F9A] =	sst s1  }
0xa: {  	[smem:$0x3F9B] =	sst s2  }
0xb: {  	[smem:$0x3F9C] =	sst s3  }
0xc: {  	[smem:$0x3F9D] =	sst s4  }
0xd: {  	[smem:$0x3F9E] =	sst s5  }
0xe: {  	[smem:$0x3F9F] =	sst s6  }
0xf: {  	[smem:$0x3FA0] =	sst s7  }
0x10: {  	[smem:$0x3FA1] =	sst s8  }
0x11: {  	[smem:$0x3FA2] =	sst s9;
	s0 =	simm.s32 @!p0 $0x0  }
0x12: {  	s1 =	sld [smem:$0x3F88];
	s0 =	simm.s32 @p0 $0x1  }
0x13: {  	[smem:$0x3FA3] =	sst s0;
	s0 =	simm.s32 @!p1 $0x0  }
0x14: {  	s2 =	sld [smem:$0x3F87];
	s0 =	simm.s32 @p1 $0x1  }
0x15: {  	[smem:$0x3FA4] =	sst s0;
	s0 =	simm.s32 @!p2 $0x0  }
0x16: {  	s3 =	sld [smem:$0x3FDB];
	s0 =	simm.s32 @p2 $0x1  }
0x17: {  	s4 =	simm.s32 $0x1BF5;
	[smem:$0x3FA6] =	sst s0  }
0x18: {  	s0 =	sld [smem:$0x3F89];
	_ =	swait.ge [sflag:s4], $0x0  }
0x19: {  	s7 =	sld [smem:$0x3F8A]  }
0x1a: {  	s8 =	sadd.s32 $0xFFFFE003, lr  }
0x1b: {  	s9 =	sadd.s32 $0xFFFFFEF7, lr;
	s5 =	simm.s32 $0xFFFFFFFF;
	p2 =	slt.u32 s8, $0xFFFFF086  }
0x1c: {  	p1 =	slt.u32 s9, $0xF7A;
	s5 =	simm.s32 @!p2 $0x0  }
0x1d: {  	s5 =	simm.s32 @p1 $0x1;
	p0 =	seq.s32 s7, s2  }
0x1e: {  	s7 =	smul.u32 @!p0 $0xF7A, s2;
	p2 =	seq.s32 @!p0 s5, $0x0  }
0x1f: {  	s9 =	smul.u32 $0xF7A, s1;
	s8 =	simm.s32 @!p0 $0x1BF5;
	p2 =	por !p2, p0  }
0x20: {  	[sflag:s8] =	ssyncset.s32 @!p0 $0xFFFFF086;
	s6 =	sadd.s32 @!p0 s3, s7;
	s7 =	simm.s32 @!p0 $0x108  }
0x21: {  	s3 =	sadd.s32 s3, s9;
	s6 =	sadd.s32 @!p0 $0x88, s6;
	s7 =	simm.s32 @p2 $0x1082  }
0x22: {  	[simem:s7], [sflag:s8] =	dma.local @!p0 [hbm:s6], $0xF7A  }
0x23: {  	s9 =	sor.u32 $0xD0000000, s2;
	s6 =	simm.s32 $0x108;
	_ =	swait.ge @!p0 [sflag:s8], $0x0  }
0x24: {  	s3 =	sadd.s32 $0x88, s3;
	s6 =	simm.s32 @!p1 $0x1082;
	[sflag:s4] =	ssyncset.s32 $0xFFFFF086  }
0x25: {  	[simem:s6], [sflag:s4] =	dma.local [hbm:s3], $0xF7A  }
0x26: {  	[smem:$0x3F8A] =	sst s1;
	(tag) =	ssettag s2;
	_ =	strace s9  }
0x27: {  	s1 =	sld [smem:$0x3F9A]  }
0x28: {  	s2 =	sld [smem:$0x3F9B]  }
0x29: {  	s4 =	sld [smem:$0x3F9D]  }
0x2a: {  	p0 =	seq.s32 s5, $0x0;
	s5 =	sld [smem:$0x3F9E]  }
0x2b: {  	s6 =	sld [smem:$0x3F9F]  }
0x2c: {  	s7 =	sld [smem:$0x3FA0]  }
0x2d: {  	s3 =	simm.s32 $0x108;
	s8 =	sld [smem:$0x3FA1]  }
0x2e: {  	s3 =	simm.s32 @!p0 $0x1082;
	s9 =	sld [smem:$0x3FA2]  }
0x2f: {  	lr =	sadd.s32 s0, s3;
	s0 =	sld [smem:$0x3F99]  }
0x30: {  	s3 =	sld [smem:$0x3F9C]  }
0x31: {  	[smem:$0x3FA5] =	sst s10  }
0x32: {  	s10 =	sld [smem:$0x3FA3];
	_ =	sdelay $0x3  }
0x33: {  	p0 =	seq.s32 s10, $0x1;
	s10 =	sld [smem:$0x3FA5];
	_ =	sdelay $0x3  }
0x34: {  	[smem:$0x3FA5] =	sst s10  }
0x35: {  	s10 =	sld [smem:$0x3FA4];
	_ =	sdelay $0x3  }
0x36: {  	p1 =	seq.s32 s10, $0x1;
	s10 =	sld [smem:$0x3FA5];
	_ =	sdelay $0x3  }
0x37: {  	[smem:$0x3FA5] =	sst s10  }
0x38: {  	s10 =	sld [smem:$0x3FA6]  }
0x39: {  	_ = 	snop;
	(pc) =	sbr.ind lr, $3  }
0x3a: {  	_ = 	snop  }
0x3b: {  	_ = 	snop  }
0x3c: {  	p2 =	seq.s32 s10, $0x1;
	s10 =	sld [smem:$0x3FA5]  }
0x3d: {  	_ =	shalt  }
0x3e: {  	_ =	shalt  }
0x3f: {  	_ =	shalt  }
0x40: {  	_ =	shalt  }
0x41: {  	_ =	shalt  }
0x42: {  	_ =	shalt  }
0x43: {  	_ =	shalt  }
0x44: {  	_ =	shalt  }
0x45: {  	_ =	shalt  }
0x46: {  	_ =	shalt  }
0x47: {  	_ =	shalt  }
0x48: {  	_ =	shalt  }
0x49: {  	_ =	shalt  }
0x4a: {  	_ =	shalt  }
0x4b: {  	_ =	shalt  }
0x4c: {  	_ =	shalt  }
0x4d: {  	_ =	shalt  }
0x4e: {  	_ =	shalt  }
0x4f: {  	_ =	shalt  }
0x50: {  	_ =	shalt  }
0x51: {  	_ =	shalt  }
0x52: {  	_ =	shalt  }
0x53: {  	_ =	shalt  }
0x54: {  	_ =	shalt  }
0x55: {  	_ =	shalt  }
0x56: {  	_ =	shalt  }
0x57: {  	_ =	shalt  }
0x58: {  	_ =	shalt  }
0x59: {  	_ =	shalt  }
0x5a: {  	_ =	shalt  }
0x5b: {  	_ =	shalt  }
0x5c: {  	_ =	shalt  }
0x5d: {  	_ =	shalt  }
0x5e: {  	_ =	shalt  }
0x5f: {  	_ =	shalt  }
0x60: {  	_ =	shalt  }
0x61: {  	_ =	shalt  }
0x62: {  	_ =	shalt  }
0x63: {  	_ =	shalt  }
0x64: {  	_ =	shalt  }
0x65: {  	_ =	shalt  }
0x66: {  	_ =	shalt  }
0x67: {  	_ =	shalt  }
0x68: {  	_ =	shalt  }
0x69: {  	_ =	shalt  }
0x6a: {  	_ =	shalt  }
0x6b: {  	_ =	shalt  }
0x6c: {  	_ =	shalt  }
0x6d: {  	_ =	shalt  }
0x6e: {  	_ =	shalt  }
0x6f: {  	_ =	shalt  }
0x70: {  	_ =	shalt  }
0x71: {  	_ =	shalt  }
0x72: {  	_ =	shalt  }
0x73: {  	_ =	shalt  }
0x74: {  	_ =	shalt  }
0x75: {  	_ =	shalt  }
0x76: {  	_ =	shalt  }
0x77: {  	_ =	shalt  }
0x78: {  	_ =	shalt  }
0x79: {  	_ =	shalt  }
0x7a: {  	_ =	shalt  }
0x7b: {  	_ =	shalt  }
0x7c: {  	_ =	shalt  }
0x7d: {  	_ =	shalt  }
0x7e: {  	_ =	shalt  }
0x7f: {  	_ =	shalt  }
0x80: {  	_ =	shalt  }
0x81: {  	_ =	shalt  }
0x82: {  	_ =	shalt  }
0x83: {  	_ =	shalt  }
0x84: {  	_ =	shalt  }
0x85: {  	_ =	shalt  }
0x86: {  	_ =	shalt  }
0x87: {  	_ =	shalt  }
.Lfunc_end0:
.L_simem_size_0:
called_computation.3_lowered:
.L_overlay_start_0:
0x88: {  	s2 =	sld [smem:$0x3FD9]  }
0x89: {  	s3 =	sld [smem:$0x3FFE];
	_ =	sdelay $0x1  }
0x8a: {  	s1 =	srdreg.scid  }
0x8b: {  	s0 =	sand.u32 $0x1, s1  }
0x8c: {  	s17 =	sshll.u32 s0, $0xA;
	s2 =	sadd.s32 s3, s2  }
0x8d: {  	s2 =	sadd.s32 s2, s17  }
0x8e: {  	[smem:$0x3FB1] =	sst s2  }
0x8f: {  	_ = 	snop  }
0x90: {  	s2 =	sld [smem:$0x3FD0];
	(tm) =	ssettm $0x1  }
0x91: {  	s18 =	sld [smem:$0x3FFB];
	_ =	sdelay $0x3  }
0x92: {  	_ =	strace s18  }
0x93: {  	s3 =	sld [smem:$0x3FFC];
	_ =	sdelay $0x3  }
0x94: {  	_ =	strace s3  }
0x95: {  	s3 =	sld [smem:$0x3FFD];
	_ =	sdelay $0x3  }
0x96: {  	_ =	strace s3  }
0x97: {  	_ =	strace $0x8FFFFFFF  }
0x98: {  	s19 =	sld [smem:$0x3FDB];
	_ =	sdelay $0x1  }
0x99: {  	s4 =	simm.s32 $_scs_section_size  }
0x9a: {  	s5 =	simm.s32 $_size__tile_overlayer_lowered;
	s6 =	simm.s32 $_tile_overlayer_lowered  }
0x9b: {  	s22 =	simm.s32 $0x1BFF;
	s21 =	sshll.u32 s6, $0x1;
	s3 =	sadd.s32 s4, s19  }
0x9c: {  	s7 =	simm.s32 $0x0;
	s20 =	sshll.u32 s5, $0x1;
	s5 =	sadd.s32 s21, s3  }
0x9d: {  	[timem:s7], [sflag:s22] =	dma.local [hbm:s5], s20  }
0x9e: {  	_ =	swait.ge [sflag:s22], s20  }
0x9f: {  	s4 =	ssub.s32 $0x0, s20;
	[sflag:s22] =	ssyncset.done $0x0  }
0xa0: {  	[sflag:s22] =	ssyncadd.s32 s4;
	_ =	sdelay $0x1  }
0xa1: {  	s23 =	simm.s32 $0x1B8B  }
0xa2: {  	_ =	swait.ge [sflag:s23], $0x1  }
0xa3: {  	[sflag:s23] =	ssyncset.done $0x0  }
0xa4: {  	s25 =	simm.s32 $0x1B8E;
	s24 =	sld [smem:$0x3FFE];
	[sflag:s23] =	ssyncadd.s32 $0xFFFFFFFF  }
0xa5: {  	s26 =	simm.s32 $execute0_lowered;
	[smem:$0x3FD2] =	sst s25  }
0xa6: {  	s5 =	sshll.u32 s26, $0x1;
	_ =	strace $0x8000004F;
	[dreg:$0x1] =	wrdreg $0xFFFFFFFF  }
0xa7: {  	s28 =	simm.s32 $_size_execute0_lowered;
	s3 =	sadd.s32 s3, s5;
	[dreg:$0x0] =	wrdreg $0x0  }
0xa8: {  	s5 =	sshll.u32 s28, $0x1;
	[dreg:$0x2] =	wrdreg s3  }
0xa9: {  	[dreg:$0x3] =	wrdreg s5  }
0xaa: {  	[dreg:$0x4] =	wrdreg $0xC0  }
0xab: {  	_ =	task [dreg:s7], $0x5FFFF  }
0xac: {  	[dreg:$0x1] =	wrdreg $0xFFFFFFFF  }
0xad: {  	[dreg:$0x0] =	wrdreg $0x60  }
0xae: {  	[dreg:$0x2] =	wrdreg s2  }
0xaf: {  	[dreg:$0x3] =	wrdreg s24  }
0xb0: {  	[dreg:$0x4] =	wrdreg $0x24000  }
0xb1: {  	[dreg:$0x5] =	wrdreg $0x15C800  }
0xb2: {  	[dreg:$0x6] =	wrdreg $0x9  }
0xb3: {  	_ =	task.clear_ibuf [dreg:s7], $0x7FFFF;
	_ =	strace $0x9000004F  }
0xb4: {  	s29 =	simm.s32 $0x9;
	_ =	strace $0x80000051  }
0xb5: {  	_ =	swait.ge [sflag:s29], $0x1  }
0xb6: {  	[sflag:s29] =	ssyncadd.s32 $0xFFFFFFFF  }
0xb7: {  	_ =	strace $0x90000051  }
0xb8: {  	_ =	sfence  }
0xb9: {  	s30 =	sld [smem:$0x0];
	_ =	sdelay $0x2  }
0xba: {  	s31 =	sshll.u32 s1, $0xD;
	s1 =	sshrl.u32 s1, $0x2  }
0xbb: {  	s3 =	sand.u32 $0x4000, s31;
	s1 =	sadd.s32 s1, s30  }
0xbc: {  	s0 =	sor.u32 s3, s0;
	s1 =	sshll.u32 s1, $0x11  }
0xbd: {  	s0 =	sor.u32 s1, s0  }
0xbe: {  	s0 =	sadd.s32 $0x8F2B, s0  }
0xbf: {  	[sflag:s0] =	ssyncadd.remote.s32 $0x1  }
0xc0: {  	_ =	sfence.sel $0xFFFF  }
0xc1: {  	[dreg:$0x0] =	wrdreg $0xFFFFFFFF;
	(pc) =	sbr.abs _section_cstart, $3  }
0xc2: {  	[dreg:$0x1] =	wrdreg $0xFFFFFFFF  }
0xc3: {  	_ =	task.clear_ibuf [dreg:s7], $0x2FFFF;
	_ =	strace $0x9FFFFFFF  }
0xc4: {  	(tm) =	ssettm $0x7FFFFFFF  }
0xc5: {  	_ =	shalt  }
tec
execute0_lowered:
.L_overlay_start_1:
0x0: {  	(tag) =	ssettag $0x1  }
0x1: {  	s0 =	rddreg [dreg:$0x0]  }
0x2: {  	s3 =	rddreg [dreg:$0x1]  }
0x3: {  	s1 =	rddreg [dreg:$0x2]  }
0x4: {  	s2 =	rddreg [dreg:$0x3];
	s11 =	stileid.u32  }
0x5: {  	s4 =	srdreg.scid;
	s29 =	simm.s32 $0x20;
	s7 =	smul.u32 $0xA000, s11  }
0x6: {  	s30 =	simm.s32 $0x1400;
	s31 =	simm.s32 $0x1;
	s12 =	smul.u32 $0x50000, s11  }
0x7: {  	s5 =	sand.u32 $0x1, s4;
	s4 =	simm.s32 $0x0;
	s21 =	smul.u32 $0x2800, s11  }
0x8: {  	s8 =	sadd.s32 $0x35400, s3;
	s19 =	sadd.s32 $0x5D400, s3;
	s10 =	smul.u32 $0x14000, s11  }
0x9: {  	s23 =	sadd.s32 $0x12C000, s1;
	s16 =	smul.u32 $0x28000, s11;
	s28 =	sadd.s32 $0x13EC, s11  }
0xa: {  	p0 =	seq.s32 s11, $0xF;
	s6 =	smul.u32 $0xA0000, s5;
	[smem:$0x7FF] =	sst s4  }
0xb: {  	s9 =	ssub.s32 $0x2, s5;
	s5 =	smul.u32 $0x140000, s5;
	s23 =	sshrl.u32 @p0 s23, $0x3  }
0xc: {  	v0 =	vmov s28;
	s28 =	simm.s32 $0x3;
	_ =	strace $0x80000050;
	s13 =	sshrl.u32 s9, $0x1  }
0xd: {  	s14 =	sadd.s32 s0, s21;
	s15 =	sshrl.u32 s10, $0x3;
	s0 =	sadd.s32 $0x25800, s0  }
0xe: {  	s20 =	sshrl.u32 s16, $0x2;
	s26 =	sadd.s32 s21, s8;
	s6 =	sadd.s32 s7, s6  }
0xf: {  	s7 =	sshrl.u32 s12, $0x2;
	[dreg:$0x5] =	wrdreg s14;
	s5 =	sadd.s32 s10, s5  }
0x10: {  	[dreg:$0x6] =	wrdreg s0;
	s17 =	sadd.s32 s8, s15;
	s10 =	sadd.s32 s20, s2  }
0x11: {  	s6 =	sshrl.u32 s6, $0x3;
	s7 =	sadd.s32 s7, s1;
	[dreg:$0x7] =	wrdreg s17  }
0x12: {  	s18 =	sshrl.u32 s5, $0x3;
	s24 =	sadd.s32 $0x1000, s10;
	s14 =	sadd.s32 $0x3000, s10  }
0x13: {  	s15 =	sadd.s32 $0x4000, s10;
	s16 =	sadd.s32 $0x5000, s10;
	s25 =	sor.u32 $0x100, s5  }
0x14: {  	s17 =	sadd.s32 $0x6000, s10;
	s20 =	sadd.s32 $0x8000, s10;
	s21 =	sadd.s32 $0x9000, s10  }
0x15: {  	s5 =	simm.s32 $0x4;
	s3 =	sadd.s32 s6, s3;
	s6 =	ssub.s32 s9, s13  }
0x16: {  	s0 =	sadd.s32 s19, s18;
	[dreg:$0xb] =	wrdreg s24;
	s13 =	sadd.s32 $0x2000, s10  }
.Ltmp0:
0x17: {  	s18 =	sadd.s32 $0x7000, s10;
	s24 =	sshrl.u32 @!p0 s7, $0x3;
	(pc) =	sbr.rel .LBB2_1-.Ltmp0, $4  }
0x18: {  	[dreg:$0x8] =	wrdreg s0;
	s3 =	sadd.s32 $0x5400, s3;
	s22 =	smax.u32 s6, $0x1  }
0x19: {  	s0 =	sshrl.u32 s25, $0x3;
	s25 =	simm.s32 $0x400;
	[dreg:$0x9] =	wrdreg s3  }
0x1a: {  	[dreg:$0xa] =	wrdreg s22;
	s19 =	sadd.s32 s0, s19;
	s22 =	sadd.s32 $0x20, s26  }
0x1b: {  	v1 =	vimm.f32 $0.0e+00;
	s26 =	simm.s32 $0x6;
	s0 =	simm.s32 $0x2;
	s3 =	simm.s32 $0x5  }
.LBB2_8:
0x1c: {  	_ =	swait.ge [sflag:s28], $0x1000  }
0x1d: {  	[sflag:s28] =	ssyncset.done $0x0  }
0x1e: {  	[sflag:s28] =	ssyncadd.s32 $0xFFFFF000  }
0x1f: {  	_ =	swait.ge [sflag:s5], $0x1000  }
0x20: {  	[sflag:s5] =	ssyncset.done $0x0  }
0x21: {  	s11 =	stileid.u32;
	[sflag:s5] =	ssyncadd.s32 $0xFFFFF000  }
0x22: {  	s6 =	sshll.u32 s11, $0x6;
	[bflag:$0x0] =	sbarrier.arrive $0xFFFF  }
0x23: {  	s7 =	sshrl.u32 s10, $0x3;
	s6 =	sor.u32 $0x1C06, s6;
	s8 =	rddreg [dreg:$0x9]  }
0x24: {  	[hbm:s8], [sflag:s6] =	dma.local [spmem:s7], $0x1400  }
0x25: {  	_ =	swait.ge [sflag:s26], $0x1400  }
0x26: {  	s4 =	sadd.s32 $0x1, s4;
	s12 =	rddreg [dreg:$0xa]  }
0x27: {  	p1 =	sne.s32 s4, s12  }
.Ltmp1:
0x28: {  	_ = 	snop;
	(pc) =	sbr.rel @!p1 .LBB2_9-.Ltmp1, $3  }
0x29: {  	_ =	sdelay $0x1  }
0x2a: {  	[sflag:s26] =	ssyncset.done $0x0  }
0x2b: {  	[sflag:s26] =	ssyncadd.s32 $0xFFFFEC00  }
.LBB2_1:
0x2c: {  	s6 =	simm.s32 @p0 $0x1FC6;
	s7 =	rddreg [dreg:$0x6]  }
0x2d: {  	[spmem:s23], [sflag:s6] =	dma.local @p0 [hbm:s7], $0x1900  }
0x2e: {  	s6 =	simm.s32 @p0 $0x6  }
0x2f: {  	_ =	swait.ge @p0 [sflag:s6], $0x1900  }
0x30: {  	s7 =	sshll.u32 @!p0 s11, $0x6;
	[sflag:s6] =	ssyncset.done @p0 $0x0  }
0x31: {  	[sflag:s6] =	ssyncadd.s32 @p0 $0xFFFFE700;
	s6 =	sor.u32 @!p0 $0x1C06, s7;
	s7 =	rddreg [dreg:$0x5]  }
0x32: {  	[spmem:s24], [sflag:s6] =	dma.local @!p0 [hbm:s7], $0x2800  }
0x33: {  	s7 =	simm.s32 @!p0 $0x6  }
0x34: {  	_ =	swait.ge @!p0 [sflag:s7], $0x2800  }
0x35: {  	s6 =	simm.s32 @!p0 $0x0;
	[sflag:s7] =	ssyncset.done @!p0 $0x0  }
0x36: {  	s6 =	simm.s32 @p0 $0x0;
	[sflag:s7] =	ssyncadd.s32 @!p0 $0xFFFFD800  }
.LBB2_2:
0x37: {  	s7 =	sshra.s32 s6, $0x2  }
0x38: {  	[tilespmem:s7+$0x400] =	vst v1  }
0x39: {  	[tilespmem:s7+$0x410] =	vst v1  }
0x3a: {  	p1 =	seq.s32 s6, $0x3E00;
	[tilespmem:s7+$0x420] =	vst v1  }
.Ltmp2:
0x3b: {  	[tilespmem:s7+$0x430] =	vst v1;
	(pc) =	sbr.rel @!p1 .LBB2_2-.Ltmp2, $4  }
0x3c: {  	[tilespmem:s7+$0x440] =	vst v1  }
0x3d: {  	[tilespmem:s7+$0x450] =	vst v1  }
0x3e: {  	[tilespmem:s7+$0x460] =	vst v1  }
0x3f: {  	s6 =	sadd.s32 $0x200, s6;
	[tilespmem:s7+$0x470] =	vst v1  }
0x40: {  	[spmem:s10] =	stream.linear.scatter [tilespmem:s25], [sflag:$0x6], $0x1000, $0x38;
	[tilespmem:$0x1FC80] =	vst v63  }
0x41: {  	_ =	swait.ge [sflag:s26], $0x1000  }
0x42: {  	[sflag:s26] =	ssyncset.done $0x0  }
0x43: {  	s6 =	rddreg [dreg:$0xb];
	[sflag:s26] =	ssyncadd.s32 $0xFFFFF000  }
0x44: {  	[spmem:s6] =	stream.linear.scatter [tilespmem:s25], [sflag:$0x6], $0x1000, $0x38;
	[tilespmem:$0x1FC80] =	vst v63  }
0x45: {  	_ =	swait.ge [sflag:s26], $0x1000  }
0x46: {  	[sflag:s26] =	ssyncset.done $0x0  }
0x47: {  	[sflag:s26] =	ssyncadd.s32 $0xFFFFF000  }
0x48: {  	[spmem:s13] =	stream.linear.scatter [tilespmem:s25], [sflag:$0x6], $0x1000, $0x38;
	[tilespmem:$0x1FC80] =	vst v63  }
0x49: {  	_ =	swait.ge [sflag:s26], $0x1000  }
0x4a: {  	[sflag:s26] =	ssyncset.done $0x0  }
0x4b: {  	[sflag:s26] =	ssyncadd.s32 $0xFFFFF000  }
0x4c: {  	[spmem:s14] =	stream.linear.scatter [tilespmem:s25], [sflag:$0x6], $0x1000, $0x38;
	[tilespmem:$0x1FC80] =	vst v63  }
0x4d: {  	_ =	swait.ge [sflag:s26], $0x1000  }
0x4e: {  	[sflag:s26] =	ssyncset.done $0x0  }
0x4f: {  	[sflag:s26] =	ssyncadd.s32 $0xFFFFF000  }
0x50: {  	[spmem:s15] =	stream.linear.scatter [tilespmem:s25], [sflag:$0x6], $0x1000, $0x38;
	[tilespmem:$0x1FC80] =	vst v63  }
0x51: {  	_ =	swait.ge [sflag:s26], $0x1000  }
0x52: {  	[sflag:s26] =	ssyncset.done $0x0  }
0x53: {  	[sflag:s26] =	ssyncadd.s32 $0xFFFFF000  }
0x54: {  	[spmem:s16] =	stream.linear.scatter [tilespmem:s25], [sflag:$0x6], $0x1000, $0x38;
	[tilespmem:$0x1FC80] =	vst v63  }
0x55: {  	_ =	swait.ge [sflag:s26], $0x1000  }
0x56: {  	[sflag:s26] =	ssyncset.done $0x0  }
0x57: {  	[sflag:s26] =	ssyncadd.s32 $0xFFFFF000  }
0x58: {  	[spmem:s17] =	stream.linear.scatter [tilespmem:s25], [sflag:$0x6], $0x1000, $0x38;
	[tilespmem:$0x1FC80] =	vst v63  }
0x59: {  	_ =	swait.ge [sflag:s26], $0x1000  }
0x5a: {  	[sflag:s26] =	ssyncset.done $0x0  }
0x5b: {  	[sflag:s26] =	ssyncadd.s32 $0xFFFFF000  }
0x5c: {  	[spmem:s18] =	stream.linear.scatter [tilespmem:s25], [sflag:$0x6], $0x1000, $0x38;
	[tilespmem:$0x1FC80] =	vst v63  }
0x5d: {  	_ =	swait.ge [sflag:s26], $0x1000  }
0x5e: {  	[sflag:s26] =	ssyncset.done $0x0  }
0x5f: {  	[sflag:s26] =	ssyncadd.s32 $0xFFFFF000  }
0x60: {  	[spmem:s20] =	stream.linear.scatter [tilespmem:s25], [sflag:$0x6], $0x1000, $0x38;
	[tilespmem:$0x1FC80] =	vst v63  }
0x61: {  	_ =	swait.ge [sflag:s26], $0x1000  }
0x62: {  	[sflag:s26] =	ssyncset.done $0x0  }
0x63: {  	[sflag:s26] =	ssyncadd.s32 $0xFFFFF000  }
0x64: {  	[spmem:s21] =	stream.linear.scatter [tilespmem:s25], [sflag:$0x6], $0x1000, $0x38;
	[tilespmem:$0x1FC80] =	vst v63  }
0x65: {  	_ =	swait.ge [sflag:s26], $0x1000  }
0x66: {  	[sflag:s26] =	ssyncset.done $0x0  }
0x67: {  	s6 =	simm.s32 $0x0;
	s7 =	rddreg [dreg:$0x7];
	[sflag:s26] =	ssyncadd.s32 $0xFFFFF000  }
0x68: {  	[tilespmem:s6], [sflag:$0x6] =	stream.linear.gather [hbm4b:s7+s6], $0x100, $0x38;
	[tilespmem:$0x1FC80] =	vst v63  }
0x69: {  	_ =	swait.ge [sflag:s26], $0x100  }
0x6a: {  	[sflag:s26] =	ssyncset.done $0x0  }
0x6b: {  	s8 =	simm.s32 $0x200;
	s12 =	rddreg [dreg:$0x8];
	[sflag:s26] =	ssyncadd.s32 $0xFFFFFF00  }
0x6c: {  	[tilespmem:s8], [sflag:$0x6] =	stream.linear.gather [hbm4b:s12+s6], $0x100, $0x38;
	[tilespmem:$0x1FC80] =	vst v63  }
.Ltmp3:
0x6d: {  	_ =	swait.ge [sflag:s26], $0x100;
	(pc) =	sbr.rel .LBB2_4-.Ltmp3, $4  }
0x6e: {  	[sflag:s26] =	ssyncset.done $0x0  }
0x6f: {  	[sflag:s26] =	ssyncadd.s32 $0xFFFFFF00  }
0x70: {  	[bflag:$0x0] =	sbarrier.arrive $0xFFFF  }
0x71: {  	s7 =	simm.s32 $0x0  }
.LBB2_6:
0x72: {  	_ =	swait.ge [sflag:s3], $0x100  }
0x73: {  	[sflag:s3] =	ssyncset.done $0x0  }
0x74: {  	[sflag:s3] =	ssyncadd.s32 $0xFFFFFF00  }
0x75: {  	_ =	swait.ge [sflag:s3], $0x100  }
0x76: {  	[sflag:s3] =	ssyncset.done $0x0  }
0x77: {  	s8 =	simm.s32 @p1 $0x100;
	p1 =	por $0x0, $0x0;
	[sflag:s3] =	ssyncadd.s32 $0xFFFFFF00  }
.LBB2_7:
0x78: {  	v2 =	vld [tilespmem:s8+$0x200];
	_ =	sdelay $0x4  }
0x79: {  	vm0 =	vgt.s32 v2, $0x13EB  }
0x7a: {  	v2 =	vsel vm0, v0, v2  }
0x7b: {  	[tilespmem:s8+$0x200] =	vst v2;
	v2 =	vld [tilespmem:s8+$0x210];
	_ =	sdelay $0x4  }
0x7c: {  	vm13 =	vgt.s32 v2, $0x13EB  }
0x7d: {  	v2 =	vsel vm13, v0, v2  }
0x7e: {  	s9 =	sor.u32 $0x280, s8;
	[tilespmem:s8+$0x210] =	vst v2  }
0x7f: {  	v2 =	vld [tilespmem:s9+$0x0];
	_ =	sdelay $0x4  }
0x80: {  	vm14 =	vgt.s32 v2, $0x13EB  }
0x81: {  	v2 =	vsel vm14, v0, v2  }
0x82: {  	[tilespmem:s9+$0x0] =	vst v2  }
0x83: {  	v2 =	vld [tilespmem:s8+$0x290];
	_ =	sdelay $0x4  }
0x84: {  	vm15 =	vgt.s32 v2, $0x13EB  }
0x85: {  	v2 =	vsel vm15, v0, v2  }
0x86: {  	s11 =	simm.s32 @p1 $0x20;
	s12 =	simm.s32 @p1 $0x400;
	[tilespmem:s8+$0x290] =	vst v2  }
0x87: {  	[tilespmem:s12], [sflag:$0x1] =	stream.indirect.gather @p1 [spmem:s1], $0x80, s8, s11, $0xb8;
	[tilespmem:$0x1FC80] =	vst v63  }
0x88: {  	s11 =	simm.s32 @!p1 $0x3  }
0x89: {  	_ =	swait.ge @!p1 [sflag:s11], $0x1000  }
0x8a: {  	[sflag:s11] =	ssyncset.done @!p1 $0x0  }
0x8b: {  	s12 =	simm.s32 @!p1 $0x400;
	[sflag:s11] =	ssyncadd.s32 @!p1 $0xFFFFF000;
	s11 =	simm.s32 @!p1 $0x20  }
0x8c: {  	[tilespmem:s12], [sflag:$0x1] =	stream.indirect.gather @!p1 [spmem:s1], $0x80, s8, s11, $0xb8;
	[tilespmem:$0x1FC80] =	vst v63  }
0x8d: {  	s11 =	simm.s32 @!p1 $0x4  }
0x8e: {  	_ =	swait.ge @!p1 [sflag:s11], $0x1000  }
0x8f: {  	[sflag:s11] =	ssyncset.done @!p1 $0x0  }
0x90: {  	s12 =	sor.u32 $0x80, s8;
	[sflag:s11] =	ssyncadd.s32 @!p1 $0xFFFFF000  }
0x91: {  	[tilespmem:s30], [sflag:$0x2] =	stream.indirect.gather [spmem:s1], $0x80, s12, s29, $0xb8;
	[tilespmem:$0x1FC80] =	vst v63  }
0x92: {  	_ =	swait.ge [sflag:s31], $0x1000  }
0x93: {  	s6 =	sadd.s32 $0x20, s6;
	[sflag:s31] =	ssyncset.done $0x0  }
0x94: {  	p1 =	sne.s32 s6, $0x2800;
	s12 =	sor.u32 $0x200, s8;
	[sflag:s31] =	ssyncadd.s32 $0xFFFFF000  }
0x95: {  	[spmem:s2] =	stream.indirect.scatter.add.f32 [tilespmem:s25], [sflag:$0x3], $0x80, s12, s29, $0xb8;
	[tilespmem:$0x1FC80] =	vst v63  }
.Ltmp4:
0x96: {  	_ = 	snop;
	(pc) =	sbr.rel @!p1 .LBB2_8-.Ltmp4, $4  }
0x97: {  	_ =	swait.ge [sflag:s0], $0x1000  }
0x98: {  	[sflag:s0] =	ssyncset.done $0x0  }
0x99: {  	s7 =	sadd.s32 $0x100, s7;
	[sflag:s0] =	ssyncadd.s32 $0xFFFFF000  }
0x9a: {  	[spmem:s2] =	stream.indirect.scatter.add.f32 [tilespmem:s30], [sflag:$0x4], $0x80, s9, s29, $0xb8;
	[tilespmem:$0x1FC80] =	vst v63  }
.LBB2_4:
0x9b: {  	p1 =	seq.s32 s6, $0x27E0  }
0x9c: {  	p2 =	seq.s32 @!p1 s6, $0x0  }
0x9d: {  	p2 =	por p1, !p2  }
.Ltmp5:
0x9e: {  	s8 =	sand.u32 @!p1 $0x100, s7;
	(pc) =	sbr.rel @p2 .LBB2_6-.Ltmp5, $4  }
0x9f: {  	s11 =	sadd.s32 @!p1 s6, s22;
	s12 =	simm.s32 @!p1 $0x0;
	s9 =	sxor.u32 @!p1 $0x100, s8  }
0xa0: {  	[tilespmem:s9], [sflag:$0x5] =	stream.linear.gather @!p1 [hbm4b:s11+s12], $0x100, $0x38;
	[tilespmem:$0x1FC80] =	vst v63  }
0xa1: {  	s9 =	sor.u32 @!p1 $0x200, s9;
	s11 =	sadd.s32 @!p1 s6, s19  }
0xa2: {  	[tilespmem:s9], [sflag:$0x5] =	stream.linear.gather @!p1 [hbm4b:s11+s12], $0x100, $0x38;
	[tilespmem:$0x1FC80] =	vst v63  }
.Ltmp6:
0xa3: {  	(pc) =	sbr.rel .LBB2_7-.Ltmp6, $2  }
0xa4: {  	_ =	sdelay $0x2  }
0xa5: {  	p1 =	por @!p1 $0x1, $0x1  }
.LBB2_9:
0xa6: {  	_ =	sfence.sel $0x180000  }
0xa7: {  	[bflag:$0x0] =	sbarrier.arrive $0xFFFF  }
0xa8: {  	_ =	strace $0x90000050  }
0xa9: {  	[bflag:$0x2] =	sbarrier.arrive $0xFFFF  }
0xaa: {  	p0 =	sne.s32 s11, $0x0;
	s0 =	rddreg [dreg:$0x4]  }
0xab: {  	s0 =	sadd.s32 @!p0 $0x100000, s0  }
0xac: {  	[sflag:s0] =	ssyncadd.tile.s32 @!p0 $0x1;
	_ =	shalt  }
.Lfunc_end2:
_tile_overlayer_lowered:
.L_overlay_start_2:
0xad: {  	(tag) =	ssettag $0x2  }
0xae: {  	s0 =	rddreg [dreg:$0x0];
	s2 =	stileid.u32  }
0xaf: {  	s1 =	rddreg [dreg:$0x1];
	p0 =	sne.s32 s2, $0x0  }
0xb0: {  	s3 =	rddreg [dreg:$0x2];
	[bflag:$0x3] =	sbarrier.arrive $0xFFFF;
	s2 =	simm.s32 @!p0 $0x1C06  }
0xb1: {  	[timem:s3], [sflag:s2] =	dma.local @!p0 [hbm:s0], s1  }
0xb2: {  	s0 =	simm.s32 @!p0 $0x6  }
0xb3: {  	_ =	swait.ge @!p0 [sflag:s0], s1  }
0xb4: {  	s1 =	ssub.s32 @!p0 $0x0, s1;
	[sflag:s0] =	ssyncset.done @!p0 $0x0  }
0xb5: {  	[sflag:s0] =	ssyncadd.s32 @!p0 s1  }
0xb6: {  	[bflag:$0x3] =	sbarrier.arrive $0xFFFF  }
0xb7: {  	_ =	shalt  }

// kernel: kernel.25.cloned.1.call-start
scs
__scs_entry_jumppad:
0x0: {  	(pc) =	sbr.rel $0x88, $3  }
0x1: {  	(tag) =	ssettag $0x0;
	lr =	simm.s32 $0x1  }
0x2: {  	[smem:$0x3F8A] =	sst lr;
	_ =	strace $0xD0000000  }
0x3: {  	_ = 	snop  }
0x4: {  	_ = 	snop  }
0x5: {  	_ = 	snop  }
0x6: {  	_ = 	snop  }
0x7: {  	_ = 	snop  }
__scs_overlays_trampoline_lowered:
0x8: {  	[smem:$0x3F99] =	sst s0  }
0x9: {  	[smem:$0x3F9A] =	sst s1  }
0xa: {  	[smem:$0x3F9B] =	sst s2  }
0xb: {  	[smem:$0x3F9C] =	sst s3  }
0xc: {  	[smem:$0x3F9D] =	sst s4  }
0xd: {  	[smem:$0x3F9E] =	sst s5  }
0xe: {  	[smem:$0x3F9F] =	sst s6  }
0xf: {  	[smem:$0x3FA0] =	sst s7  }
0x10: {  	[smem:$0x3FA1] =	sst s8  }
0x11: {  	[smem:$0x3FA2] =	sst s9;
	s0 =	simm.s32 @!p0 $0x0  }
0x12: {  	s1 =	sld [smem:$0x3F88];
	s0 =	simm.s32 @p0 $0x1  }
0x13: {  	[smem:$0x3FA3] =	sst s0;
	s0 =	simm.s32 @!p1 $0x0  }
0x14: {  	s2 =	sld [smem:$0x3F87];
	s0 =	simm.s32 @p1 $0x1  }
0x15: {  	[smem:$0x3FA4] =	sst s0;
	s0 =	simm.s32 @!p2 $0x0  }
0x16: {  	s3 =	sld [smem:$0x3FDB];
	s0 =	simm.s32 @p2 $0x1  }
0x17: {  	s4 =	simm.s32 $0x1BF5;
	[smem:$0x3FA6] =	sst s0  }
0x18: {  	s0 =	sld [smem:$0x3F89];
	_ =	swait.ge [sflag:s4], $0x0  }
0x19: {  	s7 =	sld [smem:$0x3F8A]  }
0x1a: {  	s8 =	sadd.s32 $0xFFFFE003, lr  }
0x1b: {  	s9 =	sadd.s32 $0xFFFFFEF7, lr;
	s5 =	simm.s32 $0xFFFFFFFF;
	p2 =	slt.u32 s8, $0xFFFFF086  }
0x1c: {  	p1 =	slt.u32 s9, $0xF7A;
	s5 =	simm.s32 @!p2 $0x0  }
0x1d: {  	s5 =	simm.s32 @p1 $0x1;
	p0 =	seq.s32 s7, s2  }
0x1e: {  	s7 =	smul.u32 @!p0 $0xF7A, s2;
	p2 =	seq.s32 @!p0 s5, $0x0  }
0x1f: {  	s9 =	smul.u32 $0xF7A, s1;
	s8 =	simm.s32 @!p0 $0x1BF5;
	p2 =	por !p2, p0  }
0x20: {  	[sflag:s8] =	ssyncset.s32 @!p0 $0xFFFFF086;
	s6 =	sadd.s32 @!p0 s3, s7;
	s7 =	simm.s32 @!p0 $0x108  }
0x21: {  	s3 =	sadd.s32 s3, s9;
	s6 =	sadd.s32 @!p0 $0x88, s6;
	s7 =	simm.s32 @p2 $0x1082  }
0x22: {  	[simem:s7], [sflag:s8] =	dma.local @!p0 [hbm:s6], $0xF7A  }
0x23: {  	s9 =	sor.u32 $0xD0000000, s2;
	s6 =	simm.s32 $0x108;
	_ =	swait.ge @!p0 [sflag:s8], $0x0  }
0x24: {  	s3 =	sadd.s32 $0x88, s3;
	s6 =	simm.s32 @!p1 $0x1082;
	[sflag:s4] =	ssyncset.s32 $0xFFFFF086  }
0x25: {  	[simem:s6], [sflag:s4] =	dma.local [hbm:s3], $0xF7A  }
0x26: {  	[smem:$0x3F8A] =	sst s1;
	(tag) =	ssettag s2;
	_ =	strace s9  }
0x27: {  	s1 =	sld [smem:$0x3F9A]  }
0x28: {  	s2 =	sld [smem:$0x3F9B]  }
0x29: {  	s4 =	sld [smem:$0x3F9D]  }
0x2a: {  	p0 =	seq.s32 s5, $0x0;
	s5 =	sld [smem:$0x3F9E]  }
0x2b: {  	s6 =	sld [smem:$0x3F9F]  }
0x2c: {  	s7 =	sld [smem:$0x3FA0]  }
0x2d: {  	s3 =	simm.s32 $0x108;
	s8 =	sld [smem:$0x3FA1]  }
0x2e: {  	s3 =	simm.s32 @!p0 $0x1082;
	s9 =	sld [smem:$0x3FA2]  }
0x2f: {  	lr =	sadd.s32 s0, s3;
	s0 =	sld [smem:$0x3F99]  }
0x30: {  	s3 =	sld [smem:$0x3F9C]  }
0x31: {  	[smem:$0x3FA5] =	sst s10  }
0x32: {  	s10 =	sld [smem:$0x3FA3];
	_ =	sdelay $0x3  }
0x33: {  	p0 =	seq.s32 s10, $0x1;
	s10 =	sld [smem:$0x3FA5];
	_ =	sdelay $0x3  }
0x34: {  	[smem:$0x3FA5] =	sst s10  }
0x35: {  	s10 =	sld [smem:$0x3FA4];
	_ =	sdelay $0x3  }
0x36: {  	p1 =	seq.s32 s10, $0x1;
	s10 =	sld [smem:$0x3FA5];
	_ =	sdelay $0x3  }
0x37: {  	[smem:$0x3FA5] =	sst s10  }
0x38: {  	s10 =	sld [smem:$0x3FA6]  }
0x39: {  	_ = 	snop;
	(pc) =	sbr.ind lr, $3  }
0x3a: {  	_ = 	snop  }
0x3b: {  	_ = 	snop  }
0x3c: {  	p2 =	seq.s32 s10, $0x1;
	s10 =	sld [smem:$0x3FA5]  }
0x3d: {  	_ =	shalt  }
0x3e: {  	_ =	shalt  }
0x3f: {  	_ =	shalt  }
0x40: {  	_ =	shalt  }
0x41: {  	_ =	shalt  }
0x42: {  	_ =	shalt  }
0x43: {  	_ =	shalt  }
0x44: {  	_ =	shalt  }
0x45: {  	_ =	shalt  }
0x46: {  	_ =	shalt  }
0x47: {  	_ =	shalt  }
0x48: {  	_ =	shalt  }
0x49: {  	_ =	shalt  }
0x4a: {  	_ =	shalt  }
0x4b: {  	_ =	shalt  }
0x4c: {  	_ =	shalt  }
0x4d: {  	_ =	shalt  }
0x4e: {  	_ =	shalt  }
0x4f: {  	_ =	shalt  }
0x50: {  	_ =	shalt  }
0x51: {  	_ =	shalt  }
0x52: {  	_ =	shalt  }
0x53: {  	_ =	shalt  }
0x54: {  	_ =	shalt  }
0x55: {  	_ =	shalt  }
0x56: {  	_ =	shalt  }
0x57: {  	_ =	shalt  }
0x58: {  	_ =	shalt  }
0x59: {  	_ =	shalt  }
0x5a: {  	_ =	shalt  }
0x5b: {  	_ =	shalt  }
0x5c: {  	_ =	shalt  }
0x5d: {  	_ =	shalt  }
0x5e: {  	_ =	shalt  }
0x5f: {  	_ =	shalt  }
0x60: {  	_ =	shalt  }
0x61: {  	_ =	shalt  }
0x62: {  	_ =	shalt  }
0x63: {  	_ =	shalt  }
0x64: {  	_ =	shalt  }
0x65: {  	_ =	shalt  }
0x66: {  	_ =	shalt  }
0x67: {  	_ =	shalt  }
0x68: {  	_ =	shalt  }
0x69: {  	_ =	shalt  }
0x6a: {  	_ =	shalt  }
0x6b: {  	_ =	shalt  }
0x6c: {  	_ =	shalt  }
0x6d: {  	_ =	shalt  }
0x6e: {  	_ =	shalt  }
0x6f: {  	_ =	shalt  }
0x70: {  	_ =	shalt  }
0x71: {  	_ =	shalt  }
0x72: {  	_ =	shalt  }
0x73: {  	_ =	shalt  }
0x74: {  	_ =	shalt  }
0x75: {  	_ =	shalt  }
0x76: {  	_ =	shalt  }
0x77: {  	_ =	shalt  }
0x78: {  	_ =	shalt  }
0x79: {  	_ =	shalt  }
0x7a: {  	_ =	shalt  }
0x7b: {  	_ =	shalt  }
0x7c: {  	_ =	shalt  }
0x7d: {  	_ =	shalt  }
0x7e: {  	_ =	shalt  }
0x7f: {  	_ =	shalt  }
0x80: {  	_ =	shalt  }
0x81: {  	_ =	shalt  }
0x82: {  	_ =	shalt  }
0x83: {  	_ =	shalt  }
0x84: {  	_ =	shalt  }
0x85: {  	_ =	shalt  }
0x86: {  	_ =	shalt  }
0x87: {  	_ =	shalt  }
.Lfunc_end0:
.L_simem_size_0:
called_computation.4_lowered:
.L_overlay_start_0:
0x88: {  	s2 =	sld [smem:$0x3FD9]  }
0x89: {  	s3 =	sld [smem:$0x3FFE];
	_ =	sdelay $0x1  }
0x8a: {  	s1 =	srdreg.scid  }
0x8b: {  	s0 =	sand.u32 $0x1, s1  }
0x8c: {  	s17 =	sshll.u32 s0, $0xA;
	s2 =	sadd.s32 s3, s2  }
0x8d: {  	s2 =	sadd.s32 s2, s17  }
0x8e: {  	[smem:$0x3FB1] =	sst s2  }
0x8f: {  	_ = 	snop  }
0x90: {  	s2 =	sld [smem:$0x3FD0];
	(tm) =	ssettm $0x1  }
0x91: {  	s18 =	sld [smem:$0x3FFB];
	_ =	sdelay $0x3  }
0x92: {  	_ =	strace s18  }
0x93: {  	s3 =	sld [smem:$0x3FFC];
	_ =	sdelay $0x3  }
0x94: {  	_ =	strace s3  }
0x95: {  	s3 =	sld [smem:$0x3FFD];
	_ =	sdelay $0x3  }
0x96: {  	_ =	strace s3  }
0x97: {  	_ =	strace $0x8FFFFFFF  }
0x98: {  	s19 =	sld [smem:$0x3FDB];
	_ =	sdelay $0x1  }
0x99: {  	s4 =	simm.s32 $_scs_section_size  }
0x9a: {  	s5 =	simm.s32 $_size__tile_overlayer_lowered;
	s6 =	simm.s32 $_tile_overlayer_lowered  }
0x9b: {  	s22 =	simm.s32 $0x1BFF;
	s21 =	sshll.u32 s6, $0x1;
	s3 =	sadd.s32 s4, s19  }
0x9c: {  	s7 =	simm.s32 $0x0;
	s20 =	sshll.u32 s5, $0x1;
	s5 =	sadd.s32 s21, s3  }
0x9d: {  	[timem:s7], [sflag:s22] =	dma.local [hbm:s5], s20  }
0x9e: {  	_ =	swait.ge [sflag:s22], s20  }
0x9f: {  	s4 =	ssub.s32 $0x0, s20;
	[sflag:s22] =	ssyncset.done $0x0  }
0xa0: {  	[sflag:s22] =	ssyncadd.s32 s4;
	_ =	sdelay $0x1  }
0xa1: {  	s23 =	simm.s32 $0x1B8B  }
0xa2: {  	_ =	swait.ge [sflag:s23], $0x1  }
0xa3: {  	[sflag:s23] =	ssyncset.done $0x0  }
0xa4: {  	s25 =	simm.s32 $0x1B8E;
	s24 =	sld [smem:$0x3FFE];
	[sflag:s23] =	ssyncadd.s32 $0xFFFFFFFF  }
0xa5: {  	s26 =	simm.s32 $execute0_lowered;
	[smem:$0x3FD2] =	sst s25  }
0xa6: {  	s5 =	sshll.u32 s26, $0x1;
	_ =	strace $0x80000052;
	[dreg:$0x1] =	wrdreg $0xFFFFFFFF  }
0xa7: {  	s28 =	simm.s32 $_size_execute0_lowered;
	s3 =	sadd.s32 s3, s5;
	[dreg:$0x0] =	wrdreg $0x0  }
0xa8: {  	s5 =	sshll.u32 s28, $0x1;
	[dreg:$0x2] =	wrdreg s3  }
0xa9: {  	[dreg:$0x3] =	wrdreg s5  }
0xaa: {  	[dreg:$0x4] =	wrdreg $0xC0  }
0xab: {  	_ =	task [dreg:s7], $0x5FFFF  }
0xac: {  	[dreg:$0x1] =	wrdreg $0xFFFFFFFF  }
0xad: {  	[dreg:$0x0] =	wrdreg $0x60  }
0xae: {  	[dreg:$0x2] =	wrdreg s2  }
0xaf: {  	[dreg:$0x3] =	wrdreg s24  }
0xb0: {  	[dreg:$0x4] =	wrdreg $0x24000  }
0xb1: {  	[dreg:$0x5] =	wrdreg $0x15C800  }
0xb2: {  	[dreg:$0x6] =	wrdreg $0x9  }
0xb3: {  	_ =	task.clear_ibuf [dreg:s7], $0x7FFFF;
	_ =	strace $0x90000052  }
0xb4: {  	s29 =	simm.s32 $0x9;
	_ =	strace $0x80000054  }
0xb5: {  	_ =	swait.ge [sflag:s29], $0x1  }
0xb6: {  	[sflag:s29] =	ssyncadd.s32 $0xFFFFFFFF  }
0xb7: {  	_ =	strace $0x90000054  }
0xb8: {  	_ =	sfence  }
0xb9: {  	s30 =	sld [smem:$0x0];
	_ =	sdelay $0x2  }
0xba: {  	s31 =	sshll.u32 s1, $0xD;
	s1 =	sshrl.u32 s1, $0x2  }
0xbb: {  	s3 =	sand.u32 $0x4000, s31;
	s1 =	sadd.s32 s1, s30  }
0xbc: {  	s0 =	sor.u32 s3, s0;
	s1 =	sshll.u32 s1, $0x11  }
0xbd: {  	s0 =	sor.u32 s1, s0  }
0xbe: {  	s0 =	sadd.s32 $0x8F2B, s0  }
0xbf: {  	[sflag:s0] =	ssyncadd.remote.s32 $0x1  }
0xc0: {  	_ =	sfence.sel $0xFFFF  }
0xc1: {  	[dreg:$0x0] =	wrdreg $0xFFFFFFFF;
	(pc) =	sbr.abs _section_cstart, $3  }
0xc2: {  	[dreg:$0x1] =	wrdreg $0xFFFFFFFF  }
0xc3: {  	_ =	task.clear_ibuf [dreg:s7], $0x2FFFF;
	_ =	strace $0x9FFFFFFF  }
0xc4: {  	(tm) =	ssettm $0x7FFFFFFF  }
0xc5: {  	_ =	shalt  }
tec
execute0_lowered:
.L_overlay_start_1:
0x0: {  	(tag) =	ssettag $0x1  }
0x1: {  	s0 =	rddreg [dreg:$0x0]  }
0x2: {  	s3 =	rddreg [dreg:$0x1]  }
0x3: {  	s1 =	rddreg [dreg:$0x2]  }
0x4: {  	s2 =	rddreg [dreg:$0x3];
	s11 =	stileid.u32  }
0x5: {  	s4 =	srdreg.scid;
	s29 =	simm.s32 $0x20;
	s7 =	smul.u32 $0xA000, s11  }
0x6: {  	s30 =	simm.s32 $0x1400;
	s31 =	simm.s32 $0x1;
	s12 =	smul.u32 $0x50000, s11  }
0x7: {  	s5 =	sand.u32 $0x1, s4;
	s4 =	simm.s32 $0x0;
	s21 =	smul.u32 $0x2800, s11  }
0x8: {  	s8 =	sadd.s32 $0x35400, s3;
	s19 =	sadd.s32 $0x5D400, s3;
	s10 =	smul.u32 $0x14000, s11  }
0x9: {  	s23 =	sadd.s32 $0x12C000, s1;
	s16 =	smul.u32 $0x28000, s11;
	s28 =	sadd.s32 $0x13EC, s11  }
0xa: {  	p0 =	seq.s32 s11, $0xF;
	s6 =	smul.u32 $0xA0000, s5;
	[smem:$0x7FF] =	sst s4  }
0xb: {  	s9 =	ssub.s32 $0x2, s5;
	s5 =	smul.u32 $0x140000, s5;
	s23 =	sshrl.u32 @p0 s23, $0x3  }
0xc: {  	v0 =	vmov s28;
	s28 =	simm.s32 $0x3;
	_ =	strace $0x80000053;
	s13 =	sshrl.u32 s9, $0x1  }
0xd: {  	s14 =	sadd.s32 s0, s21;
	s15 =	sshrl.u32 s10, $0x3;
	s0 =	sadd.s32 $0x25800, s0  }
0xe: {  	s20 =	sshrl.u32 s16, $0x2;
	s26 =	sadd.s32 s21, s8;
	s6 =	sadd.s32 s7, s6  }
0xf: {  	s7 =	sshrl.u32 s12, $0x2;
	[dreg:$0x5] =	wrdreg s14;
	s5 =	sadd.s32 s10, s5  }
0x10: {  	[dreg:$0x6] =	wrdreg s0;
	s17 =	sadd.s32 s8, s15;
	s10 =	sadd.s32 s20, s2  }
0x11: {  	s6 =	sshrl.u32 s6, $0x3;
	s7 =	sadd.s32 s7, s1;
	[dreg:$0x7] =	wrdreg s17  }
0x12: {  	s18 =	sshrl.u32 s5, $0x3;
	s24 =	sadd.s32 $0x1000, s10;
	s14 =	sadd.s32 $0x3000, s10  }
0x13: {  	s15 =	sadd.s32 $0x4000, s10;
	s16 =	sadd.s32 $0x5000, s10;
	s25 =	sor.u32 $0x100, s5  }
0x14: {  	s17 =	sadd.s32 $0x6000, s10;
	s20 =	sadd.s32 $0x8000, s10;
	s21 =	sadd.s32 $0x9000, s10  }
0x15: {  	s5 =	simm.s32 $0x4;
	s3 =	sadd.s32 s6, s3;
	s6 =	ssub.s32 s9, s13  }
0x16: {  	s0 =	sadd.s32 s19, s18;
	[dreg:$0xb] =	wrdreg s24;
	s13 =	sadd.s32 $0x2000, s10  }
.Ltmp0:
0x17: {  	s18 =	sadd.s32 $0x7000, s10;
	s24 =	sshrl.u32 @!p0 s7, $0x3;
	(pc) =	sbr.rel .LBB2_1-.Ltmp0, $4  }
0x18: {  	[dreg:$0x8] =	wrdreg s0;
	s3 =	sadd.s32 $0x5400, s3;
	s22 =	smax.u32 s6, $0x1  }
0x19: {  	s0 =	sshrl.u32 s25, $0x3;
	s25 =	simm.s32 $0x400;
	[dreg:$0x9] =	wrdreg s3  }
0x1a: {  	[dreg:$0xa] =	wrdreg s22;
	s19 =	sadd.s32 s0, s19;
	s22 =	sadd.s32 $0x20, s26  }
0x1b: {  	v1 =	vimm.f32 $0.0e+00;
	s26 =	simm.s32 $0x6;
	s0 =	simm.s32 $0x2;
	s3 =	simm.s32 $0x5  }
.LBB2_8:
0x1c: {  	_ =	swait.ge [sflag:s28], $0x1000  }
0x1d: {  	[sflag:s28] =	ssyncset.done $0x0  }
0x1e: {  	[sflag:s28] =	ssyncadd.s32 $0xFFFFF000  }
0x1f: {  	_ =	swait.ge [sflag:s5], $0x1000  }
0x20: {  	[sflag:s5] =	ssyncset.done $0x0  }
0x21: {  	s11 =	stileid.u32;
	[sflag:s5] =	ssyncadd.s32 $0xFFFFF000  }
0x22: {  	s6 =	sshll.u32 s11, $0x6;
	[bflag:$0x0] =	sbarrier.arrive $0xFFFF  }
0x23: {  	s7 =	sshrl.u32 s10, $0x3;
	s6 =	sor.u32 $0x1C06, s6;
	s8 =	rddreg [dreg:$0x9]  }
0x24: {  	[hbm:s8], [sflag:s6] =	dma.local [spmem:s7], $0x1400  }
0x25: {  	_ =	swait.ge [sflag:s26], $0x1400  }
0x26: {  	s4 =	sadd.s32 $0x1, s4;
	s12 =	rddreg [dreg:$0xa]  }
0x27: {  	p1 =	sne.s32 s4, s12  }
.Ltmp1:
0x28: {  	_ = 	snop;
	(pc) =	sbr.rel @!p1 .LBB2_9-.Ltmp1, $3  }
0x29: {  	_ =	sdelay $0x1  }
0x2a: {  	[sflag:s26] =	ssyncset.done $0x0  }
0x2b: {  	[sflag:s26] =	ssyncadd.s32 $0xFFFFEC00  }
.LBB2_1:
0x2c: {  	s6 =	simm.s32 @p0 $0x1FC6;
	s7 =	rddreg [dreg:$0x6]  }
0x2d: {  	[spmem:s23], [sflag:s6] =	dma.local @p0 [hbm:s7], $0x1900  }
0x2e: {  	s6 =	simm.s32 @p0 $0x6  }
0x2f: {  	_ =	swait.ge @p0 [sflag:s6], $0x1900  }
0x30: {  	s7 =	sshll.u32 @!p0 s11, $0x6;
	[sflag:s6] =	ssyncset.done @p0 $0x0  }
0x31: {  	[sflag:s6] =	ssyncadd.s32 @p0 $0xFFFFE700;
	s6 =	sor.u32 @!p0 $0x1C06, s7;
	s7 =	rddreg [dreg:$0x5]  }
0x32: {  	[spmem:s24], [sflag:s6] =	dma.local @!p0 [hbm:s7], $0x2800  }
0x33: {  	s7 =	simm.s32 @!p0 $0x6  }
0x34: {  	_ =	swait.ge @!p0 [sflag:s7], $0x2800  }
0x35: {  	s6 =	simm.s32 @!p0 $0x0;
	[sflag:s7] =	ssyncset.done @!p0 $0x0  }
0x36: {  	s6 =	simm.s32 @p0 $0x0;
	[sflag:s7] =	ssyncadd.s32 @!p0 $0xFFFFD800  }
.LBB2_2:
0x37: {  	s7 =	sshra.s32 s6, $0x2  }
0x38: {  	[tilespmem:s7+$0x400] =	vst v1  }
0x39: {  	[tilespmem:s7+$0x410] =	vst v1  }
0x3a: {  	p1 =	seq.s32 s6, $0x3E00;
	[tilespmem:s7+$0x420] =	vst v1  }
.Ltmp2:
0x3b: {  	[tilespmem:s7+$0x430] =	vst v1;
	(pc) =	sbr.rel @!p1 .LBB2_2-.Ltmp2, $4  }
0x3c: {  	[tilespmem:s7+$0x440] =	vst v1  }
0x3d: {  	[tilespmem:s7+$0x450] =	vst v1  }
0x3e: {  	[tilespmem:s7+$0x460] =	vst v1  }
0x3f: {  	s6 =	sadd.s32 $0x200, s6;
	[tilespmem:s7+$0x470] =	vst v1  }
0x40: {  	[spmem:s10] =	stream.linear.scatter [tilespmem:s25], [sflag:$0x6], $0x1000, $0x38;
	[tilespmem:$0x1FC80] =	vst v63  }
0x41: {  	_ =	swait.ge [sflag:s26], $0x1000  }
0x42: {  	[sflag:s26] =	ssyncset.done $0x0  }
0x43: {  	s6 =	rddreg [dreg:$0xb];
	[sflag:s26] =	ssyncadd.s32 $0xFFFFF000  }
0x44: {  	[spmem:s6] =	stream.linear.scatter [tilespmem:s25], [sflag:$0x6], $0x1000, $0x38;
	[tilespmem:$0x1FC80] =	vst v63  }
0x45: {  	_ =	swait.ge [sflag:s26], $0x1000  }
0x46: {  	[sflag:s26] =	ssyncset.done $0x0  }
0x47: {  	[sflag:s26] =	ssyncadd.s32 $0xFFFFF000  }
0x48: {  	[spmem:s13] =	stream.linear.scatter [tilespmem:s25], [sflag:$0x6], $0x1000, $0x38;
	[tilespmem:$0x1FC80] =	vst v63  }
0x49: {  	_ =	swait.ge [sflag:s26], $0x1000  }
0x4a: {  	[sflag:s26] =	ssyncset.done $0x0  }
0x4b: {  	[sflag:s26] =	ssyncadd.s32 $0xFFFFF000  }
0x4c: {  	[spmem:s14] =	stream.linear.scatter [tilespmem:s25], [sflag:$0x6], $0x1000, $0x38;
	[tilespmem:$0x1FC80] =	vst v63  }
0x4d: {  	_ =	swait.ge [sflag:s26], $0x1000  }
0x4e: {  	[sflag:s26] =	ssyncset.done $0x0  }
0x4f: {  	[sflag:s26] =	ssyncadd.s32 $0xFFFFF000  }
0x50: {  	[spmem:s15] =	stream.linear.scatter [tilespmem:s25], [sflag:$0x6], $0x1000, $0x38;
	[tilespmem:$0x1FC80] =	vst v63  }
0x51: {  	_ =	swait.ge [sflag:s26], $0x1000  }
0x52: {  	[sflag:s26] =	ssyncset.done $0x0  }
0x53: {  	[sflag:s26] =	ssyncadd.s32 $0xFFFFF000  }
0x54: {  	[spmem:s16] =	stream.linear.scatter [tilespmem:s25], [sflag:$0x6], $0x1000, $0x38;
	[tilespmem:$0x1FC80] =	vst v63  }
0x55: {  	_ =	swait.ge [sflag:s26], $0x1000  }
0x56: {  	[sflag:s26] =	ssyncset.done $0x0  }
0x57: {  	[sflag:s26] =	ssyncadd.s32 $0xFFFFF000  }
0x58: {  	[spmem:s17] =	stream.linear.scatter [tilespmem:s25], [sflag:$0x6], $0x1000, $0x38;
	[tilespmem:$0x1FC80] =	vst v63  }
0x59: {  	_ =	swait.ge [sflag:s26], $0x1000  }
0x5a: {  	[sflag:s26] =	ssyncset.done $0x0  }
0x5b: {  	[sflag:s26] =	ssyncadd.s32 $0xFFFFF000  }
0x5c: {  	[spmem:s18] =	stream.linear.scatter [tilespmem:s25], [sflag:$0x6], $0x1000, $0x38;
	[tilespmem:$0x1FC80] =	vst v63  }
0x5d: {  	_ =	swait.ge [sflag:s26], $0x1000  }
0x5e: {  	[sflag:s26] =	ssyncset.done $0x0  }
0x5f: {  	[sflag:s26] =	ssyncadd.s32 $0xFFFFF000  }
0x60: {  	[spmem:s20] =	stream.linear.scatter [tilespmem:s25], [sflag:$0x6], $0x1000, $0x38;
	[tilespmem:$0x1FC80] =	vst v63  }
0x61: {  	_ =	swait.ge [sflag:s26], $0x1000  }
0x62: {  	[sflag:s26] =	ssyncset.done $0x0  }
0x63: {  	[sflag:s26] =	ssyncadd.s32 $0xFFFFF000  }
0x64: {  	[spmem:s21] =	stream.linear.scatter [tilespmem:s25], [sflag:$0x6], $0x1000, $0x38;
	[tilespmem:$0x1FC80] =	vst v63  }
0x65: {  	_ =	swait.ge [sflag:s26], $0x1000  }
0x66: {  	[sflag:s26] =	ssyncset.done $0x0  }
0x67: {  	s6 =	simm.s32 $0x0;
	s7 =	rddreg [dreg:$0x7];
	[sflag:s26] =	ssyncadd.s32 $0xFFFFF000  }
0x68: {  	[tilespmem:s6], [sflag:$0x6] =	stream.linear.gather [hbm4b:s7+s6], $0x100, $0x38;
	[tilespmem:$0x1FC80] =	vst v63  }
0x69: {  	_ =	swait.ge [sflag:s26], $0x100  }
0x6a: {  	[sflag:s26] =	ssyncset.done $0x0  }
0x6b: {  	s8 =	simm.s32 $0x200;
	s12 =	rddreg [dreg:$0x8];
	[sflag:s26] =	ssyncadd.s32 $0xFFFFFF00  }
0x6c: {  	[tilespmem:s8], [sflag:$0x6] =	stream.linear.gather [hbm4b:s12+s6], $0x100, $0x38;
	[tilespmem:$0x1FC80] =	vst v63  }
.Ltmp3:
0x6d: {  	_ =	swait.ge [sflag:s26], $0x100;
	(pc) =	sbr.rel .LBB2_4-.Ltmp3, $4  }
0x6e: {  	[sflag:s26] =	ssyncset.done $0x0  }
0x6f: {  	[sflag:s26] =	ssyncadd.s32 $0xFFFFFF00  }
0x70: {  	[bflag:$0x0] =	sbarrier.arrive $0xFFFF  }
0x71: {  	s7 =	simm.s32 $0x0  }
.LBB2_6:
0x72: {  	_ =	swait.ge [sflag:s3], $0x100  }
0x73: {  	[sflag:s3] =	ssyncset.done $0x0  }
0x74: {  	[sflag:s3] =	ssyncadd.s32 $0xFFFFFF00  }
0x75: {  	_ =	swait.ge [sflag:s3], $0x100  }
0x76: {  	[sflag:s3] =	ssyncset.done $0x0  }
0x77: {  	s8 =	simm.s32 @p1 $0x100;
	p1 =	por $0x0, $0x0;
	[sflag:s3] =	ssyncadd.s32 $0xFFFFFF00  }
.LBB2_7:
0x78: {  	v2 =	vld [tilespmem:s8+$0x200];
	_ =	sdelay $0x4  }
0x79: {  	vm0 =	vgt.s32 v2, $0x13EB  }
0x7a: {  	v2 =	vsel vm0, v0, v2  }
0x7b: {  	[tilespmem:s8+$0x200] =	vst v2;
	v2 =	vld [tilespmem:s8+$0x210];
	_ =	sdelay $0x4  }
0x7c: {  	vm13 =	vgt.s32 v2, $0x13EB  }
0x7d: {  	v2 =	vsel vm13, v0, v2  }
0x7e: {  	s9 =	sor.u32 $0x280, s8;
	[tilespmem:s8+$0x210] =	vst v2  }
0x7f: {  	v2 =	vld [tilespmem:s9+$0x0];
	_ =	sdelay $0x4  }
0x80: {  	vm14 =	vgt.s32 v2, $0x13EB  }
0x81: {  	v2 =	vsel vm14, v0, v2  }
0x82: {  	[tilespmem:s9+$0x0] =	vst v2  }
0x83: {  	v2 =	vld [tilespmem:s8+$0x290];
	_ =	sdelay $0x4  }
0x84: {  	vm15 =	vgt.s32 v2, $0x13EB  }
0x85: {  	v2 =	vsel vm15, v0, v2  }
0x86: {  	s11 =	simm.s32 @p1 $0x20;
	s12 =	simm.s32 @p1 $0x400;
	[tilespmem:s8+$0x290] =	vst v2  }
0x87: {  	[tilespmem:s12], [sflag:$0x1] =	stream.indirect.gather @p1 [spmem:s1], $0x80, s8, s11, $0xb8;
	[tilespmem:$0x1FC80] =	vst v63  }
0x88: {  	s11 =	simm.s32 @!p1 $0x3  }
0x89: {  	_ =	swait.ge @!p1 [sflag:s11], $0x1000  }
0x8a: {  	[sflag:s11] =	ssyncset.done @!p1 $0x0  }
0x8b: {  	s12 =	simm.s32 @!p1 $0x400;
	[sflag:s11] =	ssyncadd.s32 @!p1 $0xFFFFF000;
	s11 =	simm.s32 @!p1 $0x20  }
0x8c: {  	[tilespmem:s12], [sflag:$0x1] =	stream.indirect.gather @!p1 [spmem:s1], $0x80, s8, s11, $0xb8;
	[tilespmem:$0x1FC80] =	vst v63  }
0x8d: {  	s11 =	simm.s32 @!p1 $0x4  }
0x8e: {  	_ =	swait.ge @!p1 [sflag:s11], $0x1000  }
0x8f: {  	[sflag:s11] =	ssyncset.done @!p1 $0x0  }
0x90: {  	s12 =	sor.u32 $0x80, s8;
	[sflag:s11] =	ssyncadd.s32 @!p1 $0xFFFFF000  }
0x91: {  	[tilespmem:s30], [sflag:$0x2] =	stream.indirect.gather [spmem:s1], $0x80, s12, s29, $0xb8;
	[tilespmem:$0x1FC80] =	vst v63  }
0x92: {  	_ =	swait.ge [sflag:s31], $0x1000  }
0x93: {  	s6 =	sadd.s32 $0x20, s6;
	[sflag:s31] =	ssyncset.done $0x0  }
0x94: {  	p1 =	sne.s32 s6, $0x2800;
	s12 =	sor.u32 $0x200, s8;
	[sflag:s31] =	ssyncadd.s32 $0xFFFFF000  }
0x95: {  	[spmem:s2] =	stream.indirect.scatter.add.f32 [tilespmem:s25], [sflag:$0x3], $0x80, s12, s29, $0xb8;
	[tilespmem:$0x1FC80] =	vst v63  }
.Ltmp4:
0x96: {  	_ = 	snop;
	(pc) =	sbr.rel @!p1 .LBB2_8-.Ltmp4, $4  }
0x97: {  	_ =	swait.ge [sflag:s0], $0x1000  }
0x98: {  	[sflag:s0] =	ssyncset.done $0x0  }
0x99: {  	s7 =	sadd.s32 $0x100, s7;
	[sflag:s0] =	ssyncadd.s32 $0xFFFFF000  }
0x9a: {  	[spmem:s2] =	stream.indirect.scatter.add.f32 [tilespmem:s30], [sflag:$0x4], $0x80, s9, s29, $0xb8;
	[tilespmem:$0x1FC80] =	vst v63  }
.LBB2_4:
0x9b: {  	p1 =	seq.s32 s6, $0x27E0  }
0x9c: {  	p2 =	seq.s32 @!p1 s6, $0x0  }
0x9d: {  	p2 =	por p1, !p2  }
.Ltmp5:
0x9e: {  	s8 =	sand.u32 @!p1 $0x100, s7;
	(pc) =	sbr.rel @p2 .LBB2_6-.Ltmp5, $4  }
0x9f: {  	s11 =	sadd.s32 @!p1 s6, s22;
	s12 =	simm.s32 @!p1 $0x0;
	s9 =	sxor.u32 @!p1 $0x100, s8  }
0xa0: {  	[tilespmem:s9], [sflag:$0x5] =	stream.linear.gather @!p1 [hbm4b:s11+s12], $0x100, $0x38;
	[tilespmem:$0x1FC80] =	vst v63  }
0xa1: {  	s9 =	sor.u32 @!p1 $0x200, s9;
	s11 =	sadd.s32 @!p1 s6, s19  }
0xa2: {  	[tilespmem:s9], [sflag:$0x5] =	stream.linear.gather @!p1 [hbm4b:s11+s12], $0x100, $0x38;
	[tilespmem:$0x1FC80] =	vst v63  }
.Ltmp6:
0xa3: {  	(pc) =	sbr.rel .LBB2_7-.Ltmp6, $2  }
0xa4: {  	_ =	sdelay $0x2  }
0xa5: {  	p1 =	por @!p1 $0x1, $0x1  }
.LBB2_9:
0xa6: {  	_ =	sfence.sel $0x180000  }
0xa7: {  	[bflag:$0x0] =	sbarrier.arrive $0xFFFF  }
0xa8: {  	_ =	strace $0x90000053  }
0xa9: {  	[bflag:$0x2] =	sbarrier.arrive $0xFFFF  }
0xaa: {  	p0 =	sne.s32 s11, $0x0;
	s0 =	rddreg [dreg:$0x4]  }
0xab: {  	s0 =	sadd.s32 @!p0 $0x100000, s0  }
0xac: {  	[sflag:s0] =	ssyncadd.tile.s32 @!p0 $0x1;
	_ =	shalt  }
.Lfunc_end2:
_tile_overlayer_lowered:
.L_overlay_start_2:
0xad: {  	(tag) =	ssettag $0x2  }
0xae: {  	s0 =	rddreg [dreg:$0x0];
	s2 =	stileid.u32  }
0xaf: {  	s1 =	rddreg [dreg:$0x1];
	p0 =	sne.s32 s2, $0x0  }
0xb0: {  	s3 =	rddreg [dreg:$0x2];
	[bflag:$0x3] =	sbarrier.arrive $0xFFFF;
	s2 =	simm.s32 @!p0 $0x1C06  }
0xb1: {  	[timem:s3], [sflag:s2] =	dma.local @!p0 [hbm:s0], s1  }
0xb2: {  	s0 =	simm.s32 @!p0 $0x6  }
0xb3: {  	_ =	swait.ge @!p0 [sflag:s0], s1  }
0xb4: {  	s1 =	ssub.s32 @!p0 $0x0, s1;
	[sflag:s0] =	ssyncset.done @!p0 $0x0  }
0xb5: {  	[sflag:s0] =	ssyncadd.s32 @!p0 s1  }
0xb6: {  	[bflag:$0x3] =	sbarrier.arrive $0xFFFF  }
0xb7: {  	_ =	shalt  }

// kernel: kernel.28.cloned.1.call-start
scs
__scs_entry_jumppad:
0x0: {  	(pc) =	sbr.rel $0x88, $3  }
0x1: {  	(tag) =	ssettag $0x0;
	lr =	simm.s32 $0x1  }
0x2: {  	[smem:$0x3F8A] =	sst lr;
	_ =	strace $0xD0000000  }
0x3: {  	_ = 	snop  }
0x4: {  	_ = 	snop  }
0x5: {  	_ = 	snop  }
0x6: {  	_ = 	snop  }
0x7: {  	_ = 	snop  }
__scs_overlays_trampoline_lowered:
0x8: {  	[smem:$0x3F99] =	sst s0  }
0x9: {  	[smem:$0x3F9A] =	sst s1  }
0xa: {  	[smem:$0x3F9B] =	sst s2  }
0xb: {  	[smem:$0x3F9C] =	sst s3  }
0xc: {  	[smem:$0x3F9D] =	sst s4  }
0xd: {  	[smem:$0x3F9E] =	sst s5  }
0xe: {  	[smem:$0x3F9F] =	sst s6  }
0xf: {  	[smem:$0x3FA0] =	sst s7  }
0x10: {  	[smem:$0x3FA1] =	sst s8  }
0x11: {  	[smem:$0x3FA2] =	sst s9;
	s0 =	simm.s32 @!p0 $0x0  }
0x12: {  	s1 =	sld [smem:$0x3F88];
	s0 =	simm.s32 @p0 $0x1  }
0x13: {  	[smem:$0x3FA3] =	sst s0;
	s0 =	simm.s32 @!p1 $0x0  }
0x14: {  	s2 =	sld [smem:$0x3F87];
	s0 =	simm.s32 @p1 $0x1  }
0x15: {  	[smem:$0x3FA4] =	sst s0;
	s0 =	simm.s32 @!p2 $0x0  }
0x16: {  	s3 =	sld [smem:$0x3FDB];
	s0 =	simm.s32 @p2 $0x1  }
0x17: {  	s4 =	simm.s32 $0x1BF5;
	[smem:$0x3FA6] =	sst s0  }
0x18: {  	s0 =	sld [smem:$0x3F89];
	_ =	swait.ge [sflag:s4], $0x0  }
0x19: {  	s7 =	sld [smem:$0x3F8A]  }
0x1a: {  	s8 =	sadd.s32 $0xFFFFE003, lr  }
0x1b: {  	s9 =	sadd.s32 $0xFFFFFEF7, lr;
	s5 =	simm.s32 $0xFFFFFFFF;
	p2 =	slt.u32 s8, $0xFFFFF086  }
0x1c: {  	p1 =	slt.u32 s9, $0xF7A;
	s5 =	simm.s32 @!p2 $0x0  }
0x1d: {  	s5 =	simm.s32 @p1 $0x1;
	p0 =	seq.s32 s7, s2  }
0x1e: {  	s7 =	smul.u32 @!p0 $0xF7A, s2;
	p2 =	seq.s32 @!p0 s5, $0x0  }
0x1f: {  	s9 =	smul.u32 $0xF7A, s1;
	s8 =	simm.s32 @!p0 $0x1BF5;
	p2 =	por !p2, p0  }
0x20: {  	[sflag:s8] =	ssyncset.s32 @!p0 $0xFFFFF086;
	s6 =	sadd.s32 @!p0 s3, s7;
	s7 =	simm.s32 @!p0 $0x108  }
0x21: {  	s3 =	sadd.s32 s3, s9;
	s6 =	sadd.s32 @!p0 $0x88, s6;
	s7 =	simm.s32 @p2 $0x1082  }
0x22: {  	[simem:s7], [sflag:s8] =	dma.local @!p0 [hbm:s6], $0xF7A  }
0x23: {  	s9 =	sor.u32 $0xD0000000, s2;
	s6 =	simm.s32 $0x108;
	_ =	swait.ge @!p0 [sflag:s8], $0x0  }
0x24: {  	s3 =	sadd.s32 $0x88, s3;
	s6 =	simm.s32 @!p1 $0x1082;
	[sflag:s4] =	ssyncset.s32 $0xFFFFF086  }
0x25: {  	[simem:s6], [sflag:s4] =	dma.local [hbm:s3], $0xF7A  }
0x26: {  	[smem:$0x3F8A] =	sst s1;
	(tag) =	ssettag s2;
	_ =	strace s9  }
0x27: {  	s1 =	sld [smem:$0x3F9A]  }
0x28: {  	s2 =	sld [smem:$0x3F9B]  }
0x29: {  	s4 =	sld [smem:$0x3F9D]  }
0x2a: {  	p0 =	seq.s32 s5, $0x0;
	s5 =	sld [smem:$0x3F9E]  }
0x2b: {  	s6 =	sld [smem:$0x3F9F]  }
0x2c: {  	s7 =	sld [smem:$0x3FA0]  }
0x2d: {  	s3 =	simm.s32 $0x108;
	s8 =	sld [smem:$0x3FA1]  }
0x2e: {  	s3 =	simm.s32 @!p0 $0x1082;
	s9 =	sld [smem:$0x3FA2]  }
0x2f: {  	lr =	sadd.s32 s0, s3;
	s0 =	sld [smem:$0x3F99]  }
0x30: {  	s3 =	sld [smem:$0x3F9C]  }
0x31: {  	[smem:$0x3FA5] =	sst s10  }
0x32: {  	s10 =	sld [smem:$0x3FA3];
	_ =	sdelay $0x3  }
0x33: {  	p0 =	seq.s32 s10, $0x1;
	s10 =	sld [smem:$0x3FA5];
	_ =	sdelay $0x3  }
0x34: {  	[smem:$0x3FA5] =	sst s10  }
0x35: {  	s10 =	sld [smem:$0x3FA4];
	_ =	sdelay $0x3  }
0x36: {  	p1 =	seq.s32 s10, $0x1;
	s10 =	sld [smem:$0x3FA5];
	_ =	sdelay $0x3  }
0x37: {  	[smem:$0x3FA5] =	sst s10  }
0x38: {  	s10 =	sld [smem:$0x3FA6]  }
0x39: {  	_ = 	snop;
	(pc) =	sbr.ind lr, $3  }
0x3a: {  	_ = 	snop  }
0x3b: {  	_ = 	snop  }
0x3c: {  	p2 =	seq.s32 s10, $0x1;
	s10 =	sld [smem:$0x3FA5]  }
0x3d: {  	_ =	shalt  }
0x3e: {  	_ =	shalt  }
0x3f: {  	_ =	shalt  }
0x40: {  	_ =	shalt  }
0x41: {  	_ =	shalt  }
0x42: {  	_ =	shalt  }
0x43: {  	_ =	shalt  }
0x44: {  	_ =	shalt  }
0x45: {  	_ =	shalt  }
0x46: {  	_ =	shalt  }
0x47: {  	_ =	shalt  }
0x48: {  	_ =	shalt  }
0x49: {  	_ =	shalt  }
0x4a: {  	_ =	shalt  }
0x4b: {  	_ =	shalt  }
0x4c: {  	_ =	shalt  }
0x4d: {  	_ =	shalt  }
0x4e: {  	_ =	shalt  }
0x4f: {  	_ =	shalt  }
0x50: {  	_ =	shalt  }
0x51: {  	_ =	shalt  }
0x52: {  	_ =	shalt  }
0x53: {  	_ =	shalt  }
0x54: {  	_ =	shalt  }
0x55: {  	_ =	shalt  }
0x56: {  	_ =	shalt  }
0x57: {  	_ =	shalt  }
0x58: {  	_ =	shalt  }
0x59: {  	_ =	shalt  }
0x5a: {  	_ =	shalt  }
0x5b: {  	_ =	shalt  }
0x5c: {  	_ =	shalt  }
0x5d: {  	_ =	shalt  }
0x5e: {  	_ =	shalt  }
0x5f: {  	_ =	shalt  }
0x60: {  	_ =	shalt  }
0x61: {  	_ =	shalt  }
0x62: {  	_ =	shalt  }
0x63: {  	_ =	shalt  }
0x64: {  	_ =	shalt  }
0x65: {  	_ =	shalt  }
0x66: {  	_ =	shalt  }
0x67: {  	_ =	shalt  }
0x68: {  	_ =	shalt  }
0x69: {  	_ =	shalt  }
0x6a: {  	_ =	shalt  }
0x6b: {  	_ =	shalt  }
0x6c: {  	_ =	shalt  }
0x6d: {  	_ =	shalt  }
0x6e: {  	_ =	shalt  }
0x6f: {  	_ =	shalt  }
0x70: {  	_ =	shalt  }
0x71: {  	_ =	shalt  }
0x72: {  	_ =	shalt  }
0x73: {  	_ =	shalt  }
0x74: {  	_ =	shalt  }
0x75: {  	_ =	shalt  }
0x76: {  	_ =	shalt  }
0x77: {  	_ =	shalt  }
0x78: {  	_ =	shalt  }
0x79: {  	_ =	shalt  }
0x7a: {  	_ =	shalt  }
0x7b: {  	_ =	shalt  }
0x7c: {  	_ =	shalt  }
0x7d: {  	_ =	shalt  }
0x7e: {  	_ =	shalt  }
0x7f: {  	_ =	shalt  }
0x80: {  	_ =	shalt  }
0x81: {  	_ =	shalt  }
0x82: {  	_ =	shalt  }
0x83: {  	_ =	shalt  }
0x84: {  	_ =	shalt  }
0x85: {  	_ =	shalt  }
0x86: {  	_ =	shalt  }
0x87: {  	_ =	shalt  }
.Lfunc_end0:
.L_simem_size_0:
called_computation.5_lowered:
.L_overlay_start_0:
0x88: {  	s2 =	sld [smem:$0x3FD9]  }
0x89: {  	s3 =	sld [smem:$0x3FFE];
	_ =	sdelay $0x1  }
0x8a: {  	s1 =	srdreg.scid  }
0x8b: {  	s0 =	sand.u32 $0x1, s1  }
0x8c: {  	s17 =	sshll.u32 s0, $0xA;
	s2 =	sadd.s32 s3, s2  }
0x8d: {  	s2 =	sadd.s32 s2, s17  }
0x8e: {  	[smem:$0x3FB1] =	sst s2  }
0x8f: {  	_ = 	snop  }
0x90: {  	s2 =	sld [smem:$0x3FD0];
	(tm) =	ssettm $0x1  }
0x91: {  	s18 =	sld [smem:$0x3FFB];
	_ =	sdelay $0x3  }
0x92: {  	_ =	strace s18  }
0x93: {  	s3 =	sld [smem:$0x3FFC];
	_ =	sdelay $0x3  }
0x94: {  	_ =	strace s3  }
0x95: {  	s3 =	sld [smem:$0x3FFD];
	_ =	sdelay $0x3  }
0x96: {  	_ =	strace s3  }
0x97: {  	_ =	strace $0x8FFFFFFF  }
0x98: {  	s19 =	sld [smem:$0x3FDB];
	_ =	sdelay $0x1  }
0x99: {  	s4 =	simm.s32 $_scs_section_size  }
0x9a: {  	s5 =	simm.s32 $_size__tile_overlayer_lowered;
	s6 =	simm.s32 $_tile_overlayer_lowered  }
0x9b: {  	s22 =	simm.s32 $0x1BFF;
	s21 =	sshll.u32 s6, $0x1;
	s3 =	sadd.s32 s4, s19  }
0x9c: {  	s7 =	simm.s32 $0x0;
	s20 =	sshll.u32 s5, $0x1;
	s5 =	sadd.s32 s21, s3  }
0x9d: {  	[timem:s7], [sflag:s22] =	dma.local [hbm:s5], s20  }
0x9e: {  	_ =	swait.ge [sflag:s22], s20  }
0x9f: {  	s4 =	ssub.s32 $0x0, s20;
	[sflag:s22] =	ssyncset.done $0x0  }
0xa0: {  	[sflag:s22] =	ssyncadd.s32 s4;
	_ =	sdelay $0x1  }
0xa1: {  	s23 =	simm.s32 $0x1B8B  }
0xa2: {  	_ =	swait.ge [sflag:s23], $0x1  }
0xa3: {  	[sflag:s23] =	ssyncset.done $0x0  }
0xa4: {  	s25 =	simm.s32 $0x1B8E;
	s24 =	sld [smem:$0x3FFE];
	[sflag:s23] =	ssyncadd.s32 $0xFFFFFFFF  }
0xa5: {  	s26 =	simm.s32 $execute0_lowered;
	[smem:$0x3FD2] =	sst s25  }
0xa6: {  	s5 =	sshll.u32 s26, $0x1;
	_ =	strace $0x80000055;
	[dreg:$0x1] =	wrdreg $0xFFFFFFFF  }
0xa7: {  	s28 =	simm.s32 $_size_execute0_lowered;
	s3 =	sadd.s32 s3, s5;
	[dreg:$0x0] =	wrdreg $0x0  }
0xa8: {  	s5 =	sshll.u32 s28, $0x1;
	[dreg:$0x2] =	wrdreg s3  }
0xa9: {  	[dreg:$0x3] =	wrdreg s5  }
0xaa: {  	[dreg:$0x4] =	wrdreg $0xC0  }
0xab: {  	_ =	task [dreg:s7], $0x5FFFF  }
0xac: {  	[dreg:$0x1] =	wrdreg $0xFFFFFFFF  }
0xad: {  	[dreg:$0x0] =	wrdreg $0x60  }
0xae: {  	[dreg:$0x2] =	wrdreg s2  }
0xaf: {  	[dreg:$0x3] =	wrdreg s24  }
0xb0: {  	[dreg:$0x4] =	wrdreg $0x24000  }
0xb1: {  	[dreg:$0x5] =	wrdreg $0x15C800  }
0xb2: {  	[dreg:$0x6] =	wrdreg $0x9  }
0xb3: {  	_ =	task.clear_ibuf [dreg:s7], $0x7FFFF;
	_ =	strace $0x90000055  }
0xb4: {  	s29 =	simm.s32 $0x9;
	_ =	strace $0x80000057  }
0xb5: {  	_ =	swait.ge [sflag:s29], $0x1  }
0xb6: {  	[sflag:s29] =	ssyncadd.s32 $0xFFFFFFFF  }
0xb7: {  	_ =	strace $0x90000057  }
0xb8: {  	_ =	sfence  }
0xb9: {  	s30 =	sld [smem:$0x0];
	_ =	sdelay $0x2  }
0xba: {  	s31 =	sshll.u32 s1, $0xD;
	s1 =	sshrl.u32 s1, $0x2  }
0xbb: {  	s3 =	sand.u32 $0x4000, s31;
	s1 =	sadd.s32 s1, s30  }
0xbc: {  	s0 =	sor.u32 s3, s0;
	s1 =	sshll.u32 s1, $0x11  }
0xbd: {  	s0 =	sor.u32 s1, s0  }
0xbe: {  	s0 =	sadd.s32 $0x8F2B, s0  }
0xbf: {  	[sflag:s0] =	ssyncadd.remote.s32 $0x1  }
0xc0: {  	_ =	sfence.sel $0xFFFF  }
0xc1: {  	[dreg:$0x0] =	wrdreg $0xFFFFFFFF;
	(pc) =	sbr.abs _section_cstart, $3  }
0xc2: {  	[dreg:$0x1] =	wrdreg $0xFFFFFFFF  }
0xc3: {  	_ =	task.clear_ibuf [dreg:s7], $0x2FFFF;
	_ =	strace $0x9FFFFFFF  }
0xc4: {  	(tm) =	ssettm $0x7FFFFFFF  }
0xc5: {  	_ =	shalt  }
tec
execute0_lowered:
.L_overlay_start_1:
0x0: {  	(tag) =	ssettag $0x1  }
0x1: {  	s0 =	rddreg [dreg:$0x0]  }
0x2: {  	s3 =	rddreg [dreg:$0x1]  }
0x3: {  	s1 =	rddreg [dreg:$0x2]  }
0x4: {  	s2 =	rddreg [dreg:$0x3];
	s11 =	stileid.u32  }
0x5: {  	s4 =	srdreg.scid;
	s29 =	simm.s32 $0x20;
	s7 =	smul.u32 $0xA000, s11  }
0x6: {  	s30 =	simm.s32 $0x1400;
	s31 =	simm.s32 $0x1;
	s12 =	smul.u32 $0x50000, s11  }
0x7: {  	s5 =	sand.u32 $0x1, s4;
	s4 =	simm.s32 $0x0;
	s21 =	smul.u32 $0x2800, s11  }
0x8: {  	s8 =	sadd.s32 $0x35400, s3;
	s19 =	sadd.s32 $0x5D400, s3;
	s10 =	smul.u32 $0x14000, s11  }
0x9: {  	s23 =	sadd.s32 $0x12C000, s1;
	s16 =	smul.u32 $0x28000, s11;
	s28 =	sadd.s32 $0x13EC, s11  }
0xa: {  	p0 =	seq.s32 s11, $0xF;
	s6 =	smul.u32 $0xA0000, s5;
	[smem:$0x7FF] =	sst s4  }
0xb: {  	s9 =	ssub.s32 $0x2, s5;
	s5 =	smul.u32 $0x140000, s5;
	s23 =	sshrl.u32 @p0 s23, $0x3  }
0xc: {  	v0 =	vmov s28;
	s28 =	simm.s32 $0x3;
	_ =	strace $0x80000056;
	s13 =	sshrl.u32 s9, $0x1  }
0xd: {  	s14 =	sadd.s32 s0, s21;
	s15 =	sshrl.u32 s10, $0x3;
	s0 =	sadd.s32 $0x25800, s0  }
0xe: {  	s20 =	sshrl.u32 s16, $0x2;
	s26 =	sadd.s32 s21, s8;
	s6 =	sadd.s32 s7, s6  }
0xf: {  	s7 =	sshrl.u32 s12, $0x2;
	[dreg:$0x5] =	wrdreg s14;
	s5 =	sadd.s32 s10, s5  }
0x10: {  	[dreg:$0x6] =	wrdreg s0;
	s17 =	sadd.s32 s8, s15;
	s10 =	sadd.s32 s20, s2  }
0x11: {  	s6 =	sshrl.u32 s6, $0x3;
	s7 =	sadd.s32 s7, s1;
	[dreg:$0x7] =	wrdreg s17  }
0x12: {  	s18 =	sshrl.u32 s5, $0x3;
	s24 =	sadd.s32 $0x1000, s10;
	s14 =	sadd.s32 $0x3000, s10  }
0x13: {  	s15 =	sadd.s32 $0x4000, s10;
	s16 =	sadd.s32 $0x5000, s10;
	s25 =	sor.u32 $0x100, s5  }
0x14: {  	s17 =	sadd.s32 $0x6000, s10;
	s20 =	sadd.s32 $0x8000, s10;
	s21 =	sadd.s32 $0x9000, s10  }
0x15: {  	s5 =	simm.s32 $0x4;
	s3 =	sadd.s32 s6, s3;
	s6 =	ssub.s32 s9, s13  }
0x16: {  	s0 =	sadd.s32 s19, s18;
	[dreg:$0xb] =	wrdreg s24;
	s13 =	sadd.s32 $0x2000, s10  }
.Ltmp0:
0x17: {  	s18 =	sadd.s32 $0x7000, s10;
	s24 =	sshrl.u32 @!p0 s7, $0x3;
	(pc) =	sbr.rel .LBB2_1-.Ltmp0, $4  }
0x18: {  	[dreg:$0x8] =	wrdreg s0;
	s3 =	sadd.s32 $0x5400, s3;
	s22 =	smax.u32 s6, $0x1  }
0x19: {  	s0 =	sshrl.u32 s25, $0x3;
	s25 =	simm.s32 $0x400;
	[dreg:$0x9] =	wrdreg s3  }
0x1a: {  	[dreg:$0xa] =	wrdreg s22;
	s19 =	sadd.s32 s0, s19;
	s22 =	sadd.s32 $0x20, s26  }
0x1b: {  	v1 =	vimm.f32 $0.0e+00;
	s26 =	simm.s32 $0x6;
	s0 =	simm.s32 $0x2;
	s3 =	simm.s32 $0x5  }
.LBB2_8:
0x1c: {  	_ =	swait.ge [sflag:s28], $0x1000  }
0x1d: {  	[sflag:s28] =	ssyncset.done $0x0  }
0x1e: {  	[sflag:s28] =	ssyncadd.s32 $0xFFFFF000  }
0x1f: {  	_ =	swait.ge [sflag:s5], $0x1000  }
0x20: {  	[sflag:s5] =	ssyncset.done $0x0  }
0x21: {  	s11 =	stileid.u32;
	[sflag:s5] =	ssyncadd.s32 $0xFFFFF000  }
0x22: {  	s6 =	sshll.u32 s11, $0x6;
	[bflag:$0x0] =	sbarrier.arrive $0xFFFF  }
0x23: {  	s7 =	sshrl.u32 s10, $0x3;
	s6 =	sor.u32 $0x1C06, s6;
	s8 =	rddreg [dreg:$0x9]  }
0x24: {  	[hbm:s8], [sflag:s6] =	dma.local [spmem:s7], $0x1400  }
0x25: {  	_ =	swait.ge [sflag:s26], $0x1400  }
0x26: {  	s4 =	sadd.s32 $0x1, s4;
	s12 =	rddreg [dreg:$0xa]  }
0x27: {  	p1 =	sne.s32 s4, s12  }
.Ltmp1:
0x28: {  	_ = 	snop;
	(pc) =	sbr.rel @!p1 .LBB2_9-.Ltmp1, $3  }
0x29: {  	_ =	sdelay $0x1  }
0x2a: {  	[sflag:s26] =	ssyncset.done $0x0  }
0x2b: {  	[sflag:s26] =	ssyncadd.s32 $0xFFFFEC00  }
.LBB2_1:
0x2c: {  	s6 =	simm.s32 @p0 $0x1FC6;
	s7 =	rddreg [dreg:$0x6]  }
0x2d: {  	[spmem:s23], [sflag:s6] =	dma.local @p0 [hbm:s7], $0x1900  }
0x2e: {  	s6 =	simm.s32 @p0 $0x6  }
0x2f: {  	_ =	swait.ge @p0 [sflag:s6], $0x1900  }
0x30: {  	s7 =	sshll.u32 @!p0 s11, $0x6;
	[sflag:s6] =	ssyncset.done @p0 $0x0  }
0x31: {  	[sflag:s6] =	ssyncadd.s32 @p0 $0xFFFFE700;
	s6 =	sor.u32 @!p0 $0x1C06, s7;
	s7 =	rddreg [dreg:$0x5]  }
0x32: {  	[spmem:s24], [sflag:s6] =	dma.local @!p0 [hbm:s7], $0x2800  }
0x33: {  	s7 =	simm.s32 @!p0 $0x6  }
0x34: {  	_ =	swait.ge @!p0 [sflag:s7], $0x2800  }
0x35: {  	s6 =	simm.s32 @!p0 $0x0;
	[sflag:s7] =	ssyncset.done @!p0 $0x0  }
0x36: {  	s6 =	simm.s32 @p0 $0x0;
	[sflag:s7] =	ssyncadd.s32 @!p0 $0xFFFFD800  }
.LBB2_2:
0x37: {  	s7 =	sshra.s32 s6, $0x2  }
0x38: {  	[tilespmem:s7+$0x400] =	vst v1  }
0x39: {  	[tilespmem:s7+$0x410] =	vst v1  }
0x3a: {  	p1 =	seq.s32 s6, $0x3E00;
	[tilespmem:s7+$0x420] =	vst v1  }
.Ltmp2:
0x3b: {  	[tilespmem:s7+$0x430] =	vst v1;
	(pc) =	sbr.rel @!p1 .LBB2_2-.Ltmp2, $4  }
0x3c: {  	[tilespmem:s7+$0x440] =	vst v1  }
0x3d: {  	[tilespmem:s7+$0x450] =	vst v1  }
0x3e: {  	[tilespmem:s7+$0x460] =	vst v1  }
0x3f: {  	s6 =	sadd.s32 $0x200, s6;
	[tilespmem:s7+$0x470] =	vst v1  }
0x40: {  	[spmem:s10] =	stream.linear.scatter [tilespmem:s25], [sflag:$0x6], $0x1000, $0x38;
	[tilespmem:$0x1FC80] =	vst v63  }
0x41: {  	_ =	swait.ge [sflag:s26], $0x1000  }
0x42: {  	[sflag:s26] =	ssyncset.done $0x0  }
0x43: {  	s6 =	rddreg [dreg:$0xb];
	[sflag:s26] =	ssyncadd.s32 $0xFFFFF000  }
0x44: {  	[spmem:s6] =	stream.linear.scatter [tilespmem:s25], [sflag:$0x6], $0x1000, $0x38;
	[tilespmem:$0x1FC80] =	vst v63  }
0x45: {  	_ =	swait.ge [sflag:s26], $0x1000  }
0x46: {  	[sflag:s26] =	ssyncset.done $0x0  }
0x47: {  	[sflag:s26] =	ssyncadd.s32 $0xFFFFF000  }
0x48: {  	[spmem:s13] =	stream.linear.scatter [tilespmem:s25], [sflag:$0x6], $0x1000, $0x38;
	[tilespmem:$0x1FC80] =	vst v63  }
0x49: {  	_ =	swait.ge [sflag:s26], $0x1000  }
0x4a: {  	[sflag:s26] =	ssyncset.done $0x0  }
0x4b: {  	[sflag:s26] =	ssyncadd.s32 $0xFFFFF000  }
0x4c: {  	[spmem:s14] =	stream.linear.scatter [tilespmem:s25], [sflag:$0x6], $0x1000, $0x38;
	[tilespmem:$0x1FC80] =	vst v63  }
0x4d: {  	_ =	swait.ge [sflag:s26], $0x1000  }
0x4e: {  	[sflag:s26] =	ssyncset.done $0x0  }
0x4f: {  	[sflag:s26] =	ssyncadd.s32 $0xFFFFF000  }
0x50: {  	[spmem:s15] =	stream.linear.scatter [tilespmem:s25], [sflag:$0x6], $0x1000, $0x38;
	[tilespmem:$0x1FC80] =	vst v63  }
0x51: {  	_ =	swait.ge [sflag:s26], $0x1000  }
0x52: {  	[sflag:s26] =	ssyncset.done $0x0  }
0x53: {  	[sflag:s26] =	ssyncadd.s32 $0xFFFFF000  }
0x54: {  	[spmem:s16] =	stream.linear.scatter [tilespmem:s25], [sflag:$0x6], $0x1000, $0x38;
	[tilespmem:$0x1FC80] =	vst v63  }
0x55: {  	_ =	swait.ge [sflag:s26], $0x1000  }
0x56: {  	[sflag:s26] =	ssyncset.done $0x0  }
0x57: {  	[sflag:s26] =	ssyncadd.s32 $0xFFFFF000  }
0x58: {  	[spmem:s17] =	stream.linear.scatter [tilespmem:s25], [sflag:$0x6], $0x1000, $0x38;
	[tilespmem:$0x1FC80] =	vst v63  }
0x59: {  	_ =	swait.ge [sflag:s26], $0x1000  }
0x5a: {  	[sflag:s26] =	ssyncset.done $0x0  }
0x5b: {  	[sflag:s26] =	ssyncadd.s32 $0xFFFFF000  }
0x5c: {  	[spmem:s18] =	stream.linear.scatter [tilespmem:s25], [sflag:$0x6], $0x1000, $0x38;
	[tilespmem:$0x1FC80] =	vst v63  }
0x5d: {  	_ =	swait.ge [sflag:s26], $0x1000  }
0x5e: {  	[sflag:s26] =	ssyncset.done $0x0  }
0x5f: {  	[sflag:s26] =	ssyncadd.s32 $0xFFFFF000  }
0x60: {  	[spmem:s20] =	stream.linear.scatter [tilespmem:s25], [sflag:$0x6], $0x1000, $0x38;
	[tilespmem:$0x1FC80] =	vst v63  }
0x61: {  	_ =	swait.ge [sflag:s26], $0x1000  }
0x62: {  	[sflag:s26] =	ssyncset.done $0x0  }
0x63: {  	[sflag:s26] =	ssyncadd.s32 $0xFFFFF000  }
0x64: {  	[spmem:s21] =	stream.linear.scatter [tilespmem:s25], [sflag:$0x6], $0x1000, $0x38;
	[tilespmem:$0x1FC80] =	vst v63  }
0x65: {  	_ =	swait.ge [sflag:s26], $0x1000  }
0x66: {  	[sflag:s26] =	ssyncset.done $0x0  }
0x67: {  	s6 =	simm.s32 $0x0;
	s7 =	rddreg [dreg:$0x7];
	[sflag:s26] =	ssyncadd.s32 $0xFFFFF000  }
0x68: {  	[tilespmem:s6], [sflag:$0x6] =	stream.linear.gather [hbm4b:s7+s6], $0x100, $0x38;
	[tilespmem:$0x1FC80] =	vst v63  }
0x69: {  	_ =	swait.ge [sflag:s26], $0x100  }
0x6a: {  	[sflag:s26] =	ssyncset.done $0x0  }
0x6b: {  	s8 =	simm.s32 $0x200;
	s12 =	rddreg [dreg:$0x8];
	[sflag:s26] =	ssyncadd.s32 $0xFFFFFF00  }
0x6c: {  	[tilespmem:s8], [sflag:$0x6] =	stream.linear.gather [hbm4b:s12+s6], $0x100, $0x38;
	[tilespmem:$0x1FC80] =	vst v63  }
.Ltmp3:
0x6d: {  	_ =	swait.ge [sflag:s26], $0x100;
	(pc) =	sbr.rel .LBB2_4-.Ltmp3, $4  }
0x6e: {  	[sflag:s26] =	ssyncset.done $0x0  }
0x6f: {  	[sflag:s26] =	ssyncadd.s32 $0xFFFFFF00  }
0x70: {  	[bflag:$0x0] =	sbarrier.arrive $0xFFFF  }
0x71: {  	s7 =	simm.s32 $0x0  }
.LBB2_6:
0x72: {  	_ =	swait.ge [sflag:s3], $0x100  }
0x73: {  	[sflag:s3] =	ssyncset.done $0x0  }
0x74: {  	[sflag:s3] =	ssyncadd.s32 $0xFFFFFF00  }
0x75: {  	_ =	swait.ge [sflag:s3], $0x100  }
0x76: {  	[sflag:s3] =	ssyncset.done $0x0  }
0x77: {  	s8 =	simm.s32 @p1 $0x100;
	p1 =	por $0x0, $0x0;
	[sflag:s3] =	ssyncadd.s32 $0xFFFFFF00  }
.LBB2_7:
0x78: {  	v2 =	vld [tilespmem:s8+$0x200];
	_ =	sdelay $0x4  }
0x79: {  	vm0 =	vgt.s32 v2, $0x13EB  }
0x7a: {  	v2 =	vsel vm0, v0, v2  }
0x7b: {  	[tilespmem:s8+$0x200] =	vst v2;
	v2 =	vld [tilespmem:s8+$0x210];
	_ =	sdelay $0x4  }
0x7c: {  	vm13 =	vgt.s32 v2, $0x13EB  }
0x7d: {  	v2 =	vsel vm13, v0, v2  }
0x7e: {  	s9 =	sor.u32 $0x280, s8;
	[tilespmem:s8+$0x210] =	vst v2  }
0x7f: {  	v2 =	vld [tilespmem:s9+$0x0];
	_ =	sdelay $0x4  }
0x80: {  	vm14 =	vgt.s32 v2, $0x13EB  }
0x81: {  	v2 =	vsel vm14, v0, v2  }
0x82: {  	[tilespmem:s9+$0x0] =	vst v2  }
0x83: {  	v2 =	vld [tilespmem:s8+$0x290];
	_ =	sdelay $0x4  }
0x84: {  	vm15 =	vgt.s32 v2, $0x13EB  }
0x85: {  	v2 =	vsel vm15, v0, v2  }
0x86: {  	s11 =	simm.s32 @p1 $0x20;
	s12 =	simm.s32 @p1 $0x400;
	[tilespmem:s8+$0x290] =	vst v2  }
0x87: {  	[tilespmem:s12], [sflag:$0x1] =	stream.indirect.gather @p1 [spmem:s1], $0x80, s8, s11, $0xb8;
	[tilespmem:$0x1FC80] =	vst v63  }
0x88: {  	s11 =	simm.s32 @!p1 $0x3  }
0x89: {  	_ =	swait.ge @!p1 [sflag:s11], $0x1000  }
0x8a: {  	[sflag:s11] =	ssyncset.done @!p1 $0x0  }
0x8b: {  	s12 =	simm.s32 @!p1 $0x400;
	[sflag:s11] =	ssyncadd.s32 @!p1 $0xFFFFF000;
	s11 =	simm.s32 @!p1 $0x20  }
0x8c: {  	[tilespmem:s12], [sflag:$0x1] =	stream.indirect.gather @!p1 [spmem:s1], $0x80, s8, s11, $0xb8;
	[tilespmem:$0x1FC80] =	vst v63  }
0x8d: {  	s11 =	simm.s32 @!p1 $0x4  }
0x8e: {  	_ =	swait.ge @!p1 [sflag:s11], $0x1000  }
0x8f: {  	[sflag:s11] =	ssyncset.done @!p1 $0x0  }
0x90: {  	s12 =	sor.u32 $0x80, s8;
	[sflag:s11] =	ssyncadd.s32 @!p1 $0xFFFFF000  }
0x91: {  	[tilespmem:s30], [sflag:$0x2] =	stream.indirect.gather [spmem:s1], $0x80, s12, s29, $0xb8;
	[tilespmem:$0x1FC80] =	vst v63  }
0x92: {  	_ =	swait.ge [sflag:s31], $0x1000  }
0x93: {  	s6 =	sadd.s32 $0x20, s6;
	[sflag:s31] =	ssyncset.done $0x0  }
0x94: {  	p1 =	sne.s32 s6, $0x2800;
	s12 =	sor.u32 $0x200, s8;
	[sflag:s31] =	ssyncadd.s32 $0xFFFFF000  }
0x95: {  	[spmem:s2] =	stream.indirect.scatter.add.f32 [tilespmem:s25], [sflag:$0x3], $0x80, s12, s29, $0xb8;
	[tilespmem:$0x1FC80] =	vst v63  }
.Ltmp4:
0x96: {  	_ = 	snop;
	(pc) =	sbr.rel @!p1 .LBB2_8-.Ltmp4, $4  }
0x97: {  	_ =	swait.ge [sflag:s0], $0x1000  }
0x98: {  	[sflag:s0] =	ssyncset.done $0x0  }
0x99: {  	s7 =	sadd.s32 $0x100, s7;
	[sflag:s0] =	ssyncadd.s32 $0xFFFFF000  }
0x9a: {  	[spmem:s2] =	stream.indirect.scatter.add.f32 [tilespmem:s30], [sflag:$0x4], $0x80, s9, s29, $0xb8;
	[tilespmem:$0x1FC80] =	vst v63  }
.LBB2_4:
0x9b: {  	p1 =	seq.s32 s6, $0x27E0  }
0x9c: {  	p2 =	seq.s32 @!p1 s6, $0x0  }
0x9d: {  	p2 =	por p1, !p2  }
.Ltmp5:
0x9e: {  	s8 =	sand.u32 @!p1 $0x100, s7;
	(pc) =	sbr.rel @p2 .LBB2_6-.Ltmp5, $4  }
0x9f: {  	s11 =	sadd.s32 @!p1 s6, s22;
	s12 =	simm.s32 @!p1 $0x0;
	s9 =	sxor.u32 @!p1 $0x100, s8  }
0xa0: {  	[tilespmem:s9], [sflag:$0x5] =	stream.linear.gather @!p1 [hbm4b:s11+s12], $0x100, $0x38;
	[tilespmem:$0x1FC80] =	vst v63  }
0xa1: {  	s9 =	sor.u32 @!p1 $0x200, s9;
	s11 =	sadd.s32 @!p1 s6, s19  }
0xa2: {  	[tilespmem:s9], [sflag:$0x5] =	stream.linear.gather @!p1 [hbm4b:s11+s12], $0x100, $0x38;
	[tilespmem:$0x1FC80] =	vst v63  }
.Ltmp6:
0xa3: {  	(pc) =	sbr.rel .LBB2_7-.Ltmp6, $2  }
0xa4: {  	_ =	sdelay $0x2  }
0xa5: {  	p1 =	por @!p1 $0x1, $0x1  }
.LBB2_9:
0xa6: {  	_ =	sfence.sel $0x180000  }
0xa7: {  	[bflag:$0x0] =	sbarrier.arrive $0xFFFF  }
0xa8: {  	_ =	strace $0x90000056  }
0xa9: {  	[bflag:$0x2] =	sbarrier.arrive $0xFFFF  }
0xaa: {  	p0 =	sne.s32 s11, $0x0;
	s0 =	rddreg [dreg:$0x4]  }
0xab: {  	s0 =	sadd.s32 @!p0 $0x100000, s0  }
0xac: {  	[sflag:s0] =	ssyncadd.tile.s32 @!p0 $0x1;
	_ =	shalt  }
.Lfunc_end2:
_tile_overlayer_lowered:
.L_overlay_start_2:
0xad: {  	(tag) =	ssettag $0x2  }
0xae: {  	s0 =	rddreg [dreg:$0x0];
	s2 =	stileid.u32  }
0xaf: {  	s1 =	rddreg [dreg:$0x1];
	p0 =	sne.s32 s2, $0x0  }
0xb0: {  	s3 =	rddreg [dreg:$0x2];
	[bflag:$0x3] =	sbarrier.arrive $0xFFFF;
	s2 =	simm.s32 @!p0 $0x1C06  }
0xb1: {  	[timem:s3], [sflag:s2] =	dma.local @!p0 [hbm:s0], s1  }
0xb2: {  	s0 =	simm.s32 @!p0 $0x6  }
0xb3: {  	_ =	swait.ge @!p0 [sflag:s0], s1  }
0xb4: {  	s1 =	ssub.s32 @!p0 $0x0, s1;
	[sflag:s0] =	ssyncset.done @!p0 $0x0  }
0xb5: {  	[sflag:s0] =	ssyncadd.s32 @!p0 s1  }
0xb6: {  	[bflag:$0x3] =	sbarrier.arrive $0xFFFF  }
0xb7: {  	_ =	shalt  }

</sc_bundles>
